<compile_context>
chip_gen: v7x
topology: tpu7x:2x2x1
jax: 0.10.2.dev20260603
libtpu: 0.0.44.dev20260713+nightly
codegen_flags: <defaults>
</compile_context>

<pallas_src>
import functools

import jax
import jax.numpy as jnp
from jax import lax
from jax.experimental import pallas as pl
from jax.experimental.pallas import tpu as pltpu
from jax.experimental.pallas import tpu_sc as plsc

_NUM_CORES = 2
_NUM_SUBCORES = 16
_LANES = 16
_NBUF = 8


def _seq_chunks(seq_len):
    chunks = []
    off = 0
    while off < seq_len:
        size = min(128, seq_len - off)
        chunks.append((off, size))
        off += size
    return chunks


_CV = 32768
_SUB = _CV // 8


def _tc_table_times_w(tt, wbig):
    dim, vocab = tt.shape
    grid = (vocab + _CV - 1) // _CV

    def mm(tt_ref, w_ref, o_ref):
        lhs = jnp.concatenate(
            [tt_ref[:, pl.ds(j * _SUB, _SUB)] for j in range(8)],
            axis=0)
        o_ref[...] = jax.lax.dot_general(
            lhs, w_ref[...],
            dimension_numbers=(((0,), (0,)), ((), ())),
            preferred_element_type=jnp.float32)

    return pl.pallas_call(
        mm,
        grid=(grid,),
        in_specs=[
            pl.BlockSpec((dim, _CV), lambda i: (0, i)),
            pl.BlockSpec((8 * dim, 128), lambda i: (0, 0)),
        ],
        out_specs=pl.BlockSpec((_SUB, 128), lambda i: (i, 0)),
        out_shape=jax.ShapeDtypeStruct((grid * _SUB, 128), jnp.float32),
    )(tt, wbig)


@functools.partial(jax.jit, static_argnames=("batch", "seq"))
def _sc_pool_tw(content, tw2d, b16, *, batch, seq):
    lanes = _LANES
    n_workers = _NUM_CORES * _NUM_SUBCORES
    bpw = batch // n_workers
    assert bpw % 2 == 0
    assert (bpw * seq) % lanes == 0
    npair = bpw // 2
    chunks = _seq_chunks(seq)
    inv_s = jnp.float32(1.0 / seq)
    cv_bits = _CV.bit_length() - 1
    sub_bits = _SUB.bit_length() - 1

    mesh = plsc.VectorSubcoreMesh(
        core_axis_name="c", subcore_axis_name="s",
        num_cores=_NUM_CORES, num_subcores=_NUM_SUBCORES)

    @functools.partial(
        pl.kernel,
        mesh=mesh,
        out_type=jax.ShapeDtypeStruct((batch, lanes), jnp.float32),
        compiler_params=pltpu.CompilerParams(use_tc_tiling_on_sc=False),
        scratch_types=[
            pltpu.VMEM((bpw, seq), jnp.int32),
        ] + [
            pltpu.VMEM((seq, lanes), jnp.float32)
            for _ in range(_NBUF)
        ] + [
            pltpu.VMEM((bpw, lanes), jnp.float32),
            pltpu.VMEM((lanes,), jnp.float32),
        ] + [pltpu.SemaphoreType.DMA for _ in range(_NBUF)],
    )
    def pool(content_hbm, tw2, b_hbm, out_hbm, idx_v, *rest):
        rows = rest[:_NBUF]
        acc_v, b_v = rest[_NBUF], rest[_NBUF + 1]
        sems = rest[_NBUF + 2:]
        wid = lax.axis_index("s") * _NUM_CORES + lax.axis_index("c")
        base = pl.multiple_of(wid * bpw, 8)

        pltpu.sync_copy(content_hbm.at[pl.ds(base, bpw)], idx_v)
        pltpu.sync_copy(b_hbm, b_v)
        bias = b_v[...]

        def sigma(v):
            return (((v >> cv_bits) << cv_bits)
                    + ((v & (_SUB - 1)) << 3)
                    + ((v >> sub_bits) & 7))

        rem = seq % lanes

        def remap(b, _):
            for k in range(seq // lanes):
                col = k * lanes
                idx_v[b, pl.ds(col, lanes)] = sigma(
                    idx_v[b, pl.ds(col, lanes)])
            if rem:
                x = idx_v[b, pl.ds(seq - lanes, lanes)]
                keep = lax.iota(jnp.int32, lanes) < (lanes - rem)
                idx_v[b, pl.ds(seq - lanes, lanes)] = jnp.where(
                    keep, x, sigma(x))
            return 0

        lax.fori_loop(0, bpw, remap, 0)

        def gather(b, buf, sem, start):
            for coff, csz in chunks:
                cpy = pltpu.make_async_copy(
                    tw2.at[idx_v.at[b, pl.ds(coff, csz)]],
                    buf.at[pl.ds(coff, csz)],
                    sem)
                if start:
                    cpy.start()
                else:
                    cpy.wait()

        def pool_one(b, buf):
            def body(i, accs):
                s0 = i * 8
                a0, a1, a2, a3 = accs
                for j in range(0, 8, 4):
                    a0 = a0 + buf[s0 + j, :]
                    a1 = a1 + buf[s0 + j + 1, :]
                    a2 = a2 + buf[s0 + j + 2, :]
                    a3 = a3 + buf[s0 + j + 3, :]
                return a0, a1, a2, a3
            zero = jnp.zeros((lanes,), jnp.float32)
            a0, a1, a2, a3 = plsc.parallel_loop(
                0, seq // 8, unroll=4,
                carry=(zero, zero, zero, zero))(body)
            acc = (a0 + a1) + (a2 + a3)
            for s in range(seq - seq % 8, seq):
                acc = acc + buf[s, :]
            acc_v[b, :] = acc * inv_s + bias

        nb = _NBUF
        bufs = tuple(zip(rows, sems))
        for q in range(nb - 1):
            gather(q, bufs[q][0], bufs[q][1], start=True)

        def pipeline(g, _):
            b = nb * g
            for q in range(nb):
                nbuf, nsem = bufs[(q + nb - 1) % nb]
                gather(b + q + nb - 1, nbuf, nsem, start=True)
                buf, sem = bufs[q]
                gather(b + q, buf, sem, start=False)
                pool_one(b + q, buf)
            return 0

        lax.fori_loop(0, bpw // nb - 1, pipeline, 0)

        b = bpw - nb
        gather(b + nb - 1, bufs[nb - 1][0], bufs[nb - 1][1], start=True)
        for q in range(nb):
            buf, sem = bufs[q]
            gather(b + q, buf, sem, start=False)
            pool_one(b + q, buf)

        pltpu.sync_copy(acc_v, out_hbm.at[pl.ds(base, bpw)])

    return pool(content, tw2d, b16)


def kernel(content, table, W, b):
    batch, seq = content.shape
    vocab, dim = table.shape
    label = W.shape[1]

    wbig = jnp.zeros((8 * dim, 128), jnp.float32)
    for j in range(8):
        wbig = wbig.at[j * dim:(j + 1) * dim,
                       j * _LANES:j * _LANES + label].set(W)
    b16 = jnp.zeros((_LANES,), jnp.float32).at[:label].set(b)

    tw = _tc_table_times_w(table.T, wbig)
    slots = tw.shape[0] * (128 // _LANES)
    pooled = _sc_pool_tw(content.astype(jnp.int32),
                         tw.reshape(slots, _LANES), b16,
                         batch=batch, seq=seq)
    return pooled[:, :label]

# --- scband reference (transcript-rebuilt; emitter-appended) ---
"""Pipeline reference for scband-base-model-46033459478701 (READ-ONLY COPY).

The authoritative reference and input builder live on the scoring server;
editing this copy changes nothing except your own understanding.
"""

import jax, jax.numpy as jnp
import numpy as np

VOCAB = 1000000
EMBED = 64
LABEL = 10
BATCH = 4096
SEQ = 200

def setup_inputs(seed: int = 0) -> dict:
    key = jax.random.key(seed)
    k1, k2, k3, k4 = jax.random.split(key, 4)
    content = jax.random.randint(k1, (BATCH, SEQ), 0, VOCAB, dtype=jnp.int64 if jax.config.jax_enable_x64 else jnp.int32)
    table = jax.random.normal(k2, (VOCAB, EMBED), dtype=jnp.float32) * 0.02
    W = jax.random.normal(k3, (EMBED, LABEL), dtype=jnp.float32) * (1.0 / np.sqrt(EMBED))
    b = jax.random.normal(k4, (LABEL,), dtype=jnp.float32) * 0.01
    return {"content": content, "table": table, "W": W, "b": b}

def reference(content, table, W, b):
    # encoder(content): embedding gather -> [B, L, D]
    emb = jnp.take(table, content, axis=0)
    # mean over sequence dim -> [B, D]
    content_ = jnp.mean(emb, axis=1)
    # fc: linear -> [B, label_size]
    out = content_.reshape(content_.shape[0], -1) @ W + b
    return out

if __name__ == "__main__":
    import jax
    _d = setup_inputs()
    print(jax.jit(kernel)(*tuple(_d.values())))

</pallas_src>

<mosaic_0001>
#map = affine_map<(d0, d1) -> (0, 0)>
#map1 = affine_map<(d0, d1) -> (0)>
module attributes {stable_mosaic.version = 14 : i64} {
  func.func @_rewritten_body(%arg0: i32, %arg1: i32, %arg2: memref<4096x200xi32, #tpu.memory_space<hbm>>, %arg3: memref<1015808x16xf32, #tpu.memory_space<hbm>>, %arg4: memref<16xf32, #tpu.memory_space<hbm>>, %arg5: memref<1xf32, #tpu.memory_space<hbm>>, %arg6: memref<4096x16xf32, #tpu.memory_space<hbm>>, %arg7: memref<128x200xi32, #tpu.memory_space<vmem>>, %arg8: memref<200x16xf32, #tpu.memory_space<vmem>>, %arg9: memref<200x16xf32, #tpu.memory_space<vmem>>, %arg10: memref<200x16xf32, #tpu.memory_space<vmem>>, %arg11: memref<200x16xf32, #tpu.memory_space<vmem>>, %arg12: memref<200x16xf32, #tpu.memory_space<vmem>>, %arg13: memref<200x16xf32, #tpu.memory_space<vmem>>, %arg14: memref<200x16xf32, #tpu.memory_space<vmem>>, %arg15: memref<200x16xf32, #tpu.memory_space<vmem>>, %arg16: memref<128x16xf32, #tpu.memory_space<vmem>>, %arg17: memref<16xf32, #tpu.memory_space<vmem>>, %arg18: memref<!tpu.dma_semaphore, #tpu.memory_space<semaphore_mem>>, %arg19: memref<!tpu.dma_semaphore, #tpu.memory_space<semaphore_mem>>, %arg20: memref<!tpu.dma_semaphore, #tpu.memory_space<semaphore_mem>>, %arg21: memref<!tpu.dma_semaphore, #tpu.memory_space<semaphore_mem>>, %arg22: memref<!tpu.dma_semaphore, #tpu.memory_space<semaphore_mem>>, %arg23: memref<!tpu.dma_semaphore, #tpu.memory_space<semaphore_mem>>, %arg24: memref<!tpu.dma_semaphore, #tpu.memory_space<semaphore_mem>>, %arg25: memref<!tpu.dma_semaphore, #tpu.memory_space<semaphore_mem>>) attributes {dimension_semantics = [#tpu.dimension_semantics<core_parallel>, #tpu.dimension_semantics<subcore_parallel>], iteration_bounds = array<i64: 2, 16>, scalar_prefetch = 0 : i64, scratch_operands = 19 : i64, tpu.core_type = #tpu.core_type<sc_vector_subcore>, window_params = [{transform_indices = #map}, {transform_indices = #map}, {transform_indices = #map1}, {transform_indices = #map1}, {transform_indices = #map}]} {
    %empty_ref3A = memref.alloca() : memref<16xf32, #tpu.memory_space<vmem>>
    "tpu.region"() ({
      %run_scoped3A = tpu.sem_alloc : memref<!tpu.dma_semaphore, #tpu.memory_space<semaphore_mem>>
      %dma_start3A_480 = arith.constant 0 : i32
      %dma_start3A_481 = tpu.memref_slice %empty_ref3A[%dma_start3A_480] : memref<16xf32, #tpu.memory_space<vmem>> -> memref<1xf32, #tpu.memory_space<vmem>>
      %dma_start3A_482 = arith.constant 0 : i32
      %dma_start3A_483 = tpu.memref_slice %empty_ref3A[%dma_start3A_482] : memref<16xf32, #tpu.memory_space<vmem>> -> memref<1xf32, #tpu.memory_space<vmem>>
      tpu.enqueue_dma source(%arg5 : memref<1xf32, #tpu.memory_space<hbm>>) target(%dma_start3A_483 : memref<1xf32, #tpu.memory_space<vmem>>) target_semaphore(%run_scoped3A : memref<!tpu.dma_semaphore, #tpu.memory_space<semaphore_mem>>)
      %dma_wait3A_484 = arith.constant 0 : i32
      %dma_wait3A_485 = tpu.memref_slice %empty_ref3A[%dma_wait3A_484] : memref<16xf32, #tpu.memory_space<vmem>> -> memref<1xf32, #tpu.memory_space<vmem>>
      %dma_wait3A_486 = arith.constant 0 : i32
      %dma_wait3A_487 = tpu.memref_slice %empty_ref3A[%dma_wait3A_486] : memref<16xf32, #tpu.memory_space<vmem>> -> memref<1xf32, #tpu.memory_space<vmem>>
      tpu.wait_dma2 semaphore(%run_scoped3A : memref<!tpu.dma_semaphore, #tpu.memory_space<semaphore_mem>>) src(%arg5 : memref<1xf32, #tpu.memory_space<hbm>>) dst(%dma_wait3A_487 : memref<1xf32, #tpu.memory_space<vmem>>)
      tpu.yield
    }) : () -> ()
    %get3A = arith.constant 0 : index
    %get3A_0 = tpu.vector_load %empty_ref3A[%get3A] {strides = array<i32>} : memref<16xf32, #tpu.memory_space<vmem>>, vector<16xf32>,
    %get3A_1 = vector.shape_cast %get3A_0 : vector<16xf32> to vector<16xf32>
    %slice3A = vector.extract_strided_slice %get3A_1 {offsets = [0], sizes = [1], strides = [1]} : vector<16xf32> to vector<1xf32>
    %squeeze3A = vector.extract %slice3A[0] : f32 from vector<1xf32>
    %mul3A = arith.constant 2 : i32
    %mul3A_2 = arith.muli %arg1, %mul3A : i32
    %add3A = arith.addi %mul3A_2, %arg0 : i32
    %mul3A_3 = arith.constant 128 : i32
    %mul3A_4 = arith.muli %add3A, %mul3A_3 : i32
    %multiple_of3A = tpu.assume_multiple %mul3A_4, 8 : i32
    "tpu.region"() ({
      %run_scoped3A = tpu.sem_alloc : memref<!tpu.dma_semaphore, #tpu.memory_space<semaphore_mem>>
      %dma_start3A_480 = arith.constant 0 : i32
      %dma_start3A_481 = tpu.memref_slice %arg2[%multiple_of3A, %dma_start3A_480] : memref<4096x200xi32, #tpu.memory_space<hbm>> -> memref<128x200xi32, #tpu.memory_space<hbm>>
      %dma_start3A_482 = arith.constant 0 : i32
      %dma_start3A_483 = tpu.memref_slice %arg2[%multiple_of3A, %dma_start3A_482] : memref<4096x200xi32, #tpu.memory_space<hbm>> -> memref<128x200xi32, #tpu.memory_space<hbm>>
      tpu.enqueue_dma source(%dma_start3A_483 : memref<128x200xi32, #tpu.memory_space<hbm>>) target(%arg7 : memref<128x200xi32, #tpu.memory_space<vmem>>) target_semaphore(%run_scoped3A : memref<!tpu.dma_semaphore, #tpu.memory_space<semaphore_mem>>)
      %dma_wait3A_484 = arith.constant 0 : i32
      %dma_wait3A_485 = tpu.memref_slice %arg2[%multiple_of3A, %dma_wait3A_484] : memref<4096x200xi32, #tpu.memory_space<hbm>> -> memref<128x200xi32, #tpu.memory_space<hbm>>
      %dma_wait3A_486 = arith.constant 0 : i32
      %dma_wait3A_487 = tpu.memref_slice %arg2[%multiple_of3A, %dma_wait3A_486] : memref<4096x200xi32, #tpu.memory_space<hbm>> -> memref<128x200xi32, #tpu.memory_space<hbm>>
      tpu.wait_dma2 semaphore(%run_scoped3A : memref<!tpu.dma_semaphore, #tpu.memory_space<semaphore_mem>>) src(%dma_wait3A_487 : memref<128x200xi32, #tpu.memory_space<hbm>>) dst(%arg7 : memref<128x200xi32, #tpu.memory_space<vmem>>)
      tpu.yield
    }) : () -> ()
    "tpu.region"() ({
      %run_scoped3A = tpu.sem_alloc : memref<!tpu.dma_semaphore, #tpu.memory_space<semaphore_mem>>
      tpu.enqueue_dma source(%arg4 : memref<16xf32, #tpu.memory_space<hbm>>) target(%arg17 : memref<16xf32, #tpu.memory_space<vmem>>) target_semaphore(%run_scoped3A : memref<!tpu.dma_semaphore, #tpu.memory_space<semaphore_mem>>)
      tpu.wait_dma2 semaphore(%run_scoped3A : memref<!tpu.dma_semaphore, #tpu.memory_space<semaphore_mem>>) src(%arg4 : memref<16xf32, #tpu.memory_space<hbm>>) dst(%arg17 : memref<16xf32, #tpu.memory_space<vmem>>)
      tpu.yield
    }) : () -> ()
    %get3A_5 = arith.constant 0 : index
    %get3A_6 = tpu.vector_load %arg17[%get3A_5] {strides = array<i32>} : memref<16xf32, #tpu.memory_space<vmem>>, vector<16xf32>,
    %get3A_7 = vector.shape_cast %get3A_6 : vector<16xf32> to vector<16xf32>
    %scan3A = arith.constant 0 : i32
    %scan3A_8 = arith.constant 0 : i32
    %scan3A_9 = arith.constant 128 : i32
    %scan3A_10 = arith.addi %scan3A_8, %scan3A_9 : i32
    %scan3A_11 = arith.constant 1 : i32
    %scan3A_12 = scf.for %scan3A_480 = %scan3A_8 to %scan3A_10 step %scan3A_11 iter_args(%scan3A_481 = %scan3A) -> (i32)  : i32 {
      %get3A_482 = arith.index_cast %scan3A_480 : i32 to index
      %get3A_483 = arith.constant 0 : index
      %get3A_484 = tpu.vector_load %arg7[%get3A_482, %get3A_483] {strides = array<i32>} : memref<128x200xi32, #tpu.memory_space<vmem>>, vector<1x16xi32>,
      %get3A_485 = vector.shape_cast %get3A_484 : vector<1x16xi32> to vector<16xi32>
      %shift_right_arithmetic3A = arith.constant 15 : i32
      %shift_right_arithmetic3A_486 = vector.broadcast %shift_right_arithmetic3A : i32 to vector<16xi32>
      %shift_right_arithmetic3A_487 = arith.shrsi %get3A_485, %shift_right_arithmetic3A_486 : vector<16xi32>
      %shift_left3A = arith.constant 15 : i32
      %shift_left3A_488 = vector.broadcast %shift_left3A : i32 to vector<16xi32>
      %shift_left3A_489 = arith.shli %shift_right_arithmetic3A_487, %shift_left3A_488 : vector<16xi32>
      %and3A = arith.constant 4095 : i32
      %and3A_490 = vector.broadcast %and3A : i32 to vector<16xi32>
      %and3A_491 = arith.andi %get3A_485, %and3A_490 : vector<16xi32>
      %shift_left3A_492 = arith.constant 3 : i32
      %shift_left3A_493 = vector.broadcast %shift_left3A_492 : i32 to vector<16xi32>
      %shift_left3A_494 = arith.shli %and3A_491, %shift_left3A_493 : vector<16xi32>
      %add3A_495 = arith.addi %shift_left3A_489, %shift_left3A_494 : vector<16xi32>
      %shift_right_arithmetic3A_496 = arith.constant 12 : i32
      %shift_right_arithmetic3A_497 = vector.broadcast %shift_right_arithmetic3A_496 : i32 to vector<16xi32>
      %shift_right_arithmetic3A_498 = arith.shrsi %get3A_485, %shift_right_arithmetic3A_497 : vector<16xi32>
      %and3A_499 = arith.constant 7 : i32
      %and3A_500 = vector.broadcast %and3A_499 : i32 to vector<16xi32>
      %and3A_501 = arith.andi %shift_right_arithmetic3A_498, %and3A_500 : vector<16xi32>
      %add3A_502 = arith.addi %add3A_495, %and3A_501 : vector<16xi32>
      %swap3A_503 = arith.index_cast %scan3A_480 : i32 to index
      %swap3A_504 = arith.constant 0 : index
      %swap3A_505 = tpu.vector_load %arg7[%swap3A_503, %swap3A_504] {strides = array<i32>} : memref<128x200xi32, #tpu.memory_space<vmem>>, vector<1x16xi32>,
      %swap3A_506 = vector.shape_cast %swap3A_505 : vector<1x16xi32> to vector<16xi32>
      %swap3A_507 = vector.shape_cast %add3A_502 : vector<16xi32> to vector<1x16xi32>
      tpu.vector_store %arg7[%swap3A_503, %swap3A_504], %swap3A_507 {strides = array<i32>} : memref<128x200xi32, #tpu.memory_space<vmem>>, vector<1x16xi32>,
      %get3A_508 = arith.index_cast %scan3A_480 : i32 to index
      %get3A_509 = arith.constant 16 : index
      %get3A_510 = tpu.vector_load %arg7[%get3A_508, %get3A_509] {strides = array<i32>} : memref<128x200xi32, #tpu.memory_space<vmem>>, vector<1x16xi32>,
      %get3A_511 = vector.shape_cast %get3A_510 : vector<1x16xi32> to vector<16xi32>
      %shift_right_arithmetic3A_512 = arith.constant 15 : i32
      %shift_right_arithmetic3A_513 = vector.broadcast %shift_right_arithmetic3A_512 : i32 to vector<16xi32>
      %shift_right_arithmetic3A_514 = arith.shrsi %get3A_511, %shift_right_arithmetic3A_513 : vector<16xi32>
      %shift_left3A_515 = arith.constant 15 : i32
      %shift_left3A_516 = vector.broadcast %shift_left3A_515 : i32 to vector<16xi32>
      %shift_left3A_517 = arith.shli %shift_right_arithmetic3A_514, %shift_left3A_516 : vector<16xi32>
      %and3A_518 = arith.constant 4095 : i32
      %and3A_519 = vector.broadcast %and3A_518 : i32 to vector<16xi32>
      %and3A_520 = arith.andi %get3A_511, %and3A_519 : vector<16xi32>
      %shift_left3A_521 = arith.constant 3 : i32
      %shift_left3A_522 = vector.broadcast %shift_left3A_521 : i32 to vector<16xi32>
      %shift_left3A_523 = arith.shli %and3A_520, %shift_left3A_522 : vector<16xi32>
      %add3A_524 = arith.addi %shift_left3A_517, %shift_left3A_523 : vector<16xi32>
      %shift_right_arithmetic3A_525 = arith.constant 12 : i32
      %shift_right_arithmetic3A_526 = vector.broadcast %shift_right_arithmetic3A_525 : i32 to vector<16xi32>
      %shift_right_arithmetic3A_527 = arith.shrsi %get3A_511, %shift_right_arithmetic3A_526 : vector<16xi32>
      %and3A_528 = arith.constant 7 : i32
      %and3A_529 = vector.broadcast %and3A_528 : i32 to vector<16xi32>
      %and3A_530 = arith.andi %shift_right_arithmetic3A_527, %and3A_529 : vector<16xi32>
      %add3A_531 = arith.addi %add3A_524, %and3A_530 : vector<16xi32>
      %swap3A_532 = arith.index_cast %scan3A_480 : i32 to index
      %swap3A_533 = arith.constant 16 : index
      %swap3A_534 = tpu.vector_load %arg7[%swap3A_532, %swap3A_533] {strides = array<i32>} : memref<128x200xi32, #tpu.memory_space<vmem>>, vector<1x16xi32>,
      %swap3A_535 = vector.shape_cast %swap3A_534 : vector<1x16xi32> to vector<16xi32>
      %swap3A_536 = vector.shape_cast %add3A_531 : vector<16xi32> to vector<1x16xi32>
      tpu.vector_store %arg7[%swap3A_532, %swap3A_533], %swap3A_536 {strides = array<i32>} : memref<128x200xi32, #tpu.memory_space<vmem>>, vector<1x16xi32>,
      %get3A_537 = arith.index_cast %scan3A_480 : i32 to index
      %get3A_538 = arith.constant 32 : index
      %get3A_539 = tpu.vector_load %arg7[%get3A_537, %get3A_538] {strides = array<i32>} : memref<128x200xi32, #tpu.memory_space<vmem>>, vector<1x16xi32>,
      %get3A_540 = vector.shape_cast %get3A_539 : vector<1x16xi32> to vector<16xi32>
      %shift_right_arithmetic3A_541 = arith.constant 15 : i32
      %shift_right_arithmetic3A_542 = vector.broadcast %shift_right_arithmetic3A_541 : i32 to vector<16xi32>
      %shift_right_arithmetic3A_543 = arith.shrsi %get3A_540, %shift_right_arithmetic3A_542 : vector<16xi32>
      %shift_left3A_544 = arith.constant 15 : i32
      %shift_left3A_545 = vector.broadcast %shift_left3A_544 : i32 to vector<16xi32>
      %shift_left3A_546 = arith.shli %shift_right_arithmetic3A_543, %shift_left3A_545 : vector<16xi32>
      %and3A_547 = arith.constant 4095 : i32
      %and3A_548 = vector.broadcast %and3A_547 : i32 to vector<16xi32>
      %and3A_549 = arith.andi %get3A_540, %and3A_548 : vector<16xi32>
      %shift_left3A_550 = arith.constant 3 : i32
      %shift_left3A_551 = vector.broadcast %shift_left3A_550 : i32 to vector<16xi32>
      %shift_left3A_552 = arith.shli %and3A_549, %shift_left3A_551 : vector<16xi32>
      %add3A_553 = arith.addi %shift_left3A_546, %shift_left3A_552 : vector<16xi32>
      %shift_right_arithmetic3A_554 = arith.constant 12 : i32
      %shift_right_arithmetic3A_555 = vector.broadcast %shift_right_arithmetic3A_554 : i32 to vector<16xi32>
      %shift_right_arithmetic3A_556 = arith.shrsi %get3A_540, %shift_right_arithmetic3A_555 : vector<16xi32>
      %and3A_557 = arith.constant 7 : i32
      %and3A_558 = vector.broadcast %and3A_557 : i32 to vector<16xi32>
      %and3A_559 = arith.andi %shift_right_arithmetic3A_556, %and3A_558 : vector<16xi32>
      %add3A_560 = arith.addi %add3A_553, %and3A_559 : vector<16xi32>
      %swap3A_561 = arith.index_cast %scan3A_480 : i32 to index
      %swap3A_562 = arith.constant 32 : index
      %swap3A_563 = tpu.vector_load %arg7[%swap3A_561, %swap3A_562] {strides = array<i32>} : memref<128x200xi32, #tpu.memory_space<vmem>>, vector<1x16xi32>,
      %swap3A_564 = vector.shape_cast %swap3A_563 : vector<1x16xi32> to vector<16xi32>
      %swap3A_565 = vector.shape_cast %add3A_560 : vector<16xi32> to vector<1x16xi32>
      tpu.vector_store %arg7[%swap3A_561, %swap3A_562], %swap3A_565 {strides = array<i32>} : memref<128x200xi32, #tpu.memory_space<vmem>>, vector<1x16xi32>,
      %get3A_566 = arith.index_cast %scan3A_480 : i32 to index
      %get3A_567 = arith.constant 48 : index
      %get3A_568 = tpu.vector_load %arg7[%get3A_566, %get3A_567] {strides = array<i32>} : memref<128x200xi32, #tpu.memory_space<vmem>>, vector<1x16xi32>,
      %get3A_569 = vector.shape_cast %get3A_568 : vector<1x16xi32> to vector<16xi32>
      %shift_right_arithmetic3A_570 = arith.constant 15 : i32
      %shift_right_arithmetic3A_571 = vector.broadcast %shift_right_arithmetic3A_570 : i32 to vector<16xi32>
      %shift_right_arithmetic3A_572 = arith.shrsi %get3A_569, %shift_right_arithmetic3A_571 : vector<16xi32>
      %shift_left3A_573 = arith.constant 15 : i32
      %shift_left3A_574 = vector.broadcast %shift_left3A_573 : i32 to vector<16xi32>
      %shift_left3A_575 = arith.shli %shift_right_arithmetic3A_572, %shift_left3A_574 : vector<16xi32>
      %and3A_576 = arith.constant 4095 : i32
      %and3A_577 = vector.broadcast %and3A_576 : i32 to vector<16xi32>
      %and3A_578 = arith.andi %get3A_569, %and3A_577 : vector<16xi32>
      %shift_left3A_579 = arith.constant 3 : i32
      %shift_left3A_580 = vector.broadcast %shift_left3A_579 : i32 to vector<16xi32>
      %shift_left3A_581 = arith.shli %and3A_578, %shift_left3A_580 : vector<16xi32>
      %add3A_582 = arith.addi %shift_left3A_575, %shift_left3A_581 : vector<16xi32>
      %shift_right_arithmetic3A_583 = arith.constant 12 : i32
      %shift_right_arithmetic3A_584 = vector.broadcast %shift_right_arithmetic3A_583 : i32 to vector<16xi32>
      %shift_right_arithmetic3A_585 = arith.shrsi %get3A_569, %shift_right_arithmetic3A_584 : vector<16xi32>
      %and3A_586 = arith.constant 7 : i32
      %and3A_587 = vector.broadcast %and3A_586 : i32 to vector<16xi32>
      %and3A_588 = arith.andi %shift_right_arithmetic3A_585, %and3A_587 : vector<16xi32>
      %add3A_589 = arith.addi %add3A_582, %and3A_588 : vector<16xi32>
      %swap3A_590 = arith.index_cast %scan3A_480 : i32 to index
      %swap3A_591 = arith.constant 48 : index
      %swap3A_592 = tpu.vector_load %arg7[%swap3A_590, %swap3A_591] {strides = array<i32>} : memref<128x200xi32, #tpu.memory_space<vmem>>, vector<1x16xi32>,
      %swap3A_593 = vector.shape_cast %swap3A_592 : vector<1x16xi32> to vector<16xi32>
      %swap3A_594 = vector.shape_cast %add3A_589 : vector<16xi32> to vector<1x16xi32>
      tpu.vector_store %arg7[%swap3A_590, %swap3A_591], %swap3A_594 {strides = array<i32>} : memref<128x200xi32, #tpu.memory_space<vmem>>, vector<1x16xi32>,
      %get3A_595 = arith.index_cast %scan3A_480 : i32 to index
      %get3A_596 = arith.constant 64 : index
      %get3A_597 = tpu.vector_load %arg7[%get3A_595, %get3A_596] {strides = array<i32>} : memref<128x200xi32, #tpu.memory_space<vmem>>, vector<1x16xi32>,
      %get3A_598 = vector.shape_cast %get3A_597 : vector<1x16xi32> to vector<16xi32>
      %shift_right_arithmetic3A_599 = arith.constant 15 : i32
      %shift_right_arithmetic3A_600 = vector.broadcast %shift_right_arithmetic3A_599 : i32 to vector<16xi32>
      %shift_right_arithmetic3A_601 = arith.shrsi %get3A_598, %shift_right_arithmetic3A_600 : vector<16xi32>
      %shift_left3A_602 = arith.constant 15 : i32
      %shift_left3A_603 = vector.broadcast %shift_left3A_602 : i32 to vector<16xi32>
      %shift_left3A_604 = arith.shli %shift_right_arithmetic3A_601, %shift_left3A_603 : vector<16xi32>
      %and3A_605 = arith.constant 4095 : i32
      %and3A_606 = vector.broadcast %and3A_605 : i32 to vector<16xi32>
      %and3A_607 = arith.andi %get3A_598, %and3A_606 : vector<16xi32>
      %shift_left3A_608 = arith.constant 3 : i32
      %shift_left3A_609 = vector.broadcast %shift_left3A_608 : i32 to vector<16xi32>
      %shift_left3A_610 = arith.shli %and3A_607, %shift_left3A_609 : vector<16xi32>
      %add3A_611 = arith.addi %shift_left3A_604, %shift_left3A_610 : vector<16xi32>
      %shift_right_arithmetic3A_612 = arith.constant 12 : i32
      %shift_right_arithmetic3A_613 = vector.broadcast %shift_right_arithmetic3A_612 : i32 to vector<16xi32>
      %shift_right_arithmetic3A_614 = arith.shrsi %get3A_598, %shift_right_arithmetic3A_613 : vector<16xi32>
      %and3A_615 = arith.constant 7 : i32
      %and3A_616 = vector.broadcast %and3A_615 : i32 to vector<16xi32>
      %and3A_617 = arith.andi %shift_right_arithmetic3A_614, %and3A_616 : vector<16xi32>
      %add3A_618 = arith.addi %add3A_611, %and3A_617 : vector<16xi32>
      %swap3A_619 = arith.index_cast %scan3A_480 : i32 to index
      %swap3A_620 = arith.constant 64 : index
      %swap3A_621 = tpu.vector_load %arg7[%swap3A_619, %swap3A_620] {strides = array<i32>} : memref<128x200xi32, #tpu.memory_space<vmem>>, vector<1x16xi32>,
      %swap3A_622 = vector.shape_cast %swap3A_621 : vector<1x16xi32> to vector<16xi32>
      %swap3A_623 = vector.shape_cast %add3A_618 : vector<16xi32> to vector<1x16xi32>
      tpu.vector_store %arg7[%swap3A_619, %swap3A_620], %swap3A_623 {strides = array<i32>} : memref<128x200xi32, #tpu.memory_space<vmem>>, vector<1x16xi32>,
      %get3A_624 = arith.index_cast %scan3A_480 : i32 to index
      %get3A_625 = arith.constant 80 : index
      %get3A_626 = tpu.vector_load %arg7[%get3A_624, %get3A_625] {strides = array<i32>} : memref<128x200xi32, #tpu.memory_space<vmem>>, vector<1x16xi32>,
      %get3A_627 = vector.shape_cast %get3A_626 : vector<1x16xi32> to vector<16xi32>
      %shift_right_arithmetic3A_628 = arith.constant 15 : i32
      %shift_right_arithmetic3A_629 = vector.broadcast %shift_right_arithmetic3A_628 : i32 to vector<16xi32>
      %shift_right_arithmetic3A_630 = arith.shrsi %get3A_627, %shift_right_arithmetic3A_629 : vector<16xi32>
      %shift_left3A_631 = arith.constant 15 : i32
      %shift_left3A_632 = vector.broadcast %shift_left3A_631 : i32 to vector<16xi32>
      %shift_left3A_633 = arith.shli %shift_right_arithmetic3A_630, %shift_left3A_632 : vector<16xi32>
      %and3A_634 = arith.constant 4095 : i32
      %and3A_635 = vector.broadcast %and3A_634 : i32 to vector<16xi32>
      %and3A_636 = arith.andi %get3A_627, %and3A_635 : vector<16xi32>
      %shift_left3A_637 = arith.constant 3 : i32
      %shift_left3A_638 = vector.broadcast %shift_left3A_637 : i32 to vector<16xi32>
      %shift_left3A_639 = arith.shli %and3A_636, %shift_left3A_638 : vector<16xi32>
      %add3A_640 = arith.addi %shift_left3A_633, %shift_left3A_639 : vector<16xi32>
      %shift_right_arithmetic3A_641 = arith.constant 12 : i32
      %shift_right_arithmetic3A_642 = vector.broadcast %shift_right_arithmetic3A_641 : i32 to vector<16xi32>
      %shift_right_arithmetic3A_643 = arith.shrsi %get3A_627, %shift_right_arithmetic3A_642 : vector<16xi32>
      %and3A_644 = arith.constant 7 : i32
      %and3A_645 = vector.broadcast %and3A_644 : i32 to vector<16xi32>
      %and3A_646 = arith.andi %shift_right_arithmetic3A_643, %and3A_645 : vector<16xi32>
      %add3A_647 = arith.addi %add3A_640, %and3A_646 : vector<16xi32>
      %swap3A_648 = arith.index_cast %scan3A_480 : i32 to index
      %swap3A_649 = arith.constant 80 : index
      %swap3A_650 = tpu.vector_load %arg7[%swap3A_648, %swap3A_649] {strides = array<i32>} : memref<128x200xi32, #tpu.memory_space<vmem>>, vector<1x16xi32>,
      %swap3A_651 = vector.shape_cast %swap3A_650 : vector<1x16xi32> to vector<16xi32>
      %swap3A_652 = vector.shape_cast %add3A_647 : vector<16xi32> to vector<1x16xi32>
      tpu.vector_store %arg7[%swap3A_648, %swap3A_649], %swap3A_652 {strides = array<i32>} : memref<128x200xi32, #tpu.memory_space<vmem>>, vector<1x16xi32>,
      %get3A_653 = arith.index_cast %scan3A_480 : i32 to index
      %get3A_654 = arith.constant 96 : index
      %get3A_655 = tpu.vector_load %arg7[%get3A_653, %get3A_654] {strides = array<i32>} : memref<128x200xi32, #tpu.memory_space<vmem>>, vector<1x16xi32>,
      %get3A_656 = vector.shape_cast %get3A_655 : vector<1x16xi32> to vector<16xi32>
      %shift_right_arithmetic3A_657 = arith.constant 15 : i32
      %shift_right_arithmetic3A_658 = vector.broadcast %shift_right_arithmetic3A_657 : i32 to vector<16xi32>
      %shift_right_arithmetic3A_659 = arith.shrsi %get3A_656, %shift_right_arithmetic3A_658 : vector<16xi32>
      %shift_left3A_660 = arith.constant 15 : i32
      %shift_left3A_661 = vector.broadcast %shift_left3A_660 : i32 to vector<16xi32>
      %shift_left3A_662 = arith.shli %shift_right_arithmetic3A_659, %shift_left3A_661 : vector<16xi32>
      %and3A_663 = arith.constant 4095 : i32
      %and3A_664 = vector.broadcast %and3A_663 : i32 to vector<16xi32>
      %and3A_665 = arith.andi %get3A_656, %and3A_664 : vector<16xi32>
      %shift_left3A_666 = arith.constant 3 : i32
      %shift_left3A_667 = vector.broadcast %shift_left3A_666 : i32 to vector<16xi32>
      %shift_left3A_668 = arith.shli %and3A_665, %shift_left3A_667 : vector<16xi32>
      %add3A_669 = arith.addi %shift_left3A_662, %shift_left3A_668 : vector<16xi32>
      %shift_right_arithmetic3A_670 = arith.constant 12 : i32
      %shift_right_arithmetic3A_671 = vector.broadcast %shift_right_arithmetic3A_670 : i32 to vector<16xi32>
      %shift_right_arithmetic3A_672 = arith.shrsi %get3A_656, %shift_right_arithmetic3A_671 : vector<16xi32>
      %and3A_673 = arith.constant 7 : i32
      %and3A_674 = vector.broadcast %and3A_673 : i32 to vector<16xi32>
      %and3A_675 = arith.andi %shift_right_arithmetic3A_672, %and3A_674 : vector<16xi32>
      %add3A_676 = arith.addi %add3A_669, %and3A_675 : vector<16xi32>
      %swap3A_677 = arith.index_cast %scan3A_480 : i32 to index
      %swap3A_678 = arith.constant 96 : index
      %swap3A_679 = tpu.vector_load %arg7[%swap3A_677, %swap3A_678] {strides = array<i32>} : memref<128x200xi32, #tpu.memory_space<vmem>>, vector<1x16xi32>,
      %swap3A_680 = vector.shape_cast %swap3A_679 : vector<1x16xi32> to vector<16xi32>
      %swap3A_681 = vector.shape_cast %add3A_676 : vector<16xi32> to vector<1x16xi32>
      tpu.vector_store %arg7[%swap3A_677, %swap3A_678], %swap3A_681 {strides = array<i32>} : memref<128x200xi32, #tpu.memory_space<vmem>>, vector<1x16xi32>,
      %get3A_682 = arith.index_cast %scan3A_480 : i32 to index
      %get3A_683 = arith.constant 112 : index
      %get3A_684 = tpu.vector_load %arg7[%get3A_682, %get3A_683] {strides = array<i32>} : memref<128x200xi32, #tpu.memory_space<vmem>>, vector<1x16xi32>,
      %get3A_685 = vector.shape_cast %get3A_684 : vector<1x16xi32> to vector<16xi32>
      %shift_right_arithmetic3A_686 = arith.constant 15 : i32
      %shift_right_arithmetic3A_687 = vector.broadcast %shift_right_arithmetic3A_686 : i32 to vector<16xi32>
      %shift_right_arithmetic3A_688 = arith.shrsi %get3A_685, %shift_right_arithmetic3A_687 : vector<16xi32>
      %shift_left3A_689 = arith.constant 15 : i32
      %shift_left3A_690 = vector.broadcast %shift_left3A_689 : i32 to vector<16xi32>
      %shift_left3A_691 = arith.shli %shift_right_arithmetic3A_688, %shift_left3A_690 : vector<16xi32>
      %and3A_692 = arith.constant 4095 : i32
      %and3A_693 = vector.broadcast %and3A_692 : i32 to vector<16xi32>
      %and3A_694 = arith.andi %get3A_685, %and3A_693 : vector<16xi32>
      %shift_left3A_695 = arith.constant 3 : i32
      %shift_left3A_696 = vector.broadcast %shift_left3A_695 : i32 to vector<16xi32>
      %shift_left3A_697 = arith.shli %and3A_694, %shift_left3A_696 : vector<16xi32>
      %add3A_698 = arith.addi %shift_left3A_691, %shift_left3A_697 : vector<16xi32>
      %shift_right_arithmetic3A_699 = arith.constant 12 : i32
      %shift_right_arithmetic3A_700 = vector.broadcast %shift_right_arithmetic3A_699 : i32 to vector<16xi32>
      %shift_right_arithmetic3A_701 = arith.shrsi %get3A_685, %shift_right_arithmetic3A_700 : vector<16xi32>
      %and3A_702 = arith.constant 7 : i32
      %and3A_703 = vector.broadcast %and3A_702 : i32 to vector<16xi32>
      %and3A_704 = arith.andi %shift_right_arithmetic3A_701, %and3A_703 : vector<16xi32>
      %add3A_705 = arith.addi %add3A_698, %and3A_704 : vector<16xi32>
      %swap3A_706 = arith.index_cast %scan3A_480 : i32 to index
      %swap3A_707 = arith.constant 112 : index
      %swap3A_708 = tpu.vector_load %arg7[%swap3A_706, %swap3A_707] {strides = array<i32>} : memref<128x200xi32, #tpu.memory_space<vmem>>, vector<1x16xi32>,
      %swap3A_709 = vector.shape_cast %swap3A_708 : vector<1x16xi32> to vector<16xi32>
      %swap3A_710 = vector.shape_cast %add3A_705 : vector<16xi32> to vector<1x16xi32>
      tpu.vector_store %arg7[%swap3A_706, %swap3A_707], %swap3A_710 {strides = array<i32>} : memref<128x200xi32, #tpu.memory_space<vmem>>, vector<1x16xi32>,
      %get3A_711 = arith.index_cast %scan3A_480 : i32 to index
      %get3A_712 = arith.constant 128 : index
      %get3A_713 = tpu.vector_load %arg7[%get3A_711, %get3A_712] {strides = array<i32>} : memref<128x200xi32, #tpu.memory_space<vmem>>, vector<1x16xi32>,
      %get3A_714 = vector.shape_cast %get3A_713 : vector<1x16xi32> to vector<16xi32>
      %shift_right_arithmetic3A_715 = arith.constant 15 : i32
      %shift_right_arithmetic3A_716 = vector.broadcast %shift_right_arithmetic3A_715 : i32 to vector<16xi32>
      %shift_right_arithmetic3A_717 = arith.shrsi %get3A_714, %shift_right_arithmetic3A_716 : vector<16xi32>
      %shift_left3A_718 = arith.constant 15 : i32
      %shift_left3A_719 = vector.broadcast %shift_left3A_718 : i32 to vector<16xi32>
      %shift_left3A_720 = arith.shli %shift_right_arithmetic3A_717, %shift_left3A_719 : vector<16xi32>
      %and3A_721 = arith.constant 4095 : i32
      %and3A_722 = vector.broadcast %and3A_721 : i32 to vector<16xi32>
      %and3A_723 = arith.andi %get3A_714, %and3A_722 : vector<16xi32>
      %shift_left3A_724 = arith.constant 3 : i32
      %shift_left3A_725 = vector.broadcast %shift_left3A_724 : i32 to vector<16xi32>
      %shift_left3A_726 = arith.shli %and3A_723, %shift_left3A_725 : vector<16xi32>
      %add3A_727 = arith.addi %shift_left3A_720, %shift_left3A_726 : vector<16xi32>
      %shift_right_arithmetic3A_728 = arith.constant 12 : i32
      %shift_right_arithmetic3A_729 = vector.broadcast %shift_right_arithmetic3A_728 : i32 to vector<16xi32>
      %shift_right_arithmetic3A_730 = arith.shrsi %get3A_714, %shift_right_arithmetic3A_729 : vector<16xi32>
      %and3A_731 = arith.constant 7 : i32
      %and3A_732 = vector.broadcast %and3A_731 : i32 to vector<16xi32>
      %and3A_733 = arith.andi %shift_right_arithmetic3A_730, %and3A_732 : vector<16xi32>
      %add3A_734 = arith.addi %add3A_727, %and3A_733 : vector<16xi32>
      %swap3A_735 = arith.index_cast %scan3A_480 : i32 to index
      %swap3A_736 = arith.constant 128 : index
      %swap3A_737 = tpu.vector_load %arg7[%swap3A_735, %swap3A_736] {strides = array<i32>} : memref<128x200xi32, #tpu.memory_space<vmem>>, vector<1x16xi32>,
      %swap3A_738 = vector.shape_cast %swap3A_737 : vector<1x16xi32> to vector<16xi32>
      %swap3A_739 = vector.shape_cast %add3A_734 : vector<16xi32> to vector<1x16xi32>
      tpu.vector_store %arg7[%swap3A_735, %swap3A_736], %swap3A_739 {strides = array<i32>} : memref<128x200xi32, #tpu.memory_space<vmem>>, vector<1x16xi32>,
      %get3A_740 = arith.index_cast %scan3A_480 : i32 to index
      %get3A_741 = arith.constant 144 : index
      %get3A_742 = tpu.vector_load %arg7[%get3A_740, %get3A_741] {strides = array<i32>} : memref<128x200xi32, #tpu.memory_space<vmem>>, vector<1x16xi32>,
      %get3A_743 = vector.shape_cast %get3A_742 : vector<1x16xi32> to vector<16xi32>
      %shift_right_arithmetic3A_744 = arith.constant 15 : i32
      %shift_right_arithmetic3A_745 = vector.broadcast %shift_right_arithmetic3A_744 : i32 to vector<16xi32>
      %shift_right_arithmetic3A_746 = arith.shrsi %get3A_743, %shift_right_arithmetic3A_745 : vector<16xi32>
      %shift_left3A_747 = arith.constant 15 : i32
      %shift_left3A_748 = vector.broadcast %shift_left3A_747 : i32 to vector<16xi32>
      %shift_left3A_749 = arith.shli %shift_right_arithmetic3A_746, %shift_left3A_748 : vector<16xi32>
      %and3A_750 = arith.constant 4095 : i32
      %and3A_751 = vector.broadcast %and3A_750 : i32 to vector<16xi32>
      %and3A_752 = arith.andi %get3A_743, %and3A_751 : vector<16xi32>
      %shift_left3A_753 = arith.constant 3 : i32
      %shift_left3A_754 = vector.broadcast %shift_left3A_753 : i32 to vector<16xi32>
      %shift_left3A_755 = arith.shli %and3A_752, %shift_left3A_754 : vector<16xi32>
      %add3A_756 = arith.addi %shift_left3A_749, %shift_left3A_755 : vector<16xi32>
      %shift_right_arithmetic3A_757 = arith.constant 12 : i32
      %shift_right_arithmetic3A_758 = vector.broadcast %shift_right_arithmetic3A_757 : i32 to vector<16xi32>
      %shift_right_arithmetic3A_759 = arith.shrsi %get3A_743, %shift_right_arithmetic3A_758 : vector<16xi32>
      %and3A_760 = arith.constant 7 : i32
      %and3A_761 = vector.broadcast %and3A_760 : i32 to vector<16xi32>
      %and3A_762 = arith.andi %shift_right_arithmetic3A_759, %and3A_761 : vector<16xi32>
      %add3A_763 = arith.addi %add3A_756, %and3A_762 : vector<16xi32>
      %swap3A_764 = arith.index_cast %scan3A_480 : i32 to index
      %swap3A_765 = arith.constant 144 : index
      %swap3A_766 = tpu.vector_load %arg7[%swap3A_764, %swap3A_765] {strides = array<i32>} : memref<128x200xi32, #tpu.memory_space<vmem>>, vector<1x16xi32>,
      %swap3A_767 = vector.shape_cast %swap3A_766 : vector<1x16xi32> to vector<16xi32>
      %swap3A_768 = vector.shape_cast %add3A_763 : vector<16xi32> to vector<1x16xi32>
      tpu.vector_store %arg7[%swap3A_764, %swap3A_765], %swap3A_768 {strides = array<i32>} : memref<128x200xi32, #tpu.memory_space<vmem>>, vector<1x16xi32>,
      %get3A_769 = arith.index_cast %scan3A_480 : i32 to index
      %get3A_770 = arith.constant 160 : index
      %get3A_771 = tpu.vector_load %arg7[%get3A_769, %get3A_770] {strides = array<i32>} : memref<128x200xi32, #tpu.memory_space<vmem>>, vector<1x16xi32>,
      %get3A_772 = vector.shape_cast %get3A_771 : vector<1x16xi32> to vector<16xi32>
      %shift_right_arithmetic3A_773 = arith.constant 15 : i32
      %shift_right_arithmetic3A_774 = vector.broadcast %shift_right_arithmetic3A_773 : i32 to vector<16xi32>
      %shift_right_arithmetic3A_775 = arith.shrsi %get3A_772, %shift_right_arithmetic3A_774 : vector<16xi32>
      %shift_left3A_776 = arith.constant 15 : i32
      %shift_left3A_777 = vector.broadcast %shift_left3A_776 : i32 to vector<16xi32>
      %shift_left3A_778 = arith.shli %shift_right_arithmetic3A_775, %shift_left3A_777 : vector<16xi32>
      %and3A_779 = arith.constant 4095 : i32
      %and3A_780 = vector.broadcast %and3A_779 : i32 to vector<16xi32>
      %and3A_781 = arith.andi %get3A_772, %and3A_780 : vector<16xi32>
      %shift_left3A_782 = arith.constant 3 : i32
      %shift_left3A_783 = vector.broadcast %shift_left3A_782 : i32 to vector<16xi32>
      %shift_left3A_784 = arith.shli %and3A_781, %shift_left3A_783 : vector<16xi32>
      %add3A_785 = arith.addi %shift_left3A_778, %shift_left3A_784 : vector<16xi32>
      %shift_right_arithmetic3A_786 = arith.constant 12 : i32
      %shift_right_arithmetic3A_787 = vector.broadcast %shift_right_arithmetic3A_786 : i32 to vector<16xi32>
      %shift_right_arithmetic3A_788 = arith.shrsi %get3A_772, %shift_right_arithmetic3A_787 : vector<16xi32>
      %and3A_789 = arith.constant 7 : i32
      %and3A_790 = vector.broadcast %and3A_789 : i32 to vector<16xi32>
      %and3A_791 = arith.andi %shift_right_arithmetic3A_788, %and3A_790 : vector<16xi32>
      %add3A_792 = arith.addi %add3A_785, %and3A_791 : vector<16xi32>
      %swap3A_793 = arith.index_cast %scan3A_480 : i32 to index
      %swap3A_794 = arith.constant 160 : index
      %swap3A_795 = tpu.vector_load %arg7[%swap3A_793, %swap3A_794] {strides = array<i32>} : memref<128x200xi32, #tpu.memory_space<vmem>>, vector<1x16xi32>,
      %swap3A_796 = vector.shape_cast %swap3A_795 : vector<1x16xi32> to vector<16xi32>
      %swap3A_797 = vector.shape_cast %add3A_792 : vector<16xi32> to vector<1x16xi32>
      tpu.vector_store %arg7[%swap3A_793, %swap3A_794], %swap3A_797 {strides = array<i32>} : memref<128x200xi32, #tpu.memory_space<vmem>>, vector<1x16xi32>,
      %get3A_798 = arith.index_cast %scan3A_480 : i32 to index
      %get3A_799 = arith.constant 176 : index
      %get3A_800 = tpu.vector_load %arg7[%get3A_798, %get3A_799] {strides = array<i32>} : memref<128x200xi32, #tpu.memory_space<vmem>>, vector<1x16xi32>,
      %get3A_801 = vector.shape_cast %get3A_800 : vector<1x16xi32> to vector<16xi32>
      %shift_right_arithmetic3A_802 = arith.constant 15 : i32
      %shift_right_arithmetic3A_803 = vector.broadcast %shift_right_arithmetic3A_802 : i32 to vector<16xi32>
      %shift_right_arithmetic3A_804 = arith.shrsi %get3A_801, %shift_right_arithmetic3A_803 : vector<16xi32>
      %shift_left3A_805 = arith.constant 15 : i32
      %shift_left3A_806 = vector.broadcast %shift_left3A_805 : i32 to vector<16xi32>
      %shift_left3A_807 = arith.shli %shift_right_arithmetic3A_804, %shift_left3A_806 : vector<16xi32>
      %and3A_808 = arith.constant 4095 : i32
      %and3A_809 = vector.broadcast %and3A_808 : i32 to vector<16xi32>
      %and3A_810 = arith.andi %get3A_801, %and3A_809 : vector<16xi32>
      %shift_left3A_811 = arith.constant 3 : i32
      %shift_left3A_812 = vector.broadcast %shift_left3A_811 : i32 to vector<16xi32>
      %shift_left3A_813 = arith.shli %and3A_810, %shift_left3A_812 : vector<16xi32>
      %add3A_814 = arith.addi %shift_left3A_807, %shift_left3A_813 : vector<16xi32>
      %shift_right_arithmetic3A_815 = arith.constant 12 : i32
      %shift_right_arithmetic3A_816 = vector.broadcast %shift_right_arithmetic3A_815 : i32 to vector<16xi32>
      %shift_right_arithmetic3A_817 = arith.shrsi %get3A_801, %shift_right_arithmetic3A_816 : vector<16xi32>
      %and3A_818 = arith.constant 7 : i32
      %and3A_819 = vector.broadcast %and3A_818 : i32 to vector<16xi32>
      %and3A_820 = arith.andi %shift_right_arithmetic3A_817, %and3A_819 : vector<16xi32>
      %add3A_821 = arith.addi %add3A_814, %and3A_820 : vector<16xi32>
      %swap3A_822 = arith.index_cast %scan3A_480 : i32 to index
      %swap3A_823 = arith.constant 176 : index
      %swap3A_824 = tpu.vector_load %arg7[%swap3A_822, %swap3A_823] {strides = array<i32>} : memref<128x200xi32, #tpu.memory_space<vmem>>, vector<1x16xi32>,
      %swap3A_825 = vector.shape_cast %swap3A_824 : vector<1x16xi32> to vector<16xi32>
      %swap3A_826 = vector.shape_cast %add3A_821 : vector<16xi32> to vector<1x16xi32>
      tpu.vector_store %arg7[%swap3A_822, %swap3A_823], %swap3A_826 {strides = array<i32>} : memref<128x200xi32, #tpu.memory_space<vmem>>, vector<1x16xi32>,
      %get3A_827 = arith.index_cast %scan3A_480 : i32 to index
      %get3A_828 = arith.constant 184 : index
      %get3A_829 = tpu.vector_load %arg7[%get3A_827, %get3A_828] {strides = array<i32>} : memref<128x200xi32, #tpu.memory_space<vmem>>, vector<1x16xi32>,
      %get3A_830 = vector.shape_cast %get3A_829 : vector<1x16xi32> to vector<16xi32>
      %iota3A = tpu.iota {dimensions = array<i32: 0>} : vector<16xi32>
      %lt3A = arith.constant 8 : i32
      %lt3A_831 = vector.broadcast %lt3A : i32 to vector<16xi32>
      %lt3A_832 = arith.cmpi slt, %iota3A, %lt3A_831 : vector<16xi32>
      %shift_right_arithmetic3A_833 = arith.constant 15 : i32
      %shift_right_arithmetic3A_834 = vector.broadcast %shift_right_arithmetic3A_833 : i32 to vector<16xi32>
      %shift_right_arithmetic3A_835 = arith.shrsi %get3A_830, %shift_right_arithmetic3A_834 : vector<16xi32>
      %shift_left3A_836 = arith.constant 15 : i32
      %shift_left3A_837 = vector.broadcast %shift_left3A_836 : i32 to vector<16xi32>
      %shift_left3A_838 = arith.shli %shift_right_arithmetic3A_835, %shift_left3A_837 : vector<16xi32>
      %and3A_839 = arith.constant 4095 : i32
      %and3A_840 = vector.broadcast %and3A_839 : i32 to vector<16xi32>
      %and3A_841 = arith.andi %get3A_830, %and3A_840 : vector<16xi32>
      %shift_left3A_842 = arith.constant 3 : i32
      %shift_left3A_843 = vector.broadcast %shift_left3A_842 : i32 to vector<16xi32>
      %shift_left3A_844 = arith.shli %and3A_841, %shift_left3A_843 : vector<16xi32>
      %add3A_845 = arith.addi %shift_left3A_838, %shift_left3A_844 : vector<16xi32>
      %shift_right_arithmetic3A_846 = arith.constant 12 : i32
      %shift_right_arithmetic3A_847 = vector.broadcast %shift_right_arithmetic3A_846 : i32 to vector<16xi32>
      %shift_right_arithmetic3A_848 = arith.shrsi %get3A_830, %shift_right_arithmetic3A_847 : vector<16xi32>
      %and3A_849 = arith.constant 7 : i32
      %and3A_850 = vector.broadcast %and3A_849 : i32 to vector<16xi32>
      %and3A_851 = arith.andi %shift_right_arithmetic3A_848, %and3A_850 : vector<16xi32>
      %add3A_852 = arith.addi %add3A_845, %and3A_851 : vector<16xi32>
      %select_n3A = arith.select %lt3A_832, %get3A_830, %add3A_852 : vector<16xi1>, vector<16xi32>
      %swap3A_853 = arith.index_cast %scan3A_480 : i32 to index
      %swap3A_854 = arith.constant 184 : index
      %swap3A_855 = tpu.vector_load %arg7[%swap3A_853, %swap3A_854] {strides = array<i32>} : memref<128x200xi32, #tpu.memory_space<vmem>>, vector<1x16xi32>,
      %swap3A_856 = vector.shape_cast %swap3A_855 : vector<1x16xi32> to vector<16xi32>
      %swap3A_857 = vector.shape_cast %select_n3A : vector<16xi32> to vector<1x16xi32>
      tpu.vector_store %arg7[%swap3A_853, %swap3A_854], %swap3A_857 {strides = array<i32>} : memref<128x200xi32, #tpu.memory_space<vmem>>, vector<1x16xi32>,
      %scan3A_858 = arith.constant 0 : i32
      scf.yield %scan3A_858 : i32
    }
    %scan3A_13 = arith.constant 128 : i32
    %dma_start3A = arith.constant 0 : i32
    %dma_start3A_14 = arith.constant 0 : i32
    %dma_start3A_15 = arith.constant 0 : i32
    %dma_start3A_16 = tpu.memref_slice %arg8[%dma_start3A_14, %dma_start3A_15] : memref<200x16xf32, #tpu.memory_space<vmem>> -> memref<128x16xf32, #tpu.memory_space<vmem>>
    %dma_start3A_17 = arith.constant 0 : i32
    %dma_start3A_18 = tpu.memref_slice %arg7[%dma_start3A, %dma_start3A_17] : memref<128x200xi32, #tpu.memory_space<vmem>> -> memref<1x128xi32, #tpu.memory_space<vmem>>
    %dma_start3A_19 = tpu.memref_squeeze %dma_start3A_18 : memref<1x128xi32, #tpu.memory_space<vmem>> -> memref<128xi32, #tpu.memory_space<vmem>>
    %dma_start3A_20 = arith.constant 0 : i32
    %dma_start3A_21 = arith.constant 0 : i32
    %dma_start3A_22 = tpu.memref_slice %arg3[%dma_start3A_20, %dma_start3A_21] : memref<1015808x16xf32, #tpu.memory_space<hbm>> -> memref<1015808x16xf32, #tpu.memory_space<hbm>>
    tpu.enqueue_indirect_dma source(%dma_start3A_22 : memref<1015808x16xf32, #tpu.memory_space<hbm>>) target(%dma_start3A_16 : memref<128x16xf32, #tpu.memory_space<vmem>>) offsets(%dma_start3A_19 : memref<128xi32, #tpu.memory_space<vmem>>) semaphore(%arg18 : memref<!tpu.dma_semaphore, #tpu.memory_space<semaphore_mem>>)
    %dma_start3A_23 = arith.constant 0 : i32
    %dma_start3A_24 = arith.constant 128 : i32
    %dma_start3A_25 = arith.constant 0 : i32
    %dma_start3A_26 = tpu.memref_slice %arg8[%dma_start3A_24, %dma_start3A_25] : memref<200x16xf32, #tpu.memory_space<vmem>> -> memref<72x16xf32, #tpu.memory_space<vmem>>
    %dma_start3A_27 = arith.constant 128 : i32
    %dma_start3A_28 = tpu.memref_slice %arg7[%dma_start3A_23, %dma_start3A_27] : memref<128x200xi32, #tpu.memory_space<vmem>> -> memref<1x72xi32, #tpu.memory_space<vmem>>
    %dma_start3A_29 = tpu.memref_squeeze %dma_start3A_28 : memref<1x72xi32, #tpu.memory_space<vmem>> -> memref<72xi32, #tpu.memory_space<vmem>>
    %dma_start3A_30 = arith.constant 0 : i32
    %dma_start3A_31 = arith.constant 0 : i32
    %dma_start3A_32 = tpu.memref_slice %arg3[%dma_start3A_30, %dma_start3A_31] : memref<1015808x16xf32, #tpu.memory_space<hbm>> -> memref<1015808x16xf32, #tpu.memory_space<hbm>>
    tpu.enqueue_indirect_dma source(%dma_start3A_32 : memref<1015808x16xf32, #tpu.memory_space<hbm>>) target(%dma_start3A_26 : memref<72x16xf32, #tpu.memory_space<vmem>>) offsets(%dma_start3A_29 : memref<72xi32, #tpu.memory_space<vmem>>) semaphore(%arg18 : memref<!tpu.dma_semaphore, #tpu.memory_space<semaphore_mem>>)
    %dma_start3A_33 = arith.constant 1 : i32
    %dma_start3A_34 = arith.constant 0 : i32
    %dma_start3A_35 = arith.constant 0 : i32
    %dma_start3A_36 = tpu.memref_slice %arg9[%dma_start3A_34, %dma_start3A_35] : memref<200x16xf32, #tpu.memory_space<vmem>> -> memref<128x16xf32, #tpu.memory_space<vmem>>
    %dma_start3A_37 = arith.constant 0 : i32
    %dma_start3A_38 = tpu.memref_slice %arg7[%dma_start3A_33, %dma_start3A_37] : memref<128x200xi32, #tpu.memory_space<vmem>> -> memref<1x128xi32, #tpu.memory_space<vmem>>
    %dma_start3A_39 = tpu.memref_squeeze %dma_start3A_38 : memref<1x128xi32, #tpu.memory_space<vmem>> -> memref<128xi32, #tpu.memory_space<vmem>>
    %dma_start3A_40 = arith.constant 0 : i32
    %dma_start3A_41 = arith.constant 0 : i32
    %dma_start3A_42 = tpu.memref_slice %arg3[%dma_start3A_40, %dma_start3A_41] : memref<1015808x16xf32, #tpu.memory_space<hbm>> -> memref<1015808x16xf32, #tpu.memory_space<hbm>>
    tpu.enqueue_indirect_dma source(%dma_start3A_42 : memref<1015808x16xf32, #tpu.memory_space<hbm>>) target(%dma_start3A_36 : memref<128x16xf32, #tpu.memory_space<vmem>>) offsets(%dma_start3A_39 : memref<128xi32, #tpu.memory_space<vmem>>) semaphore(%arg19 : memref<!tpu.dma_semaphore, #tpu.memory_space<semaphore_mem>>)
    %dma_start3A_43 = arith.constant 1 : i32
    %dma_start3A_44 = arith.constant 128 : i32
    %dma_start3A_45 = arith.constant 0 : i32
    %dma_start3A_46 = tpu.memref_slice %arg9[%dma_start3A_44, %dma_start3A_45] : memref<200x16xf32, #tpu.memory_space<vmem>> -> memref<72x16xf32, #tpu.memory_space<vmem>>
    %dma_start3A_47 = arith.constant 128 : i32
    %dma_start3A_48 = tpu.memref_slice %arg7[%dma_start3A_43, %dma_start3A_47] : memref<128x200xi32, #tpu.memory_space<vmem>> -> memref<1x72xi32, #tpu.memory_space<vmem>>
    %dma_start3A_49 = tpu.memref_squeeze %dma_start3A_48 : memref<1x72xi32, #tpu.memory_space<vmem>> -> memref<72xi32, #tpu.memory_space<vmem>>
    %dma_start3A_50 = arith.constant 0 : i32
    %dma_start3A_51 = arith.constant 0 : i32
    %dma_start3A_52 = tpu.memref_slice %arg3[%dma_start3A_50, %dma_start3A_51] : memref<1015808x16xf32, #tpu.memory_space<hbm>> -> memref<1015808x16xf32, #tpu.memory_space<hbm>>
    tpu.enqueue_indirect_dma source(%dma_start3A_52 : memref<1015808x16xf32, #tpu.memory_space<hbm>>) target(%dma_start3A_46 : memref<72x16xf32, #tpu.memory_space<vmem>>) offsets(%dma_start3A_49 : memref<72xi32, #tpu.memory_space<vmem>>) semaphore(%arg19 : memref<!tpu.dma_semaphore, #tpu.memory_space<semaphore_mem>>)
    %dma_start3A_53 = arith.constant 2 : i32
    %dma_start3A_54 = arith.constant 0 : i32
    %dma_start3A_55 = arith.constant 0 : i32
    %dma_start3A_56 = tpu.memref_slice %arg10[%dma_start3A_54, %dma_start3A_55] : memref<200x16xf32, #tpu.memory_space<vmem>> -> memref<128x16xf32, #tpu.memory_space<vmem>>
    %dma_start3A_57 = arith.constant 0 : i32
    %dma_start3A_58 = tpu.memref_slice %arg7[%dma_start3A_53, %dma_start3A_57] : memref<128x200xi32, #tpu.memory_space<vmem>> -> memref<1x128xi32, #tpu.memory_space<vmem>>
    %dma_start3A_59 = tpu.memref_squeeze %dma_start3A_58 : memref<1x128xi32, #tpu.memory_space<vmem>> -> memref<128xi32, #tpu.memory_space<vmem>>
    %dma_start3A_60 = arith.constant 0 : i32
    %dma_start3A_61 = arith.constant 0 : i32
    %dma_start3A_62 = tpu.memref_slice %arg3[%dma_start3A_60, %dma_start3A_61] : memref<1015808x16xf32, #tpu.memory_space<hbm>> -> memref<1015808x16xf32, #tpu.memory_space<hbm>>
    tpu.enqueue_indirect_dma source(%dma_start3A_62 : memref<1015808x16xf32, #tpu.memory_space<hbm>>) target(%dma_start3A_56 : memref<128x16xf32, #tpu.memory_space<vmem>>) offsets(%dma_start3A_59 : memref<128xi32, #tpu.memory_space<vmem>>) semaphore(%arg20 : memref<!tpu.dma_semaphore, #tpu.memory_space<semaphore_mem>>)
    %dma_start3A_63 = arith.constant 2 : i32
    %dma_start3A_64 = arith.constant 128 : i32
    %dma_start3A_65 = arith.constant 0 : i32
    %dma_start3A_66 = tpu.memref_slice %arg10[%dma_start3A_64, %dma_start3A_65] : memref<200x16xf32, #tpu.memory_space<vmem>> -> memref<72x16xf32, #tpu.memory_space<vmem>>
    %dma_start3A_67 = arith.constant 128 : i32
    %dma_start3A_68 = tpu.memref_slice %arg7[%dma_start3A_63, %dma_start3A_67] : memref<128x200xi32, #tpu.memory_space<vmem>> -> memref<1x72xi32, #tpu.memory_space<vmem>>
    %dma_start3A_69 = tpu.memref_squeeze %dma_start3A_68 : memref<1x72xi32, #tpu.memory_space<vmem>> -> memref<72xi32, #tpu.memory_space<vmem>>
    %dma_start3A_70 = arith.constant 0 : i32
    %dma_start3A_71 = arith.constant 0 : i32
    %dma_start3A_72 = tpu.memref_slice %arg3[%dma_start3A_70, %dma_start3A_71] : memref<1015808x16xf32, #tpu.memory_space<hbm>> -> memref<1015808x16xf32, #tpu.memory_space<hbm>>
    tpu.enqueue_indirect_dma source(%dma_start3A_72 : memref<1015808x16xf32, #tpu.memory_space<hbm>>) target(%dma_start3A_66 : memref<72x16xf32, #tpu.memory_space<vmem>>) offsets(%dma_start3A_69 : memref<72xi32, #tpu.memory_space<vmem>>) semaphore(%arg20 : memref<!tpu.dma_semaphore, #tpu.memory_space<semaphore_mem>>)
    %dma_start3A_73 = arith.constant 3 : i32
    %dma_start3A_74 = arith.constant 0 : i32
    %dma_start3A_75 = arith.constant 0 : i32
    %dma_start3A_76 = tpu.memref_slice %arg11[%dma_start3A_74, %dma_start3A_75] : memref<200x16xf32, #tpu.memory_space<vmem>> -> memref<128x16xf32, #tpu.memory_space<vmem>>
    %dma_start3A_77 = arith.constant 0 : i32
    %dma_start3A_78 = tpu.memref_slice %arg7[%dma_start3A_73, %dma_start3A_77] : memref<128x200xi32, #tpu.memory_space<vmem>> -> memref<1x128xi32, #tpu.memory_space<vmem>>
    %dma_start3A_79 = tpu.memref_squeeze %dma_start3A_78 : memref<1x128xi32, #tpu.memory_space<vmem>> -> memref<128xi32, #tpu.memory_space<vmem>>
    %dma_start3A_80 = arith.constant 0 : i32
    %dma_start3A_81 = arith.constant 0 : i32
    %dma_start3A_82 = tpu.memref_slice %arg3[%dma_start3A_80, %dma_start3A_81] : memref<1015808x16xf32, #tpu.memory_space<hbm>> -> memref<1015808x16xf32, #tpu.memory_space<hbm>>
    tpu.enqueue_indirect_dma source(%dma_start3A_82 : memref<1015808x16xf32, #tpu.memory_space<hbm>>) target(%dma_start3A_76 : memref<128x16xf32, #tpu.memory_space<vmem>>) offsets(%dma_start3A_79 : memref<128xi32, #tpu.memory_space<vmem>>) semaphore(%arg21 : memref<!tpu.dma_semaphore, #tpu.memory_space<semaphore_mem>>)
    %dma_start3A_83 = arith.constant 3 : i32
    %dma_start3A_84 = arith.constant 128 : i32
    %dma_start3A_85 = arith.constant 0 : i32
    %dma_start3A_86 = tpu.memref_slice %arg11[%dma_start3A_84, %dma_start3A_85] : memref<200x16xf32, #tpu.memory_space<vmem>> -> memref<72x16xf32, #tpu.memory_space<vmem>>
    %dma_start3A_87 = arith.constant 128 : i32
    %dma_start3A_88 = tpu.memref_slice %arg7[%dma_start3A_83, %dma_start3A_87] : memref<128x200xi32, #tpu.memory_space<vmem>> -> memref<1x72xi32, #tpu.memory_space<vmem>>
    %dma_start3A_89 = tpu.memref_squeeze %dma_start3A_88 : memref<1x72xi32, #tpu.memory_space<vmem>> -> memref<72xi32, #tpu.memory_space<vmem>>
    %dma_start3A_90 = arith.constant 0 : i32
    %dma_start3A_91 = arith.constant 0 : i32
    %dma_start3A_92 = tpu.memref_slice %arg3[%dma_start3A_90, %dma_start3A_91] : memref<1015808x16xf32, #tpu.memory_space<hbm>> -> memref<1015808x16xf32, #tpu.memory_space<hbm>>
    tpu.enqueue_indirect_dma source(%dma_start3A_92 : memref<1015808x16xf32, #tpu.memory_space<hbm>>) target(%dma_start3A_86 : memref<72x16xf32, #tpu.memory_space<vmem>>) offsets(%dma_start3A_89 : memref<72xi32, #tpu.memory_space<vmem>>) semaphore(%arg21 : memref<!tpu.dma_semaphore, #tpu.memory_space<semaphore_mem>>)
    %dma_start3A_93 = arith.constant 4 : i32
    %dma_start3A_94 = arith.constant 0 : i32
    %dma_start3A_95 = arith.constant 0 : i32
    %dma_start3A_96 = tpu.memref_slice %arg12[%dma_start3A_94, %dma_start3A_95] : memref<200x16xf32, #tpu.memory_space<vmem>> -> memref<128x16xf32, #tpu.memory_space<vmem>>
    %dma_start3A_97 = arith.constant 0 : i32
    %dma_start3A_98 = tpu.memref_slice %arg7[%dma_start3A_93, %dma_start3A_97] : memref<128x200xi32, #tpu.memory_space<vmem>> -> memref<1x128xi32, #tpu.memory_space<vmem>>
    %dma_start3A_99 = tpu.memref_squeeze %dma_start3A_98 : memref<1x128xi32, #tpu.memory_space<vmem>> -> memref<128xi32, #tpu.memory_space<vmem>>
    %dma_start3A_100 = arith.constant 0 : i32
    %dma_start3A_101 = arith.constant 0 : i32
    %dma_start3A_102 = tpu.memref_slice %arg3[%dma_start3A_100, %dma_start3A_101] : memref<1015808x16xf32, #tpu.memory_space<hbm>> -> memref<1015808x16xf32, #tpu.memory_space<hbm>>
    tpu.enqueue_indirect_dma source(%dma_start3A_102 : memref<1015808x16xf32, #tpu.memory_space<hbm>>) target(%dma_start3A_96 : memref<128x16xf32, #tpu.memory_space<vmem>>) offsets(%dma_start3A_99 : memref<128xi32, #tpu.memory_space<vmem>>) semaphore(%arg22 : memref<!tpu.dma_semaphore, #tpu.memory_space<semaphore_mem>>)
    %dma_start3A_103 = arith.constant 4 : i32
    %dma_start3A_104 = arith.constant 128 : i32
    %dma_start3A_105 = arith.constant 0 : i32
    %dma_start3A_106 = tpu.memref_slice %arg12[%dma_start3A_104, %dma_start3A_105] : memref<200x16xf32, #tpu.memory_space<vmem>> -> memref<72x16xf32, #tpu.memory_space<vmem>>
    %dma_start3A_107 = arith.constant 128 : i32
    %dma_start3A_108 = tpu.memref_slice %arg7[%dma_start3A_103, %dma_start3A_107] : memref<128x200xi32, #tpu.memory_space<vmem>> -> memref<1x72xi32, #tpu.memory_space<vmem>>
    %dma_start3A_109 = tpu.memref_squeeze %dma_start3A_108 : memref<1x72xi32, #tpu.memory_space<vmem>> -> memref<72xi32, #tpu.memory_space<vmem>>
    %dma_start3A_110 = arith.constant 0 : i32
    %dma_start3A_111 = arith.constant 0 : i32
    %dma_start3A_112 = tpu.memref_slice %arg3[%dma_start3A_110, %dma_start3A_111] : memref<1015808x16xf32, #tpu.memory_space<hbm>> -> memref<1015808x16xf32, #tpu.memory_space<hbm>>
    tpu.enqueue_indirect_dma source(%dma_start3A_112 : memref<1015808x16xf32, #tpu.memory_space<hbm>>) target(%dma_start3A_106 : memref<72x16xf32, #tpu.memory_space<vmem>>) offsets(%dma_start3A_109 : memref<72xi32, #tpu.memory_space<vmem>>) semaphore(%arg22 : memref<!tpu.dma_semaphore, #tpu.memory_space<semaphore_mem>>)
    %dma_start3A_113 = arith.constant 5 : i32
    %dma_start3A_114 = arith.constant 0 : i32
    %dma_start3A_115 = arith.constant 0 : i32
    %dma_start3A_116 = tpu.memref_slice %arg13[%dma_start3A_114, %dma_start3A_115] : memref<200x16xf32, #tpu.memory_space<vmem>> -> memref<128x16xf32, #tpu.memory_space<vmem>>
    %dma_start3A_117 = arith.constant 0 : i32
    %dma_start3A_118 = tpu.memref_slice %arg7[%dma_start3A_113, %dma_start3A_117] : memref<128x200xi32, #tpu.memory_space<vmem>> -> memref<1x128xi32, #tpu.memory_space<vmem>>
    %dma_start3A_119 = tpu.memref_squeeze %dma_start3A_118 : memref<1x128xi32, #tpu.memory_space<vmem>> -> memref<128xi32, #tpu.memory_space<vmem>>
    %dma_start3A_120 = arith.constant 0 : i32
    %dma_start3A_121 = arith.constant 0 : i32
    %dma_start3A_122 = tpu.memref_slice %arg3[%dma_start3A_120, %dma_start3A_121] : memref<1015808x16xf32, #tpu.memory_space<hbm>> -> memref<1015808x16xf32, #tpu.memory_space<hbm>>
    tpu.enqueue_indirect_dma source(%dma_start3A_122 : memref<1015808x16xf32, #tpu.memory_space<hbm>>) target(%dma_start3A_116 : memref<128x16xf32, #tpu.memory_space<vmem>>) offsets(%dma_start3A_119 : memref<128xi32, #tpu.memory_space<vmem>>) semaphore(%arg23 : memref<!tpu.dma_semaphore, #tpu.memory_space<semaphore_mem>>)
    %dma_start3A_123 = arith.constant 5 : i32
    %dma_start3A_124 = arith.constant 128 : i32
    %dma_start3A_125 = arith.constant 0 : i32
    %dma_start3A_126 = tpu.memref_slice %arg13[%dma_start3A_124, %dma_start3A_125] : memref<200x16xf32, #tpu.memory_space<vmem>> -> memref<72x16xf32, #tpu.memory_space<vmem>>
    %dma_start3A_127 = arith.constant 128 : i32
    %dma_start3A_128 = tpu.memref_slice %arg7[%dma_start3A_123, %dma_start3A_127] : memref<128x200xi32, #tpu.memory_space<vmem>> -> memref<1x72xi32, #tpu.memory_space<vmem>>
    %dma_start3A_129 = tpu.memref_squeeze %dma_start3A_128 : memref<1x72xi32, #tpu.memory_space<vmem>> -> memref<72xi32, #tpu.memory_space<vmem>>
    %dma_start3A_130 = arith.constant 0 : i32
    %dma_start3A_131 = arith.constant 0 : i32
    %dma_start3A_132 = tpu.memref_slice %arg3[%dma_start3A_130, %dma_start3A_131] : memref<1015808x16xf32, #tpu.memory_space<hbm>> -> memref<1015808x16xf32, #tpu.memory_space<hbm>>
    tpu.enqueue_indirect_dma source(%dma_start3A_132 : memref<1015808x16xf32, #tpu.memory_space<hbm>>) target(%dma_start3A_126 : memref<72x16xf32, #tpu.memory_space<vmem>>) offsets(%dma_start3A_129 : memref<72xi32, #tpu.memory_space<vmem>>) semaphore(%arg23 : memref<!tpu.dma_semaphore, #tpu.memory_space<semaphore_mem>>)
    %dma_start3A_133 = arith.constant 6 : i32
    %dma_start3A_134 = arith.constant 0 : i32
    %dma_start3A_135 = arith.constant 0 : i32
    %dma_start3A_136 = tpu.memref_slice %arg14[%dma_start3A_134, %dma_start3A_135] : memref<200x16xf32, #tpu.memory_space<vmem>> -> memref<128x16xf32, #tpu.memory_space<vmem>>
    %dma_start3A_137 = arith.constant 0 : i32
    %dma_start3A_138 = tpu.memref_slice %arg7[%dma_start3A_133, %dma_start3A_137] : memref<128x200xi32, #tpu.memory_space<vmem>> -> memref<1x128xi32, #tpu.memory_space<vmem>>
    %dma_start3A_139 = tpu.memref_squeeze %dma_start3A_138 : memref<1x128xi32, #tpu.memory_space<vmem>> -> memref<128xi32, #tpu.memory_space<vmem>>
    %dma_start3A_140 = arith.constant 0 : i32
    %dma_start3A_141 = arith.constant 0 : i32
    %dma_start3A_142 = tpu.memref_slice %arg3[%dma_start3A_140, %dma_start3A_141] : memref<1015808x16xf32, #tpu.memory_space<hbm>> -> memref<1015808x16xf32, #tpu.memory_space<hbm>>
    tpu.enqueue_indirect_dma source(%dma_start3A_142 : memref<1015808x16xf32, #tpu.memory_space<hbm>>) target(%dma_start3A_136 : memref<128x16xf32, #tpu.memory_space<vmem>>) offsets(%dma_start3A_139 : memref<128xi32, #tpu.memory_space<vmem>>) semaphore(%arg24 : memref<!tpu.dma_semaphore, #tpu.memory_space<semaphore_mem>>)
    %dma_start3A_143 = arith.constant 6 : i32
    %dma_start3A_144 = arith.constant 128 : i32
    %dma_start3A_145 = arith.constant 0 : i32
    %dma_start3A_146 = tpu.memref_slice %arg14[%dma_start3A_144, %dma_start3A_145] : memref<200x16xf32, #tpu.memory_space<vmem>> -> memref<72x16xf32, #tpu.memory_space<vmem>>
    %dma_start3A_147 = arith.constant 128 : i32
    %dma_start3A_148 = tpu.memref_slice %arg7[%dma_start3A_143, %dma_start3A_147] : memref<128x200xi32, #tpu.memory_space<vmem>> -> memref<1x72xi32, #tpu.memory_space<vmem>>
    %dma_start3A_149 = tpu.memref_squeeze %dma_start3A_148 : memref<1x72xi32, #tpu.memory_space<vmem>> -> memref<72xi32, #tpu.memory_space<vmem>>
    %dma_start3A_150 = arith.constant 0 : i32
    %dma_start3A_151 = arith.constant 0 : i32
    %dma_start3A_152 = tpu.memref_slice %arg3[%dma_start3A_150, %dma_start3A_151] : memref<1015808x16xf32, #tpu.memory_space<hbm>> -> memref<1015808x16xf32, #tpu.memory_space<hbm>>
    tpu.enqueue_indirect_dma source(%dma_start3A_152 : memref<1015808x16xf32, #tpu.memory_space<hbm>>) target(%dma_start3A_146 : memref<72x16xf32, #tpu.memory_space<vmem>>) offsets(%dma_start3A_149 : memref<72xi32, #tpu.memory_space<vmem>>) semaphore(%arg24 : memref<!tpu.dma_semaphore, #tpu.memory_space<semaphore_mem>>)
    %scan3A_153 = arith.constant 0 : i32
    %scan3A_154 = arith.constant 0 : i32
    %scan3A_155 = arith.constant 15 : i32
    %scan3A_156 = arith.addi %scan3A_154, %scan3A_155 : i32
    %scan3A_157 = arith.constant 1 : i32
    %scan3A_158 = scf.for %scan3A_480 = %scan3A_154 to %scan3A_156 step %scan3A_157 iter_args(%scan3A_481 = %scan3A_153) -> (i32)  : i32 {
      %mul3A_482 = arith.constant 8 : i32
      %mul3A_483 = arith.muli %mul3A_482, %scan3A_480 : i32
      %add3A_484 = arith.constant 0 : i32
      %add3A_485 = arith.addi %mul3A_483, %add3A_484 : i32
      %add3A_486 = arith.constant 8 : i32
      %add3A_487 = arith.addi %add3A_485, %add3A_486 : i32
      %sub3A = arith.constant 1 : i32
      %sub3A_488 = arith.subi %add3A_487, %sub3A : i32
      %dma_start3A_489 = arith.constant 0 : i32
      %dma_start3A_490 = arith.constant 0 : i32
      %dma_start3A_491 = tpu.memref_slice %arg15[%dma_start3A_489, %dma_start3A_490] : memref<200x16xf32, #tpu.memory_space<vmem>> -> memref<128x16xf32, #tpu.memory_space<vmem>>
      %dma_start3A_492 = arith.constant 0 : i32
      %dma_start3A_493 = tpu.memref_slice %arg7[%sub3A_488, %dma_start3A_492] : memref<128x200xi32, #tpu.memory_space<vmem>> -> memref<1x128xi32, #tpu.memory_space<vmem>>
      %dma_start3A_494 = tpu.memref_squeeze %dma_start3A_493 : memref<1x128xi32, #tpu.memory_space<vmem>> -> memref<128xi32, #tpu.memory_space<vmem>>
      %dma_start3A_495 = arith.constant 0 : i32
      %dma_start3A_496 = arith.constant 0 : i32
      %dma_start3A_497 = tpu.memref_slice %arg3[%dma_start3A_495, %dma_start3A_496] : memref<1015808x16xf32, #tpu.memory_space<hbm>> -> memref<1015808x16xf32, #tpu.memory_space<hbm>>
      tpu.enqueue_indirect_dma source(%dma_start3A_497 : memref<1015808x16xf32, #tpu.memory_space<hbm>>) target(%dma_start3A_491 : memref<128x16xf32, #tpu.memory_space<vmem>>) offsets(%dma_start3A_494 : memref<128xi32, #tpu.memory_space<vmem>>) semaphore(%arg25 : memref<!tpu.dma_semaphore, #tpu.memory_space<semaphore_mem>>)
      %dma_start3A_498 = arith.constant 128 : i32
      %dma_start3A_499 = arith.constant 0 : i32
      %dma_start3A_500 = tpu.memref_slice %arg15[%dma_start3A_498, %dma_start3A_499] : memref<200x16xf32, #tpu.memory_space<vmem>> -> memref<72x16xf32, #tpu.memory_space<vmem>>
      %dma_start3A_501 = arith.constant 128 : i32
      %dma_start3A_502 = tpu.memref_slice %arg7[%sub3A_488, %dma_start3A_501] : memref<128x200xi32, #tpu.memory_space<vmem>> -> memref<1x72xi32, #tpu.memory_space<vmem>>
      %dma_start3A_503 = tpu.memref_squeeze %dma_start3A_502 : memref<1x72xi32, #tpu.memory_space<vmem>> -> memref<72xi32, #tpu.memory_space<vmem>>
      %dma_start3A_504 = arith.constant 0 : i32
      %dma_start3A_505 = arith.constant 0 : i32
      %dma_start3A_506 = tpu.memref_slice %arg3[%dma_start3A_504, %dma_start3A_505] : memref<1015808x16xf32, #tpu.memory_space<hbm>> -> memref<1015808x16xf32, #tpu.memory_space<hbm>>
      tpu.enqueue_indirect_dma source(%dma_start3A_506 : memref<1015808x16xf32, #tpu.memory_space<hbm>>) target(%dma_start3A_500 : memref<72x16xf32, #tpu.memory_space<vmem>>) offsets(%dma_start3A_503 : memref<72xi32, #tpu.memory_space<vmem>>) semaphore(%arg25 : memref<!tpu.dma_semaphore, #tpu.memory_space<semaphore_mem>>)
      %add3A_507 = arith.constant 0 : i32
      %add3A_508 = arith.addi %mul3A_483, %add3A_507 : i32
      %dma_wait3A_509 = arith.constant 0 : i32
      %dma_wait3A_510 = arith.constant 0 : i32
      %dma_wait3A_511 = tpu.memref_slice %arg8[%dma_wait3A_509, %dma_wait3A_510] : memref<200x16xf32, #tpu.memory_space<vmem>> -> memref<128x16xf32, #tpu.memory_space<vmem>>
      %dma_wait3A_512 = arith.constant 0 : i32
      %dma_wait3A_513 = tpu.memref_slice %arg7[%add3A_508, %dma_wait3A_512] : memref<128x200xi32, #tpu.memory_space<vmem>> -> memref<1x128xi32, #tpu.memory_space<vmem>>
      %dma_wait3A_514 = tpu.memref_squeeze %dma_wait3A_513 : memref<1x128xi32, #tpu.memory_space<vmem>> -> memref<128xi32, #tpu.memory_space<vmem>>
      %dma_wait3A_515 = arith.constant 0 : i32
      %dma_wait3A_516 = arith.constant 0 : i32
      %dma_wait3A_517 = tpu.memref_slice %arg3[%dma_wait3A_515, %dma_wait3A_516] : memref<1015808x16xf32, #tpu.memory_space<hbm>> -> memref<1015808x16xf32, #tpu.memory_space<hbm>>
      tpu.wait_indirect_dma semaphore(%arg18 : memref<!tpu.dma_semaphore, #tpu.memory_space<semaphore_mem>>) src(%dma_wait3A_517 : memref<1015808x16xf32, #tpu.memory_space<hbm>>) dst(%dma_wait3A_511 : memref<128x16xf32, #tpu.memory_space<vmem>>)
      %dma_wait3A_518 = arith.constant 128 : i32
      %dma_wait3A_519 = arith.constant 0 : i32
      %dma_wait3A_520 = tpu.memref_slice %arg8[%dma_wait3A_518, %dma_wait3A_519] : memref<200x16xf32, #tpu.memory_space<vmem>> -> memref<72x16xf32, #tpu.memory_space<vmem>>
      %dma_wait3A_521 = arith.constant 128 : i32
      %dma_wait3A_522 = tpu.memref_slice %arg7[%add3A_508, %dma_wait3A_521] : memref<128x200xi32, #tpu.memory_space<vmem>> -> memref<1x72xi32, #tpu.memory_space<vmem>>
      %dma_wait3A_523 = tpu.memref_squeeze %dma_wait3A_522 : memref<1x72xi32, #tpu.memory_space<vmem>> -> memref<72xi32, #tpu.memory_space<vmem>>
      %dma_wait3A_524 = arith.constant 0 : i32
      %dma_wait3A_525 = arith.constant 0 : i32
      %dma_wait3A_526 = tpu.memref_slice %arg3[%dma_wait3A_524, %dma_wait3A_525] : memref<1015808x16xf32, #tpu.memory_space<hbm>> -> memref<1015808x16xf32, #tpu.memory_space<hbm>>
      tpu.wait_indirect_dma semaphore(%arg18 : memref<!tpu.dma_semaphore, #tpu.memory_space<semaphore_mem>>) src(%dma_wait3A_526 : memref<1015808x16xf32, #tpu.memory_space<hbm>>) dst(%dma_wait3A_520 : memref<72x16xf32, #tpu.memory_space<vmem>>)
      %add3A_527 = arith.constant 0 : i32
      %add3A_528 = arith.addi %mul3A_483, %add3A_527 : i32
      %broadcast_in_dim3A_529 = arith.constant 0.000000e+00 : f32
      %broadcast_in_dim3A_530 = vector.broadcast %broadcast_in_dim3A_529 : f32 to vector<16xf32>
      %parallel_loop3A_531 = arith.constant 0 : i32
      %parallel_loop3A_532 = arith.constant 25 : i32
      %parallel_loop3A_533 = arith.constant 1 : i32
      %parallel_loop3A_534:4 = scf.for %parallel_loop3A_988 = %parallel_loop3A_531 to %parallel_loop3A_532 step %parallel_loop3A_533 iter_args(%parallel_loop3A_989 = %broadcast_in_dim3A_530, %parallel_loop3A_990 = %broadcast_in_dim3A_530, %parallel_loop3A_991 = %broadcast_in_dim3A_530, %parallel_loop3A_992 = %broadcast_in_dim3A_530) -> (vector<16xf32>, vector<16xf32>, vector<16xf32>, vector<16xf32>)  : i32 {
        %parallel_loop3A_993 = arith.constant 8 : i32
        %parallel_loop3A_994 = arith.muli %parallel_loop3A_988, %parallel_loop3A_993 : i32
        %parallel_loop3A_995 = arith.constant 0 : i32
        %parallel_loop3A_996 = arith.addi %parallel_loop3A_994, %parallel_loop3A_995 : i32
        %parallel_loop3A_997 = arith.index_cast %parallel_loop3A_996 : i32 to index
        %parallel_loop3A_998 = arith.constant 0 : index
        %parallel_loop3A_999 = tpu.vector_load %arg8[%parallel_loop3A_997, %parallel_loop3A_998] {strides = array<i32>} : memref<200x16xf32, #tpu.memory_space<vmem>>, vector<1x16xf32>,
        %parallel_loop3A_1000 = vector.shape_cast %parallel_loop3A_999 : vector<1x16xf32> to vector<16xf32>
        %parallel_loop3A_1001 = arith.addf %parallel_loop3A_989, %parallel_loop3A_1000 : vector<16xf32>
        %parallel_loop3A_1002 = arith.constant 0 : i32
        %parallel_loop3A_1003 = arith.addi %parallel_loop3A_994, %parallel_loop3A_1002 : i32
        %parallel_loop3A_1004 = arith.constant 1 : i32
        %parallel_loop3A_1005 = arith.addi %parallel_loop3A_1003, %parallel_loop3A_1004 : i32
        %parallel_loop3A_1006 = arith.index_cast %parallel_loop3A_1005 : i32 to index
        %parallel_loop3A_1007 = arith.constant 0 : index
        %parallel_loop3A_1008 = tpu.vector_load %arg8[%parallel_loop3A_1006, %parallel_loop3A_1007] {strides = array<i32>} : memref<200x16xf32, #tpu.memory_space<vmem>>, vector<1x16xf32>,
        %parallel_loop3A_1009 = vector.shape_cast %parallel_loop3A_1008 : vector<1x16xf32> to vector<16xf32>
        %parallel_loop3A_1010 = arith.addf %parallel_loop3A_990, %parallel_loop3A_1009 : vector<16xf32>
        %parallel_loop3A_1011 = arith.constant 0 : i32
        %parallel_loop3A_1012 = arith.addi %parallel_loop3A_994, %parallel_loop3A_1011 : i32
        %parallel_loop3A_1013 = arith.constant 2 : i32
        %parallel_loop3A_1014 = arith.addi %parallel_loop3A_1012, %parallel_loop3A_1013 : i32
        %parallel_loop3A_1015 = arith.index_cast %parallel_loop3A_1014 : i32 to index
        %parallel_loop3A_1016 = arith.constant 0 : index
        %parallel_loop3A_1017 = tpu.vector_load %arg8[%parallel_loop3A_1015, %parallel_loop3A_1016] {strides = array<i32>} : memref<200x16xf32, #tpu.memory_space<vmem>>, vector<1x16xf32>,
        %parallel_loop3A_1018 = vector.shape_cast %parallel_loop3A_1017 : vector<1x16xf32> to vector<16xf32>
        %parallel_loop3A_1019 = arith.addf %parallel_loop3A_991, %parallel_loop3A_1018 : vector<16xf32>
        %parallel_loop3A_1020 = arith.constant 0 : i32
        %parallel_loop3A_1021 = arith.addi %parallel_loop3A_994, %parallel_loop3A_1020 : i32
        %parallel_loop3A_1022 = arith.constant 3 : i32
        %parallel_loop3A_1023 = arith.addi %parallel_loop3A_1021, %parallel_loop3A_1022 : i32
        %parallel_loop3A_1024 = arith.index_cast %parallel_loop3A_1023 : i32 to index
        %parallel_loop3A_1025 = arith.constant 0 : index
        %parallel_loop3A_1026 = tpu.vector_load %arg8[%parallel_loop3A_1024, %parallel_loop3A_1025] {strides = array<i32>} : memref<200x16xf32, #tpu.memory_space<vmem>>, vector<1x16xf32>,
        %parallel_loop3A_1027 = vector.shape_cast %parallel_loop3A_1026 : vector<1x16xf32> to vector<16xf32>
        %parallel_loop3A_1028 = arith.addf %parallel_loop3A_992, %parallel_loop3A_1027 : vector<16xf32>
        %parallel_loop3A_1029 = arith.constant 4 : i32
        %parallel_loop3A_1030 = arith.addi %parallel_loop3A_994, %parallel_loop3A_1029 : i32
        %parallel_loop3A_1031 = arith.index_cast %parallel_loop3A_1030 : i32 to index
        %parallel_loop3A_1032 = arith.constant 0 : index
        %parallel_loop3A_1033 = tpu.vector_load %arg8[%parallel_loop3A_1031, %parallel_loop3A_1032] {strides = array<i32>} : memref<200x16xf32, #tpu.memory_space<vmem>>, vector<1x16xf32>,
        %parallel_loop3A_1034 = vector.shape_cast %parallel_loop3A_1033 : vector<1x16xf32> to vector<16xf32>
        %parallel_loop3A_1035 = arith.addf %parallel_loop3A_1001, %parallel_loop3A_1034 : vector<16xf32>
        %parallel_loop3A_1036 = arith.constant 4 : i32
        %parallel_loop3A_1037 = arith.addi %parallel_loop3A_994, %parallel_loop3A_1036 : i32
        %parallel_loop3A_1038 = arith.constant 1 : i32
        %parallel_loop3A_1039 = arith.addi %parallel_loop3A_1037, %parallel_loop3A_1038 : i32
        %parallel_loop3A_1040 = arith.index_cast %parallel_loop3A_1039 : i32 to index
        %parallel_loop3A_1041 = arith.constant 0 : index
        %parallel_loop3A_1042 = tpu.vector_load %arg8[%parallel_loop3A_1040, %parallel_loop3A_1041] {strides = array<i32>} : memref<200x16xf32, #tpu.memory_space<vmem>>, vector<1x16xf32>,
        %parallel_loop3A_1043 = vector.shape_cast %parallel_loop3A_1042 : vector<1x16xf32> to vector<16xf32>
        %parallel_loop3A_1044 = arith.addf %parallel_loop3A_1010, %parallel_loop3A_1043 : vector<16xf32>
        %parallel_loop3A_1045 = arith.constant 4 : i32
        %parallel_loop3A_1046 = arith.addi %parallel_loop3A_994, %parallel_loop3A_1045 : i32
        %parallel_loop3A_1047 = arith.constant 2 : i32
        %parallel_loop3A_1048 = arith.addi %parallel_loop3A_1046, %parallel_loop3A_1047 : i32
        %parallel_loop3A_1049 = arith.index_cast %parallel_loop3A_1048 : i32 to index
        %parallel_loop3A_1050 = arith.constant 0 : index
        %parallel_loop3A_1051 = tpu.vector_load %arg8[%parallel_loop3A_1049, %parallel_loop3A_1050] {strides = array<i32>} : memref<200x16xf32, #tpu.memory_space<vmem>>, vector<1x16xf32>,
        %parallel_loop3A_1052 = vector.shape_cast %parallel_loop3A_1051 : vector<1x16xf32> to vector<16xf32>
        %parallel_loop3A_1053 = arith.addf %parallel_loop3A_1019, %parallel_loop3A_1052 : vector<16xf32>
        %parallel_loop3A_1054 = arith.constant 4 : i32
        %parallel_loop3A_1055 = arith.addi %parallel_loop3A_994, %parallel_loop3A_1054 : i32
        %parallel_loop3A_1056 = arith.constant 3 : i32
        %parallel_loop3A_1057 = arith.addi %parallel_loop3A_1055, %parallel_loop3A_1056 : i32
        %parallel_loop3A_1058 = arith.index_cast %parallel_loop3A_1057 : i32 to index
        %parallel_loop3A_1059 = arith.constant 0 : index
        %parallel_loop3A_1060 = tpu.vector_load %arg8[%parallel_loop3A_1058, %parallel_loop3A_1059] {strides = array<i32>} : memref<200x16xf32, #tpu.memory_space<vmem>>, vector<1x16xf32>,
        %parallel_loop3A_1061 = vector.shape_cast %parallel_loop3A_1060 : vector<1x16xf32> to vector<16xf32>
        %parallel_loop3A_1062 = arith.addf %parallel_loop3A_1028, %parallel_loop3A_1061 : vector<16xf32>
        scf.yield %parallel_loop3A_1035, %parallel_loop3A_1044, %parallel_loop3A_1053, %parallel_loop3A_1062 : vector<16xf32>, vector<16xf32>, vector<16xf32>, vector<16xf32>
      } {sc.loop_unroll_factor = 4 : i64, sc.parallel_access}
      %add3A_535 = arith.addf %parallel_loop3A_534#0, %parallel_loop3A_534#1 : vector<16xf32>
      %add3A_536 = arith.addf %parallel_loop3A_534#2, %parallel_loop3A_534#3 : vector<16xf32>
      %add3A_537 = arith.addf %add3A_535, %add3A_536 : vector<16xf32>
      %mul3A_538 = vector.broadcast %squeeze3A : f32 to vector<16xf32>
      %mul3A_539 = arith.mulf %add3A_537, %mul3A_538 : vector<16xf32>
      %add3A_540 = arith.addf %mul3A_539, %get3A_7 : vector<16xf32>
      %swap3A_541 = arith.index_cast %add3A_528 : i32 to index
      %swap3A_542 = arith.constant 0 : index
      %swap3A_543 = tpu.vector_load %arg16[%swap3A_541, %swap3A_542] {strides = array<i32>} : memref<128x16xf32, #tpu.memory_space<vmem>>, vector<1x16xf32>,
      %swap3A_544 = vector.shape_cast %swap3A_543 : vector<1x16xf32> to vector<16xf32>
      %swap3A_545 = vector.shape_cast %add3A_540 : vector<16xf32> to vector<1x16xf32>
      tpu.vector_store %arg16[%swap3A_541, %swap3A_542], %swap3A_545 {strides = array<i32>} : memref<128x16xf32, #tpu.memory_space<vmem>>, vector<1x16xf32>,
      %add3A_546 = arith.constant 1 : i32
      %add3A_547 = arith.addi %mul3A_483, %add3A_546 : i32
      %add3A_548 = arith.constant 8 : i32
      %add3A_549 = arith.addi %add3A_547, %add3A_548 : i32
      %sub3A_550 = arith.constant 1 : i32
      %sub3A_551 = arith.subi %add3A_549, %sub3A_550 : i32
      %dma_start3A_552 = arith.constant 0 : i32
      %dma_start3A_553 = arith.constant 0 : i32
      %dma_start3A_554 = tpu.memref_slice %arg8[%dma_start3A_552, %dma_start3A_553] : memref<200x16xf32, #tpu.memory_space<vmem>> -> memref<128x16xf32, #tpu.memory_space<vmem>>
      %dma_start3A_555 = arith.constant 0 : i32
      %dma_start3A_556 = tpu.memref_slice %arg7[%sub3A_551, %dma_start3A_555] : memref<128x200xi32, #tpu.memory_space<vmem>> -> memref<1x128xi32, #tpu.memory_space<vmem>>
      %dma_start3A_557 = tpu.memref_squeeze %dma_start3A_556 : memref<1x128xi32, #tpu.memory_space<vmem>> -> memref<128xi32, #tpu.memory_space<vmem>>
      %dma_start3A_558 = arith.constant 0 : i32
      %dma_start3A_559 = arith.constant 0 : i32
      %dma_start3A_560 = tpu.memref_slice %arg3[%dma_start3A_558, %dma_start3A_559] : memref<1015808x16xf32, #tpu.memory_space<hbm>> -> memref<1015808x16xf32, #tpu.memory_space<hbm>>
      tpu.enqueue_indirect_dma source(%dma_start3A_560 : memref<1015808x16xf32, #tpu.memory_space<hbm>>) target(%dma_start3A_554 : memref<128x16xf32, #tpu.memory_space<vmem>>) offsets(%dma_start3A_557 : memref<128xi32, #tpu.memory_space<vmem>>) semaphore(%arg18 : memref<!tpu.dma_semaphore, #tpu.memory_space<semaphore_mem>>)
      %dma_start3A_561 = arith.constant 128 : i32
      %dma_start3A_562 = arith.constant 0 : i32
      %dma_start3A_563 = tpu.memref_slice %arg8[%dma_start3A_561, %dma_start3A_562] : memref<200x16xf32, #tpu.memory_space<vmem>> -> memref<72x16xf32, #tpu.memory_space<vmem>>
      %dma_start3A_564 = arith.constant 128 : i32
      %dma_start3A_565 = tpu.memref_slice %arg7[%sub3A_551, %dma_start3A_564] : memref<128x200xi32, #tpu.memory_space<vmem>> -> memref<1x72xi32, #tpu.memory_space<vmem>>
      %dma_start3A_566 = tpu.memref_squeeze %dma_start3A_565 : memref<1x72xi32, #tpu.memory_space<vmem>> -> memref<72xi32, #tpu.memory_space<vmem>>
      %dma_start3A_567 = arith.constant 0 : i32
      %dma_start3A_568 = arith.constant 0 : i32
      %dma_start3A_569 = tpu.memref_slice %arg3[%dma_start3A_567, %dma_start3A_568] : memref<1015808x16xf32, #tpu.memory_space<hbm>> -> memref<1015808x16xf32, #tpu.memory_space<hbm>>
      tpu.enqueue_indirect_dma source(%dma_start3A_569 : memref<1015808x16xf32, #tpu.memory_space<hbm>>) target(%dma_start3A_563 : memref<72x16xf32, #tpu.memory_space<vmem>>) offsets(%dma_start3A_566 : memref<72xi32, #tpu.memory_space<vmem>>) semaphore(%arg18 : memref<!tpu.dma_semaphore, #tpu.memory_space<semaphore_mem>>)
      %add3A_570 = arith.constant 1 : i32
      %add3A_571 = arith.addi %mul3A_483, %add3A_570 : i32
      %dma_wait3A_572 = arith.constant 0 : i32
      %dma_wait3A_573 = arith.constant 0 : i32
      %dma_wait3A_574 = tpu.memref_slice %arg9[%dma_wait3A_572, %dma_wait3A_573] : memref<200x16xf32, #tpu.memory_space<vmem>> -> memref<128x16xf32, #tpu.memory_space<vmem>>
      %dma_wait3A_575 = arith.constant 0 : i32
      %dma_wait3A_576 = tpu.memref_slice %arg7[%add3A_571, %dma_wait3A_575] : memref<128x200xi32, #tpu.memory_space<vmem>> -> memref<1x128xi32, #tpu.memory_space<vmem>>
      %dma_wait3A_577 = tpu.memref_squeeze %dma_wait3A_576 : memref<1x128xi32, #tpu.memory_space<vmem>> -> memref<128xi32, #tpu.memory_space<vmem>>
      %dma_wait3A_578 = arith.constant 0 : i32
      %dma_wait3A_579 = arith.constant 0 : i32
      %dma_wait3A_580 = tpu.memref_slice %arg3[%dma_wait3A_578, %dma_wait3A_579] : memref<1015808x16xf32, #tpu.memory_space<hbm>> -> memref<1015808x16xf32, #tpu.memory_space<hbm>>
      tpu.wait_indirect_dma semaphore(%arg19 : memref<!tpu.dma_semaphore, #tpu.memory_space<semaphore_mem>>) src(%dma_wait3A_580 : memref<1015808x16xf32, #tpu.memory_space<hbm>>) dst(%dma_wait3A_574 : memref<128x16xf32, #tpu.memory_space<vmem>>)
      %dma_wait3A_581 = arith.constant 128 : i32
      %dma_wait3A_582 = arith.constant 0 : i32
      %dma_wait3A_583 = tpu.memref_slice %arg9[%dma_wait3A_581, %dma_wait3A_582] : memref<200x16xf32, #tpu.memory_space<vmem>> -> memref<72x16xf32, #tpu.memory_space<vmem>>
      %dma_wait3A_584 = arith.constant 128 : i32
      %dma_wait3A_585 = tpu.memref_slice %arg7[%add3A_571, %dma_wait3A_584] : memref<128x200xi32, #tpu.memory_space<vmem>> -> memref<1x72xi32, #tpu.memory_space<vmem>>
      %dma_wait3A_586 = tpu.memref_squeeze %dma_wait3A_585 : memref<1x72xi32, #tpu.memory_space<vmem>> -> memref<72xi32, #tpu.memory_space<vmem>>
      %dma_wait3A_587 = arith.constant 0 : i32
      %dma_wait3A_588 = arith.constant 0 : i32
      %dma_wait3A_589 = tpu.memref_slice %arg3[%dma_wait3A_587, %dma_wait3A_588] : memref<1015808x16xf32, #tpu.memory_space<hbm>> -> memref<1015808x16xf32, #tpu.memory_space<hbm>>
      tpu.wait_indirect_dma semaphore(%arg19 : memref<!tpu.dma_semaphore, #tpu.memory_space<semaphore_mem>>) src(%dma_wait3A_589 : memref<1015808x16xf32, #tpu.memory_space<hbm>>) dst(%dma_wait3A_583 : memref<72x16xf32, #tpu.memory_space<vmem>>)
      %add3A_590 = arith.constant 1 : i32
      %add3A_591 = arith.addi %mul3A_483, %add3A_590 : i32
      %broadcast_in_dim3A_592 = arith.constant 0.000000e+00 : f32
      %broadcast_in_dim3A_593 = vector.broadcast %broadcast_in_dim3A_592 : f32 to vector<16xf32>
      %parallel_loop3A_594 = arith.constant 0 : i32
      %parallel_loop3A_595 = arith.constant 25 : i32
      %parallel_loop3A_596 = arith.constant 1 : i32
      %parallel_loop3A_597:4 = scf.for %parallel_loop3A_988 = %parallel_loop3A_594 to %parallel_loop3A_595 step %parallel_loop3A_596 iter_args(%parallel_loop3A_989 = %broadcast_in_dim3A_593, %parallel_loop3A_990 = %broadcast_in_dim3A_593, %parallel_loop3A_991 = %broadcast_in_dim3A_593, %parallel_loop3A_992 = %broadcast_in_dim3A_593) -> (vector<16xf32>, vector<16xf32>, vector<16xf32>, vector<16xf32>)  : i32 {
        %parallel_loop3A_993 = arith.constant 8 : i32
        %parallel_loop3A_994 = arith.muli %parallel_loop3A_988, %parallel_loop3A_993 : i32
        %parallel_loop3A_995 = arith.constant 0 : i32
        %parallel_loop3A_996 = arith.addi %parallel_loop3A_994, %parallel_loop3A_995 : i32
        %parallel_loop3A_997 = arith.index_cast %parallel_loop3A_996 : i32 to index
        %parallel_loop3A_998 = arith.constant 0 : index
        %parallel_loop3A_999 = tpu.vector_load %arg9[%parallel_loop3A_997, %parallel_loop3A_998] {strides = array<i32>} : memref<200x16xf32, #tpu.memory_space<vmem>>, vector<1x16xf32>,
        %parallel_loop3A_1000 = vector.shape_cast %parallel_loop3A_999 : vector<1x16xf32> to vector<16xf32>
        %parallel_loop3A_1001 = arith.addf %parallel_loop3A_989, %parallel_loop3A_1000 : vector<16xf32>
        %parallel_loop3A_1002 = arith.constant 0 : i32
        %parallel_loop3A_1003 = arith.addi %parallel_loop3A_994, %parallel_loop3A_1002 : i32
        %parallel_loop3A_1004 = arith.constant 1 : i32
        %parallel_loop3A_1005 = arith.addi %parallel_loop3A_1003, %parallel_loop3A_1004 : i32
        %parallel_loop3A_1006 = arith.index_cast %parallel_loop3A_1005 : i32 to index
        %parallel_loop3A_1007 = arith.constant 0 : index
        %parallel_loop3A_1008 = tpu.vector_load %arg9[%parallel_loop3A_1006, %parallel_loop3A_1007] {strides = array<i32>} : memref<200x16xf32, #tpu.memory_space<vmem>>, vector<1x16xf32>,
        %parallel_loop3A_1009 = vector.shape_cast %parallel_loop3A_1008 : vector<1x16xf32> to vector<16xf32>
        %parallel_loop3A_1010 = arith.addf %parallel_loop3A_990, %parallel_loop3A_1009 : vector<16xf32>
        %parallel_loop3A_1011 = arith.constant 0 : i32
        %parallel_loop3A_1012 = arith.addi %parallel_loop3A_994, %parallel_loop3A_1011 : i32
        %parallel_loop3A_1013 = arith.constant 2 : i32
        %parallel_loop3A_1014 = arith.addi %parallel_loop3A_1012, %parallel_loop3A_1013 : i32
        %parallel_loop3A_1015 = arith.index_cast %parallel_loop3A_1014 : i32 to index
        %parallel_loop3A_1016 = arith.constant 0 : index
        %parallel_loop3A_1017 = tpu.vector_load %arg9[%parallel_loop3A_1015, %parallel_loop3A_1016] {strides = array<i32>} : memref<200x16xf32, #tpu.memory_space<vmem>>, vector<1x16xf32>,
        %parallel_loop3A_1018 = vector.shape_cast %parallel_loop3A_1017 : vector<1x16xf32> to vector<16xf32>
        %parallel_loop3A_1019 = arith.addf %parallel_loop3A_991, %parallel_loop3A_1018 : vector<16xf32>
        %parallel_loop3A_1020 = arith.constant 0 : i32
        %parallel_loop3A_1021 = arith.addi %parallel_loop3A_994, %parallel_loop3A_1020 : i32
        %parallel_loop3A_1022 = arith.constant 3 : i32
        %parallel_loop3A_1023 = arith.addi %parallel_loop3A_1021, %parallel_loop3A_1022 : i32
        %parallel_loop3A_1024 = arith.index_cast %parallel_loop3A_1023 : i32 to index
        %parallel_loop3A_1025 = arith.constant 0 : index
        %parallel_loop3A_1026 = tpu.vector_load %arg9[%parallel_loop3A_1024, %parallel_loop3A_1025] {strides = array<i32>} : memref<200x16xf32, #tpu.memory_space<vmem>>, vector<1x16xf32>,
        %parallel_loop3A_1027 = vector.shape_cast %parallel_loop3A_1026 : vector<1x16xf32> to vector<16xf32>
        %parallel_loop3A_1028 = arith.addf %parallel_loop3A_992, %parallel_loop3A_1027 : vector<16xf32>
        %parallel_loop3A_1029 = arith.constant 4 : i32
        %parallel_loop3A_1030 = arith.addi %parallel_loop3A_994, %parallel_loop3A_1029 : i32
        %parallel_loop3A_1031 = arith.index_cast %parallel_loop3A_1030 : i32 to index
        %parallel_loop3A_1032 = arith.constant 0 : index
        %parallel_loop3A_1033 = tpu.vector_load %arg9[%parallel_loop3A_1031, %parallel_loop3A_1032] {strides = array<i32>} : memref<200x16xf32, #tpu.memory_space<vmem>>, vector<1x16xf32>,
        %parallel_loop3A_1034 = vector.shape_cast %parallel_loop3A_1033 : vector<1x16xf32> to vector<16xf32>
        %parallel_loop3A_1035 = arith.addf %parallel_loop3A_1001, %parallel_loop3A_1034 : vector<16xf32>
        %parallel_loop3A_1036 = arith.constant 4 : i32
        %parallel_loop3A_1037 = arith.addi %parallel_loop3A_994, %parallel_loop3A_1036 : i32
        %parallel_loop3A_1038 = arith.constant 1 : i32
        %parallel_loop3A_1039 = arith.addi %parallel_loop3A_1037, %parallel_loop3A_1038 : i32
        %parallel_loop3A_1040 = arith.index_cast %parallel_loop3A_1039 : i32 to index
        %parallel_loop3A_1041 = arith.constant 0 : index
        %parallel_loop3A_1042 = tpu.vector_load %arg9[%parallel_loop3A_1040, %parallel_loop3A_1041] {strides = array<i32>} : memref<200x16xf32, #tpu.memory_space<vmem>>, vector<1x16xf32>,
        %parallel_loop3A_1043 = vector.shape_cast %parallel_loop3A_1042 : vector<1x16xf32> to vector<16xf32>
        %parallel_loop3A_1044 = arith.addf %parallel_loop3A_1010, %parallel_loop3A_1043 : vector<16xf32>
        %parallel_loop3A_1045 = arith.constant 4 : i32
        %parallel_loop3A_1046 = arith.addi %parallel_loop3A_994, %parallel_loop3A_1045 : i32
        %parallel_loop3A_1047 = arith.constant 2 : i32
        %parallel_loop3A_1048 = arith.addi %parallel_loop3A_1046, %parallel_loop3A_1047 : i32
        %parallel_loop3A_1049 = arith.index_cast %parallel_loop3A_1048 : i32 to index
        %parallel_loop3A_1050 = arith.constant 0 : index
        %parallel_loop3A_1051 = tpu.vector_load %arg9[%parallel_loop3A_1049, %parallel_loop3A_1050] {strides = array<i32>} : memref<200x16xf32, #tpu.memory_space<vmem>>, vector<1x16xf32>,
        %parallel_loop3A_1052 = vector.shape_cast %parallel_loop3A_1051 : vector<1x16xf32> to vector<16xf32>
        %parallel_loop3A_1053 = arith.addf %parallel_loop3A_1019, %parallel_loop3A_1052 : vector<16xf32>
        %parallel_loop3A_1054 = arith.constant 4 : i32
        %parallel_loop3A_1055 = arith.addi %parallel_loop3A_994, %parallel_loop3A_1054 : i32
        %parallel_loop3A_1056 = arith.constant 3 : i32
        %parallel_loop3A_1057 = arith.addi %parallel_loop3A_1055, %parallel_loop3A_1056 : i32
        %parallel_loop3A_1058 = arith.index_cast %parallel_loop3A_1057 : i32 to index
        %parallel_loop3A_1059 = arith.constant 0 : index
        %parallel_loop3A_1060 = tpu.vector_load %arg9[%parallel_loop3A_1058, %parallel_loop3A_1059] {strides = array<i32>} : memref<200x16xf32, #tpu.memory_space<vmem>>, vector<1x16xf32>,
        %parallel_loop3A_1061 = vector.shape_cast %parallel_loop3A_1060 : vector<1x16xf32> to vector<16xf32>
        %parallel_loop3A_1062 = arith.addf %parallel_loop3A_1028, %parallel_loop3A_1061 : vector<16xf32>
        scf.yield %parallel_loop3A_1035, %parallel_loop3A_1044, %parallel_loop3A_1053, %parallel_loop3A_1062 : vector<16xf32>, vector<16xf32>, vector<16xf32>, vector<16xf32>
      } {sc.loop_unroll_factor = 4 : i64, sc.parallel_access}
      %add3A_598 = arith.addf %parallel_loop3A_597#0, %parallel_loop3A_597#1 : vector<16xf32>
      %add3A_599 = arith.addf %parallel_loop3A_597#2, %parallel_loop3A_597#3 : vector<16xf32>
      %add3A_600 = arith.addf %add3A_598, %add3A_599 : vector<16xf32>
      %mul3A_601 = vector.broadcast %squeeze3A : f32 to vector<16xf32>
      %mul3A_602 = arith.mulf %add3A_600, %mul3A_601 : vector<16xf32>
      %add3A_603 = arith.addf %mul3A_602, %get3A_7 : vector<16xf32>
      %swap3A_604 = arith.index_cast %add3A_591 : i32 to index
      %swap3A_605 = arith.constant 0 : index
      %swap3A_606 = tpu.vector_load %arg16[%swap3A_604, %swap3A_605] {strides = array<i32>} : memref<128x16xf32, #tpu.memory_space<vmem>>, vector<1x16xf32>,
      %swap3A_607 = vector.shape_cast %swap3A_606 : vector<1x16xf32> to vector<16xf32>
      %swap3A_608 = vector.shape_cast %add3A_603 : vector<16xf32> to vector<1x16xf32>
      tpu.vector_store %arg16[%swap3A_604, %swap3A_605], %swap3A_608 {strides = array<i32>} : memref<128x16xf32, #tpu.memory_space<vmem>>, vector<1x16xf32>,
      %add3A_609 = arith.constant 2 : i32
      %add3A_610 = arith.addi %mul3A_483, %add3A_609 : i32
      %add3A_611 = arith.constant 8 : i32
      %add3A_612 = arith.addi %add3A_610, %add3A_611 : i32
      %sub3A_613 = arith.constant 1 : i32
      %sub3A_614 = arith.subi %add3A_612, %sub3A_613 : i32
      %dma_start3A_615 = arith.constant 0 : i32
      %dma_start3A_616 = arith.constant 0 : i32
      %dma_start3A_617 = tpu.memref_slice %arg9[%dma_start3A_615, %dma_start3A_616] : memref<200x16xf32, #tpu.memory_space<vmem>> -> memref<128x16xf32, #tpu.memory_space<vmem>>
      %dma_start3A_618 = arith.constant 0 : i32
      %dma_start3A_619 = tpu.memref_slice %arg7[%sub3A_614, %dma_start3A_618] : memref<128x200xi32, #tpu.memory_space<vmem>> -> memref<1x128xi32, #tpu.memory_space<vmem>>
      %dma_start3A_620 = tpu.memref_squeeze %dma_start3A_619 : memref<1x128xi32, #tpu.memory_space<vmem>> -> memref<128xi32, #tpu.memory_space<vmem>>
      %dma_start3A_621 = arith.constant 0 : i32
      %dma_start3A_622 = arith.constant 0 : i32
      %dma_start3A_623 = tpu.memref_slice %arg3[%dma_start3A_621, %dma_start3A_622] : memref<1015808x16xf32, #tpu.memory_space<hbm>> -> memref<1015808x16xf32, #tpu.memory_space<hbm>>
      tpu.enqueue_indirect_dma source(%dma_start3A_623 : memref<1015808x16xf32, #tpu.memory_space<hbm>>) target(%dma_start3A_617 : memref<128x16xf32, #tpu.memory_space<vmem>>) offsets(%dma_start3A_620 : memref<128xi32, #tpu.memory_space<vmem>>) semaphore(%arg19 : memref<!tpu.dma_semaphore, #tpu.memory_space<semaphore_mem>>)
      %dma_start3A_624 = arith.constant 128 : i32
      %dma_start3A_625 = arith.constant 0 : i32
      %dma_start3A_626 = tpu.memref_slice %arg9[%dma_start3A_624, %dma_start3A_625] : memref<200x16xf32, #tpu.memory_space<vmem>> -> memref<72x16xf32, #tpu.memory_space<vmem>>
      %dma_start3A_627 = arith.constant 128 : i32
      %dma_start3A_628 = tpu.memref_slice %arg7[%sub3A_614, %dma_start3A_627] : memref<128x200xi32, #tpu.memory_space<vmem>> -> memref<1x72xi32, #tpu.memory_space<vmem>>
      %dma_start3A_629 = tpu.memref_squeeze %dma_start3A_628 : memref<1x72xi32, #tpu.memory_space<vmem>> -> memref<72xi32, #tpu.memory_space<vmem>>
      %dma_start3A_630 = arith.constant 0 : i32
      %dma_start3A_631 = arith.constant 0 : i32
      %dma_start3A_632 = tpu.memref_slice %arg3[%dma_start3A_630, %dma_start3A_631] : memref<1015808x16xf32, #tpu.memory_space<hbm>> -> memref<1015808x16xf32, #tpu.memory_space<hbm>>
      tpu.enqueue_indirect_dma source(%dma_start3A_632 : memref<1015808x16xf32, #tpu.memory_space<hbm>>) target(%dma_start3A_626 : memref<72x16xf32, #tpu.memory_space<vmem>>) offsets(%dma_start3A_629 : memref<72xi32, #tpu.memory_space<vmem>>) semaphore(%arg19 : memref<!tpu.dma_semaphore, #tpu.memory_space<semaphore_mem>>)
      %add3A_633 = arith.constant 2 : i32
      %add3A_634 = arith.addi %mul3A_483, %add3A_633 : i32
      %dma_wait3A_635 = arith.constant 0 : i32
      %dma_wait3A_636 = arith.constant 0 : i32
      %dma_wait3A_637 = tpu.memref_slice %arg10[%dma_wait3A_635, %dma_wait3A_636] : memref<200x16xf32, #tpu.memory_space<vmem>> -> memref<128x16xf32, #tpu.memory_space<vmem>>
      %dma_wait3A_638 = arith.constant 0 : i32
      %dma_wait3A_639 = tpu.memref_slice %arg7[%add3A_634, %dma_wait3A_638] : memref<128x200xi32, #tpu.memory_space<vmem>> -> memref<1x128xi32, #tpu.memory_space<vmem>>
      %dma_wait3A_640 = tpu.memref_squeeze %dma_wait3A_639 : memref<1x128xi32, #tpu.memory_space<vmem>> -> memref<128xi32, #tpu.memory_space<vmem>>
      %dma_wait3A_641 = arith.constant 0 : i32
      %dma_wait3A_642 = arith.constant 0 : i32
      %dma_wait3A_643 = tpu.memref_slice %arg3[%dma_wait3A_641, %dma_wait3A_642] : memref<1015808x16xf32, #tpu.memory_space<hbm>> -> memref<1015808x16xf32, #tpu.memory_space<hbm>>
      tpu.wait_indirect_dma semaphore(%arg20 : memref<!tpu.dma_semaphore, #tpu.memory_space<semaphore_mem>>) src(%dma_wait3A_643 : memref<1015808x16xf32, #tpu.memory_space<hbm>>) dst(%dma_wait3A_637 : memref<128x16xf32, #tpu.memory_space<vmem>>)
      %dma_wait3A_644 = arith.constant 128 : i32
      %dma_wait3A_645 = arith.constant 0 : i32
      %dma_wait3A_646 = tpu.memref_slice %arg10[%dma_wait3A_644, %dma_wait3A_645] : memref<200x16xf32, #tpu.memory_space<vmem>> -> memref<72x16xf32, #tpu.memory_space<vmem>>
      %dma_wait3A_647 = arith.constant 128 : i32
      %dma_wait3A_648 = tpu.memref_slice %arg7[%add3A_634, %dma_wait3A_647] : memref<128x200xi32, #tpu.memory_space<vmem>> -> memref<1x72xi32, #tpu.memory_space<vmem>>
      %dma_wait3A_649 = tpu.memref_squeeze %dma_wait3A_648 : memref<1x72xi32, #tpu.memory_space<vmem>> -> memref<72xi32, #tpu.memory_space<vmem>>
      %dma_wait3A_650 = arith.constant 0 : i32
      %dma_wait3A_651 = arith.constant 0 : i32
      %dma_wait3A_652 = tpu.memref_slice %arg3[%dma_wait3A_650, %dma_wait3A_651] : memref<1015808x16xf32, #tpu.memory_space<hbm>> -> memref<1015808x16xf32, #tpu.memory_space<hbm>>
      tpu.wait_indirect_dma semaphore(%arg20 : memref<!tpu.dma_semaphore, #tpu.memory_space<semaphore_mem>>) src(%dma_wait3A_652 : memref<1015808x16xf32, #tpu.memory_space<hbm>>) dst(%dma_wait3A_646 : memref<72x16xf32, #tpu.memory_space<vmem>>)
      %add3A_653 = arith.constant 2 : i32
      %add3A_654 = arith.addi %mul3A_483, %add3A_653 : i32
      %broadcast_in_dim3A_655 = arith.constant 0.000000e+00 : f32
      %broadcast_in_dim3A_656 = vector.broadcast %broadcast_in_dim3A_655 : f32 to vector<16xf32>
      %parallel_loop3A_657 = arith.constant 0 : i32
      %parallel_loop3A_658 = arith.constant 25 : i32
      %parallel_loop3A_659 = arith.constant 1 : i32
      %parallel_loop3A_660:4 = scf.for %parallel_loop3A_988 = %parallel_loop3A_657 to %parallel_loop3A_658 step %parallel_loop3A_659 iter_args(%parallel_loop3A_989 = %broadcast_in_dim3A_656, %parallel_loop3A_990 = %broadcast_in_dim3A_656, %parallel_loop3A_991 = %broadcast_in_dim3A_656, %parallel_loop3A_992 = %broadcast_in_dim3A_656) -> (vector<16xf32>, vector<16xf32>, vector<16xf32>, vector<16xf32>)  : i32 {
        %parallel_loop3A_993 = arith.constant 8 : i32
        %parallel_loop3A_994 = arith.muli %parallel_loop3A_988, %parallel_loop3A_993 : i32
        %parallel_loop3A_995 = arith.constant 0 : i32
        %parallel_loop3A_996 = arith.addi %parallel_loop3A_994, %parallel_loop3A_995 : i32
        %parallel_loop3A_997 = arith.index_cast %parallel_loop3A_996 : i32 to index
        %parallel_loop3A_998 = arith.constant 0 : index
        %parallel_loop3A_999 = tpu.vector_load %arg10[%parallel_loop3A_997, %parallel_loop3A_998] {strides = array<i32>} : memref<200x16xf32, #tpu.memory_space<vmem>>, vector<1x16xf32>,
        %parallel_loop3A_1000 = vector.shape_cast %parallel_loop3A_999 : vector<1x16xf32> to vector<16xf32>
        %parallel_loop3A_1001 = arith.addf %parallel_loop3A_989, %parallel_loop3A_1000 : vector<16xf32>
        %parallel_loop3A_1002 = arith.constant 0 : i32
        %parallel_loop3A_1003 = arith.addi %parallel_loop3A_994, %parallel_loop3A_1002 : i32
        %parallel_loop3A_1004 = arith.constant 1 : i32
        %parallel_loop3A_1005 = arith.addi %parallel_loop3A_1003, %parallel_loop3A_1004 : i32
        %parallel_loop3A_1006 = arith.index_cast %parallel_loop3A_1005 : i32 to index
        %parallel_loop3A_1007 = arith.constant 0 : index
        %parallel_loop3A_1008 = tpu.vector_load %arg10[%parallel_loop3A_1006, %parallel_loop3A_1007] {strides = array<i32>} : memref<200x16xf32, #tpu.memory_space<vmem>>, vector<1x16xf32>,
        %parallel_loop3A_1009 = vector.shape_cast %parallel_loop3A_1008 : vector<1x16xf32> to vector<16xf32>
        %parallel_loop3A_1010 = arith.addf %parallel_loop3A_990, %parallel_loop3A_1009 : vector<16xf32>
        %parallel_loop3A_1011 = arith.constant 0 : i32
        %parallel_loop3A_1012 = arith.addi %parallel_loop3A_994, %parallel_loop3A_1011 : i32
        %parallel_loop3A_1013 = arith.constant 2 : i32
        %parallel_loop3A_1014 = arith.addi %parallel_loop3A_1012, %parallel_loop3A_1013 : i32
        %parallel_loop3A_1015 = arith.index_cast %parallel_loop3A_1014 : i32 to index
        %parallel_loop3A_1016 = arith.constant 0 : index
        %parallel_loop3A_1017 = tpu.vector_load %arg10[%parallel_loop3A_1015, %parallel_loop3A_1016] {strides = array<i32>} : memref<200x16xf32, #tpu.memory_space<vmem>>, vector<1x16xf32>,
        %parallel_loop3A_1018 = vector.shape_cast %parallel_loop3A_1017 : vector<1x16xf32> to vector<16xf32>
        %parallel_loop3A_1019 = arith.addf %parallel_loop3A_991, %parallel_loop3A_1018 : vector<16xf32>
        %parallel_loop3A_1020 = arith.constant 0 : i32
        %parallel_loop3A_1021 = arith.addi %parallel_loop3A_994, %parallel_loop3A_1020 : i32
        %parallel_loop3A_1022 = arith.constant 3 : i32
        %parallel_loop3A_1023 = arith.addi %parallel_loop3A_1021, %parallel_loop3A_1022 : i32
        %parallel_loop3A_1024 = arith.index_cast %parallel_loop3A_1023 : i32 to index
        %parallel_loop3A_1025 = arith.constant 0 : index
        %parallel_loop3A_1026 = tpu.vector_load %arg10[%parallel_loop3A_1024, %parallel_loop3A_1025] {strides = array<i32>} : memref<200x16xf32, #tpu.memory_space<vmem>>, vector<1x16xf32>,
        %parallel_loop3A_1027 = vector.shape_cast %parallel_loop3A_1026 : vector<1x16xf32> to vector<16xf32>
        %parallel_loop3A_1028 = arith.addf %parallel_loop3A_992, %parallel_loop3A_1027 : vector<16xf32>
        %parallel_loop3A_1029 = arith.constant 4 : i32
        %parallel_loop3A_1030 = arith.addi %parallel_loop3A_994, %parallel_loop3A_1029 : i32
        %parallel_loop3A_1031 = arith.index_cast %parallel_loop3A_1030 : i32 to index
        %parallel_loop3A_1032 = arith.constant 0 : index
        %parallel_loop3A_1033 = tpu.vector_load %arg10[%parallel_loop3A_1031, %parallel_loop3A_1032] {strides = array<i32>} : memref<200x16xf32, #tpu.memory_space<vmem>>, vector<1x16xf32>,
        %parallel_loop3A_1034 = vector.shape_cast %parallel_loop3A_1033 : vector<1x16xf32> to vector<16xf32>
        %parallel_loop3A_1035 = arith.addf %parallel_loop3A_1001, %parallel_loop3A_1034 : vector<16xf32>
        %parallel_loop3A_1036 = arith.constant 4 : i32
        %parallel_loop3A_1037 = arith.addi %parallel_loop3A_994, %parallel_loop3A_1036 : i32
        %parallel_loop3A_1038 = arith.constant 1 : i32
        %parallel_loop3A_1039 = arith.addi %parallel_loop3A_1037, %parallel_loop3A_1038 : i32
        %parallel_loop3A_1040 = arith.index_cast %parallel_loop3A_1039 : i32 to index
        %parallel_loop3A_1041 = arith.constant 0 : index
        %parallel_loop3A_1042 = tpu.vector_load %arg10[%parallel_loop3A_1040, %parallel_loop3A_1041] {strides = array<i32>} : memref<200x16xf32, #tpu.memory_space<vmem>>, vector<1x16xf32>,
        %parallel_loop3A_1043 = vector.shape_cast %parallel_loop3A_1042 : vector<1x16xf32> to vector<16xf32>
        %parallel_loop3A_1044 = arith.addf %parallel_loop3A_1010, %parallel_loop3A_1043 : vector<16xf32>
        %parallel_loop3A_1045 = arith.constant 4 : i32
        %parallel_loop3A_1046 = arith.addi %parallel_loop3A_994, %parallel_loop3A_1045 : i32
        %parallel_loop3A_1047 = arith.constant 2 : i32
        %parallel_loop3A_1048 = arith.addi %parallel_loop3A_1046, %parallel_loop3A_1047 : i32
        %parallel_loop3A_1049 = arith.index_cast %parallel_loop3A_1048 : i32 to index
        %parallel_loop3A_1050 = arith.constant 0 : index
        %parallel_loop3A_1051 = tpu.vector_load %arg10[%parallel_loop3A_1049, %parallel_loop3A_1050] {strides = array<i32>} : memref<200x16xf32, #tpu.memory_space<vmem>>, vector<1x16xf32>,
        %parallel_loop3A_1052 = vector.shape_cast %parallel_loop3A_1051 : vector<1x16xf32> to vector<16xf32>
        %parallel_loop3A_1053 = arith.addf %parallel_loop3A_1019, %parallel_loop3A_1052 : vector<16xf32>
        %parallel_loop3A_1054 = arith.constant 4 : i32
        %parallel_loop3A_1055 = arith.addi %parallel_loop3A_994, %parallel_loop3A_1054 : i32
        %parallel_loop3A_1056 = arith.constant 3 : i32
        %parallel_loop3A_1057 = arith.addi %parallel_loop3A_1055, %parallel_loop3A_1056 : i32
        %parallel_loop3A_1058 = arith.index_cast %parallel_loop3A_1057 : i32 to index
        %parallel_loop3A_1059 = arith.constant 0 : index
        %parallel_loop3A_1060 = tpu.vector_load %arg10[%parallel_loop3A_1058, %parallel_loop3A_1059] {strides = array<i32>} : memref<200x16xf32, #tpu.memory_space<vmem>>, vector<1x16xf32>,
        %parallel_loop3A_1061 = vector.shape_cast %parallel_loop3A_1060 : vector<1x16xf32> to vector<16xf32>
        %parallel_loop3A_1062 = arith.addf %parallel_loop3A_1028, %parallel_loop3A_1061 : vector<16xf32>
        scf.yield %parallel_loop3A_1035, %parallel_loop3A_1044, %parallel_loop3A_1053, %parallel_loop3A_1062 : vector<16xf32>, vector<16xf32>, vector<16xf32>, vector<16xf32>
      } {sc.loop_unroll_factor = 4 : i64, sc.parallel_access}
      %add3A_661 = arith.addf %parallel_loop3A_660#0, %parallel_loop3A_660#1 : vector<16xf32>
      %add3A_662 = arith.addf %parallel_loop3A_660#2, %parallel_loop3A_660#3 : vector<16xf32>
      %add3A_663 = arith.addf %add3A_661, %add3A_662 : vector<16xf32>
      %mul3A_664 = vector.broadcast %squeeze3A : f32 to vector<16xf32>
      %mul3A_665 = arith.mulf %add3A_663, %mul3A_664 : vector<16xf32>
      %add3A_666 = arith.addf %mul3A_665, %get3A_7 : vector<16xf32>
      %swap3A_667 = arith.index_cast %add3A_654 : i32 to index
      %swap3A_668 = arith.constant 0 : index
      %swap3A_669 = tpu.vector_load %arg16[%swap3A_667, %swap3A_668] {strides = array<i32>} : memref<128x16xf32, #tpu.memory_space<vmem>>, vector<1x16xf32>,
      %swap3A_670 = vector.shape_cast %swap3A_669 : vector<1x16xf32> to vector<16xf32>
      %swap3A_671 = vector.shape_cast %add3A_666 : vector<16xf32> to vector<1x16xf32>
      tpu.vector_store %arg16[%swap3A_667, %swap3A_668], %swap3A_671 {strides = array<i32>} : memref<128x16xf32, #tpu.memory_space<vmem>>, vector<1x16xf32>,
      %add3A_672 = arith.constant 3 : i32
      %add3A_673 = arith.addi %mul3A_483, %add3A_672 : i32
      %add3A_674 = arith.constant 8 : i32
      %add3A_675 = arith.addi %add3A_673, %add3A_674 : i32
      %sub3A_676 = arith.constant 1 : i32
      %sub3A_677 = arith.subi %add3A_675, %sub3A_676 : i32
      %dma_start3A_678 = arith.constant 0 : i32
      %dma_start3A_679 = arith.constant 0 : i32
      %dma_start3A_680 = tpu.memref_slice %arg10[%dma_start3A_678, %dma_start3A_679] : memref<200x16xf32, #tpu.memory_space<vmem>> -> memref<128x16xf32, #tpu.memory_space<vmem>>
      %dma_start3A_681 = arith.constant 0 : i32
      %dma_start3A_682 = tpu.memref_slice %arg7[%sub3A_677, %dma_start3A_681] : memref<128x200xi32, #tpu.memory_space<vmem>> -> memref<1x128xi32, #tpu.memory_space<vmem>>
      %dma_start3A_683 = tpu.memref_squeeze %dma_start3A_682 : memref<1x128xi32, #tpu.memory_space<vmem>> -> memref<128xi32, #tpu.memory_space<vmem>>
      %dma_start3A_684 = arith.constant 0 : i32
      %dma_start3A_685 = arith.constant 0 : i32
      %dma_start3A_686 = tpu.memref_slice %arg3[%dma_start3A_684, %dma_start3A_685] : memref<1015808x16xf32, #tpu.memory_space<hbm>> -> memref<1015808x16xf32, #tpu.memory_space<hbm>>
      tpu.enqueue_indirect_dma source(%dma_start3A_686 : memref<1015808x16xf32, #tpu.memory_space<hbm>>) target(%dma_start3A_680 : memref<128x16xf32, #tpu.memory_space<vmem>>) offsets(%dma_start3A_683 : memref<128xi32, #tpu.memory_space<vmem>>) semaphore(%arg20 : memref<!tpu.dma_semaphore, #tpu.memory_space<semaphore_mem>>)
      %dma_start3A_687 = arith.constant 128 : i32
      %dma_start3A_688 = arith.constant 0 : i32
      %dma_start3A_689 = tpu.memref_slice %arg10[%dma_start3A_687, %dma_start3A_688] : memref<200x16xf32, #tpu.memory_space<vmem>> -> memref<72x16xf32, #tpu.memory_space<vmem>>
      %dma_start3A_690 = arith.constant 128 : i32
      %dma_start3A_691 = tpu.memref_slice %arg7[%sub3A_677, %dma_start3A_690] : memref<128x200xi32, #tpu.memory_space<vmem>> -> memref<1x72xi32, #tpu.memory_space<vmem>>
      %dma_start3A_692 = tpu.memref_squeeze %dma_start3A_691 : memref<1x72xi32, #tpu.memory_space<vmem>> -> memref<72xi32, #tpu.memory_space<vmem>>
      %dma_start3A_693 = arith.constant 0 : i32
      %dma_start3A_694 = arith.constant 0 : i32
      %dma_start3A_695 = tpu.memref_slice %arg3[%dma_start3A_693, %dma_start3A_694] : memref<1015808x16xf32, #tpu.memory_space<hbm>> -> memref<1015808x16xf32, #tpu.memory_space<hbm>>
      tpu.enqueue_indirect_dma source(%dma_start3A_695 : memref<1015808x16xf32, #tpu.memory_space<hbm>>) target(%dma_start3A_689 : memref<72x16xf32, #tpu.memory_space<vmem>>) offsets(%dma_start3A_692 : memref<72xi32, #tpu.memory_space<vmem>>) semaphore(%arg20 : memref<!tpu.dma_semaphore, #tpu.memory_space<semaphore_mem>>)
      %add3A_696 = arith.constant 3 : i32
      %add3A_697 = arith.addi %mul3A_483, %add3A_696 : i32
      %dma_wait3A_698 = arith.constant 0 : i32
      %dma_wait3A_699 = arith.constant 0 : i32
      %dma_wait3A_700 = tpu.memref_slice %arg11[%dma_wait3A_698, %dma_wait3A_699] : memref<200x16xf32, #tpu.memory_space<vmem>> -> memref<128x16xf32, #tpu.memory_space<vmem>>
      %dma_wait3A_701 = arith.constant 0 : i32
      %dma_wait3A_702 = tpu.memref_slice %arg7[%add3A_697, %dma_wait3A_701] : memref<128x200xi32, #tpu.memory_space<vmem>> -> memref<1x128xi32, #tpu.memory_space<vmem>>
      %dma_wait3A_703 = tpu.memref_squeeze %dma_wait3A_702 : memref<1x128xi32, #tpu.memory_space<vmem>> -> memref<128xi32, #tpu.memory_space<vmem>>
      %dma_wait3A_704 = arith.constant 0 : i32
      %dma_wait3A_705 = arith.constant 0 : i32
      %dma_wait3A_706 = tpu.memref_slice %arg3[%dma_wait3A_704, %dma_wait3A_705] : memref<1015808x16xf32, #tpu.memory_space<hbm>> -> memref<1015808x16xf32, #tpu.memory_space<hbm>>
      tpu.wait_indirect_dma semaphore(%arg21 : memref<!tpu.dma_semaphore, #tpu.memory_space<semaphore_mem>>) src(%dma_wait3A_706 : memref<1015808x16xf32, #tpu.memory_space<hbm>>) dst(%dma_wait3A_700 : memref<128x16xf32, #tpu.memory_space<vmem>>)
      %dma_wait3A_707 = arith.constant 128 : i32
      %dma_wait3A_708 = arith.constant 0 : i32
      %dma_wait3A_709 = tpu.memref_slice %arg11[%dma_wait3A_707, %dma_wait3A_708] : memref<200x16xf32, #tpu.memory_space<vmem>> -> memref<72x16xf32, #tpu.memory_space<vmem>>
      %dma_wait3A_710 = arith.constant 128 : i32
      %dma_wait3A_711 = tpu.memref_slice %arg7[%add3A_697, %dma_wait3A_710] : memref<128x200xi32, #tpu.memory_space<vmem>> -> memref<1x72xi32, #tpu.memory_space<vmem>>
      %dma_wait3A_712 = tpu.memref_squeeze %dma_wait3A_711 : memref<1x72xi32, #tpu.memory_space<vmem>> -> memref<72xi32, #tpu.memory_space<vmem>>
      %dma_wait3A_713 = arith.constant 0 : i32
      %dma_wait3A_714 = arith.constant 0 : i32
      %dma_wait3A_715 = tpu.memref_slice %arg3[%dma_wait3A_713, %dma_wait3A_714] : memref<1015808x16xf32, #tpu.memory_space<hbm>> -> memref<1015808x16xf32, #tpu.memory_space<hbm>>
      tpu.wait_indirect_dma semaphore(%arg21 : memref<!tpu.dma_semaphore, #tpu.memory_space<semaphore_mem>>) src(%dma_wait3A_715 : memref<1015808x16xf32, #tpu.memory_space<hbm>>) dst(%dma_wait3A_709 : memref<72x16xf32, #tpu.memory_space<vmem>>)
      %add3A_716 = arith.constant 3 : i32
      %add3A_717 = arith.addi %mul3A_483, %add3A_716 : i32
      %broadcast_in_dim3A_718 = arith.constant 0.000000e+00 : f32
      %broadcast_in_dim3A_719 = vector.broadcast %broadcast_in_dim3A_718 : f32 to vector<16xf32>
      %parallel_loop3A_720 = arith.constant 0 : i32
      %parallel_loop3A_721 = arith.constant 25 : i32
      %parallel_loop3A_722 = arith.constant 1 : i32
      %parallel_loop3A_723:4 = scf.for %parallel_loop3A_988 = %parallel_loop3A_720 to %parallel_loop3A_721 step %parallel_loop3A_722 iter_args(%parallel_loop3A_989 = %broadcast_in_dim3A_719, %parallel_loop3A_990 = %broadcast_in_dim3A_719, %parallel_loop3A_991 = %broadcast_in_dim3A_719, %parallel_loop3A_992 = %broadcast_in_dim3A_719) -> (vector<16xf32>, vector<16xf32>, vector<16xf32>, vector<16xf32>)  : i32 {
        %parallel_loop3A_993 = arith.constant 8 : i32
        %parallel_loop3A_994 = arith.muli %parallel_loop3A_988, %parallel_loop3A_993 : i32
        %parallel_loop3A_995 = arith.constant 0 : i32
        %parallel_loop3A_996 = arith.addi %parallel_loop3A_994, %parallel_loop3A_995 : i32
        %parallel_loop3A_997 = arith.index_cast %parallel_loop3A_996 : i32 to index
        %parallel_loop3A_998 = arith.constant 0 : index
        %parallel_loop3A_999 = tpu.vector_load %arg11[%parallel_loop3A_997, %parallel_loop3A_998] {strides = array<i32>} : memref<200x16xf32, #tpu.memory_space<vmem>>, vector<1x16xf32>,
        %parallel_loop3A_1000 = vector.shape_cast %parallel_loop3A_999 : vector<1x16xf32> to vector<16xf32>
        %parallel_loop3A_1001 = arith.addf %parallel_loop3A_989, %parallel_loop3A_1000 : vector<16xf32>
        %parallel_loop3A_1002 = arith.constant 0 : i32
        %parallel_loop3A_1003 = arith.addi %parallel_loop3A_994, %parallel_loop3A_1002 : i32
        %parallel_loop3A_1004 = arith.constant 1 : i32
        %parallel_loop3A_1005 = arith.addi %parallel_loop3A_1003, %parallel_loop3A_1004 : i32
        %parallel_loop3A_1006 = arith.index_cast %parallel_loop3A_1005 : i32 to index
        %parallel_loop3A_1007 = arith.constant 0 : index
        %parallel_loop3A_1008 = tpu.vector_load %arg11[%parallel_loop3A_1006, %parallel_loop3A_1007] {strides = array<i32>} : memref<200x16xf32, #tpu.memory_space<vmem>>, vector<1x16xf32>,
        %parallel_loop3A_1009 = vector.shape_cast %parallel_loop3A_1008 : vector<1x16xf32> to vector<16xf32>
        %parallel_loop3A_1010 = arith.addf %parallel_loop3A_990, %parallel_loop3A_1009 : vector<16xf32>
        %parallel_loop3A_1011 = arith.constant 0 : i32
        %parallel_loop3A_1012 = arith.addi %parallel_loop3A_994, %parallel_loop3A_1011 : i32
        %parallel_loop3A_1013 = arith.constant 2 : i32
        %parallel_loop3A_1014 = arith.addi %parallel_loop3A_1012, %parallel_loop3A_1013 : i32
        %parallel_loop3A_1015 = arith.index_cast %parallel_loop3A_1014 : i32 to index
        %parallel_loop3A_1016 = arith.constant 0 : index
        %parallel_loop3A_1017 = tpu.vector_load %arg11[%parallel_loop3A_1015, %parallel_loop3A_1016] {strides = array<i32>} : memref<200x16xf32, #tpu.memory_space<vmem>>, vector<1x16xf32>,
        %parallel_loop3A_1018 = vector.shape_cast %parallel_loop3A_1017 : vector<1x16xf32> to vector<16xf32>
        %parallel_loop3A_1019 = arith.addf %parallel_loop3A_991, %parallel_loop3A_1018 : vector<16xf32>
        %parallel_loop3A_1020 = arith.constant 0 : i32
        %parallel_loop3A_1021 = arith.addi %parallel_loop3A_994, %parallel_loop3A_1020 : i32
        %parallel_loop3A_1022 = arith.constant 3 : i32
        %parallel_loop3A_1023 = arith.addi %parallel_loop3A_1021, %parallel_loop3A_1022 : i32
        %parallel_loop3A_1024 = arith.index_cast %parallel_loop3A_1023 : i32 to index
        %parallel_loop3A_1025 = arith.constant 0 : index
        %parallel_loop3A_1026 = tpu.vector_load %arg11[%parallel_loop3A_1024, %parallel_loop3A_1025] {strides = array<i32>} : memref<200x16xf32, #tpu.memory_space<vmem>>, vector<1x16xf32>,
        %parallel_loop3A_1027 = vector.shape_cast %parallel_loop3A_1026 : vector<1x16xf32> to vector<16xf32>
        %parallel_loop3A_1028 = arith.addf %parallel_loop3A_992, %parallel_loop3A_1027 : vector<16xf32>
        %parallel_loop3A_1029 = arith.constant 4 : i32
        %parallel_loop3A_1030 = arith.addi %parallel_loop3A_994, %parallel_loop3A_1029 : i32
        %parallel_loop3A_1031 = arith.index_cast %parallel_loop3A_1030 : i32 to index
        %parallel_loop3A_1032 = arith.constant 0 : index
        %parallel_loop3A_1033 = tpu.vector_load %arg11[%parallel_loop3A_1031, %parallel_loop3A_1032] {strides = array<i32>} : memref<200x16xf32, #tpu.memory_space<vmem>>, vector<1x16xf32>,
        %parallel_loop3A_1034 = vector.shape_cast %parallel_loop3A_1033 : vector<1x16xf32> to vector<16xf32>
        %parallel_loop3A_1035 = arith.addf %parallel_loop3A_1001, %parallel_loop3A_1034 : vector<16xf32>
        %parallel_loop3A_1036 = arith.constant 4 : i32
        %parallel_loop3A_1037 = arith.addi %parallel_loop3A_994, %parallel_loop3A_1036 : i32
        %parallel_loop3A_1038 = arith.constant 1 : i32
        %parallel_loop3A_1039 = arith.addi %parallel_loop3A_1037, %parallel_loop3A_1038 : i32
        %parallel_loop3A_1040 = arith.index_cast %parallel_loop3A_1039 : i32 to index
        %parallel_loop3A_1041 = arith.constant 0 : index
        %parallel_loop3A_1042 = tpu.vector_load %arg11[%parallel_loop3A_1040, %parallel_loop3A_1041] {strides = array<i32>} : memref<200x16xf32, #tpu.memory_space<vmem>>, vector<1x16xf32>,
        %parallel_loop3A_1043 = vector.shape_cast %parallel_loop3A_1042 : vector<1x16xf32> to vector<16xf32>
        %parallel_loop3A_1044 = arith.addf %parallel_loop3A_1010, %parallel_loop3A_1043 : vector<16xf32>
        %parallel_loop3A_1045 = arith.constant 4 : i32
        %parallel_loop3A_1046 = arith.addi %parallel_loop3A_994, %parallel_loop3A_1045 : i32
        %parallel_loop3A_1047 = arith.constant 2 : i32
        %parallel_loop3A_1048 = arith.addi %parallel_loop3A_1046, %parallel_loop3A_1047 : i32
        %parallel_loop3A_1049 = arith.index_cast %parallel_loop3A_1048 : i32 to index
        %parallel_loop3A_1050 = arith.constant 0 : index
        %parallel_loop3A_1051 = tpu.vector_load %arg11[%parallel_loop3A_1049, %parallel_loop3A_1050] {strides = array<i32>} : memref<200x16xf32, #tpu.memory_space<vmem>>, vector<1x16xf32>,
        %parallel_loop3A_1052 = vector.shape_cast %parallel_loop3A_1051 : vector<1x16xf32> to vector<16xf32>
        %parallel_loop3A_1053 = arith.addf %parallel_loop3A_1019, %parallel_loop3A_1052 : vector<16xf32>
        %parallel_loop3A_1054 = arith.constant 4 : i32
        %parallel_loop3A_1055 = arith.addi %parallel_loop3A_994, %parallel_loop3A_1054 : i32
        %parallel_loop3A_1056 = arith.constant 3 : i32
        %parallel_loop3A_1057 = arith.addi %parallel_loop3A_1055, %parallel_loop3A_1056 : i32
        %parallel_loop3A_1058 = arith.index_cast %parallel_loop3A_1057 : i32 to index
        %parallel_loop3A_1059 = arith.constant 0 : index
        %parallel_loop3A_1060 = tpu.vector_load %arg11[%parallel_loop3A_1058, %parallel_loop3A_1059] {strides = array<i32>} : memref<200x16xf32, #tpu.memory_space<vmem>>, vector<1x16xf32>,
        %parallel_loop3A_1061 = vector.shape_cast %parallel_loop3A_1060 : vector<1x16xf32> to vector<16xf32>
        %parallel_loop3A_1062 = arith.addf %parallel_loop3A_1028, %parallel_loop3A_1061 : vector<16xf32>
        scf.yield %parallel_loop3A_1035, %parallel_loop3A_1044, %parallel_loop3A_1053, %parallel_loop3A_1062 : vector<16xf32>, vector<16xf32>, vector<16xf32>, vector<16xf32>
      } {sc.loop_unroll_factor = 4 : i64, sc.parallel_access}
      %add3A_724 = arith.addf %parallel_loop3A_723#0, %parallel_loop3A_723#1 : vector<16xf32>
      %add3A_725 = arith.addf %parallel_loop3A_723#2, %parallel_loop3A_723#3 : vector<16xf32>
      %add3A_726 = arith.addf %add3A_724, %add3A_725 : vector<16xf32>
      %mul3A_727 = vector.broadcast %squeeze3A : f32 to vector<16xf32>
      %mul3A_728 = arith.mulf %add3A_726, %mul3A_727 : vector<16xf32>
      %add3A_729 = arith.addf %mul3A_728, %get3A_7 : vector<16xf32>
      %swap3A_730 = arith.index_cast %add3A_717 : i32 to index
      %swap3A_731 = arith.constant 0 : index
      %swap3A_732 = tpu.vector_load %arg16[%swap3A_730, %swap3A_731] {strides = array<i32>} : memref<128x16xf32, #tpu.memory_space<vmem>>, vector<1x16xf32>,
      %swap3A_733 = vector.shape_cast %swap3A_732 : vector<1x16xf32> to vector<16xf32>
      %swap3A_734 = vector.shape_cast %add3A_729 : vector<16xf32> to vector<1x16xf32>
      tpu.vector_store %arg16[%swap3A_730, %swap3A_731], %swap3A_734 {strides = array<i32>} : memref<128x16xf32, #tpu.memory_space<vmem>>, vector<1x16xf32>,
      %add3A_735 = arith.constant 4 : i32
      %add3A_736 = arith.addi %mul3A_483, %add3A_735 : i32
      %add3A_737 = arith.constant 8 : i32
      %add3A_738 = arith.addi %add3A_736, %add3A_737 : i32
      %sub3A_739 = arith.constant 1 : i32
      %sub3A_740 = arith.subi %add3A_738, %sub3A_739 : i32
      %dma_start3A_741 = arith.constant 0 : i32
      %dma_start3A_742 = arith.constant 0 : i32
      %dma_start3A_743 = tpu.memref_slice %arg11[%dma_start3A_741, %dma_start3A_742] : memref<200x16xf32, #tpu.memory_space<vmem>> -> memref<128x16xf32, #tpu.memory_space<vmem>>
      %dma_start3A_744 = arith.constant 0 : i32
      %dma_start3A_745 = tpu.memref_slice %arg7[%sub3A_740, %dma_start3A_744] : memref<128x200xi32, #tpu.memory_space<vmem>> -> memref<1x128xi32, #tpu.memory_space<vmem>>
      %dma_start3A_746 = tpu.memref_squeeze %dma_start3A_745 : memref<1x128xi32, #tpu.memory_space<vmem>> -> memref<128xi32, #tpu.memory_space<vmem>>
      %dma_start3A_747 = arith.constant 0 : i32
      %dma_start3A_748 = arith.constant 0 : i32
      %dma_start3A_749 = tpu.memref_slice %arg3[%dma_start3A_747, %dma_start3A_748] : memref<1015808x16xf32, #tpu.memory_space<hbm>> -> memref<1015808x16xf32, #tpu.memory_space<hbm>>
      tpu.enqueue_indirect_dma source(%dma_start3A_749 : memref<1015808x16xf32, #tpu.memory_space<hbm>>) target(%dma_start3A_743 : memref<128x16xf32, #tpu.memory_space<vmem>>) offsets(%dma_start3A_746 : memref<128xi32, #tpu.memory_space<vmem>>) semaphore(%arg21 : memref<!tpu.dma_semaphore, #tpu.memory_space<semaphore_mem>>)
      %dma_start3A_750 = arith.constant 128 : i32
      %dma_start3A_751 = arith.constant 0 : i32
      %dma_start3A_752 = tpu.memref_slice %arg11[%dma_start3A_750, %dma_start3A_751] : memref<200x16xf32, #tpu.memory_space<vmem>> -> memref<72x16xf32, #tpu.memory_space<vmem>>
      %dma_start3A_753 = arith.constant 128 : i32
      %dma_start3A_754 = tpu.memref_slice %arg7[%sub3A_740, %dma_start3A_753] : memref<128x200xi32, #tpu.memory_space<vmem>> -> memref<1x72xi32, #tpu.memory_space<vmem>>
      %dma_start3A_755 = tpu.memref_squeeze %dma_start3A_754 : memref<1x72xi32, #tpu.memory_space<vmem>> -> memref<72xi32, #tpu.memory_space<vmem>>
      %dma_start3A_756 = arith.constant 0 : i32
      %dma_start3A_757 = arith.constant 0 : i32
      %dma_start3A_758 = tpu.memref_slice %arg3[%dma_start3A_756, %dma_start3A_757] : memref<1015808x16xf32, #tpu.memory_space<hbm>> -> memref<1015808x16xf32, #tpu.memory_space<hbm>>
      tpu.enqueue_indirect_dma source(%dma_start3A_758 : memref<1015808x16xf32, #tpu.memory_space<hbm>>) target(%dma_start3A_752 : memref<72x16xf32, #tpu.memory_space<vmem>>) offsets(%dma_start3A_755 : memref<72xi32, #tpu.memory_space<vmem>>) semaphore(%arg21 : memref<!tpu.dma_semaphore, #tpu.memory_space<semaphore_mem>>)
      %add3A_759 = arith.constant 4 : i32
      %add3A_760 = arith.addi %mul3A_483, %add3A_759 : i32
      %dma_wait3A_761 = arith.constant 0 : i32
      %dma_wait3A_762 = arith.constant 0 : i32
      %dma_wait3A_763 = tpu.memref_slice %arg12[%dma_wait3A_761, %dma_wait3A_762] : memref<200x16xf32, #tpu.memory_space<vmem>> -> memref<128x16xf32, #tpu.memory_space<vmem>>
      %dma_wait3A_764 = arith.constant 0 : i32
      %dma_wait3A_765 = tpu.memref_slice %arg7[%add3A_760, %dma_wait3A_764] : memref<128x200xi32, #tpu.memory_space<vmem>> -> memref<1x128xi32, #tpu.memory_space<vmem>>
      %dma_wait3A_766 = tpu.memref_squeeze %dma_wait3A_765 : memref<1x128xi32, #tpu.memory_space<vmem>> -> memref<128xi32, #tpu.memory_space<vmem>>
      %dma_wait3A_767 = arith.constant 0 : i32
      %dma_wait3A_768 = arith.constant 0 : i32
      %dma_wait3A_769 = tpu.memref_slice %arg3[%dma_wait3A_767, %dma_wait3A_768] : memref<1015808x16xf32, #tpu.memory_space<hbm>> -> memref<1015808x16xf32, #tpu.memory_space<hbm>>
      tpu.wait_indirect_dma semaphore(%arg22 : memref<!tpu.dma_semaphore, #tpu.memory_space<semaphore_mem>>) src(%dma_wait3A_769 : memref<1015808x16xf32, #tpu.memory_space<hbm>>) dst(%dma_wait3A_763 : memref<128x16xf32, #tpu.memory_space<vmem>>)
      %dma_wait3A_770 = arith.constant 128 : i32
      %dma_wait3A_771 = arith.constant 0 : i32
      %dma_wait3A_772 = tpu.memref_slice %arg12[%dma_wait3A_770, %dma_wait3A_771] : memref<200x16xf32, #tpu.memory_space<vmem>> -> memref<72x16xf32, #tpu.memory_space<vmem>>
      %dma_wait3A_773 = arith.constant 128 : i32
      %dma_wait3A_774 = tpu.memref_slice %arg7[%add3A_760, %dma_wait3A_773] : memref<128x200xi32, #tpu.memory_space<vmem>> -> memref<1x72xi32, #tpu.memory_space<vmem>>
      %dma_wait3A_775 = tpu.memref_squeeze %dma_wait3A_774 : memref<1x72xi32, #tpu.memory_space<vmem>> -> memref<72xi32, #tpu.memory_space<vmem>>
      %dma_wait3A_776 = arith.constant 0 : i32
      %dma_wait3A_777 = arith.constant 0 : i32
      %dma_wait3A_778 = tpu.memref_slice %arg3[%dma_wait3A_776, %dma_wait3A_777] : memref<1015808x16xf32, #tpu.memory_space<hbm>> -> memref<1015808x16xf32, #tpu.memory_space<hbm>>
      tpu.wait_indirect_dma semaphore(%arg22 : memref<!tpu.dma_semaphore, #tpu.memory_space<semaphore_mem>>) src(%dma_wait3A_778 : memref<1015808x16xf32, #tpu.memory_space<hbm>>) dst(%dma_wait3A_772 : memref<72x16xf32, #tpu.memory_space<vmem>>)
      %add3A_779 = arith.constant 4 : i32
      %add3A_780 = arith.addi %mul3A_483, %add3A_779 : i32
      %broadcast_in_dim3A_781 = arith.constant 0.000000e+00 : f32
      %broadcast_in_dim3A_782 = vector.broadcast %broadcast_in_dim3A_781 : f32 to vector<16xf32>
      %parallel_loop3A_783 = arith.constant 0 : i32
      %parallel_loop3A_784 = arith.constant 25 : i32
      %parallel_loop3A_785 = arith.constant 1 : i32
      %parallel_loop3A_786:4 = scf.for %parallel_loop3A_988 = %parallel_loop3A_783 to %parallel_loop3A_784 step %parallel_loop3A_785 iter_args(%parallel_loop3A_989 = %broadcast_in_dim3A_782, %parallel_loop3A_990 = %broadcast_in_dim3A_782, %parallel_loop3A_991 = %broadcast_in_dim3A_782, %parallel_loop3A_992 = %broadcast_in_dim3A_782) -> (vector<16xf32>, vector<16xf32>, vector<16xf32>, vector<16xf32>)  : i32 {
        %parallel_loop3A_993 = arith.constant 8 : i32
        %parallel_loop3A_994 = arith.muli %parallel_loop3A_988, %parallel_loop3A_993 : i32
        %parallel_loop3A_995 = arith.constant 0 : i32
        %parallel_loop3A_996 = arith.addi %parallel_loop3A_994, %parallel_loop3A_995 : i32
        %parallel_loop3A_997 = arith.index_cast %parallel_loop3A_996 : i32 to index
        %parallel_loop3A_998 = arith.constant 0 : index
        %parallel_loop3A_999 = tpu.vector_load %arg12[%parallel_loop3A_997, %parallel_loop3A_998] {strides = array<i32>} : memref<200x16xf32, #tpu.memory_space<vmem>>, vector<1x16xf32>,
        %parallel_loop3A_1000 = vector.shape_cast %parallel_loop3A_999 : vector<1x16xf32> to vector<16xf32>
        %parallel_loop3A_1001 = arith.addf %parallel_loop3A_989, %parallel_loop3A_1000 : vector<16xf32>
        %parallel_loop3A_1002 = arith.constant 0 : i32
        %parallel_loop3A_1003 = arith.addi %parallel_loop3A_994, %parallel_loop3A_1002 : i32
        %parallel_loop3A_1004 = arith.constant 1 : i32
        %parallel_loop3A_1005 = arith.addi %parallel_loop3A_1003, %parallel_loop3A_1004 : i32
        %parallel_loop3A_1006 = arith.index_cast %parallel_loop3A_1005 : i32 to index
        %parallel_loop3A_1007 = arith.constant 0 : index
        %parallel_loop3A_1008 = tpu.vector_load %arg12[%parallel_loop3A_1006, %parallel_loop3A_1007] {strides = array<i32>} : memref<200x16xf32, #tpu.memory_space<vmem>>, vector<1x16xf32>,
        %parallel_loop3A_1009 = vector.shape_cast %parallel_loop3A_1008 : vector<1x16xf32> to vector<16xf32>
        %parallel_loop3A_1010 = arith.addf %parallel_loop3A_990, %parallel_loop3A_1009 : vector<16xf32>
        %parallel_loop3A_1011 = arith.constant 0 : i32
        %parallel_loop3A_1012 = arith.addi %parallel_loop3A_994, %parallel_loop3A_1011 : i32
        %parallel_loop3A_1013 = arith.constant 2 : i32
        %parallel_loop3A_1014 = arith.addi %parallel_loop3A_1012, %parallel_loop3A_1013 : i32
        %parallel_loop3A_1015 = arith.index_cast %parallel_loop3A_1014 : i32 to index
        %parallel_loop3A_1016 = arith.constant 0 : index
        %parallel_loop3A_1017 = tpu.vector_load %arg12[%parallel_loop3A_1015, %parallel_loop3A_1016] {strides = array<i32>} : memref<200x16xf32, #tpu.memory_space<vmem>>, vector<1x16xf32>,
        %parallel_loop3A_1018 = vector.shape_cast %parallel_loop3A_1017 : vector<1x16xf32> to vector<16xf32>
        %parallel_loop3A_1019 = arith.addf %parallel_loop3A_991, %parallel_loop3A_1018 : vector<16xf32>
        %parallel_loop3A_1020 = arith.constant 0 : i32
        %parallel_loop3A_1021 = arith.addi %parallel_loop3A_994, %parallel_loop3A_1020 : i32
        %parallel_loop3A_1022 = arith.constant 3 : i32
        %parallel_loop3A_1023 = arith.addi %parallel_loop3A_1021, %parallel_loop3A_1022 : i32
        %parallel_loop3A_1024 = arith.index_cast %parallel_loop3A_1023 : i32 to index
        %parallel_loop3A_1025 = arith.constant 0 : index
        %parallel_loop3A_1026 = tpu.vector_load %arg12[%parallel_loop3A_1024, %parallel_loop3A_1025] {strides = array<i32>} : memref<200x16xf32, #tpu.memory_space<vmem>>, vector<1x16xf32>,
        %parallel_loop3A_1027 = vector.shape_cast %parallel_loop3A_1026 : vector<1x16xf32> to vector<16xf32>
        %parallel_loop3A_1028 = arith.addf %parallel_loop3A_992, %parallel_loop3A_1027 : vector<16xf32>
        %parallel_loop3A_1029 = arith.constant 4 : i32
        %parallel_loop3A_1030 = arith.addi %parallel_loop3A_994, %parallel_loop3A_1029 : i32
        %parallel_loop3A_1031 = arith.index_cast %parallel_loop3A_1030 : i32 to index
        %parallel_loop3A_1032 = arith.constant 0 : index
        %parallel_loop3A_1033 = tpu.vector_load %arg12[%parallel_loop3A_1031, %parallel_loop3A_1032] {strides = array<i32>} : memref<200x16xf32, #tpu.memory_space<vmem>>, vector<1x16xf32>,
        %parallel_loop3A_1034 = vector.shape_cast %parallel_loop3A_1033 : vector<1x16xf32> to vector<16xf32>
        %parallel_loop3A_1035 = arith.addf %parallel_loop3A_1001, %parallel_loop3A_1034 : vector<16xf32>
        %parallel_loop3A_1036 = arith.constant 4 : i32
        %parallel_loop3A_1037 = arith.addi %parallel_loop3A_994, %parallel_loop3A_1036 : i32
        %parallel_loop3A_1038 = arith.constant 1 : i32
        %parallel_loop3A_1039 = arith.addi %parallel_loop3A_1037, %parallel_loop3A_1038 : i32
        %parallel_loop3A_1040 = arith.index_cast %parallel_loop3A_1039 : i32 to index
        %parallel_loop3A_1041 = arith.constant 0 : index
        %parallel_loop3A_1042 = tpu.vector_load %arg12[%parallel_loop3A_1040, %parallel_loop3A_1041] {strides = array<i32>} : memref<200x16xf32, #tpu.memory_space<vmem>>, vector<1x16xf32>,
        %parallel_loop3A_1043 = vector.shape_cast %parallel_loop3A_1042 : vector<1x16xf32> to vector<16xf32>
        %parallel_loop3A_1044 = arith.addf %parallel_loop3A_1010, %parallel_loop3A_1043 : vector<16xf32>
        %parallel_loop3A_1045 = arith.constant 4 : i32
        %parallel_loop3A_1046 = arith.addi %parallel_loop3A_994, %parallel_loop3A_1045 : i32
        %parallel_loop3A_1047 = arith.constant 2 : i32
        %parallel_loop3A_1048 = arith.addi %parallel_loop3A_1046, %parallel_loop3A_1047 : i32
        %parallel_loop3A_1049 = arith.index_cast %parallel_loop3A_1048 : i32 to index
        %parallel_loop3A_1050 = arith.constant 0 : index
        %parallel_loop3A_1051 = tpu.vector_load %arg12[%parallel_loop3A_1049, %parallel_loop3A_1050] {strides = array<i32>} : memref<200x16xf32, #tpu.memory_space<vmem>>, vector<1x16xf32>,
        %parallel_loop3A_1052 = vector.shape_cast %parallel_loop3A_1051 : vector<1x16xf32> to vector<16xf32>
        %parallel_loop3A_1053 = arith.addf %parallel_loop3A_1019, %parallel_loop3A_1052 : vector<16xf32>
        %parallel_loop3A_1054 = arith.constant 4 : i32
        %parallel_loop3A_1055 = arith.addi %parallel_loop3A_994, %parallel_loop3A_1054 : i32
        %parallel_loop3A_1056 = arith.constant 3 : i32
        %parallel_loop3A_1057 = arith.addi %parallel_loop3A_1055, %parallel_loop3A_1056 : i32
        %parallel_loop3A_1058 = arith.index_cast %parallel_loop3A_1057 : i32 to index
        %parallel_loop3A_1059 = arith.constant 0 : index
        %parallel_loop3A_1060 = tpu.vector_load %arg12[%parallel_loop3A_1058, %parallel_loop3A_1059] {strides = array<i32>} : memref<200x16xf32, #tpu.memory_space<vmem>>, vector<1x16xf32>,
        %parallel_loop3A_1061 = vector.shape_cast %parallel_loop3A_1060 : vector<1x16xf32> to vector<16xf32>
        %parallel_loop3A_1062 = arith.addf %parallel_loop3A_1028, %parallel_loop3A_1061 : vector<16xf32>
        scf.yield %parallel_loop3A_1035, %parallel_loop3A_1044, %parallel_loop3A_1053, %parallel_loop3A_1062 : vector<16xf32>, vector<16xf32>, vector<16xf32>, vector<16xf32>
      } {sc.loop_unroll_factor = 4 : i64, sc.parallel_access}
      %add3A_787 = arith.addf %parallel_loop3A_786#0, %parallel_loop3A_786#1 : vector<16xf32>
      %add3A_788 = arith.addf %parallel_loop3A_786#2, %parallel_loop3A_786#3 : vector<16xf32>
      %add3A_789 = arith.addf %add3A_787, %add3A_788 : vector<16xf32>
      %mul3A_790 = vector.broadcast %squeeze3A : f32 to vector<16xf32>
      %mul3A_791 = arith.mulf %add3A_789, %mul3A_790 : vector<16xf32>
      %add3A_792 = arith.addf %mul3A_791, %get3A_7 : vector<16xf32>
      %swap3A_793 = arith.index_cast %add3A_780 : i32 to index
      %swap3A_794 = arith.constant 0 : index
      %swap3A_795 = tpu.vector_load %arg16[%swap3A_793, %swap3A_794] {strides = array<i32>} : memref<128x16xf32, #tpu.memory_space<vmem>>, vector<1x16xf32>,
      %swap3A_796 = vector.shape_cast %swap3A_795 : vector<1x16xf32> to vector<16xf32>
      %swap3A_797 = vector.shape_cast %add3A_792 : vector<16xf32> to vector<1x16xf32>
      tpu.vector_store %arg16[%swap3A_793, %swap3A_794], %swap3A_797 {strides = array<i32>} : memref<128x16xf32, #tpu.memory_space<vmem>>, vector<1x16xf32>,
      %add3A_798 = arith.constant 5 : i32
      %add3A_799 = arith.addi %mul3A_483, %add3A_798 : i32
      %add3A_800 = arith.constant 8 : i32
      %add3A_801 = arith.addi %add3A_799, %add3A_800 : i32
      %sub3A_802 = arith.constant 1 : i32
      %sub3A_803 = arith.subi %add3A_801, %sub3A_802 : i32
      %dma_start3A_804 = arith.constant 0 : i32
      %dma_start3A_805 = arith.constant 0 : i32
      %dma_start3A_806 = tpu.memref_slice %arg12[%dma_start3A_804, %dma_start3A_805] : memref<200x16xf32, #tpu.memory_space<vmem>> -> memref<128x16xf32, #tpu.memory_space<vmem>>
      %dma_start3A_807 = arith.constant 0 : i32
      %dma_start3A_808 = tpu.memref_slice %arg7[%sub3A_803, %dma_start3A_807] : memref<128x200xi32, #tpu.memory_space<vmem>> -> memref<1x128xi32, #tpu.memory_space<vmem>>
      %dma_start3A_809 = tpu.memref_squeeze %dma_start3A_808 : memref<1x128xi32, #tpu.memory_space<vmem>> -> memref<128xi32, #tpu.memory_space<vmem>>
      %dma_start3A_810 = arith.constant 0 : i32
      %dma_start3A_811 = arith.constant 0 : i32
      %dma_start3A_812 = tpu.memref_slice %arg3[%dma_start3A_810, %dma_start3A_811] : memref<1015808x16xf32, #tpu.memory_space<hbm>> -> memref<1015808x16xf32, #tpu.memory_space<hbm>>
      tpu.enqueue_indirect_dma source(%dma_start3A_812 : memref<1015808x16xf32, #tpu.memory_space<hbm>>) target(%dma_start3A_806 : memref<128x16xf32, #tpu.memory_space<vmem>>) offsets(%dma_start3A_809 : memref<128xi32, #tpu.memory_space<vmem>>) semaphore(%arg22 : memref<!tpu.dma_semaphore, #tpu.memory_space<semaphore_mem>>)
      %dma_start3A_813 = arith.constant 128 : i32
      %dma_start3A_814 = arith.constant 0 : i32
      %dma_start3A_815 = tpu.memref_slice %arg12[%dma_start3A_813, %dma_start3A_814] : memref<200x16xf32, #tpu.memory_space<vmem>> -> memref<72x16xf32, #tpu.memory_space<vmem>>
      %dma_start3A_816 = arith.constant 128 : i32
      %dma_start3A_817 = tpu.memref_slice %arg7[%sub3A_803, %dma_start3A_816] : memref<128x200xi32, #tpu.memory_space<vmem>> -> memref<1x72xi32, #tpu.memory_space<vmem>>
      %dma_start3A_818 = tpu.memref_squeeze %dma_start3A_817 : memref<1x72xi32, #tpu.memory_space<vmem>> -> memref<72xi32, #tpu.memory_space<vmem>>
      %dma_start3A_819 = arith.constant 0 : i32
      %dma_start3A_820 = arith.constant 0 : i32
      %dma_start3A_821 = tpu.memref_slice %arg3[%dma_start3A_819, %dma_start3A_820] : memref<1015808x16xf32, #tpu.memory_space<hbm>> -> memref<1015808x16xf32, #tpu.memory_space<hbm>>
      tpu.enqueue_indirect_dma source(%dma_start3A_821 : memref<1015808x16xf32, #tpu.memory_space<hbm>>) target(%dma_start3A_815 : memref<72x16xf32, #tpu.memory_space<vmem>>) offsets(%dma_start3A_818 : memref<72xi32, #tpu.memory_space<vmem>>) semaphore(%arg22 : memref<!tpu.dma_semaphore, #tpu.memory_space<semaphore_mem>>)
      %add3A_822 = arith.constant 5 : i32
      %add3A_823 = arith.addi %mul3A_483, %add3A_822 : i32
      %dma_wait3A_824 = arith.constant 0 : i32
      %dma_wait3A_825 = arith.constant 0 : i32
      %dma_wait3A_826 = tpu.memref_slice %arg13[%dma_wait3A_824, %dma_wait3A_825] : memref<200x16xf32, #tpu.memory_space<vmem>> -> memref<128x16xf32, #tpu.memory_space<vmem>>
      %dma_wait3A_827 = arith.constant 0 : i32
      %dma_wait3A_828 = tpu.memref_slice %arg7[%add3A_823, %dma_wait3A_827] : memref<128x200xi32, #tpu.memory_space<vmem>> -> memref<1x128xi32, #tpu.memory_space<vmem>>
      %dma_wait3A_829 = tpu.memref_squeeze %dma_wait3A_828 : memref<1x128xi32, #tpu.memory_space<vmem>> -> memref<128xi32, #tpu.memory_space<vmem>>
      %dma_wait3A_830 = arith.constant 0 : i32
      %dma_wait3A_831 = arith.constant 0 : i32
      %dma_wait3A_832 = tpu.memref_slice %arg3[%dma_wait3A_830, %dma_wait3A_831] : memref<1015808x16xf32, #tpu.memory_space<hbm>> -> memref<1015808x16xf32, #tpu.memory_space<hbm>>
      tpu.wait_indirect_dma semaphore(%arg23 : memref<!tpu.dma_semaphore, #tpu.memory_space<semaphore_mem>>) src(%dma_wait3A_832 : memref<1015808x16xf32, #tpu.memory_space<hbm>>) dst(%dma_wait3A_826 : memref<128x16xf32, #tpu.memory_space<vmem>>)
      %dma_wait3A_833 = arith.constant 128 : i32
      %dma_wait3A_834 = arith.constant 0 : i32
      %dma_wait3A_835 = tpu.memref_slice %arg13[%dma_wait3A_833, %dma_wait3A_834] : memref<200x16xf32, #tpu.memory_space<vmem>> -> memref<72x16xf32, #tpu.memory_space<vmem>>
      %dma_wait3A_836 = arith.constant 128 : i32
      %dma_wait3A_837 = tpu.memref_slice %arg7[%add3A_823, %dma_wait3A_836] : memref<128x200xi32, #tpu.memory_space<vmem>> -> memref<1x72xi32, #tpu.memory_space<vmem>>
      %dma_wait3A_838 = tpu.memref_squeeze %dma_wait3A_837 : memref<1x72xi32, #tpu.memory_space<vmem>> -> memref<72xi32, #tpu.memory_space<vmem>>
      %dma_wait3A_839 = arith.constant 0 : i32
      %dma_wait3A_840 = arith.constant 0 : i32
      %dma_wait3A_841 = tpu.memref_slice %arg3[%dma_wait3A_839, %dma_wait3A_840] : memref<1015808x16xf32, #tpu.memory_space<hbm>> -> memref<1015808x16xf32, #tpu.memory_space<hbm>>
      tpu.wait_indirect_dma semaphore(%arg23 : memref<!tpu.dma_semaphore, #tpu.memory_space<semaphore_mem>>) src(%dma_wait3A_841 : memref<1015808x16xf32, #tpu.memory_space<hbm>>) dst(%dma_wait3A_835 : memref<72x16xf32, #tpu.memory_space<vmem>>)
      %add3A_842 = arith.constant 5 : i32
      %add3A_843 = arith.addi %mul3A_483, %add3A_842 : i32
      %broadcast_in_dim3A_844 = arith.constant 0.000000e+00 : f32
      %broadcast_in_dim3A_845 = vector.broadcast %broadcast_in_dim3A_844 : f32 to vector<16xf32>
      %parallel_loop3A_846 = arith.constant 0 : i32
      %parallel_loop3A_847 = arith.constant 25 : i32
      %parallel_loop3A_848 = arith.constant 1 : i32
      %parallel_loop3A_849:4 = scf.for %parallel_loop3A_988 = %parallel_loop3A_846 to %parallel_loop3A_847 step %parallel_loop3A_848 iter_args(%parallel_loop3A_989 = %broadcast_in_dim3A_845, %parallel_loop3A_990 = %broadcast_in_dim3A_845, %parallel_loop3A_991 = %broadcast_in_dim3A_845, %parallel_loop3A_992 = %broadcast_in_dim3A_845) -> (vector<16xf32>, vector<16xf32>, vector<16xf32>, vector<16xf32>)  : i32 {
        %parallel_loop3A_993 = arith.constant 8 : i32
        %parallel_loop3A_994 = arith.muli %parallel_loop3A_988, %parallel_loop3A_993 : i32
        %parallel_loop3A_995 = arith.constant 0 : i32
        %parallel_loop3A_996 = arith.addi %parallel_loop3A_994, %parallel_loop3A_995 : i32
        %parallel_loop3A_997 = arith.index_cast %parallel_loop3A_996 : i32 to index
        %parallel_loop3A_998 = arith.constant 0 : index
        %parallel_loop3A_999 = tpu.vector_load %arg13[%parallel_loop3A_997, %parallel_loop3A_998] {strides = array<i32>} : memref<200x16xf32, #tpu.memory_space<vmem>>, vector<1x16xf32>,
        %parallel_loop3A_1000 = vector.shape_cast %parallel_loop3A_999 : vector<1x16xf32> to vector<16xf32>
        %parallel_loop3A_1001 = arith.addf %parallel_loop3A_989, %parallel_loop3A_1000 : vector<16xf32>
        %parallel_loop3A_1002 = arith.constant 0 : i32
        %parallel_loop3A_1003 = arith.addi %parallel_loop3A_994, %parallel_loop3A_1002 : i32
        %parallel_loop3A_1004 = arith.constant 1 : i32
        %parallel_loop3A_1005 = arith.addi %parallel_loop3A_1003, %parallel_loop3A_1004 : i32
        %parallel_loop3A_1006 = arith.index_cast %parallel_loop3A_1005 : i32 to index
        %parallel_loop3A_1007 = arith.constant 0 : index
        %parallel_loop3A_1008 = tpu.vector_load %arg13[%parallel_loop3A_1006, %parallel_loop3A_1007] {strides = array<i32>} : memref<200x16xf32, #tpu.memory_space<vmem>>, vector<1x16xf32>,
        %parallel_loop3A_1009 = vector.shape_cast %parallel_loop3A_1008 : vector<1x16xf32> to vector<16xf32>
        %parallel_loop3A_1010 = arith.addf %parallel_loop3A_990, %parallel_loop3A_1009 : vector<16xf32>
        %parallel_loop3A_1011 = arith.constant 0 : i32
        %parallel_loop3A_1012 = arith.addi %parallel_loop3A_994, %parallel_loop3A_1011 : i32
        %parallel_loop3A_1013 = arith.constant 2 : i32
        %parallel_loop3A_1014 = arith.addi %parallel_loop3A_1012, %parallel_loop3A_1013 : i32
        %parallel_loop3A_1015 = arith.index_cast %parallel_loop3A_1014 : i32 to index
        %parallel_loop3A_1016 = arith.constant 0 : index
        %parallel_loop3A_1017 = tpu.vector_load %arg13[%parallel_loop3A_1015, %parallel_loop3A_1016] {strides = array<i32>} : memref<200x16xf32, #tpu.memory_space<vmem>>, vector<1x16xf32>,
        %parallel_loop3A_1018 = vector.shape_cast %parallel_loop3A_1017 : vector<1x16xf32> to vector<16xf32>
        %parallel_loop3A_1019 = arith.addf %parallel_loop3A_991, %parallel_loop3A_1018 : vector<16xf32>
        %parallel_loop3A_1020 = arith.constant 0 : i32
        %parallel_loop3A_1021 = arith.addi %parallel_loop3A_994, %parallel_loop3A_1020 : i32
        %parallel_loop3A_1022 = arith.constant 3 : i32
        %parallel_loop3A_1023 = arith.addi %parallel_loop3A_1021, %parallel_loop3A_1022 : i32
        %parallel_loop3A_1024 = arith.index_cast %parallel_loop3A_1023 : i32 to index
        %parallel_loop3A_1025 = arith.constant 0 : index
        %parallel_loop3A_1026 = tpu.vector_load %arg13[%parallel_loop3A_1024, %parallel_loop3A_1025] {strides = array<i32>} : memref<200x16xf32, #tpu.memory_space<vmem>>, vector<1x16xf32>,
        %parallel_loop3A_1027 = vector.shape_cast %parallel_loop3A_1026 : vector<1x16xf32> to vector<16xf32>
        %parallel_loop3A_1028 = arith.addf %parallel_loop3A_992, %parallel_loop3A_1027 : vector<16xf32>
        %parallel_loop3A_1029 = arith.constant 4 : i32
        %parallel_loop3A_1030 = arith.addi %parallel_loop3A_994, %parallel_loop3A_1029 : i32
        %parallel_loop3A_1031 = arith.index_cast %parallel_loop3A_1030 : i32 to index
        %parallel_loop3A_1032 = arith.constant 0 : index
        %parallel_loop3A_1033 = tpu.vector_load %arg13[%parallel_loop3A_1031, %parallel_loop3A_1032] {strides = array<i32>} : memref<200x16xf32, #tpu.memory_space<vmem>>, vector<1x16xf32>,
        %parallel_loop3A_1034 = vector.shape_cast %parallel_loop3A_1033 : vector<1x16xf32> to vector<16xf32>
        %parallel_loop3A_1035 = arith.addf %parallel_loop3A_1001, %parallel_loop3A_1034 : vector<16xf32>
        %parallel_loop3A_1036 = arith.constant 4 : i32
        %parallel_loop3A_1037 = arith.addi %parallel_loop3A_994, %parallel_loop3A_1036 : i32
        %parallel_loop3A_1038 = arith.constant 1 : i32
        %parallel_loop3A_1039 = arith.addi %parallel_loop3A_1037, %parallel_loop3A_1038 : i32
        %parallel_loop3A_1040 = arith.index_cast %parallel_loop3A_1039 : i32 to index
        %parallel_loop3A_1041 = arith.constant 0 : index
        %parallel_loop3A_1042 = tpu.vector_load %arg13[%parallel_loop3A_1040, %parallel_loop3A_1041] {strides = array<i32>} : memref<200x16xf32, #tpu.memory_space<vmem>>, vector<1x16xf32>,
        %parallel_loop3A_1043 = vector.shape_cast %parallel_loop3A_1042 : vector<1x16xf32> to vector<16xf32>
        %parallel_loop3A_1044 = arith.addf %parallel_loop3A_1010, %parallel_loop3A_1043 : vector<16xf32>
        %parallel_loop3A_1045 = arith.constant 4 : i32
        %parallel_loop3A_1046 = arith.addi %parallel_loop3A_994, %parallel_loop3A_1045 : i32
        %parallel_loop3A_1047 = arith.constant 2 : i32
        %parallel_loop3A_1048 = arith.addi %parallel_loop3A_1046, %parallel_loop3A_1047 : i32
        %parallel_loop3A_1049 = arith.index_cast %parallel_loop3A_1048 : i32 to index
        %parallel_loop3A_1050 = arith.constant 0 : index
        %parallel_loop3A_1051 = tpu.vector_load %arg13[%parallel_loop3A_1049, %parallel_loop3A_1050] {strides = array<i32>} : memref<200x16xf32, #tpu.memory_space<vmem>>, vector<1x16xf32>,
        %parallel_loop3A_1052 = vector.shape_cast %parallel_loop3A_1051 : vector<1x16xf32> to vector<16xf32>
        %parallel_loop3A_1053 = arith.addf %parallel_loop3A_1019, %parallel_loop3A_1052 : vector<16xf32>
        %parallel_loop3A_1054 = arith.constant 4 : i32
        %parallel_loop3A_1055 = arith.addi %parallel_loop3A_994, %parallel_loop3A_1054 : i32
        %parallel_loop3A_1056 = arith.constant 3 : i32
        %parallel_loop3A_1057 = arith.addi %parallel_loop3A_1055, %parallel_loop3A_1056 : i32
        %parallel_loop3A_1058 = arith.index_cast %parallel_loop3A_1057 : i32 to index
        %parallel_loop3A_1059 = arith.constant 0 : index
        %parallel_loop3A_1060 = tpu.vector_load %arg13[%parallel_loop3A_1058, %parallel_loop3A_1059] {strides = array<i32>} : memref<200x16xf32, #tpu.memory_space<vmem>>, vector<1x16xf32>,
        %parallel_loop3A_1061 = vector.shape_cast %parallel_loop3A_1060 : vector<1x16xf32> to vector<16xf32>
        %parallel_loop3A_1062 = arith.addf %parallel_loop3A_1028, %parallel_loop3A_1061 : vector<16xf32>
        scf.yield %parallel_loop3A_1035, %parallel_loop3A_1044, %parallel_loop3A_1053, %parallel_loop3A_1062 : vector<16xf32>, vector<16xf32>, vector<16xf32>, vector<16xf32>
      } {sc.loop_unroll_factor = 4 : i64, sc.parallel_access}
      %add3A_850 = arith.addf %parallel_loop3A_849#0, %parallel_loop3A_849#1 : vector<16xf32>
      %add3A_851 = arith.addf %parallel_loop3A_849#2, %parallel_loop3A_849#3 : vector<16xf32>
      %add3A_852 = arith.addf %add3A_850, %add3A_851 : vector<16xf32>
      %mul3A_853 = vector.broadcast %squeeze3A : f32 to vector<16xf32>
      %mul3A_854 = arith.mulf %add3A_852, %mul3A_853 : vector<16xf32>
      %add3A_855 = arith.addf %mul3A_854, %get3A_7 : vector<16xf32>
      %swap3A_856 = arith.index_cast %add3A_843 : i32 to index
      %swap3A_857 = arith.constant 0 : index
      %swap3A_858 = tpu.vector_load %arg16[%swap3A_856, %swap3A_857] {strides = array<i32>} : memref<128x16xf32, #tpu.memory_space<vmem>>, vector<1x16xf32>,
      %swap3A_859 = vector.shape_cast %swap3A_858 : vector<1x16xf32> to vector<16xf32>
      %swap3A_860 = vector.shape_cast %add3A_855 : vector<16xf32> to vector<1x16xf32>
      tpu.vector_store %arg16[%swap3A_856, %swap3A_857], %swap3A_860 {strides = array<i32>} : memref<128x16xf32, #tpu.memory_space<vmem>>, vector<1x16xf32>,
      %add3A_861 = arith.constant 6 : i32
      %add3A_862 = arith.addi %mul3A_483, %add3A_861 : i32
      %add3A_863 = arith.constant 8 : i32
      %add3A_864 = arith.addi %add3A_862, %add3A_863 : i32
      %sub3A_865 = arith.constant 1 : i32
      %sub3A_866 = arith.subi %add3A_864, %sub3A_865 : i32
      %dma_start3A_867 = arith.constant 0 : i32
      %dma_start3A_868 = arith.constant 0 : i32
      %dma_start3A_869 = tpu.memref_slice %arg13[%dma_start3A_867, %dma_start3A_868] : memref<200x16xf32, #tpu.memory_space<vmem>> -> memref<128x16xf32, #tpu.memory_space<vmem>>
      %dma_start3A_870 = arith.constant 0 : i32
      %dma_start3A_871 = tpu.memref_slice %arg7[%sub3A_866, %dma_start3A_870] : memref<128x200xi32, #tpu.memory_space<vmem>> -> memref<1x128xi32, #tpu.memory_space<vmem>>
      %dma_start3A_872 = tpu.memref_squeeze %dma_start3A_871 : memref<1x128xi32, #tpu.memory_space<vmem>> -> memref<128xi32, #tpu.memory_space<vmem>>
      %dma_start3A_873 = arith.constant 0 : i32
      %dma_start3A_874 = arith.constant 0 : i32
      %dma_start3A_875 = tpu.memref_slice %arg3[%dma_start3A_873, %dma_start3A_874] : memref<1015808x16xf32, #tpu.memory_space<hbm>> -> memref<1015808x16xf32, #tpu.memory_space<hbm>>
      tpu.enqueue_indirect_dma source(%dma_start3A_875 : memref<1015808x16xf32, #tpu.memory_space<hbm>>) target(%dma_start3A_869 : memref<128x16xf32, #tpu.memory_space<vmem>>) offsets(%dma_start3A_872 : memref<128xi32, #tpu.memory_space<vmem>>) semaphore(%arg23 : memref<!tpu.dma_semaphore, #tpu.memory_space<semaphore_mem>>)
      %dma_start3A_876 = arith.constant 128 : i32
      %dma_start3A_877 = arith.constant 0 : i32
      %dma_start3A_878 = tpu.memref_slice %arg13[%dma_start3A_876, %dma_start3A_877] : memref<200x16xf32, #tpu.memory_space<vmem>> -> memref<72x16xf32, #tpu.memory_space<vmem>>
      %dma_start3A_879 = arith.constant 128 : i32
      %dma_start3A_880 = tpu.memref_slice %arg7[%sub3A_866, %dma_start3A_879] : memref<128x200xi32, #tpu.memory_space<vmem>> -> memref<1x72xi32, #tpu.memory_space<vmem>>
      %dma_start3A_881 = tpu.memref_squeeze %dma_start3A_880 : memref<1x72xi32, #tpu.memory_space<vmem>> -> memref<72xi32, #tpu.memory_space<vmem>>
      %dma_start3A_882 = arith.constant 0 : i32
      %dma_start3A_883 = arith.constant 0 : i32
      %dma_start3A_884 = tpu.memref_slice %arg3[%dma_start3A_882, %dma_start3A_883] : memref<1015808x16xf32, #tpu.memory_space<hbm>> -> memref<1015808x16xf32, #tpu.memory_space<hbm>>
      tpu.enqueue_indirect_dma source(%dma_start3A_884 : memref<1015808x16xf32, #tpu.memory_space<hbm>>) target(%dma_start3A_878 : memref<72x16xf32, #tpu.memory_space<vmem>>) offsets(%dma_start3A_881 : memref<72xi32, #tpu.memory_space<vmem>>) semaphore(%arg23 : memref<!tpu.dma_semaphore, #tpu.memory_space<semaphore_mem>>)
      %add3A_885 = arith.constant 6 : i32
      %add3A_886 = arith.addi %mul3A_483, %add3A_885 : i32
      %dma_wait3A_887 = arith.constant 0 : i32
      %dma_wait3A_888 = arith.constant 0 : i32
      %dma_wait3A_889 = tpu.memref_slice %arg14[%dma_wait3A_887, %dma_wait3A_888] : memref<200x16xf32, #tpu.memory_space<vmem>> -> memref<128x16xf32, #tpu.memory_space<vmem>>
      %dma_wait3A_890 = arith.constant 0 : i32
      %dma_wait3A_891 = tpu.memref_slice %arg7[%add3A_886, %dma_wait3A_890] : memref<128x200xi32, #tpu.memory_space<vmem>> -> memref<1x128xi32, #tpu.memory_space<vmem>>
      %dma_wait3A_892 = tpu.memref_squeeze %dma_wait3A_891 : memref<1x128xi32, #tpu.memory_space<vmem>> -> memref<128xi32, #tpu.memory_space<vmem>>
      %dma_wait3A_893 = arith.constant 0 : i32
      %dma_wait3A_894 = arith.constant 0 : i32
      %dma_wait3A_895 = tpu.memref_slice %arg3[%dma_wait3A_893, %dma_wait3A_894] : memref<1015808x16xf32, #tpu.memory_space<hbm>> -> memref<1015808x16xf32, #tpu.memory_space<hbm>>
      tpu.wait_indirect_dma semaphore(%arg24 : memref<!tpu.dma_semaphore, #tpu.memory_space<semaphore_mem>>) src(%dma_wait3A_895 : memref<1015808x16xf32, #tpu.memory_space<hbm>>) dst(%dma_wait3A_889 : memref<128x16xf32, #tpu.memory_space<vmem>>)
      %dma_wait3A_896 = arith.constant 128 : i32
      %dma_wait3A_897 = arith.constant 0 : i32
      %dma_wait3A_898 = tpu.memref_slice %arg14[%dma_wait3A_896, %dma_wait3A_897] : memref<200x16xf32, #tpu.memory_space<vmem>> -> memref<72x16xf32, #tpu.memory_space<vmem>>
      %dma_wait3A_899 = arith.constant 128 : i32
      %dma_wait3A_900 = tpu.memref_slice %arg7[%add3A_886, %dma_wait3A_899] : memref<128x200xi32, #tpu.memory_space<vmem>> -> memref<1x72xi32, #tpu.memory_space<vmem>>
      %dma_wait3A_901 = tpu.memref_squeeze %dma_wait3A_900 : memref<1x72xi32, #tpu.memory_space<vmem>> -> memref<72xi32, #tpu.memory_space<vmem>>
      %dma_wait3A_902 = arith.constant 0 : i32
      %dma_wait3A_903 = arith.constant 0 : i32
      %dma_wait3A_904 = tpu.memref_slice %arg3[%dma_wait3A_902, %dma_wait3A_903] : memref<1015808x16xf32, #tpu.memory_space<hbm>> -> memref<1015808x16xf32, #tpu.memory_space<hbm>>
      tpu.wait_indirect_dma semaphore(%arg24 : memref<!tpu.dma_semaphore, #tpu.memory_space<semaphore_mem>>) src(%dma_wait3A_904 : memref<1015808x16xf32, #tpu.memory_space<hbm>>) dst(%dma_wait3A_898 : memref<72x16xf32, #tpu.memory_space<vmem>>)
      %add3A_905 = arith.constant 6 : i32
      %add3A_906 = arith.addi %mul3A_483, %add3A_905 : i32
      %broadcast_in_dim3A_907 = arith.constant 0.000000e+00 : f32
      %broadcast_in_dim3A_908 = vector.broadcast %broadcast_in_dim3A_907 : f32 to vector<16xf32>
      %parallel_loop3A_909 = arith.constant 0 : i32
      %parallel_loop3A_910 = arith.constant 25 : i32
      %parallel_loop3A_911 = arith.constant 1 : i32
      %parallel_loop3A_912:4 = scf.for %parallel_loop3A_988 = %parallel_loop3A_909 to %parallel_loop3A_910 step %parallel_loop3A_911 iter_args(%parallel_loop3A_989 = %broadcast_in_dim3A_908, %parallel_loop3A_990 = %broadcast_in_dim3A_908, %parallel_loop3A_991 = %broadcast_in_dim3A_908, %parallel_loop3A_992 = %broadcast_in_dim3A_908) -> (vector<16xf32>, vector<16xf32>, vector<16xf32>, vector<16xf32>)  : i32 {
        %parallel_loop3A_993 = arith.constant 8 : i32
        %parallel_loop3A_994 = arith.muli %parallel_loop3A_988, %parallel_loop3A_993 : i32
        %parallel_loop3A_995 = arith.constant 0 : i32
        %parallel_loop3A_996 = arith.addi %parallel_loop3A_994, %parallel_loop3A_995 : i32
        %parallel_loop3A_997 = arith.index_cast %parallel_loop3A_996 : i32 to index
        %parallel_loop3A_998 = arith.constant 0 : index
        %parallel_loop3A_999 = tpu.vector_load %arg14[%parallel_loop3A_997, %parallel_loop3A_998] {strides = array<i32>} : memref<200x16xf32, #tpu.memory_space<vmem>>, vector<1x16xf32>,
        %parallel_loop3A_1000 = vector.shape_cast %parallel_loop3A_999 : vector<1x16xf32> to vector<16xf32>
        %parallel_loop3A_1001 = arith.addf %parallel_loop3A_989, %parallel_loop3A_1000 : vector<16xf32>
        %parallel_loop3A_1002 = arith.constant 0 : i32
        %parallel_loop3A_1003 = arith.addi %parallel_loop3A_994, %parallel_loop3A_1002 : i32
        %parallel_loop3A_1004 = arith.constant 1 : i32
        %parallel_loop3A_1005 = arith.addi %parallel_loop3A_1003, %parallel_loop3A_1004 : i32
        %parallel_loop3A_1006 = arith.index_cast %parallel_loop3A_1005 : i32 to index
        %parallel_loop3A_1007 = arith.constant 0 : index
        %parallel_loop3A_1008 = tpu.vector_load %arg14[%parallel_loop3A_1006, %parallel_loop3A_1007] {strides = array<i32>} : memref<200x16xf32, #tpu.memory_space<vmem>>, vector<1x16xf32>,
        %parallel_loop3A_1009 = vector.shape_cast %parallel_loop3A_1008 : vector<1x16xf32> to vector<16xf32>
        %parallel_loop3A_1010 = arith.addf %parallel_loop3A_990, %parallel_loop3A_1009 : vector<16xf32>
        %parallel_loop3A_1011 = arith.constant 0 : i32
        %parallel_loop3A_1012 = arith.addi %parallel_loop3A_994, %parallel_loop3A_1011 : i32
        %parallel_loop3A_1013 = arith.constant 2 : i32
        %parallel_loop3A_1014 = arith.addi %parallel_loop3A_1012, %parallel_loop3A_1013 : i32
        %parallel_loop3A_1015 = arith.index_cast %parallel_loop3A_1014 : i32 to index
        %parallel_loop3A_1016 = arith.constant 0 : index
        %parallel_loop3A_1017 = tpu.vector_load %arg14[%parallel_loop3A_1015, %parallel_loop3A_1016] {strides = array<i32>} : memref<200x16xf32, #tpu.memory_space<vmem>>, vector<1x16xf32>,
        %parallel_loop3A_1018 = vector.shape_cast %parallel_loop3A_1017 : vector<1x16xf32> to vector<16xf32>
        %parallel_loop3A_1019 = arith.addf %parallel_loop3A_991, %parallel_loop3A_1018 : vector<16xf32>
        %parallel_loop3A_1020 = arith.constant 0 : i32
        %parallel_loop3A_1021 = arith.addi %parallel_loop3A_994, %parallel_loop3A_1020 : i32
        %parallel_loop3A_1022 = arith.constant 3 : i32
        %parallel_loop3A_1023 = arith.addi %parallel_loop3A_1021, %parallel_loop3A_1022 : i32
        %parallel_loop3A_1024 = arith.index_cast %parallel_loop3A_1023 : i32 to index
        %parallel_loop3A_1025 = arith.constant 0 : index
        %parallel_loop3A_1026 = tpu.vector_load %arg14[%parallel_loop3A_1024, %parallel_loop3A_1025] {strides = array<i32>} : memref<200x16xf32, #tpu.memory_space<vmem>>, vector<1x16xf32>,
        %parallel_loop3A_1027 = vector.shape_cast %parallel_loop3A_1026 : vector<1x16xf32> to vector<16xf32>
        %parallel_loop3A_1028 = arith.addf %parallel_loop3A_992, %parallel_loop3A_1027 : vector<16xf32>
        %parallel_loop3A_1029 = arith.constant 4 : i32
        %parallel_loop3A_1030 = arith.addi %parallel_loop3A_994, %parallel_loop3A_1029 : i32
        %parallel_loop3A_1031 = arith.index_cast %parallel_loop3A_1030 : i32 to index
        %parallel_loop3A_1032 = arith.constant 0 : index
        %parallel_loop3A_1033 = tpu.vector_load %arg14[%parallel_loop3A_1031, %parallel_loop3A_1032] {strides = array<i32>} : memref<200x16xf32, #tpu.memory_space<vmem>>, vector<1x16xf32>,
        %parallel_loop3A_1034 = vector.shape_cast %parallel_loop3A_1033 : vector<1x16xf32> to vector<16xf32>
        %parallel_loop3A_1035 = arith.addf %parallel_loop3A_1001, %parallel_loop3A_1034 : vector<16xf32>
        %parallel_loop3A_1036 = arith.constant 4 : i32
        %parallel_loop3A_1037 = arith.addi %parallel_loop3A_994, %parallel_loop3A_1036 : i32
        %parallel_loop3A_1038 = arith.constant 1 : i32
        %parallel_loop3A_1039 = arith.addi %parallel_loop3A_1037, %parallel_loop3A_1038 : i32
        %parallel_loop3A_1040 = arith.index_cast %parallel_loop3A_1039 : i32 to index
        %parallel_loop3A_1041 = arith.constant 0 : index
        %parallel_loop3A_1042 = tpu.vector_load %arg14[%parallel_loop3A_1040, %parallel_loop3A_1041] {strides = array<i32>} : memref<200x16xf32, #tpu.memory_space<vmem>>, vector<1x16xf32>,
        %parallel_loop3A_1043 = vector.shape_cast %parallel_loop3A_1042 : vector<1x16xf32> to vector<16xf32>
        %parallel_loop3A_1044 = arith.addf %parallel_loop3A_1010, %parallel_loop3A_1043 : vector<16xf32>
        %parallel_loop3A_1045 = arith.constant 4 : i32
        %parallel_loop3A_1046 = arith.addi %parallel_loop3A_994, %parallel_loop3A_1045 : i32
        %parallel_loop3A_1047 = arith.constant 2 : i32
        %parallel_loop3A_1048 = arith.addi %parallel_loop3A_1046, %parallel_loop3A_1047 : i32
        %parallel_loop3A_1049 = arith.index_cast %parallel_loop3A_1048 : i32 to index
        %parallel_loop3A_1050 = arith.constant 0 : index
        %parallel_loop3A_1051 = tpu.vector_load %arg14[%parallel_loop3A_1049, %parallel_loop3A_1050] {strides = array<i32>} : memref<200x16xf32, #tpu.memory_space<vmem>>, vector<1x16xf32>,
        %parallel_loop3A_1052 = vector.shape_cast %parallel_loop3A_1051 : vector<1x16xf32> to vector<16xf32>
        %parallel_loop3A_1053 = arith.addf %parallel_loop3A_1019, %parallel_loop3A_1052 : vector<16xf32>
        %parallel_loop3A_1054 = arith.constant 4 : i32
        %parallel_loop3A_1055 = arith.addi %parallel_loop3A_994, %parallel_loop3A_1054 : i32
        %parallel_loop3A_1056 = arith.constant 3 : i32
        %parallel_loop3A_1057 = arith.addi %parallel_loop3A_1055, %parallel_loop3A_1056 : i32
        %parallel_loop3A_1058 = arith.index_cast %parallel_loop3A_1057 : i32 to index
        %parallel_loop3A_1059 = arith.constant 0 : index
        %parallel_loop3A_1060 = tpu.vector_load %arg14[%parallel_loop3A_1058, %parallel_loop3A_1059] {strides = array<i32>} : memref<200x16xf32, #tpu.memory_space<vmem>>, vector<1x16xf32>,
        %parallel_loop3A_1061 = vector.shape_cast %parallel_loop3A_1060 : vector<1x16xf32> to vector<16xf32>
        %parallel_loop3A_1062 = arith.addf %parallel_loop3A_1028, %parallel_loop3A_1061 : vector<16xf32>
        scf.yield %parallel_loop3A_1035, %parallel_loop3A_1044, %parallel_loop3A_1053, %parallel_loop3A_1062 : vector<16xf32>, vector<16xf32>, vector<16xf32>, vector<16xf32>
      } {sc.loop_unroll_factor = 4 : i64, sc.parallel_access}
      %add3A_913 = arith.addf %parallel_loop3A_912#0, %parallel_loop3A_912#1 : vector<16xf32>
      %add3A_914 = arith.addf %parallel_loop3A_912#2, %parallel_loop3A_912#3 : vector<16xf32>
      %add3A_915 = arith.addf %add3A_913, %add3A_914 : vector<16xf32>
      %mul3A_916 = vector.broadcast %squeeze3A : f32 to vector<16xf32>
      %mul3A_917 = arith.mulf %add3A_915, %mul3A_916 : vector<16xf32>
      %add3A_918 = arith.addf %mul3A_917, %get3A_7 : vector<16xf32>
      %swap3A_919 = arith.index_cast %add3A_906 : i32 to index
      %swap3A_920 = arith.constant 0 : index
      %swap3A_921 = tpu.vector_load %arg16[%swap3A_919, %swap3A_920] {strides = array<i32>} : memref<128x16xf32, #tpu.memory_space<vmem>>, vector<1x16xf32>,
      %swap3A_922 = vector.shape_cast %swap3A_921 : vector<1x16xf32> to vector<16xf32>
      %swap3A_923 = vector.shape_cast %add3A_918 : vector<16xf32> to vector<1x16xf32>
      tpu.vector_store %arg16[%swap3A_919, %swap3A_920], %swap3A_923 {strides = array<i32>} : memref<128x16xf32, #tpu.memory_space<vmem>>, vector<1x16xf32>,
      %add3A_924 = arith.constant 7 : i32
      %add3A_925 = arith.addi %mul3A_483, %add3A_924 : i32
      %add3A_926 = arith.constant 8 : i32
      %add3A_927 = arith.addi %add3A_925, %add3A_926 : i32
      %sub3A_928 = arith.constant 1 : i32
      %sub3A_929 = arith.subi %add3A_927, %sub3A_928 : i32
      %dma_start3A_930 = arith.constant 0 : i32
      %dma_start3A_931 = arith.constant 0 : i32
      %dma_start3A_932 = tpu.memref_slice %arg14[%dma_start3A_930, %dma_start3A_931] : memref<200x16xf32, #tpu.memory_space<vmem>> -> memref<128x16xf32, #tpu.memory_space<vmem>>
      %dma_start3A_933 = arith.constant 0 : i32
      %dma_start3A_934 = tpu.memref_slice %arg7[%sub3A_929, %dma_start3A_933] : memref<128x200xi32, #tpu.memory_space<vmem>> -> memref<1x128xi32, #tpu.memory_space<vmem>>
      %dma_start3A_935 = tpu.memref_squeeze %dma_start3A_934 : memref<1x128xi32, #tpu.memory_space<vmem>> -> memref<128xi32, #tpu.memory_space<vmem>>
      %dma_start3A_936 = arith.constant 0 : i32
      %dma_start3A_937 = arith.constant 0 : i32
      %dma_start3A_938 = tpu.memref_slice %arg3[%dma_start3A_936, %dma_start3A_937] : memref<1015808x16xf32, #tpu.memory_space<hbm>> -> memref<1015808x16xf32, #tpu.memory_space<hbm>>
      tpu.enqueue_indirect_dma source(%dma_start3A_938 : memref<1015808x16xf32, #tpu.memory_space<hbm>>) target(%dma_start3A_932 : memref<128x16xf32, #tpu.memory_space<vmem>>) offsets(%dma_start3A_935 : memref<128xi32, #tpu.memory_space<vmem>>) semaphore(%arg24 : memref<!tpu.dma_semaphore, #tpu.memory_space<semaphore_mem>>)
      %dma_start3A_939 = arith.constant 128 : i32
      %dma_start3A_940 = arith.constant 0 : i32
      %dma_start3A_941 = tpu.memref_slice %arg14[%dma_start3A_939, %dma_start3A_940] : memref<200x16xf32, #tpu.memory_space<vmem>> -> memref<72x16xf32, #tpu.memory_space<vmem>>
      %dma_start3A_942 = arith.constant 128 : i32
      %dma_start3A_943 = tpu.memref_slice %arg7[%sub3A_929, %dma_start3A_942] : memref<128x200xi32, #tpu.memory_space<vmem>> -> memref<1x72xi32, #tpu.memory_space<vmem>>
      %dma_start3A_944 = tpu.memref_squeeze %dma_start3A_943 : memref<1x72xi32, #tpu.memory_space<vmem>> -> memref<72xi32, #tpu.memory_space<vmem>>
      %dma_start3A_945 = arith.constant 0 : i32
      %dma_start3A_946 = arith.constant 0 : i32
      %dma_start3A_947 = tpu.memref_slice %arg3[%dma_start3A_945, %dma_start3A_946] : memref<1015808x16xf32, #tpu.memory_space<hbm>> -> memref<1015808x16xf32, #tpu.memory_space<hbm>>
      tpu.enqueue_indirect_dma source(%dma_start3A_947 : memref<1015808x16xf32, #tpu.memory_space<hbm>>) target(%dma_start3A_941 : memref<72x16xf32, #tpu.memory_space<vmem>>) offsets(%dma_start3A_944 : memref<72xi32, #tpu.memory_space<vmem>>) semaphore(%arg24 : memref<!tpu.dma_semaphore, #tpu.memory_space<semaphore_mem>>)
      %add3A_948 = arith.constant 7 : i32
      %add3A_949 = arith.addi %mul3A_483, %add3A_948 : i32
      %dma_wait3A_950 = arith.constant 0 : i32
      %dma_wait3A_951 = arith.constant 0 : i32
      %dma_wait3A_952 = tpu.memref_slice %arg15[%dma_wait3A_950, %dma_wait3A_951] : memref<200x16xf32, #tpu.memory_space<vmem>> -> memref<128x16xf32, #tpu.memory_space<vmem>>
      %dma_wait3A_953 = arith.constant 0 : i32
      %dma_wait3A_954 = tpu.memref_slice %arg7[%add3A_949, %dma_wait3A_953] : memref<128x200xi32, #tpu.memory_space<vmem>> -> memref<1x128xi32, #tpu.memory_space<vmem>>
      %dma_wait3A_955 = tpu.memref_squeeze %dma_wait3A_954 : memref<1x128xi32, #tpu.memory_space<vmem>> -> memref<128xi32, #tpu.memory_space<vmem>>
      %dma_wait3A_956 = arith.constant 0 : i32
      %dma_wait3A_957 = arith.constant 0 : i32
      %dma_wait3A_958 = tpu.memref_slice %arg3[%dma_wait3A_956, %dma_wait3A_957] : memref<1015808x16xf32, #tpu.memory_space<hbm>> -> memref<1015808x16xf32, #tpu.memory_space<hbm>>
      tpu.wait_indirect_dma semaphore(%arg25 : memref<!tpu.dma_semaphore, #tpu.memory_space<semaphore_mem>>) src(%dma_wait3A_958 : memref<1015808x16xf32, #tpu.memory_space<hbm>>) dst(%dma_wait3A_952 : memref<128x16xf32, #tpu.memory_space<vmem>>)
      %dma_wait3A_959 = arith.constant 128 : i32
      %dma_wait3A_960 = arith.constant 0 : i32
      %dma_wait3A_961 = tpu.memref_slice %arg15[%dma_wait3A_959, %dma_wait3A_960] : memref<200x16xf32, #tpu.memory_space<vmem>> -> memref<72x16xf32, #tpu.memory_space<vmem>>
      %dma_wait3A_962 = arith.constant 128 : i32
      %dma_wait3A_963 = tpu.memref_slice %arg7[%add3A_949, %dma_wait3A_962] : memref<128x200xi32, #tpu.memory_space<vmem>> -> memref<1x72xi32, #tpu.memory_space<vmem>>
      %dma_wait3A_964 = tpu.memref_squeeze %dma_wait3A_963 : memref<1x72xi32, #tpu.memory_space<vmem>> -> memref<72xi32, #tpu.memory_space<vmem>>
      %dma_wait3A_965 = arith.constant 0 : i32
      %dma_wait3A_966 = arith.constant 0 : i32
      %dma_wait3A_967 = tpu.memref_slice %arg3[%dma_wait3A_965, %dma_wait3A_966] : memref<1015808x16xf32, #tpu.memory_space<hbm>> -> memref<1015808x16xf32, #tpu.memory_space<hbm>>
      tpu.wait_indirect_dma semaphore(%arg25 : memref<!tpu.dma_semaphore, #tpu.memory_space<semaphore_mem>>) src(%dma_wait3A_967 : memref<1015808x16xf32, #tpu.memory_space<hbm>>) dst(%dma_wait3A_961 : memref<72x16xf32, #tpu.memory_space<vmem>>)
      %add3A_968 = arith.constant 7 : i32
      %add3A_969 = arith.addi %mul3A_483, %add3A_968 : i32
      %broadcast_in_dim3A_970 = arith.constant 0.000000e+00 : f32
      %broadcast_in_dim3A_971 = vector.broadcast %broadcast_in_dim3A_970 : f32 to vector<16xf32>
      %parallel_loop3A_972 = arith.constant 0 : i32
      %parallel_loop3A_973 = arith.constant 25 : i32
      %parallel_loop3A_974 = arith.constant 1 : i32
      %parallel_loop3A_975:4 = scf.for %parallel_loop3A_988 = %parallel_loop3A_972 to %parallel_loop3A_973 step %parallel_loop3A_974 iter_args(%parallel_loop3A_989 = %broadcast_in_dim3A_971, %parallel_loop3A_990 = %broadcast_in_dim3A_971, %parallel_loop3A_991 = %broadcast_in_dim3A_971, %parallel_loop3A_992 = %broadcast_in_dim3A_971) -> (vector<16xf32>, vector<16xf32>, vector<16xf32>, vector<16xf32>)  : i32 {
        %parallel_loop3A_993 = arith.constant 8 : i32
        %parallel_loop3A_994 = arith.muli %parallel_loop3A_988, %parallel_loop3A_993 : i32
        %parallel_loop3A_995 = arith.constant 0 : i32
        %parallel_loop3A_996 = arith.addi %parallel_loop3A_994, %parallel_loop3A_995 : i32
        %parallel_loop3A_997 = arith.index_cast %parallel_loop3A_996 : i32 to index
        %parallel_loop3A_998 = arith.constant 0 : index
        %parallel_loop3A_999 = tpu.vector_load %arg15[%parallel_loop3A_997, %parallel_loop3A_998] {strides = array<i32>} : memref<200x16xf32, #tpu.memory_space<vmem>>, vector<1x16xf32>,
        %parallel_loop3A_1000 = vector.shape_cast %parallel_loop3A_999 : vector<1x16xf32> to vector<16xf32>
        %parallel_loop3A_1001 = arith.addf %parallel_loop3A_989, %parallel_loop3A_1000 : vector<16xf32>
        %parallel_loop3A_1002 = arith.constant 0 : i32
        %parallel_loop3A_1003 = arith.addi %parallel_loop3A_994, %parallel_loop3A_1002 : i32
        %parallel_loop3A_1004 = arith.constant 1 : i32
        %parallel_loop3A_1005 = arith.addi %parallel_loop3A_1003, %parallel_loop3A_1004 : i32
        %parallel_loop3A_1006 = arith.index_cast %parallel_loop3A_1005 : i32 to index
        %parallel_loop3A_1007 = arith.constant 0 : index
        %parallel_loop3A_1008 = tpu.vector_load %arg15[%parallel_loop3A_1006, %parallel_loop3A_1007] {strides = array<i32>} : memref<200x16xf32, #tpu.memory_space<vmem>>, vector<1x16xf32>,
        %parallel_loop3A_1009 = vector.shape_cast %parallel_loop3A_1008 : vector<1x16xf32> to vector<16xf32>
        %parallel_loop3A_1010 = arith.addf %parallel_loop3A_990, %parallel_loop3A_1009 : vector<16xf32>
        %parallel_loop3A_1011 = arith.constant 0 : i32
        %parallel_loop3A_1012 = arith.addi %parallel_loop3A_994, %parallel_loop3A_1011 : i32
        %parallel_loop3A_1013 = arith.constant 2 : i32
        %parallel_loop3A_1014 = arith.addi %parallel_loop3A_1012, %parallel_loop3A_1013 : i32
        %parallel_loop3A_1015 = arith.index_cast %parallel_loop3A_1014 : i32 to index
        %parallel_loop3A_1016 = arith.constant 0 : index
        %parallel_loop3A_1017 = tpu.vector_load %arg15[%parallel_loop3A_1015, %parallel_loop3A_1016] {strides = array<i32>} : memref<200x16xf32, #tpu.memory_space<vmem>>, vector<1x16xf32>,
        %parallel_loop3A_1018 = vector.shape_cast %parallel_loop3A_1017 : vector<1x16xf32> to vector<16xf32>
        %parallel_loop3A_1019 = arith.addf %parallel_loop3A_991, %parallel_loop3A_1018 : vector<16xf32>
        %parallel_loop3A_1020 = arith.constant 0 : i32
        %parallel_loop3A_1021 = arith.addi %parallel_loop3A_994, %parallel_loop3A_1020 : i32
        %parallel_loop3A_1022 = arith.constant 3 : i32
        %parallel_loop3A_1023 = arith.addi %parallel_loop3A_1021, %parallel_loop3A_1022 : i32
        %parallel_loop3A_1024 = arith.index_cast %parallel_loop3A_1023 : i32 to index
        %parallel_loop3A_1025 = arith.constant 0 : index
        %parallel_loop3A_1026 = tpu.vector_load %arg15[%parallel_loop3A_1024, %parallel_loop3A_1025] {strides = array<i32>} : memref<200x16xf32, #tpu.memory_space<vmem>>, vector<1x16xf32>,
        %parallel_loop3A_1027 = vector.shape_cast %parallel_loop3A_1026 : vector<1x16xf32> to vector<16xf32>
        %parallel_loop3A_1028 = arith.addf %parallel_loop3A_992, %parallel_loop3A_1027 : vector<16xf32>
        %parallel_loop3A_1029 = arith.constant 4 : i32
        %parallel_loop3A_1030 = arith.addi %parallel_loop3A_994, %parallel_loop3A_1029 : i32
        %parallel_loop3A_1031 = arith.index_cast %parallel_loop3A_1030 : i32 to index
        %parallel_loop3A_1032 = arith.constant 0 : index
        %parallel_loop3A_1033 = tpu.vector_load %arg15[%parallel_loop3A_1031, %parallel_loop3A_1032] {strides = array<i32>} : memref<200x16xf32, #tpu.memory_space<vmem>>, vector<1x16xf32>,
        %parallel_loop3A_1034 = vector.shape_cast %parallel_loop3A_1033 : vector<1x16xf32> to vector<16xf32>
        %parallel_loop3A_1035 = arith.addf %parallel_loop3A_1001, %parallel_loop3A_1034 : vector<16xf32>
        %parallel_loop3A_1036 = arith.constant 4 : i32
        %parallel_loop3A_1037 = arith.addi %parallel_loop3A_994, %parallel_loop3A_1036 : i32
        %parallel_loop3A_1038 = arith.constant 1 : i32
        %parallel_loop3A_1039 = arith.addi %parallel_loop3A_1037, %parallel_loop3A_1038 : i32
        %parallel_loop3A_1040 = arith.index_cast %parallel_loop3A_1039 : i32 to index
        %parallel_loop3A_1041 = arith.constant 0 : index
        %parallel_loop3A_1042 = tpu.vector_load %arg15[%parallel_loop3A_1040, %parallel_loop3A_1041] {strides = array<i32>} : memref<200x16xf32, #tpu.memory_space<vmem>>, vector<1x16xf32>,
        %parallel_loop3A_1043 = vector.shape_cast %parallel_loop3A_1042 : vector<1x16xf32> to vector<16xf32>
        %parallel_loop3A_1044 = arith.addf %parallel_loop3A_1010, %parallel_loop3A_1043 : vector<16xf32>
        %parallel_loop3A_1045 = arith.constant 4 : i32
        %parallel_loop3A_1046 = arith.addi %parallel_loop3A_994, %parallel_loop3A_1045 : i32
        %parallel_loop3A_1047 = arith.constant 2 : i32
        %parallel_loop3A_1048 = arith.addi %parallel_loop3A_1046, %parallel_loop3A_1047 : i32
        %parallel_loop3A_1049 = arith.index_cast %parallel_loop3A_1048 : i32 to index
        %parallel_loop3A_1050 = arith.constant 0 : index
        %parallel_loop3A_1051 = tpu.vector_load %arg15[%parallel_loop3A_1049, %parallel_loop3A_1050] {strides = array<i32>} : memref<200x16xf32, #tpu.memory_space<vmem>>, vector<1x16xf32>,
        %parallel_loop3A_1052 = vector.shape_cast %parallel_loop3A_1051 : vector<1x16xf32> to vector<16xf32>
        %parallel_loop3A_1053 = arith.addf %parallel_loop3A_1019, %parallel_loop3A_1052 : vector<16xf32>
        %parallel_loop3A_1054 = arith.constant 4 : i32
        %parallel_loop3A_1055 = arith.addi %parallel_loop3A_994, %parallel_loop3A_1054 : i32
        %parallel_loop3A_1056 = arith.constant 3 : i32
        %parallel_loop3A_1057 = arith.addi %parallel_loop3A_1055, %parallel_loop3A_1056 : i32
        %parallel_loop3A_1058 = arith.index_cast %parallel_loop3A_1057 : i32 to index
        %parallel_loop3A_1059 = arith.constant 0 : index
        %parallel_loop3A_1060 = tpu.vector_load %arg15[%parallel_loop3A_1058, %parallel_loop3A_1059] {strides = array<i32>} : memref<200x16xf32, #tpu.memory_space<vmem>>, vector<1x16xf32>,
        %parallel_loop3A_1061 = vector.shape_cast %parallel_loop3A_1060 : vector<1x16xf32> to vector<16xf32>
        %parallel_loop3A_1062 = arith.addf %parallel_loop3A_1028, %parallel_loop3A_1061 : vector<16xf32>
        scf.yield %parallel_loop3A_1035, %parallel_loop3A_1044, %parallel_loop3A_1053, %parallel_loop3A_1062 : vector<16xf32>, vector<16xf32>, vector<16xf32>, vector<16xf32>
      } {sc.loop_unroll_factor = 4 : i64, sc.parallel_access}
      %add3A_976 = arith.addf %parallel_loop3A_975#0, %parallel_loop3A_975#1 : vector<16xf32>
      %add3A_977 = arith.addf %parallel_loop3A_975#2, %parallel_loop3A_975#3 : vector<16xf32>
      %add3A_978 = arith.addf %add3A_976, %add3A_977 : vector<16xf32>
      %mul3A_979 = vector.broadcast %squeeze3A : f32 to vector<16xf32>
      %mul3A_980 = arith.mulf %add3A_978, %mul3A_979 : vector<16xf32>
      %add3A_981 = arith.addf %mul3A_980, %get3A_7 : vector<16xf32>
      %swap3A_982 = arith.index_cast %add3A_969 : i32 to index
      %swap3A_983 = arith.constant 0 : index
      %swap3A_984 = tpu.vector_load %arg16[%swap3A_982, %swap3A_983] {strides = array<i32>} : memref<128x16xf32, #tpu.memory_space<vmem>>, vector<1x16xf32>,
      %swap3A_985 = vector.shape_cast %swap3A_984 : vector<1x16xf32> to vector<16xf32>
      %swap3A_986 = vector.shape_cast %add3A_981 : vector<16xf32> to vector<1x16xf32>
      tpu.vector_store %arg16[%swap3A_982, %swap3A_983], %swap3A_986 {strides = array<i32>} : memref<128x16xf32, #tpu.memory_space<vmem>>, vector<1x16xf32>,
      %scan3A_987 = arith.constant 0 : i32
      scf.yield %scan3A_987 : i32
    }
    %scan3A_159 = arith.constant 15 : i32
    %dma_start3A_160 = arith.constant 127 : i32
    %dma_start3A_161 = arith.constant 0 : i32
    %dma_start3A_162 = arith.constant 0 : i32
    %dma_start3A_163 = tpu.memref_slice %arg15[%dma_start3A_161, %dma_start3A_162] : memref<200x16xf32, #tpu.memory_space<vmem>> -> memref<128x16xf32, #tpu.memory_space<vmem>>
    %dma_start3A_164 = arith.constant 0 : i32
    %dma_start3A_165 = tpu.memref_slice %arg7[%dma_start3A_160, %dma_start3A_164] : memref<128x200xi32, #tpu.memory_space<vmem>> -> memref<1x128xi32, #tpu.memory_space<vmem>>
    %dma_start3A_166 = tpu.memref_squeeze %dma_start3A_165 : memref<1x128xi32, #tpu.memory_space<vmem>> -> memref<128xi32, #tpu.memory_space<vmem>>
    %dma_start3A_167 = arith.constant 0 : i32
    %dma_start3A_168 = arith.constant 0 : i32
    %dma_start3A_169 = tpu.memref_slice %arg3[%dma_start3A_167, %dma_start3A_168] : memref<1015808x16xf32, #tpu.memory_space<hbm>> -> memref<1015808x16xf32, #tpu.memory_space<hbm>>
    tpu.enqueue_indirect_dma source(%dma_start3A_169 : memref<1015808x16xf32, #tpu.memory_space<hbm>>) target(%dma_start3A_163 : memref<128x16xf32, #tpu.memory_space<vmem>>) offsets(%dma_start3A_166 : memref<128xi32, #tpu.memory_space<vmem>>) semaphore(%arg25 : memref<!tpu.dma_semaphore, #tpu.memory_space<semaphore_mem>>)
    %dma_start3A_170 = arith.constant 127 : i32
    %dma_start3A_171 = arith.constant 128 : i32
    %dma_start3A_172 = arith.constant 0 : i32
    %dma_start3A_173 = tpu.memref_slice %arg15[%dma_start3A_171, %dma_start3A_172] : memref<200x16xf32, #tpu.memory_space<vmem>> -> memref<72x16xf32, #tpu.memory_space<vmem>>
    %dma_start3A_174 = arith.constant 128 : i32
    %dma_start3A_175 = tpu.memref_slice %arg7[%dma_start3A_170, %dma_start3A_174] : memref<128x200xi32, #tpu.memory_space<vmem>> -> memref<1x72xi32, #tpu.memory_space<vmem>>
    %dma_start3A_176 = tpu.memref_squeeze %dma_start3A_175 : memref<1x72xi32, #tpu.memory_space<vmem>> -> memref<72xi32, #tpu.memory_space<vmem>>
    %dma_start3A_177 = arith.constant 0 : i32
    %dma_start3A_178 = arith.constant 0 : i32
    %dma_start3A_179 = tpu.memref_slice %arg3[%dma_start3A_177, %dma_start3A_178] : memref<1015808x16xf32, #tpu.memory_space<hbm>> -> memref<1015808x16xf32, #tpu.memory_space<hbm>>
    tpu.enqueue_indirect_dma source(%dma_start3A_179 : memref<1015808x16xf32, #tpu.memory_space<hbm>>) target(%dma_start3A_173 : memref<72x16xf32, #tpu.memory_space<vmem>>) offsets(%dma_start3A_176 : memref<72xi32, #tpu.memory_space<vmem>>) semaphore(%arg25 : memref<!tpu.dma_semaphore, #tpu.memory_space<semaphore_mem>>)
    %dma_wait3A = arith.constant 120 : i32
    %dma_wait3A_180 = arith.constant 0 : i32
    %dma_wait3A_181 = arith.constant 0 : i32
    %dma_wait3A_182 = tpu.memref_slice %arg8[%dma_wait3A_180, %dma_wait3A_181] : memref<200x16xf32, #tpu.memory_space<vmem>> -> memref<128x16xf32, #tpu.memory_space<vmem>>
    %dma_wait3A_183 = arith.constant 0 : i32
    %dma_wait3A_184 = tpu.memref_slice %arg7[%dma_wait3A, %dma_wait3A_183] : memref<128x200xi32, #tpu.memory_space<vmem>> -> memref<1x128xi32, #tpu.memory_space<vmem>>
    %dma_wait3A_185 = tpu.memref_squeeze %dma_wait3A_184 : memref<1x128xi32, #tpu.memory_space<vmem>> -> memref<128xi32, #tpu.memory_space<vmem>>
    %dma_wait3A_186 = arith.constant 0 : i32
    %dma_wait3A_187 = arith.constant 0 : i32
    %dma_wait3A_188 = tpu.memref_slice %arg3[%dma_wait3A_186, %dma_wait3A_187] : memref<1015808x16xf32, #tpu.memory_space<hbm>> -> memref<1015808x16xf32, #tpu.memory_space<hbm>>
    tpu.wait_indirect_dma semaphore(%arg18 : memref<!tpu.dma_semaphore, #tpu.memory_space<semaphore_mem>>) src(%dma_wait3A_188 : memref<1015808x16xf32, #tpu.memory_space<hbm>>) dst(%dma_wait3A_182 : memref<128x16xf32, #tpu.memory_space<vmem>>)
    %dma_wait3A_189 = arith.constant 120 : i32
    %dma_wait3A_190 = arith.constant 128 : i32
    %dma_wait3A_191 = arith.constant 0 : i32
    %dma_wait3A_192 = tpu.memref_slice %arg8[%dma_wait3A_190, %dma_wait3A_191] : memref<200x16xf32, #tpu.memory_space<vmem>> -> memref<72x16xf32, #tpu.memory_space<vmem>>
    %dma_wait3A_193 = arith.constant 128 : i32
    %dma_wait3A_194 = tpu.memref_slice %arg7[%dma_wait3A_189, %dma_wait3A_193] : memref<128x200xi32, #tpu.memory_space<vmem>> -> memref<1x72xi32, #tpu.memory_space<vmem>>
    %dma_wait3A_195 = tpu.memref_squeeze %dma_wait3A_194 : memref<1x72xi32, #tpu.memory_space<vmem>> -> memref<72xi32, #tpu.memory_space<vmem>>
    %dma_wait3A_196 = arith.constant 0 : i32
    %dma_wait3A_197 = arith.constant 0 : i32
    %dma_wait3A_198 = tpu.memref_slice %arg3[%dma_wait3A_196, %dma_wait3A_197] : memref<1015808x16xf32, #tpu.memory_space<hbm>> -> memref<1015808x16xf32, #tpu.memory_space<hbm>>
    tpu.wait_indirect_dma semaphore(%arg18 : memref<!tpu.dma_semaphore, #tpu.memory_space<semaphore_mem>>) src(%dma_wait3A_198 : memref<1015808x16xf32, #tpu.memory_space<hbm>>) dst(%dma_wait3A_192 : memref<72x16xf32, #tpu.memory_space<vmem>>)
    %broadcast_in_dim3A = arith.constant 0.000000e+00 : f32
    %broadcast_in_dim3A_199 = vector.broadcast %broadcast_in_dim3A : f32 to vector<16xf32>
    %parallel_loop3A = arith.constant 0 : i32
    %parallel_loop3A_200 = arith.constant 25 : i32
    %parallel_loop3A_201 = arith.constant 1 : i32
    %parallel_loop3A_202:4 = scf.for %parallel_loop3A_480 = %parallel_loop3A to %parallel_loop3A_200 step %parallel_loop3A_201 iter_args(%parallel_loop3A_481 = %broadcast_in_dim3A_199, %parallel_loop3A_482 = %broadcast_in_dim3A_199, %parallel_loop3A_483 = %broadcast_in_dim3A_199, %parallel_loop3A_484 = %broadcast_in_dim3A_199) -> (vector<16xf32>, vector<16xf32>, vector<16xf32>, vector<16xf32>)  : i32 {
      %parallel_loop3A_485 = arith.constant 8 : i32
      %parallel_loop3A_486 = arith.muli %parallel_loop3A_480, %parallel_loop3A_485 : i32
      %parallel_loop3A_487 = arith.constant 0 : i32
      %parallel_loop3A_488 = arith.addi %parallel_loop3A_486, %parallel_loop3A_487 : i32
      %parallel_loop3A_489 = arith.index_cast %parallel_loop3A_488 : i32 to index
      %parallel_loop3A_490 = arith.constant 0 : index
      %parallel_loop3A_491 = tpu.vector_load %arg8[%parallel_loop3A_489, %parallel_loop3A_490] {strides = array<i32>} : memref<200x16xf32, #tpu.memory_space<vmem>>, vector<1x16xf32>,
      %parallel_loop3A_492 = vector.shape_cast %parallel_loop3A_491 : vector<1x16xf32> to vector<16xf32>
      %parallel_loop3A_493 = arith.addf %parallel_loop3A_481, %parallel_loop3A_492 : vector<16xf32>
      %parallel_loop3A_494 = arith.constant 0 : i32
      %parallel_loop3A_495 = arith.addi %parallel_loop3A_486, %parallel_loop3A_494 : i32
      %parallel_loop3A_496 = arith.constant 1 : i32
      %parallel_loop3A_497 = arith.addi %parallel_loop3A_495, %parallel_loop3A_496 : i32
      %parallel_loop3A_498 = arith.index_cast %parallel_loop3A_497 : i32 to index
      %parallel_loop3A_499 = arith.constant 0 : index
      %parallel_loop3A_500 = tpu.vector_load %arg8[%parallel_loop3A_498, %parallel_loop3A_499] {strides = array<i32>} : memref<200x16xf32, #tpu.memory_space<vmem>>, vector<1x16xf32>,
      %parallel_loop3A_501 = vector.shape_cast %parallel_loop3A_500 : vector<1x16xf32> to vector<16xf32>
      %parallel_loop3A_502 = arith.addf %parallel_loop3A_482, %parallel_loop3A_501 : vector<16xf32>
      %parallel_loop3A_503 = arith.constant 0 : i32
      %parallel_loop3A_504 = arith.addi %parallel_loop3A_486, %parallel_loop3A_503 : i32
      %parallel_loop3A_505 = arith.constant 2 : i32
      %parallel_loop3A_506 = arith.addi %parallel_loop3A_504, %parallel_loop3A_505 : i32
      %parallel_loop3A_507 = arith.index_cast %parallel_loop3A_506 : i32 to index
      %parallel_loop3A_508 = arith.constant 0 : index
      %parallel_loop3A_509 = tpu.vector_load %arg8[%parallel_loop3A_507, %parallel_loop3A_508] {strides = array<i32>} : memref<200x16xf32, #tpu.memory_space<vmem>>, vector<1x16xf32>,
      %parallel_loop3A_510 = vector.shape_cast %parallel_loop3A_509 : vector<1x16xf32> to vector<16xf32>
      %parallel_loop3A_511 = arith.addf %parallel_loop3A_483, %parallel_loop3A_510 : vector<16xf32>
      %parallel_loop3A_512 = arith.constant 0 : i32
      %parallel_loop3A_513 = arith.addi %parallel_loop3A_486, %parallel_loop3A_512 : i32
      %parallel_loop3A_514 = arith.constant 3 : i32
      %parallel_loop3A_515 = arith.addi %parallel_loop3A_513, %parallel_loop3A_514 : i32
      %parallel_loop3A_516 = arith.index_cast %parallel_loop3A_515 : i32 to index
      %parallel_loop3A_517 = arith.constant 0 : index
      %parallel_loop3A_518 = tpu.vector_load %arg8[%parallel_loop3A_516, %parallel_loop3A_517] {strides = array<i32>} : memref<200x16xf32, #tpu.memory_space<vmem>>, vector<1x16xf32>,
      %parallel_loop3A_519 = vector.shape_cast %parallel_loop3A_518 : vector<1x16xf32> to vector<16xf32>
      %parallel_loop3A_520 = arith.addf %parallel_loop3A_484, %parallel_loop3A_519 : vector<16xf32>
      %parallel_loop3A_521 = arith.constant 4 : i32
      %parallel_loop3A_522 = arith.addi %parallel_loop3A_486, %parallel_loop3A_521 : i32
      %parallel_loop3A_523 = arith.index_cast %parallel_loop3A_522 : i32 to index
      %parallel_loop3A_524 = arith.constant 0 : index
      %parallel_loop3A_525 = tpu.vector_load %arg8[%parallel_loop3A_523, %parallel_loop3A_524] {strides = array<i32>} : memref<200x16xf32, #tpu.memory_space<vmem>>, vector<1x16xf32>,
      %parallel_loop3A_526 = vector.shape_cast %parallel_loop3A_525 : vector<1x16xf32> to vector<16xf32>
      %parallel_loop3A_527 = arith.addf %parallel_loop3A_493, %parallel_loop3A_526 : vector<16xf32>
      %parallel_loop3A_528 = arith.constant 4 : i32
      %parallel_loop3A_529 = arith.addi %parallel_loop3A_486, %parallel_loop3A_528 : i32
      %parallel_loop3A_530 = arith.constant 1 : i32
      %parallel_loop3A_531 = arith.addi %parallel_loop3A_529, %parallel_loop3A_530 : i32
      %parallel_loop3A_532 = arith.index_cast %parallel_loop3A_531 : i32 to index
      %parallel_loop3A_533 = arith.constant 0 : index
      %parallel_loop3A_534 = tpu.vector_load %arg8[%parallel_loop3A_532, %parallel_loop3A_533] {strides = array<i32>} : memref<200x16xf32, #tpu.memory_space<vmem>>, vector<1x16xf32>,
      %parallel_loop3A_535 = vector.shape_cast %parallel_loop3A_534 : vector<1x16xf32> to vector<16xf32>
      %parallel_loop3A_536 = arith.addf %parallel_loop3A_502, %parallel_loop3A_535 : vector<16xf32>
      %parallel_loop3A_537 = arith.constant 4 : i32
      %parallel_loop3A_538 = arith.addi %parallel_loop3A_486, %parallel_loop3A_537 : i32
      %parallel_loop3A_539 = arith.constant 2 : i32
      %parallel_loop3A_540 = arith.addi %parallel_loop3A_538, %parallel_loop3A_539 : i32
      %parallel_loop3A_541 = arith.index_cast %parallel_loop3A_540 : i32 to index
      %parallel_loop3A_542 = arith.constant 0 : index
      %parallel_loop3A_543 = tpu.vector_load %arg8[%parallel_loop3A_541, %parallel_loop3A_542] {strides = array<i32>} : memref<200x16xf32, #tpu.memory_space<vmem>>, vector<1x16xf32>,
      %parallel_loop3A_544 = vector.shape_cast %parallel_loop3A_543 : vector<1x16xf32> to vector<16xf32>
      %parallel_loop3A_545 = arith.addf %parallel_loop3A_511, %parallel_loop3A_544 : vector<16xf32>
      %parallel_loop3A_546 = arith.constant 4 : i32
      %parallel_loop3A_547 = arith.addi %parallel_loop3A_486, %parallel_loop3A_546 : i32
      %parallel_loop3A_548 = arith.constant 3 : i32
      %parallel_loop3A_549 = arith.addi %parallel_loop3A_547, %parallel_loop3A_548 : i32
      %parallel_loop3A_550 = arith.index_cast %parallel_loop3A_549 : i32 to index
      %parallel_loop3A_551 = arith.constant 0 : index
      %parallel_loop3A_552 = tpu.vector_load %arg8[%parallel_loop3A_550, %parallel_loop3A_551] {strides = array<i32>} : memref<200x16xf32, #tpu.memory_space<vmem>>, vector<1x16xf32>,
      %parallel_loop3A_553 = vector.shape_cast %parallel_loop3A_552 : vector<1x16xf32> to vector<16xf32>
      %parallel_loop3A_554 = arith.addf %parallel_loop3A_520, %parallel_loop3A_553 : vector<16xf32>
      scf.yield %parallel_loop3A_527, %parallel_loop3A_536, %parallel_loop3A_545, %parallel_loop3A_554 : vector<16xf32>, vector<16xf32>, vector<16xf32>, vector<16xf32>
    } {sc.loop_unroll_factor = 4 : i64, sc.parallel_access}
    %add3A_203 = arith.addf %parallel_loop3A_202#0, %parallel_loop3A_202#1 : vector<16xf32>
    %add3A_204 = arith.addf %parallel_loop3A_202#2, %parallel_loop3A_202#3 : vector<16xf32>
    %add3A_205 = arith.addf %add3A_203, %add3A_204 : vector<16xf32>
    %mul3A_206 = vector.broadcast %squeeze3A : f32 to vector<16xf32>
    %mul3A_207 = arith.mulf %add3A_205, %mul3A_206 : vector<16xf32>
    %add3A_208 = arith.addf %mul3A_207, %get3A_7 : vector<16xf32>
    %swap3A = arith.constant 120 : i32
    %swap3A_209 = arith.index_cast %swap3A : i32 to index
    %swap3A_210 = arith.constant 0 : index
    %swap3A_211 = tpu.vector_load %arg16[%swap3A_209, %swap3A_210] {strides = array<i32>} : memref<128x16xf32, #tpu.memory_space<vmem>>, vector<1x16xf32>,
    %swap3A_212 = vector.shape_cast %swap3A_211 : vector<1x16xf32> to vector<16xf32>
    %swap3A_213 = vector.shape_cast %add3A_208 : vector<16xf32> to vector<1x16xf32>
    tpu.vector_store %arg16[%swap3A_209, %swap3A_210], %swap3A_213 {strides = array<i32>} : memref<128x16xf32, #tpu.memory_space<vmem>>, vector<1x16xf32>,
    %dma_wait3A_214 = arith.constant 121 : i32
    %dma_wait3A_215 = arith.constant 0 : i32
    %dma_wait3A_216 = arith.constant 0 : i32
    %dma_wait3A_217 = tpu.memref_slice %arg9[%dma_wait3A_215, %dma_wait3A_216] : memref<200x16xf32, #tpu.memory_space<vmem>> -> memref<128x16xf32, #tpu.memory_space<vmem>>
    %dma_wait3A_218 = arith.constant 0 : i32
    %dma_wait3A_219 = tpu.memref_slice %arg7[%dma_wait3A_214, %dma_wait3A_218] : memref<128x200xi32, #tpu.memory_space<vmem>> -> memref<1x128xi32, #tpu.memory_space<vmem>>
    %dma_wait3A_220 = tpu.memref_squeeze %dma_wait3A_219 : memref<1x128xi32, #tpu.memory_space<vmem>> -> memref<128xi32, #tpu.memory_space<vmem>>
    %dma_wait3A_221 = arith.constant 0 : i32
    %dma_wait3A_222 = arith.constant 0 : i32
    %dma_wait3A_223 = tpu.memref_slice %arg3[%dma_wait3A_221, %dma_wait3A_222] : memref<1015808x16xf32, #tpu.memory_space<hbm>> -> memref<1015808x16xf32, #tpu.memory_space<hbm>>
    tpu.wait_indirect_dma semaphore(%arg19 : memref<!tpu.dma_semaphore, #tpu.memory_space<semaphore_mem>>) src(%dma_wait3A_223 : memref<1015808x16xf32, #tpu.memory_space<hbm>>) dst(%dma_wait3A_217 : memref<128x16xf32, #tpu.memory_space<vmem>>)
    %dma_wait3A_224 = arith.constant 121 : i32
    %dma_wait3A_225 = arith.constant 128 : i32
    %dma_wait3A_226 = arith.constant 0 : i32
    %dma_wait3A_227 = tpu.memref_slice %arg9[%dma_wait3A_225, %dma_wait3A_226] : memref<200x16xf32, #tpu.memory_space<vmem>> -> memref<72x16xf32, #tpu.memory_space<vmem>>
    %dma_wait3A_228 = arith.constant 128 : i32
    %dma_wait3A_229 = tpu.memref_slice %arg7[%dma_wait3A_224, %dma_wait3A_228] : memref<128x200xi32, #tpu.memory_space<vmem>> -> memref<1x72xi32, #tpu.memory_space<vmem>>
    %dma_wait3A_230 = tpu.memref_squeeze %dma_wait3A_229 : memref<1x72xi32, #tpu.memory_space<vmem>> -> memref<72xi32, #tpu.memory_space<vmem>>
    %dma_wait3A_231 = arith.constant 0 : i32
    %dma_wait3A_232 = arith.constant 0 : i32
    %dma_wait3A_233 = tpu.memref_slice %arg3[%dma_wait3A_231, %dma_wait3A_232] : memref<1015808x16xf32, #tpu.memory_space<hbm>> -> memref<1015808x16xf32, #tpu.memory_space<hbm>>
    tpu.wait_indirect_dma semaphore(%arg19 : memref<!tpu.dma_semaphore, #tpu.memory_space<semaphore_mem>>) src(%dma_wait3A_233 : memref<1015808x16xf32, #tpu.memory_space<hbm>>) dst(%dma_wait3A_227 : memref<72x16xf32, #tpu.memory_space<vmem>>)
    %broadcast_in_dim3A_234 = arith.constant 0.000000e+00 : f32
    %broadcast_in_dim3A_235 = vector.broadcast %broadcast_in_dim3A_234 : f32 to vector<16xf32>
    %parallel_loop3A_236 = arith.constant 0 : i32
    %parallel_loop3A_237 = arith.constant 25 : i32
    %parallel_loop3A_238 = arith.constant 1 : i32
    %parallel_loop3A_239:4 = scf.for %parallel_loop3A_480 = %parallel_loop3A_236 to %parallel_loop3A_237 step %parallel_loop3A_238 iter_args(%parallel_loop3A_481 = %broadcast_in_dim3A_235, %parallel_loop3A_482 = %broadcast_in_dim3A_235, %parallel_loop3A_483 = %broadcast_in_dim3A_235, %parallel_loop3A_484 = %broadcast_in_dim3A_235) -> (vector<16xf32>, vector<16xf32>, vector<16xf32>, vector<16xf32>)  : i32 {
      %parallel_loop3A_485 = arith.constant 8 : i32
      %parallel_loop3A_486 = arith.muli %parallel_loop3A_480, %parallel_loop3A_485 : i32
      %parallel_loop3A_487 = arith.constant 0 : i32
      %parallel_loop3A_488 = arith.addi %parallel_loop3A_486, %parallel_loop3A_487 : i32
      %parallel_loop3A_489 = arith.index_cast %parallel_loop3A_488 : i32 to index
      %parallel_loop3A_490 = arith.constant 0 : index
      %parallel_loop3A_491 = tpu.vector_load %arg9[%parallel_loop3A_489, %parallel_loop3A_490] {strides = array<i32>} : memref<200x16xf32, #tpu.memory_space<vmem>>, vector<1x16xf32>,
      %parallel_loop3A_492 = vector.shape_cast %parallel_loop3A_491 : vector<1x16xf32> to vector<16xf32>
      %parallel_loop3A_493 = arith.addf %parallel_loop3A_481, %parallel_loop3A_492 : vector<16xf32>
      %parallel_loop3A_494 = arith.constant 0 : i32
      %parallel_loop3A_495 = arith.addi %parallel_loop3A_486, %parallel_loop3A_494 : i32
      %parallel_loop3A_496 = arith.constant 1 : i32
      %parallel_loop3A_497 = arith.addi %parallel_loop3A_495, %parallel_loop3A_496 : i32
      %parallel_loop3A_498 = arith.index_cast %parallel_loop3A_497 : i32 to index
      %parallel_loop3A_499 = arith.constant 0 : index
      %parallel_loop3A_500 = tpu.vector_load %arg9[%parallel_loop3A_498, %parallel_loop3A_499] {strides = array<i32>} : memref<200x16xf32, #tpu.memory_space<vmem>>, vector<1x16xf32>,
      %parallel_loop3A_501 = vector.shape_cast %parallel_loop3A_500 : vector<1x16xf32> to vector<16xf32>
      %parallel_loop3A_502 = arith.addf %parallel_loop3A_482, %parallel_loop3A_501 : vector<16xf32>
      %parallel_loop3A_503 = arith.constant 0 : i32
      %parallel_loop3A_504 = arith.addi %parallel_loop3A_486, %parallel_loop3A_503 : i32
      %parallel_loop3A_505 = arith.constant 2 : i32
      %parallel_loop3A_506 = arith.addi %parallel_loop3A_504, %parallel_loop3A_505 : i32
      %parallel_loop3A_507 = arith.index_cast %parallel_loop3A_506 : i32 to index
      %parallel_loop3A_508 = arith.constant 0 : index
      %parallel_loop3A_509 = tpu.vector_load %arg9[%parallel_loop3A_507, %parallel_loop3A_508] {strides = array<i32>} : memref<200x16xf32, #tpu.memory_space<vmem>>, vector<1x16xf32>,
      %parallel_loop3A_510 = vector.shape_cast %parallel_loop3A_509 : vector<1x16xf32> to vector<16xf32>
      %parallel_loop3A_511 = arith.addf %parallel_loop3A_483, %parallel_loop3A_510 : vector<16xf32>
      %parallel_loop3A_512 = arith.constant 0 : i32
      %parallel_loop3A_513 = arith.addi %parallel_loop3A_486, %parallel_loop3A_512 : i32
      %parallel_loop3A_514 = arith.constant 3 : i32
      %parallel_loop3A_515 = arith.addi %parallel_loop3A_513, %parallel_loop3A_514 : i32
      %parallel_loop3A_516 = arith.index_cast %parallel_loop3A_515 : i32 to index
      %parallel_loop3A_517 = arith.constant 0 : index
      %parallel_loop3A_518 = tpu.vector_load %arg9[%parallel_loop3A_516, %parallel_loop3A_517] {strides = array<i32>} : memref<200x16xf32, #tpu.memory_space<vmem>>, vector<1x16xf32>,
      %parallel_loop3A_519 = vector.shape_cast %parallel_loop3A_518 : vector<1x16xf32> to vector<16xf32>
      %parallel_loop3A_520 = arith.addf %parallel_loop3A_484, %parallel_loop3A_519 : vector<16xf32>
      %parallel_loop3A_521 = arith.constant 4 : i32
      %parallel_loop3A_522 = arith.addi %parallel_loop3A_486, %parallel_loop3A_521 : i32
      %parallel_loop3A_523 = arith.index_cast %parallel_loop3A_522 : i32 to index
      %parallel_loop3A_524 = arith.constant 0 : index
      %parallel_loop3A_525 = tpu.vector_load %arg9[%parallel_loop3A_523, %parallel_loop3A_524] {strides = array<i32>} : memref<200x16xf32, #tpu.memory_space<vmem>>, vector<1x16xf32>,
      %parallel_loop3A_526 = vector.shape_cast %parallel_loop3A_525 : vector<1x16xf32> to vector<16xf32>
      %parallel_loop3A_527 = arith.addf %parallel_loop3A_493, %parallel_loop3A_526 : vector<16xf32>
      %parallel_loop3A_528 = arith.constant 4 : i32
      %parallel_loop3A_529 = arith.addi %parallel_loop3A_486, %parallel_loop3A_528 : i32
      %parallel_loop3A_530 = arith.constant 1 : i32
      %parallel_loop3A_531 = arith.addi %parallel_loop3A_529, %parallel_loop3A_530 : i32
      %parallel_loop3A_532 = arith.index_cast %parallel_loop3A_531 : i32 to index
      %parallel_loop3A_533 = arith.constant 0 : index
      %parallel_loop3A_534 = tpu.vector_load %arg9[%parallel_loop3A_532, %parallel_loop3A_533] {strides = array<i32>} : memref<200x16xf32, #tpu.memory_space<vmem>>, vector<1x16xf32>,
      %parallel_loop3A_535 = vector.shape_cast %parallel_loop3A_534 : vector<1x16xf32> to vector<16xf32>
      %parallel_loop3A_536 = arith.addf %parallel_loop3A_502, %parallel_loop3A_535 : vector<16xf32>
      %parallel_loop3A_537 = arith.constant 4 : i32
      %parallel_loop3A_538 = arith.addi %parallel_loop3A_486, %parallel_loop3A_537 : i32
      %parallel_loop3A_539 = arith.constant 2 : i32
      %parallel_loop3A_540 = arith.addi %parallel_loop3A_538, %parallel_loop3A_539 : i32
      %parallel_loop3A_541 = arith.index_cast %parallel_loop3A_540 : i32 to index
      %parallel_loop3A_542 = arith.constant 0 : index
      %parallel_loop3A_543 = tpu.vector_load %arg9[%parallel_loop3A_541, %parallel_loop3A_542] {strides = array<i32>} : memref<200x16xf32, #tpu.memory_space<vmem>>, vector<1x16xf32>,
      %parallel_loop3A_544 = vector.shape_cast %parallel_loop3A_543 : vector<1x16xf32> to vector<16xf32>
      %parallel_loop3A_545 = arith.addf %parallel_loop3A_511, %parallel_loop3A_544 : vector<16xf32>
      %parallel_loop3A_546 = arith.constant 4 : i32
      %parallel_loop3A_547 = arith.addi %parallel_loop3A_486, %parallel_loop3A_546 : i32
      %parallel_loop3A_548 = arith.constant 3 : i32
      %parallel_loop3A_549 = arith.addi %parallel_loop3A_547, %parallel_loop3A_548 : i32
      %parallel_loop3A_550 = arith.index_cast %parallel_loop3A_549 : i32 to index
      %parallel_loop3A_551 = arith.constant 0 : index
      %parallel_loop3A_552 = tpu.vector_load %arg9[%parallel_loop3A_550, %parallel_loop3A_551] {strides = array<i32>} : memref<200x16xf32, #tpu.memory_space<vmem>>, vector<1x16xf32>,
      %parallel_loop3A_553 = vector.shape_cast %parallel_loop3A_552 : vector<1x16xf32> to vector<16xf32>
      %parallel_loop3A_554 = arith.addf %parallel_loop3A_520, %parallel_loop3A_553 : vector<16xf32>
      scf.yield %parallel_loop3A_527, %parallel_loop3A_536, %parallel_loop3A_545, %parallel_loop3A_554 : vector<16xf32>, vector<16xf32>, vector<16xf32>, vector<16xf32>
    } {sc.loop_unroll_factor = 4 : i64, sc.parallel_access}
    %add3A_240 = arith.addf %parallel_loop3A_239#0, %parallel_loop3A_239#1 : vector<16xf32>
    %add3A_241 = arith.addf %parallel_loop3A_239#2, %parallel_loop3A_239#3 : vector<16xf32>
    %add3A_242 = arith.addf %add3A_240, %add3A_241 : vector<16xf32>
    %mul3A_243 = vector.broadcast %squeeze3A : f32 to vector<16xf32>
    %mul3A_244 = arith.mulf %add3A_242, %mul3A_243 : vector<16xf32>
    %add3A_245 = arith.addf %mul3A_244, %get3A_7 : vector<16xf32>
    %swap3A_246 = arith.constant 121 : i32
    %swap3A_247 = arith.index_cast %swap3A_246 : i32 to index
    %swap3A_248 = arith.constant 0 : index
    %swap3A_249 = tpu.vector_load %arg16[%swap3A_247, %swap3A_248] {strides = array<i32>} : memref<128x16xf32, #tpu.memory_space<vmem>>, vector<1x16xf32>,
    %swap3A_250 = vector.shape_cast %swap3A_249 : vector<1x16xf32> to vector<16xf32>
    %swap3A_251 = vector.shape_cast %add3A_245 : vector<16xf32> to vector<1x16xf32>
    tpu.vector_store %arg16[%swap3A_247, %swap3A_248], %swap3A_251 {strides = array<i32>} : memref<128x16xf32, #tpu.memory_space<vmem>>, vector<1x16xf32>,
    %dma_wait3A_252 = arith.constant 122 : i32
    %dma_wait3A_253 = arith.constant 0 : i32
    %dma_wait3A_254 = arith.constant 0 : i32
    %dma_wait3A_255 = tpu.memref_slice %arg10[%dma_wait3A_253, %dma_wait3A_254] : memref<200x16xf32, #tpu.memory_space<vmem>> -> memref<128x16xf32, #tpu.memory_space<vmem>>
    %dma_wait3A_256 = arith.constant 0 : i32
    %dma_wait3A_257 = tpu.memref_slice %arg7[%dma_wait3A_252, %dma_wait3A_256] : memref<128x200xi32, #tpu.memory_space<vmem>> -> memref<1x128xi32, #tpu.memory_space<vmem>>
    %dma_wait3A_258 = tpu.memref_squeeze %dma_wait3A_257 : memref<1x128xi32, #tpu.memory_space<vmem>> -> memref<128xi32, #tpu.memory_space<vmem>>
    %dma_wait3A_259 = arith.constant 0 : i32
    %dma_wait3A_260 = arith.constant 0 : i32
    %dma_wait3A_261 = tpu.memref_slice %arg3[%dma_wait3A_259, %dma_wait3A_260] : memref<1015808x16xf32, #tpu.memory_space<hbm>> -> memref<1015808x16xf32, #tpu.memory_space<hbm>>
    tpu.wait_indirect_dma semaphore(%arg20 : memref<!tpu.dma_semaphore, #tpu.memory_space<semaphore_mem>>) src(%dma_wait3A_261 : memref<1015808x16xf32, #tpu.memory_space<hbm>>) dst(%dma_wait3A_255 : memref<128x16xf32, #tpu.memory_space<vmem>>)
    %dma_wait3A_262 = arith.constant 122 : i32
    %dma_wait3A_263 = arith.constant 128 : i32
    %dma_wait3A_264 = arith.constant 0 : i32
    %dma_wait3A_265 = tpu.memref_slice %arg10[%dma_wait3A_263, %dma_wait3A_264] : memref<200x16xf32, #tpu.memory_space<vmem>> -> memref<72x16xf32, #tpu.memory_space<vmem>>
    %dma_wait3A_266 = arith.constant 128 : i32
    %dma_wait3A_267 = tpu.memref_slice %arg7[%dma_wait3A_262, %dma_wait3A_266] : memref<128x200xi32, #tpu.memory_space<vmem>> -> memref<1x72xi32, #tpu.memory_space<vmem>>
    %dma_wait3A_268 = tpu.memref_squeeze %dma_wait3A_267 : memref<1x72xi32, #tpu.memory_space<vmem>> -> memref<72xi32, #tpu.memory_space<vmem>>
    %dma_wait3A_269 = arith.constant 0 : i32
    %dma_wait3A_270 = arith.constant 0 : i32
    %dma_wait3A_271 = tpu.memref_slice %arg3[%dma_wait3A_269, %dma_wait3A_270] : memref<1015808x16xf32, #tpu.memory_space<hbm>> -> memref<1015808x16xf32, #tpu.memory_space<hbm>>
    tpu.wait_indirect_dma semaphore(%arg20 : memref<!tpu.dma_semaphore, #tpu.memory_space<semaphore_mem>>) src(%dma_wait3A_271 : memref<1015808x16xf32, #tpu.memory_space<hbm>>) dst(%dma_wait3A_265 : memref<72x16xf32, #tpu.memory_space<vmem>>)
    %broadcast_in_dim3A_272 = arith.constant 0.000000e+00 : f32
    %broadcast_in_dim3A_273 = vector.broadcast %broadcast_in_dim3A_272 : f32 to vector<16xf32>
    %parallel_loop3A_274 = arith.constant 0 : i32
    %parallel_loop3A_275 = arith.constant 25 : i32
    %parallel_loop3A_276 = arith.constant 1 : i32
    %parallel_loop3A_277:4 = scf.for %parallel_loop3A_480 = %parallel_loop3A_274 to %parallel_loop3A_275 step %parallel_loop3A_276 iter_args(%parallel_loop3A_481 = %broadcast_in_dim3A_273, %parallel_loop3A_482 = %broadcast_in_dim3A_273, %parallel_loop3A_483 = %broadcast_in_dim3A_273, %parallel_loop3A_484 = %broadcast_in_dim3A_273) -> (vector<16xf32>, vector<16xf32>, vector<16xf32>, vector<16xf32>)  : i32 {
      %parallel_loop3A_485 = arith.constant 8 : i32
      %parallel_loop3A_486 = arith.muli %parallel_loop3A_480, %parallel_loop3A_485 : i32
      %parallel_loop3A_487 = arith.constant 0 : i32
      %parallel_loop3A_488 = arith.addi %parallel_loop3A_486, %parallel_loop3A_487 : i32
      %parallel_loop3A_489 = arith.index_cast %parallel_loop3A_488 : i32 to index
      %parallel_loop3A_490 = arith.constant 0 : index
      %parallel_loop3A_491 = tpu.vector_load %arg10[%parallel_loop3A_489, %parallel_loop3A_490] {strides = array<i32>} : memref<200x16xf32, #tpu.memory_space<vmem>>, vector<1x16xf32>,
      %parallel_loop3A_492 = vector.shape_cast %parallel_loop3A_491 : vector<1x16xf32> to vector<16xf32>
      %parallel_loop3A_493 = arith.addf %parallel_loop3A_481, %parallel_loop3A_492 : vector<16xf32>
      %parallel_loop3A_494 = arith.constant 0 : i32
      %parallel_loop3A_495 = arith.addi %parallel_loop3A_486, %parallel_loop3A_494 : i32
      %parallel_loop3A_496 = arith.constant 1 : i32
      %parallel_loop3A_497 = arith.addi %parallel_loop3A_495, %parallel_loop3A_496 : i32
      %parallel_loop3A_498 = arith.index_cast %parallel_loop3A_497 : i32 to index
      %parallel_loop3A_499 = arith.constant 0 : index
      %parallel_loop3A_500 = tpu.vector_load %arg10[%parallel_loop3A_498, %parallel_loop3A_499] {strides = array<i32>} : memref<200x16xf32, #tpu.memory_space<vmem>>, vector<1x16xf32>,
      %parallel_loop3A_501 = vector.shape_cast %parallel_loop3A_500 : vector<1x16xf32> to vector<16xf32>
      %parallel_loop3A_502 = arith.addf %parallel_loop3A_482, %parallel_loop3A_501 : vector<16xf32>
      %parallel_loop3A_503 = arith.constant 0 : i32
      %parallel_loop3A_504 = arith.addi %parallel_loop3A_486, %parallel_loop3A_503 : i32
      %parallel_loop3A_505 = arith.constant 2 : i32
      %parallel_loop3A_506 = arith.addi %parallel_loop3A_504, %parallel_loop3A_505 : i32
      %parallel_loop3A_507 = arith.index_cast %parallel_loop3A_506 : i32 to index
      %parallel_loop3A_508 = arith.constant 0 : index
      %parallel_loop3A_509 = tpu.vector_load %arg10[%parallel_loop3A_507, %parallel_loop3A_508] {strides = array<i32>} : memref<200x16xf32, #tpu.memory_space<vmem>>, vector<1x16xf32>,
      %parallel_loop3A_510 = vector.shape_cast %parallel_loop3A_509 : vector<1x16xf32> to vector<16xf32>
      %parallel_loop3A_511 = arith.addf %parallel_loop3A_483, %parallel_loop3A_510 : vector<16xf32>
      %parallel_loop3A_512 = arith.constant 0 : i32
      %parallel_loop3A_513 = arith.addi %parallel_loop3A_486, %parallel_loop3A_512 : i32
      %parallel_loop3A_514 = arith.constant 3 : i32
      %parallel_loop3A_515 = arith.addi %parallel_loop3A_513, %parallel_loop3A_514 : i32
      %parallel_loop3A_516 = arith.index_cast %parallel_loop3A_515 : i32 to index
      %parallel_loop3A_517 = arith.constant 0 : index
      %parallel_loop3A_518 = tpu.vector_load %arg10[%parallel_loop3A_516, %parallel_loop3A_517] {strides = array<i32>} : memref<200x16xf32, #tpu.memory_space<vmem>>, vector<1x16xf32>,
      %parallel_loop3A_519 = vector.shape_cast %parallel_loop3A_518 : vector<1x16xf32> to vector<16xf32>
      %parallel_loop3A_520 = arith.addf %parallel_loop3A_484, %parallel_loop3A_519 : vector<16xf32>
      %parallel_loop3A_521 = arith.constant 4 : i32
      %parallel_loop3A_522 = arith.addi %parallel_loop3A_486, %parallel_loop3A_521 : i32
      %parallel_loop3A_523 = arith.index_cast %parallel_loop3A_522 : i32 to index
      %parallel_loop3A_524 = arith.constant 0 : index
      %parallel_loop3A_525 = tpu.vector_load %arg10[%parallel_loop3A_523, %parallel_loop3A_524] {strides = array<i32>} : memref<200x16xf32, #tpu.memory_space<vmem>>, vector<1x16xf32>,
      %parallel_loop3A_526 = vector.shape_cast %parallel_loop3A_525 : vector<1x16xf32> to vector<16xf32>
      %parallel_loop3A_527 = arith.addf %parallel_loop3A_493, %parallel_loop3A_526 : vector<16xf32>
      %parallel_loop3A_528 = arith.constant 4 : i32
      %parallel_loop3A_529 = arith.addi %parallel_loop3A_486, %parallel_loop3A_528 : i32
      %parallel_loop3A_530 = arith.constant 1 : i32
      %parallel_loop3A_531 = arith.addi %parallel_loop3A_529, %parallel_loop3A_530 : i32
      %parallel_loop3A_532 = arith.index_cast %parallel_loop3A_531 : i32 to index
      %parallel_loop3A_533 = arith.constant 0 : index
      %parallel_loop3A_534 = tpu.vector_load %arg10[%parallel_loop3A_532, %parallel_loop3A_533] {strides = array<i32>} : memref<200x16xf32, #tpu.memory_space<vmem>>, vector<1x16xf32>,
      %parallel_loop3A_535 = vector.shape_cast %parallel_loop3A_534 : vector<1x16xf32> to vector<16xf32>
      %parallel_loop3A_536 = arith.addf %parallel_loop3A_502, %parallel_loop3A_535 : vector<16xf32>
      %parallel_loop3A_537 = arith.constant 4 : i32
      %parallel_loop3A_538 = arith.addi %parallel_loop3A_486, %parallel_loop3A_537 : i32
      %parallel_loop3A_539 = arith.constant 2 : i32
      %parallel_loop3A_540 = arith.addi %parallel_loop3A_538, %parallel_loop3A_539 : i32
      %parallel_loop3A_541 = arith.index_cast %parallel_loop3A_540 : i32 to index
      %parallel_loop3A_542 = arith.constant 0 : index
      %parallel_loop3A_543 = tpu.vector_load %arg10[%parallel_loop3A_541, %parallel_loop3A_542] {strides = array<i32>} : memref<200x16xf32, #tpu.memory_space<vmem>>, vector<1x16xf32>,
      %parallel_loop3A_544 = vector.shape_cast %parallel_loop3A_543 : vector<1x16xf32> to vector<16xf32>
      %parallel_loop3A_545 = arith.addf %parallel_loop3A_511, %parallel_loop3A_544 : vector<16xf32>
      %parallel_loop3A_546 = arith.constant 4 : i32
      %parallel_loop3A_547 = arith.addi %parallel_loop3A_486, %parallel_loop3A_546 : i32
      %parallel_loop3A_548 = arith.constant 3 : i32
      %parallel_loop3A_549 = arith.addi %parallel_loop3A_547, %parallel_loop3A_548 : i32
      %parallel_loop3A_550 = arith.index_cast %parallel_loop3A_549 : i32 to index
      %parallel_loop3A_551 = arith.constant 0 : index
      %parallel_loop3A_552 = tpu.vector_load %arg10[%parallel_loop3A_550, %parallel_loop3A_551] {strides = array<i32>} : memref<200x16xf32, #tpu.memory_space<vmem>>, vector<1x16xf32>,
      %parallel_loop3A_553 = vector.shape_cast %parallel_loop3A_552 : vector<1x16xf32> to vector<16xf32>
      %parallel_loop3A_554 = arith.addf %parallel_loop3A_520, %parallel_loop3A_553 : vector<16xf32>
      scf.yield %parallel_loop3A_527, %parallel_loop3A_536, %parallel_loop3A_545, %parallel_loop3A_554 : vector<16xf32>, vector<16xf32>, vector<16xf32>, vector<16xf32>
    } {sc.loop_unroll_factor = 4 : i64, sc.parallel_access}
    %add3A_278 = arith.addf %parallel_loop3A_277#0, %parallel_loop3A_277#1 : vector<16xf32>
    %add3A_279 = arith.addf %parallel_loop3A_277#2, %parallel_loop3A_277#3 : vector<16xf32>
    %add3A_280 = arith.addf %add3A_278, %add3A_279 : vector<16xf32>
    %mul3A_281 = vector.broadcast %squeeze3A : f32 to vector<16xf32>
    %mul3A_282 = arith.mulf %add3A_280, %mul3A_281 : vector<16xf32>
    %add3A_283 = arith.addf %mul3A_282, %get3A_7 : vector<16xf32>
    %swap3A_284 = arith.constant 122 : i32
    %swap3A_285 = arith.index_cast %swap3A_284 : i32 to index
    %swap3A_286 = arith.constant 0 : index
    %swap3A_287 = tpu.vector_load %arg16[%swap3A_285, %swap3A_286] {strides = array<i32>} : memref<128x16xf32, #tpu.memory_space<vmem>>, vector<1x16xf32>,
    %swap3A_288 = vector.shape_cast %swap3A_287 : vector<1x16xf32> to vector<16xf32>
    %swap3A_289 = vector.shape_cast %add3A_283 : vector<16xf32> to vector<1x16xf32>
    tpu.vector_store %arg16[%swap3A_285, %swap3A_286], %swap3A_289 {strides = array<i32>} : memref<128x16xf32, #tpu.memory_space<vmem>>, vector<1x16xf32>,
    %dma_wait3A_290 = arith.constant 123 : i32
    %dma_wait3A_291 = arith.constant 0 : i32
    %dma_wait3A_292 = arith.constant 0 : i32
    %dma_wait3A_293 = tpu.memref_slice %arg11[%dma_wait3A_291, %dma_wait3A_292] : memref<200x16xf32, #tpu.memory_space<vmem>> -> memref<128x16xf32, #tpu.memory_space<vmem>>
    %dma_wait3A_294 = arith.constant 0 : i32
    %dma_wait3A_295 = tpu.memref_slice %arg7[%dma_wait3A_290, %dma_wait3A_294] : memref<128x200xi32, #tpu.memory_space<vmem>> -> memref<1x128xi32, #tpu.memory_space<vmem>>
    %dma_wait3A_296 = tpu.memref_squeeze %dma_wait3A_295 : memref<1x128xi32, #tpu.memory_space<vmem>> -> memref<128xi32, #tpu.memory_space<vmem>>
    %dma_wait3A_297 = arith.constant 0 : i32
    %dma_wait3A_298 = arith.constant 0 : i32
    %dma_wait3A_299 = tpu.memref_slice %arg3[%dma_wait3A_297, %dma_wait3A_298] : memref<1015808x16xf32, #tpu.memory_space<hbm>> -> memref<1015808x16xf32, #tpu.memory_space<hbm>>
    tpu.wait_indirect_dma semaphore(%arg21 : memref<!tpu.dma_semaphore, #tpu.memory_space<semaphore_mem>>) src(%dma_wait3A_299 : memref<1015808x16xf32, #tpu.memory_space<hbm>>) dst(%dma_wait3A_293 : memref<128x16xf32, #tpu.memory_space<vmem>>)
    %dma_wait3A_300 = arith.constant 123 : i32
    %dma_wait3A_301 = arith.constant 128 : i32
    %dma_wait3A_302 = arith.constant 0 : i32
    %dma_wait3A_303 = tpu.memref_slice %arg11[%dma_wait3A_301, %dma_wait3A_302] : memref<200x16xf32, #tpu.memory_space<vmem>> -> memref<72x16xf32, #tpu.memory_space<vmem>>
    %dma_wait3A_304 = arith.constant 128 : i32
    %dma_wait3A_305 = tpu.memref_slice %arg7[%dma_wait3A_300, %dma_wait3A_304] : memref<128x200xi32, #tpu.memory_space<vmem>> -> memref<1x72xi32, #tpu.memory_space<vmem>>
    %dma_wait3A_306 = tpu.memref_squeeze %dma_wait3A_305 : memref<1x72xi32, #tpu.memory_space<vmem>> -> memref<72xi32, #tpu.memory_space<vmem>>
    %dma_wait3A_307 = arith.constant 0 : i32
    %dma_wait3A_308 = arith.constant 0 : i32
    %dma_wait3A_309 = tpu.memref_slice %arg3[%dma_wait3A_307, %dma_wait3A_308] : memref<1015808x16xf32, #tpu.memory_space<hbm>> -> memref<1015808x16xf32, #tpu.memory_space<hbm>>
    tpu.wait_indirect_dma semaphore(%arg21 : memref<!tpu.dma_semaphore, #tpu.memory_space<semaphore_mem>>) src(%dma_wait3A_309 : memref<1015808x16xf32, #tpu.memory_space<hbm>>) dst(%dma_wait3A_303 : memref<72x16xf32, #tpu.memory_space<vmem>>)
    %broadcast_in_dim3A_310 = arith.constant 0.000000e+00 : f32
    %broadcast_in_dim3A_311 = vector.broadcast %broadcast_in_dim3A_310 : f32 to vector<16xf32>
    %parallel_loop3A_312 = arith.constant 0 : i32
    %parallel_loop3A_313 = arith.constant 25 : i32
    %parallel_loop3A_314 = arith.constant 1 : i32
    %parallel_loop3A_315:4 = scf.for %parallel_loop3A_480 = %parallel_loop3A_312 to %parallel_loop3A_313 step %parallel_loop3A_314 iter_args(%parallel_loop3A_481 = %broadcast_in_dim3A_311, %parallel_loop3A_482 = %broadcast_in_dim3A_311, %parallel_loop3A_483 = %broadcast_in_dim3A_311, %parallel_loop3A_484 = %broadcast_in_dim3A_311) -> (vector<16xf32>, vector<16xf32>, vector<16xf32>, vector<16xf32>)  : i32 {
      %parallel_loop3A_485 = arith.constant 8 : i32
      %parallel_loop3A_486 = arith.muli %parallel_loop3A_480, %parallel_loop3A_485 : i32
      %parallel_loop3A_487 = arith.constant 0 : i32
      %parallel_loop3A_488 = arith.addi %parallel_loop3A_486, %parallel_loop3A_487 : i32
      %parallel_loop3A_489 = arith.index_cast %parallel_loop3A_488 : i32 to index
      %parallel_loop3A_490 = arith.constant 0 : index
      %parallel_loop3A_491 = tpu.vector_load %arg11[%parallel_loop3A_489, %parallel_loop3A_490] {strides = array<i32>} : memref<200x16xf32, #tpu.memory_space<vmem>>, vector<1x16xf32>,
      %parallel_loop3A_492 = vector.shape_cast %parallel_loop3A_491 : vector<1x16xf32> to vector<16xf32>
      %parallel_loop3A_493 = arith.addf %parallel_loop3A_481, %parallel_loop3A_492 : vector<16xf32>
      %parallel_loop3A_494 = arith.constant 0 : i32
      %parallel_loop3A_495 = arith.addi %parallel_loop3A_486, %parallel_loop3A_494 : i32
      %parallel_loop3A_496 = arith.constant 1 : i32
      %parallel_loop3A_497 = arith.addi %parallel_loop3A_495, %parallel_loop3A_496 : i32
      %parallel_loop3A_498 = arith.index_cast %parallel_loop3A_497 : i32 to index
      %parallel_loop3A_499 = arith.constant 0 : index
      %parallel_loop3A_500 = tpu.vector_load %arg11[%parallel_loop3A_498, %parallel_loop3A_499] {strides = array<i32>} : memref<200x16xf32, #tpu.memory_space<vmem>>, vector<1x16xf32>,
      %parallel_loop3A_501 = vector.shape_cast %parallel_loop3A_500 : vector<1x16xf32> to vector<16xf32>
      %parallel_loop3A_502 = arith.addf %parallel_loop3A_482, %parallel_loop3A_501 : vector<16xf32>
      %parallel_loop3A_503 = arith.constant 0 : i32
      %parallel_loop3A_504 = arith.addi %parallel_loop3A_486, %parallel_loop3A_503 : i32
      %parallel_loop3A_505 = arith.constant 2 : i32
      %parallel_loop3A_506 = arith.addi %parallel_loop3A_504, %parallel_loop3A_505 : i32
      %parallel_loop3A_507 = arith.index_cast %parallel_loop3A_506 : i32 to index
      %parallel_loop3A_508 = arith.constant 0 : index
      %parallel_loop3A_509 = tpu.vector_load %arg11[%parallel_loop3A_507, %parallel_loop3A_508] {strides = array<i32>} : memref<200x16xf32, #tpu.memory_space<vmem>>, vector<1x16xf32>,
      %parallel_loop3A_510 = vector.shape_cast %parallel_loop3A_509 : vector<1x16xf32> to vector<16xf32>
      %parallel_loop3A_511 = arith.addf %parallel_loop3A_483, %parallel_loop3A_510 : vector<16xf32>
      %parallel_loop3A_512 = arith.constant 0 : i32
      %parallel_loop3A_513 = arith.addi %parallel_loop3A_486, %parallel_loop3A_512 : i32
      %parallel_loop3A_514 = arith.constant 3 : i32
      %parallel_loop3A_515 = arith.addi %parallel_loop3A_513, %parallel_loop3A_514 : i32
      %parallel_loop3A_516 = arith.index_cast %parallel_loop3A_515 : i32 to index
      %parallel_loop3A_517 = arith.constant 0 : index
      %parallel_loop3A_518 = tpu.vector_load %arg11[%parallel_loop3A_516, %parallel_loop3A_517] {strides = array<i32>} : memref<200x16xf32, #tpu.memory_space<vmem>>, vector<1x16xf32>,
      %parallel_loop3A_519 = vector.shape_cast %parallel_loop3A_518 : vector<1x16xf32> to vector<16xf32>
      %parallel_loop3A_520 = arith.addf %parallel_loop3A_484, %parallel_loop3A_519 : vector<16xf32>
      %parallel_loop3A_521 = arith.constant 4 : i32
      %parallel_loop3A_522 = arith.addi %parallel_loop3A_486, %parallel_loop3A_521 : i32
      %parallel_loop3A_523 = arith.index_cast %parallel_loop3A_522 : i32 to index
      %parallel_loop3A_524 = arith.constant 0 : index
      %parallel_loop3A_525 = tpu.vector_load %arg11[%parallel_loop3A_523, %parallel_loop3A_524] {strides = array<i32>} : memref<200x16xf32, #tpu.memory_space<vmem>>, vector<1x16xf32>,
      %parallel_loop3A_526 = vector.shape_cast %parallel_loop3A_525 : vector<1x16xf32> to vector<16xf32>
      %parallel_loop3A_527 = arith.addf %parallel_loop3A_493, %parallel_loop3A_526 : vector<16xf32>
      %parallel_loop3A_528 = arith.constant 4 : i32
      %parallel_loop3A_529 = arith.addi %parallel_loop3A_486, %parallel_loop3A_528 : i32
      %parallel_loop3A_530 = arith.constant 1 : i32
      %parallel_loop3A_531 = arith.addi %parallel_loop3A_529, %parallel_loop3A_530 : i32
      %parallel_loop3A_532 = arith.index_cast %parallel_loop3A_531 : i32 to index
      %parallel_loop3A_533 = arith.constant 0 : index
      %parallel_loop3A_534 = tpu.vector_load %arg11[%parallel_loop3A_532, %parallel_loop3A_533] {strides = array<i32>} : memref<200x16xf32, #tpu.memory_space<vmem>>, vector<1x16xf32>,
      %parallel_loop3A_535 = vector.shape_cast %parallel_loop3A_534 : vector<1x16xf32> to vector<16xf32>
      %parallel_loop3A_536 = arith.addf %parallel_loop3A_502, %parallel_loop3A_535 : vector<16xf32>
      %parallel_loop3A_537 = arith.constant 4 : i32
      %parallel_loop3A_538 = arith.addi %parallel_loop3A_486, %parallel_loop3A_537 : i32
      %parallel_loop3A_539 = arith.constant 2 : i32
      %parallel_loop3A_540 = arith.addi %parallel_loop3A_538, %parallel_loop3A_539 : i32
      %parallel_loop3A_541 = arith.index_cast %parallel_loop3A_540 : i32 to index
      %parallel_loop3A_542 = arith.constant 0 : index
      %parallel_loop3A_543 = tpu.vector_load %arg11[%parallel_loop3A_541, %parallel_loop3A_542] {strides = array<i32>} : memref<200x16xf32, #tpu.memory_space<vmem>>, vector<1x16xf32>,
      %parallel_loop3A_544 = vector.shape_cast %parallel_loop3A_543 : vector<1x16xf32> to vector<16xf32>
      %parallel_loop3A_545 = arith.addf %parallel_loop3A_511, %parallel_loop3A_544 : vector<16xf32>
      %parallel_loop3A_546 = arith.constant 4 : i32
      %parallel_loop3A_547 = arith.addi %parallel_loop3A_486, %parallel_loop3A_546 : i32
      %parallel_loop3A_548 = arith.constant 3 : i32
      %parallel_loop3A_549 = arith.addi %parallel_loop3A_547, %parallel_loop3A_548 : i32
      %parallel_loop3A_550 = arith.index_cast %parallel_loop3A_549 : i32 to index
      %parallel_loop3A_551 = arith.constant 0 : index
      %parallel_loop3A_552 = tpu.vector_load %arg11[%parallel_loop3A_550, %parallel_loop3A_551] {strides = array<i32>} : memref<200x16xf32, #tpu.memory_space<vmem>>, vector<1x16xf32>,
      %parallel_loop3A_553 = vector.shape_cast %parallel_loop3A_552 : vector<1x16xf32> to vector<16xf32>
      %parallel_loop3A_554 = arith.addf %parallel_loop3A_520, %parallel_loop3A_553 : vector<16xf32>
      scf.yield %parallel_loop3A_527, %parallel_loop3A_536, %parallel_loop3A_545, %parallel_loop3A_554 : vector<16xf32>, vector<16xf32>, vector<16xf32>, vector<16xf32>
    } {sc.loop_unroll_factor = 4 : i64, sc.parallel_access}
    %add3A_316 = arith.addf %parallel_loop3A_315#0, %parallel_loop3A_315#1 : vector<16xf32>
    %add3A_317 = arith.addf %parallel_loop3A_315#2, %parallel_loop3A_315#3 : vector<16xf32>
    %add3A_318 = arith.addf %add3A_316, %add3A_317 : vector<16xf32>
    %mul3A_319 = vector.broadcast %squeeze3A : f32 to vector<16xf32>
    %mul3A_320 = arith.mulf %add3A_318, %mul3A_319 : vector<16xf32>
    %add3A_321 = arith.addf %mul3A_320, %get3A_7 : vector<16xf32>
    %swap3A_322 = arith.constant 123 : i32
    %swap3A_323 = arith.index_cast %swap3A_322 : i32 to index
    %swap3A_324 = arith.constant 0 : index
    %swap3A_325 = tpu.vector_load %arg16[%swap3A_323, %swap3A_324] {strides = array<i32>} : memref<128x16xf32, #tpu.memory_space<vmem>>, vector<1x16xf32>,
    %swap3A_326 = vector.shape_cast %swap3A_325 : vector<1x16xf32> to vector<16xf32>
    %swap3A_327 = vector.shape_cast %add3A_321 : vector<16xf32> to vector<1x16xf32>
    tpu.vector_store %arg16[%swap3A_323, %swap3A_324], %swap3A_327 {strides = array<i32>} : memref<128x16xf32, #tpu.memory_space<vmem>>, vector<1x16xf32>,
    %dma_wait3A_328 = arith.constant 124 : i32
    %dma_wait3A_329 = arith.constant 0 : i32
    %dma_wait3A_330 = arith.constant 0 : i32
    %dma_wait3A_331 = tpu.memref_slice %arg12[%dma_wait3A_329, %dma_wait3A_330] : memref<200x16xf32, #tpu.memory_space<vmem>> -> memref<128x16xf32, #tpu.memory_space<vmem>>
    %dma_wait3A_332 = arith.constant 0 : i32
    %dma_wait3A_333 = tpu.memref_slice %arg7[%dma_wait3A_328, %dma_wait3A_332] : memref<128x200xi32, #tpu.memory_space<vmem>> -> memref<1x128xi32, #tpu.memory_space<vmem>>
    %dma_wait3A_334 = tpu.memref_squeeze %dma_wait3A_333 : memref<1x128xi32, #tpu.memory_space<vmem>> -> memref<128xi32, #tpu.memory_space<vmem>>
    %dma_wait3A_335 = arith.constant 0 : i32
    %dma_wait3A_336 = arith.constant 0 : i32
    %dma_wait3A_337 = tpu.memref_slice %arg3[%dma_wait3A_335, %dma_wait3A_336] : memref<1015808x16xf32, #tpu.memory_space<hbm>> -> memref<1015808x16xf32, #tpu.memory_space<hbm>>
    tpu.wait_indirect_dma semaphore(%arg22 : memref<!tpu.dma_semaphore, #tpu.memory_space<semaphore_mem>>) src(%dma_wait3A_337 : memref<1015808x16xf32, #tpu.memory_space<hbm>>) dst(%dma_wait3A_331 : memref<128x16xf32, #tpu.memory_space<vmem>>)
    %dma_wait3A_338 = arith.constant 124 : i32
    %dma_wait3A_339 = arith.constant 128 : i32
    %dma_wait3A_340 = arith.constant 0 : i32
    %dma_wait3A_341 = tpu.memref_slice %arg12[%dma_wait3A_339, %dma_wait3A_340] : memref<200x16xf32, #tpu.memory_space<vmem>> -> memref<72x16xf32, #tpu.memory_space<vmem>>
    %dma_wait3A_342 = arith.constant 128 : i32
    %dma_wait3A_343 = tpu.memref_slice %arg7[%dma_wait3A_338, %dma_wait3A_342] : memref<128x200xi32, #tpu.memory_space<vmem>> -> memref<1x72xi32, #tpu.memory_space<vmem>>
    %dma_wait3A_344 = tpu.memref_squeeze %dma_wait3A_343 : memref<1x72xi32, #tpu.memory_space<vmem>> -> memref<72xi32, #tpu.memory_space<vmem>>
    %dma_wait3A_345 = arith.constant 0 : i32
    %dma_wait3A_346 = arith.constant 0 : i32
    %dma_wait3A_347 = tpu.memref_slice %arg3[%dma_wait3A_345, %dma_wait3A_346] : memref<1015808x16xf32, #tpu.memory_space<hbm>> -> memref<1015808x16xf32, #tpu.memory_space<hbm>>
    tpu.wait_indirect_dma semaphore(%arg22 : memref<!tpu.dma_semaphore, #tpu.memory_space<semaphore_mem>>) src(%dma_wait3A_347 : memref<1015808x16xf32, #tpu.memory_space<hbm>>) dst(%dma_wait3A_341 : memref<72x16xf32, #tpu.memory_space<vmem>>)
    %broadcast_in_dim3A_348 = arith.constant 0.000000e+00 : f32
    %broadcast_in_dim3A_349 = vector.broadcast %broadcast_in_dim3A_348 : f32 to vector<16xf32>
    %parallel_loop3A_350 = arith.constant 0 : i32
    %parallel_loop3A_351 = arith.constant 25 : i32
    %parallel_loop3A_352 = arith.constant 1 : i32
    %parallel_loop3A_353:4 = scf.for %parallel_loop3A_480 = %parallel_loop3A_350 to %parallel_loop3A_351 step %parallel_loop3A_352 iter_args(%parallel_loop3A_481 = %broadcast_in_dim3A_349, %parallel_loop3A_482 = %broadcast_in_dim3A_349, %parallel_loop3A_483 = %broadcast_in_dim3A_349, %parallel_loop3A_484 = %broadcast_in_dim3A_349) -> (vector<16xf32>, vector<16xf32>, vector<16xf32>, vector<16xf32>)  : i32 {
      %parallel_loop3A_485 = arith.constant 8 : i32
      %parallel_loop3A_486 = arith.muli %parallel_loop3A_480, %parallel_loop3A_485 : i32
      %parallel_loop3A_487 = arith.constant 0 : i32
      %parallel_loop3A_488 = arith.addi %parallel_loop3A_486, %parallel_loop3A_487 : i32
      %parallel_loop3A_489 = arith.index_cast %parallel_loop3A_488 : i32 to index
      %parallel_loop3A_490 = arith.constant 0 : index
      %parallel_loop3A_491 = tpu.vector_load %arg12[%parallel_loop3A_489, %parallel_loop3A_490] {strides = array<i32>} : memref<200x16xf32, #tpu.memory_space<vmem>>, vector<1x16xf32>,
      %parallel_loop3A_492 = vector.shape_cast %parallel_loop3A_491 : vector<1x16xf32> to vector<16xf32>
      %parallel_loop3A_493 = arith.addf %parallel_loop3A_481, %parallel_loop3A_492 : vector<16xf32>
      %parallel_loop3A_494 = arith.constant 0 : i32
      %parallel_loop3A_495 = arith.addi %parallel_loop3A_486, %parallel_loop3A_494 : i32
      %parallel_loop3A_496 = arith.constant 1 : i32
      %parallel_loop3A_497 = arith.addi %parallel_loop3A_495, %parallel_loop3A_496 : i32
      %parallel_loop3A_498 = arith.index_cast %parallel_loop3A_497 : i32 to index
      %parallel_loop3A_499 = arith.constant 0 : index
      %parallel_loop3A_500 = tpu.vector_load %arg12[%parallel_loop3A_498, %parallel_loop3A_499] {strides = array<i32>} : memref<200x16xf32, #tpu.memory_space<vmem>>, vector<1x16xf32>,
      %parallel_loop3A_501 = vector.shape_cast %parallel_loop3A_500 : vector<1x16xf32> to vector<16xf32>
      %parallel_loop3A_502 = arith.addf %parallel_loop3A_482, %parallel_loop3A_501 : vector<16xf32>
      %parallel_loop3A_503 = arith.constant 0 : i32
      %parallel_loop3A_504 = arith.addi %parallel_loop3A_486, %parallel_loop3A_503 : i32
      %parallel_loop3A_505 = arith.constant 2 : i32
      %parallel_loop3A_506 = arith.addi %parallel_loop3A_504, %parallel_loop3A_505 : i32
      %parallel_loop3A_507 = arith.index_cast %parallel_loop3A_506 : i32 to index
      %parallel_loop3A_508 = arith.constant 0 : index
      %parallel_loop3A_509 = tpu.vector_load %arg12[%parallel_loop3A_507, %parallel_loop3A_508] {strides = array<i32>} : memref<200x16xf32, #tpu.memory_space<vmem>>, vector<1x16xf32>,
      %parallel_loop3A_510 = vector.shape_cast %parallel_loop3A_509 : vector<1x16xf32> to vector<16xf32>
      %parallel_loop3A_511 = arith.addf %parallel_loop3A_483, %parallel_loop3A_510 : vector<16xf32>
      %parallel_loop3A_512 = arith.constant 0 : i32
      %parallel_loop3A_513 = arith.addi %parallel_loop3A_486, %parallel_loop3A_512 : i32
      %parallel_loop3A_514 = arith.constant 3 : i32
      %parallel_loop3A_515 = arith.addi %parallel_loop3A_513, %parallel_loop3A_514 : i32
      %parallel_loop3A_516 = arith.index_cast %parallel_loop3A_515 : i32 to index
      %parallel_loop3A_517 = arith.constant 0 : index
      %parallel_loop3A_518 = tpu.vector_load %arg12[%parallel_loop3A_516, %parallel_loop3A_517] {strides = array<i32>} : memref<200x16xf32, #tpu.memory_space<vmem>>, vector<1x16xf32>,
      %parallel_loop3A_519 = vector.shape_cast %parallel_loop3A_518 : vector<1x16xf32> to vector<16xf32>
      %parallel_loop3A_520 = arith.addf %parallel_loop3A_484, %parallel_loop3A_519 : vector<16xf32>
      %parallel_loop3A_521 = arith.constant 4 : i32
      %parallel_loop3A_522 = arith.addi %parallel_loop3A_486, %parallel_loop3A_521 : i32
      %parallel_loop3A_523 = arith.index_cast %parallel_loop3A_522 : i32 to index
      %parallel_loop3A_524 = arith.constant 0 : index
      %parallel_loop3A_525 = tpu.vector_load %arg12[%parallel_loop3A_523, %parallel_loop3A_524] {strides = array<i32>} : memref<200x16xf32, #tpu.memory_space<vmem>>, vector<1x16xf32>,
      %parallel_loop3A_526 = vector.shape_cast %parallel_loop3A_525 : vector<1x16xf32> to vector<16xf32>
      %parallel_loop3A_527 = arith.addf %parallel_loop3A_493, %parallel_loop3A_526 : vector<16xf32>
      %parallel_loop3A_528 = arith.constant 4 : i32
      %parallel_loop3A_529 = arith.addi %parallel_loop3A_486, %parallel_loop3A_528 : i32
      %parallel_loop3A_530 = arith.constant 1 : i32
      %parallel_loop3A_531 = arith.addi %parallel_loop3A_529, %parallel_loop3A_530 : i32
      %parallel_loop3A_532 = arith.index_cast %parallel_loop3A_531 : i32 to index
      %parallel_loop3A_533 = arith.constant 0 : index
      %parallel_loop3A_534 = tpu.vector_load %arg12[%parallel_loop3A_532, %parallel_loop3A_533] {strides = array<i32>} : memref<200x16xf32, #tpu.memory_space<vmem>>, vector<1x16xf32>,
      %parallel_loop3A_535 = vector.shape_cast %parallel_loop3A_534 : vector<1x16xf32> to vector<16xf32>
      %parallel_loop3A_536 = arith.addf %parallel_loop3A_502, %parallel_loop3A_535 : vector<16xf32>
      %parallel_loop3A_537 = arith.constant 4 : i32
      %parallel_loop3A_538 = arith.addi %parallel_loop3A_486, %parallel_loop3A_537 : i32
      %parallel_loop3A_539 = arith.constant 2 : i32
      %parallel_loop3A_540 = arith.addi %parallel_loop3A_538, %parallel_loop3A_539 : i32
      %parallel_loop3A_541 = arith.index_cast %parallel_loop3A_540 : i32 to index
      %parallel_loop3A_542 = arith.constant 0 : index
      %parallel_loop3A_543 = tpu.vector_load %arg12[%parallel_loop3A_541, %parallel_loop3A_542] {strides = array<i32>} : memref<200x16xf32, #tpu.memory_space<vmem>>, vector<1x16xf32>,
      %parallel_loop3A_544 = vector.shape_cast %parallel_loop3A_543 : vector<1x16xf32> to vector<16xf32>
      %parallel_loop3A_545 = arith.addf %parallel_loop3A_511, %parallel_loop3A_544 : vector<16xf32>
      %parallel_loop3A_546 = arith.constant 4 : i32
      %parallel_loop3A_547 = arith.addi %parallel_loop3A_486, %parallel_loop3A_546 : i32
      %parallel_loop3A_548 = arith.constant 3 : i32
      %parallel_loop3A_549 = arith.addi %parallel_loop3A_547, %parallel_loop3A_548 : i32
      %parallel_loop3A_550 = arith.index_cast %parallel_loop3A_549 : i32 to index
      %parallel_loop3A_551 = arith.constant 0 : index
      %parallel_loop3A_552 = tpu.vector_load %arg12[%parallel_loop3A_550, %parallel_loop3A_551] {strides = array<i32>} : memref<200x16xf32, #tpu.memory_space<vmem>>, vector<1x16xf32>,
      %parallel_loop3A_553 = vector.shape_cast %parallel_loop3A_552 : vector<1x16xf32> to vector<16xf32>
      %parallel_loop3A_554 = arith.addf %parallel_loop3A_520, %parallel_loop3A_553 : vector<16xf32>
      scf.yield %parallel_loop3A_527, %parallel_loop3A_536, %parallel_loop3A_545, %parallel_loop3A_554 : vector<16xf32>, vector<16xf32>, vector<16xf32>, vector<16xf32>
    } {sc.loop_unroll_factor = 4 : i64, sc.parallel_access}
    %add3A_354 = arith.addf %parallel_loop3A_353#0, %parallel_loop3A_353#1 : vector<16xf32>
    %add3A_355 = arith.addf %parallel_loop3A_353#2, %parallel_loop3A_353#3 : vector<16xf32>
    %add3A_356 = arith.addf %add3A_354, %add3A_355 : vector<16xf32>
    %mul3A_357 = vector.broadcast %squeeze3A : f32 to vector<16xf32>
    %mul3A_358 = arith.mulf %add3A_356, %mul3A_357 : vector<16xf32>
    %add3A_359 = arith.addf %mul3A_358, %get3A_7 : vector<16xf32>
    %swap3A_360 = arith.constant 124 : i32
    %swap3A_361 = arith.index_cast %swap3A_360 : i32 to index
    %swap3A_362 = arith.constant 0 : index
    %swap3A_363 = tpu.vector_load %arg16[%swap3A_361, %swap3A_362] {strides = array<i32>} : memref<128x16xf32, #tpu.memory_space<vmem>>, vector<1x16xf32>,
    %swap3A_364 = vector.shape_cast %swap3A_363 : vector<1x16xf32> to vector<16xf32>
    %swap3A_365 = vector.shape_cast %add3A_359 : vector<16xf32> to vector<1x16xf32>
    tpu.vector_store %arg16[%swap3A_361, %swap3A_362], %swap3A_365 {strides = array<i32>} : memref<128x16xf32, #tpu.memory_space<vmem>>, vector<1x16xf32>,
    %dma_wait3A_366 = arith.constant 125 : i32
    %dma_wait3A_367 = arith.constant 0 : i32
    %dma_wait3A_368 = arith.constant 0 : i32
    %dma_wait3A_369 = tpu.memref_slice %arg13[%dma_wait3A_367, %dma_wait3A_368] : memref<200x16xf32, #tpu.memory_space<vmem>> -> memref<128x16xf32, #tpu.memory_space<vmem>>
    %dma_wait3A_370 = arith.constant 0 : i32
    %dma_wait3A_371 = tpu.memref_slice %arg7[%dma_wait3A_366, %dma_wait3A_370] : memref<128x200xi32, #tpu.memory_space<vmem>> -> memref<1x128xi32, #tpu.memory_space<vmem>>
    %dma_wait3A_372 = tpu.memref_squeeze %dma_wait3A_371 : memref<1x128xi32, #tpu.memory_space<vmem>> -> memref<128xi32, #tpu.memory_space<vmem>>
    %dma_wait3A_373 = arith.constant 0 : i32
    %dma_wait3A_374 = arith.constant 0 : i32
    %dma_wait3A_375 = tpu.memref_slice %arg3[%dma_wait3A_373, %dma_wait3A_374] : memref<1015808x16xf32, #tpu.memory_space<hbm>> -> memref<1015808x16xf32, #tpu.memory_space<hbm>>
    tpu.wait_indirect_dma semaphore(%arg23 : memref<!tpu.dma_semaphore, #tpu.memory_space<semaphore_mem>>) src(%dma_wait3A_375 : memref<1015808x16xf32, #tpu.memory_space<hbm>>) dst(%dma_wait3A_369 : memref<128x16xf32, #tpu.memory_space<vmem>>)
    %dma_wait3A_376 = arith.constant 125 : i32
    %dma_wait3A_377 = arith.constant 128 : i32
    %dma_wait3A_378 = arith.constant 0 : i32
    %dma_wait3A_379 = tpu.memref_slice %arg13[%dma_wait3A_377, %dma_wait3A_378] : memref<200x16xf32, #tpu.memory_space<vmem>> -> memref<72x16xf32, #tpu.memory_space<vmem>>
    %dma_wait3A_380 = arith.constant 128 : i32
    %dma_wait3A_381 = tpu.memref_slice %arg7[%dma_wait3A_376, %dma_wait3A_380] : memref<128x200xi32, #tpu.memory_space<vmem>> -> memref<1x72xi32, #tpu.memory_space<vmem>>
    %dma_wait3A_382 = tpu.memref_squeeze %dma_wait3A_381 : memref<1x72xi32, #tpu.memory_space<vmem>> -> memref<72xi32, #tpu.memory_space<vmem>>
    %dma_wait3A_383 = arith.constant 0 : i32
    %dma_wait3A_384 = arith.constant 0 : i32
    %dma_wait3A_385 = tpu.memref_slice %arg3[%dma_wait3A_383, %dma_wait3A_384] : memref<1015808x16xf32, #tpu.memory_space<hbm>> -> memref<1015808x16xf32, #tpu.memory_space<hbm>>
    tpu.wait_indirect_dma semaphore(%arg23 : memref<!tpu.dma_semaphore, #tpu.memory_space<semaphore_mem>>) src(%dma_wait3A_385 : memref<1015808x16xf32, #tpu.memory_space<hbm>>) dst(%dma_wait3A_379 : memref<72x16xf32, #tpu.memory_space<vmem>>)
    %broadcast_in_dim3A_386 = arith.constant 0.000000e+00 : f32
    %broadcast_in_dim3A_387 = vector.broadcast %broadcast_in_dim3A_386 : f32 to vector<16xf32>
    %parallel_loop3A_388 = arith.constant 0 : i32
    %parallel_loop3A_389 = arith.constant 25 : i32
    %parallel_loop3A_390 = arith.constant 1 : i32
    %parallel_loop3A_391:4 = scf.for %parallel_loop3A_480 = %parallel_loop3A_388 to %parallel_loop3A_389 step %parallel_loop3A_390 iter_args(%parallel_loop3A_481 = %broadcast_in_dim3A_387, %parallel_loop3A_482 = %broadcast_in_dim3A_387, %parallel_loop3A_483 = %broadcast_in_dim3A_387, %parallel_loop3A_484 = %broadcast_in_dim3A_387) -> (vector<16xf32>, vector<16xf32>, vector<16xf32>, vector<16xf32>)  : i32 {
      %parallel_loop3A_485 = arith.constant 8 : i32
      %parallel_loop3A_486 = arith.muli %parallel_loop3A_480, %parallel_loop3A_485 : i32
      %parallel_loop3A_487 = arith.constant 0 : i32
      %parallel_loop3A_488 = arith.addi %parallel_loop3A_486, %parallel_loop3A_487 : i32
      %parallel_loop3A_489 = arith.index_cast %parallel_loop3A_488 : i32 to index
      %parallel_loop3A_490 = arith.constant 0 : index
      %parallel_loop3A_491 = tpu.vector_load %arg13[%parallel_loop3A_489, %parallel_loop3A_490] {strides = array<i32>} : memref<200x16xf32, #tpu.memory_space<vmem>>, vector<1x16xf32>,
      %parallel_loop3A_492 = vector.shape_cast %parallel_loop3A_491 : vector<1x16xf32> to vector<16xf32>
      %parallel_loop3A_493 = arith.addf %parallel_loop3A_481, %parallel_loop3A_492 : vector<16xf32>
      %parallel_loop3A_494 = arith.constant 0 : i32
      %parallel_loop3A_495 = arith.addi %parallel_loop3A_486, %parallel_loop3A_494 : i32
      %parallel_loop3A_496 = arith.constant 1 : i32
      %parallel_loop3A_497 = arith.addi %parallel_loop3A_495, %parallel_loop3A_496 : i32
      %parallel_loop3A_498 = arith.index_cast %parallel_loop3A_497 : i32 to index
      %parallel_loop3A_499 = arith.constant 0 : index
      %parallel_loop3A_500 = tpu.vector_load %arg13[%parallel_loop3A_498, %parallel_loop3A_499] {strides = array<i32>} : memref<200x16xf32, #tpu.memory_space<vmem>>, vector<1x16xf32>,
      %parallel_loop3A_501 = vector.shape_cast %parallel_loop3A_500 : vector<1x16xf32> to vector<16xf32>
      %parallel_loop3A_502 = arith.addf %parallel_loop3A_482, %parallel_loop3A_501 : vector<16xf32>
      %parallel_loop3A_503 = arith.constant 0 : i32
      %parallel_loop3A_504 = arith.addi %parallel_loop3A_486, %parallel_loop3A_503 : i32
      %parallel_loop3A_505 = arith.constant 2 : i32
      %parallel_loop3A_506 = arith.addi %parallel_loop3A_504, %parallel_loop3A_505 : i32
      %parallel_loop3A_507 = arith.index_cast %parallel_loop3A_506 : i32 to index
      %parallel_loop3A_508 = arith.constant 0 : index
      %parallel_loop3A_509 = tpu.vector_load %arg13[%parallel_loop3A_507, %parallel_loop3A_508] {strides = array<i32>} : memref<200x16xf32, #tpu.memory_space<vmem>>, vector<1x16xf32>,
      %parallel_loop3A_510 = vector.shape_cast %parallel_loop3A_509 : vector<1x16xf32> to vector<16xf32>
      %parallel_loop3A_511 = arith.addf %parallel_loop3A_483, %parallel_loop3A_510 : vector<16xf32>
      %parallel_loop3A_512 = arith.constant 0 : i32
      %parallel_loop3A_513 = arith.addi %parallel_loop3A_486, %parallel_loop3A_512 : i32
      %parallel_loop3A_514 = arith.constant 3 : i32
      %parallel_loop3A_515 = arith.addi %parallel_loop3A_513, %parallel_loop3A_514 : i32
      %parallel_loop3A_516 = arith.index_cast %parallel_loop3A_515 : i32 to index
      %parallel_loop3A_517 = arith.constant 0 : index
      %parallel_loop3A_518 = tpu.vector_load %arg13[%parallel_loop3A_516, %parallel_loop3A_517] {strides = array<i32>} : memref<200x16xf32, #tpu.memory_space<vmem>>, vector<1x16xf32>,
      %parallel_loop3A_519 = vector.shape_cast %parallel_loop3A_518 : vector<1x16xf32> to vector<16xf32>
      %parallel_loop3A_520 = arith.addf %parallel_loop3A_484, %parallel_loop3A_519 : vector<16xf32>
      %parallel_loop3A_521 = arith.constant 4 : i32
      %parallel_loop3A_522 = arith.addi %parallel_loop3A_486, %parallel_loop3A_521 : i32
      %parallel_loop3A_523 = arith.index_cast %parallel_loop3A_522 : i32 to index
      %parallel_loop3A_524 = arith.constant 0 : index
      %parallel_loop3A_525 = tpu.vector_load %arg13[%parallel_loop3A_523, %parallel_loop3A_524] {strides = array<i32>} : memref<200x16xf32, #tpu.memory_space<vmem>>, vector<1x16xf32>,
      %parallel_loop3A_526 = vector.shape_cast %parallel_loop3A_525 : vector<1x16xf32> to vector<16xf32>
      %parallel_loop3A_527 = arith.addf %parallel_loop3A_493, %parallel_loop3A_526 : vector<16xf32>
      %parallel_loop3A_528 = arith.constant 4 : i32
      %parallel_loop3A_529 = arith.addi %parallel_loop3A_486, %parallel_loop3A_528 : i32
      %parallel_loop3A_530 = arith.constant 1 : i32
      %parallel_loop3A_531 = arith.addi %parallel_loop3A_529, %parallel_loop3A_530 : i32
      %parallel_loop3A_532 = arith.index_cast %parallel_loop3A_531 : i32 to index
      %parallel_loop3A_533 = arith.constant 0 : index
      %parallel_loop3A_534 = tpu.vector_load %arg13[%parallel_loop3A_532, %parallel_loop3A_533] {strides = array<i32>} : memref<200x16xf32, #tpu.memory_space<vmem>>, vector<1x16xf32>,
      %parallel_loop3A_535 = vector.shape_cast %parallel_loop3A_534 : vector<1x16xf32> to vector<16xf32>
      %parallel_loop3A_536 = arith.addf %parallel_loop3A_502, %parallel_loop3A_535 : vector<16xf32>
      %parallel_loop3A_537 = arith.constant 4 : i32
      %parallel_loop3A_538 = arith.addi %parallel_loop3A_486, %parallel_loop3A_537 : i32
      %parallel_loop3A_539 = arith.constant 2 : i32
      %parallel_loop3A_540 = arith.addi %parallel_loop3A_538, %parallel_loop3A_539 : i32
      %parallel_loop3A_541 = arith.index_cast %parallel_loop3A_540 : i32 to index
      %parallel_loop3A_542 = arith.constant 0 : index
      %parallel_loop3A_543 = tpu.vector_load %arg13[%parallel_loop3A_541, %parallel_loop3A_542] {strides = array<i32>} : memref<200x16xf32, #tpu.memory_space<vmem>>, vector<1x16xf32>,
      %parallel_loop3A_544 = vector.shape_cast %parallel_loop3A_543 : vector<1x16xf32> to vector<16xf32>
      %parallel_loop3A_545 = arith.addf %parallel_loop3A_511, %parallel_loop3A_544 : vector<16xf32>
      %parallel_loop3A_546 = arith.constant 4 : i32
      %parallel_loop3A_547 = arith.addi %parallel_loop3A_486, %parallel_loop3A_546 : i32
      %parallel_loop3A_548 = arith.constant 3 : i32
      %parallel_loop3A_549 = arith.addi %parallel_loop3A_547, %parallel_loop3A_548 : i32
      %parallel_loop3A_550 = arith.index_cast %parallel_loop3A_549 : i32 to index
      %parallel_loop3A_551 = arith.constant 0 : index
      %parallel_loop3A_552 = tpu.vector_load %arg13[%parallel_loop3A_550, %parallel_loop3A_551] {strides = array<i32>} : memref<200x16xf32, #tpu.memory_space<vmem>>, vector<1x16xf32>,
      %parallel_loop3A_553 = vector.shape_cast %parallel_loop3A_552 : vector<1x16xf32> to vector<16xf32>
      %parallel_loop3A_554 = arith.addf %parallel_loop3A_520, %parallel_loop3A_553 : vector<16xf32>
      scf.yield %parallel_loop3A_527, %parallel_loop3A_536, %parallel_loop3A_545, %parallel_loop3A_554 : vector<16xf32>, vector<16xf32>, vector<16xf32>, vector<16xf32>
    } {sc.loop_unroll_factor = 4 : i64, sc.parallel_access}
    %add3A_392 = arith.addf %parallel_loop3A_391#0, %parallel_loop3A_391#1 : vector<16xf32>
    %add3A_393 = arith.addf %parallel_loop3A_391#2, %parallel_loop3A_391#3 : vector<16xf32>
    %add3A_394 = arith.addf %add3A_392, %add3A_393 : vector<16xf32>
    %mul3A_395 = vector.broadcast %squeeze3A : f32 to vector<16xf32>
    %mul3A_396 = arith.mulf %add3A_394, %mul3A_395 : vector<16xf32>
    %add3A_397 = arith.addf %mul3A_396, %get3A_7 : vector<16xf32>
    %swap3A_398 = arith.constant 125 : i32
    %swap3A_399 = arith.index_cast %swap3A_398 : i32 to index
    %swap3A_400 = arith.constant 0 : index
    %swap3A_401 = tpu.vector_load %arg16[%swap3A_399, %swap3A_400] {strides = array<i32>} : memref<128x16xf32, #tpu.memory_space<vmem>>, vector<1x16xf32>,
    %swap3A_402 = vector.shape_cast %swap3A_401 : vector<1x16xf32> to vector<16xf32>
    %swap3A_403 = vector.shape_cast %add3A_397 : vector<16xf32> to vector<1x16xf32>
    tpu.vector_store %arg16[%swap3A_399, %swap3A_400], %swap3A_403 {strides = array<i32>} : memref<128x16xf32, #tpu.memory_space<vmem>>, vector<1x16xf32>,
    %dma_wait3A_404 = arith.constant 126 : i32
    %dma_wait3A_405 = arith.constant 0 : i32
    %dma_wait3A_406 = arith.constant 0 : i32
    %dma_wait3A_407 = tpu.memref_slice %arg14[%dma_wait3A_405, %dma_wait3A_406] : memref<200x16xf32, #tpu.memory_space<vmem>> -> memref<128x16xf32, #tpu.memory_space<vmem>>
    %dma_wait3A_408 = arith.constant 0 : i32
    %dma_wait3A_409 = tpu.memref_slice %arg7[%dma_wait3A_404, %dma_wait3A_408] : memref<128x200xi32, #tpu.memory_space<vmem>> -> memref<1x128xi32, #tpu.memory_space<vmem>>
    %dma_wait3A_410 = tpu.memref_squeeze %dma_wait3A_409 : memref<1x128xi32, #tpu.memory_space<vmem>> -> memref<128xi32, #tpu.memory_space<vmem>>
    %dma_wait3A_411 = arith.constant 0 : i32
    %dma_wait3A_412 = arith.constant 0 : i32
    %dma_wait3A_413 = tpu.memref_slice %arg3[%dma_wait3A_411, %dma_wait3A_412] : memref<1015808x16xf32, #tpu.memory_space<hbm>> -> memref<1015808x16xf32, #tpu.memory_space<hbm>>
    tpu.wait_indirect_dma semaphore(%arg24 : memref<!tpu.dma_semaphore, #tpu.memory_space<semaphore_mem>>) src(%dma_wait3A_413 : memref<1015808x16xf32, #tpu.memory_space<hbm>>) dst(%dma_wait3A_407 : memref<128x16xf32, #tpu.memory_space<vmem>>)
    %dma_wait3A_414 = arith.constant 126 : i32
    %dma_wait3A_415 = arith.constant 128 : i32
    %dma_wait3A_416 = arith.constant 0 : i32
    %dma_wait3A_417 = tpu.memref_slice %arg14[%dma_wait3A_415, %dma_wait3A_416] : memref<200x16xf32, #tpu.memory_space<vmem>> -> memref<72x16xf32, #tpu.memory_space<vmem>>
    %dma_wait3A_418 = arith.constant 128 : i32
    %dma_wait3A_419 = tpu.memref_slice %arg7[%dma_wait3A_414, %dma_wait3A_418] : memref<128x200xi32, #tpu.memory_space<vmem>> -> memref<1x72xi32, #tpu.memory_space<vmem>>
    %dma_wait3A_420 = tpu.memref_squeeze %dma_wait3A_419 : memref<1x72xi32, #tpu.memory_space<vmem>> -> memref<72xi32, #tpu.memory_space<vmem>>
    %dma_wait3A_421 = arith.constant 0 : i32
    %dma_wait3A_422 = arith.constant 0 : i32
    %dma_wait3A_423 = tpu.memref_slice %arg3[%dma_wait3A_421, %dma_wait3A_422] : memref<1015808x16xf32, #tpu.memory_space<hbm>> -> memref<1015808x16xf32, #tpu.memory_space<hbm>>
    tpu.wait_indirect_dma semaphore(%arg24 : memref<!tpu.dma_semaphore, #tpu.memory_space<semaphore_mem>>) src(%dma_wait3A_423 : memref<1015808x16xf32, #tpu.memory_space<hbm>>) dst(%dma_wait3A_417 : memref<72x16xf32, #tpu.memory_space<vmem>>)
    %broadcast_in_dim3A_424 = arith.constant 0.000000e+00 : f32
    %broadcast_in_dim3A_425 = vector.broadcast %broadcast_in_dim3A_424 : f32 to vector<16xf32>
    %parallel_loop3A_426 = arith.constant 0 : i32
    %parallel_loop3A_427 = arith.constant 25 : i32
    %parallel_loop3A_428 = arith.constant 1 : i32
    %parallel_loop3A_429:4 = scf.for %parallel_loop3A_480 = %parallel_loop3A_426 to %parallel_loop3A_427 step %parallel_loop3A_428 iter_args(%parallel_loop3A_481 = %broadcast_in_dim3A_425, %parallel_loop3A_482 = %broadcast_in_dim3A_425, %parallel_loop3A_483 = %broadcast_in_dim3A_425, %parallel_loop3A_484 = %broadcast_in_dim3A_425) -> (vector<16xf32>, vector<16xf32>, vector<16xf32>, vector<16xf32>)  : i32 {
      %parallel_loop3A_485 = arith.constant 8 : i32
      %parallel_loop3A_486 = arith.muli %parallel_loop3A_480, %parallel_loop3A_485 : i32
      %parallel_loop3A_487 = arith.constant 0 : i32
      %parallel_loop3A_488 = arith.addi %parallel_loop3A_486, %parallel_loop3A_487 : i32
      %parallel_loop3A_489 = arith.index_cast %parallel_loop3A_488 : i32 to index
      %parallel_loop3A_490 = arith.constant 0 : index
      %parallel_loop3A_491 = tpu.vector_load %arg14[%parallel_loop3A_489, %parallel_loop3A_490] {strides = array<i32>} : memref<200x16xf32, #tpu.memory_space<vmem>>, vector<1x16xf32>,
      %parallel_loop3A_492 = vector.shape_cast %parallel_loop3A_491 : vector<1x16xf32> to vector<16xf32>
      %parallel_loop3A_493 = arith.addf %parallel_loop3A_481, %parallel_loop3A_492 : vector<16xf32>
      %parallel_loop3A_494 = arith.constant 0 : i32
      %parallel_loop3A_495 = arith.addi %parallel_loop3A_486, %parallel_loop3A_494 : i32
      %parallel_loop3A_496 = arith.constant 1 : i32
      %parallel_loop3A_497 = arith.addi %parallel_loop3A_495, %parallel_loop3A_496 : i32
      %parallel_loop3A_498 = arith.index_cast %parallel_loop3A_497 : i32 to index
      %parallel_loop3A_499 = arith.constant 0 : index
      %parallel_loop3A_500 = tpu.vector_load %arg14[%parallel_loop3A_498, %parallel_loop3A_499] {strides = array<i32>} : memref<200x16xf32, #tpu.memory_space<vmem>>, vector<1x16xf32>,
      %parallel_loop3A_501 = vector.shape_cast %parallel_loop3A_500 : vector<1x16xf32> to vector<16xf32>
      %parallel_loop3A_502 = arith.addf %parallel_loop3A_482, %parallel_loop3A_501 : vector<16xf32>
      %parallel_loop3A_503 = arith.constant 0 : i32
      %parallel_loop3A_504 = arith.addi %parallel_loop3A_486, %parallel_loop3A_503 : i32
      %parallel_loop3A_505 = arith.constant 2 : i32
      %parallel_loop3A_506 = arith.addi %parallel_loop3A_504, %parallel_loop3A_505 : i32
      %parallel_loop3A_507 = arith.index_cast %parallel_loop3A_506 : i32 to index
      %parallel_loop3A_508 = arith.constant 0 : index
      %parallel_loop3A_509 = tpu.vector_load %arg14[%parallel_loop3A_507, %parallel_loop3A_508] {strides = array<i32>} : memref<200x16xf32, #tpu.memory_space<vmem>>, vector<1x16xf32>,
      %parallel_loop3A_510 = vector.shape_cast %parallel_loop3A_509 : vector<1x16xf32> to vector<16xf32>
      %parallel_loop3A_511 = arith.addf %parallel_loop3A_483, %parallel_loop3A_510 : vector<16xf32>
      %parallel_loop3A_512 = arith.constant 0 : i32
      %parallel_loop3A_513 = arith.addi %parallel_loop3A_486, %parallel_loop3A_512 : i32
      %parallel_loop3A_514 = arith.constant 3 : i32
      %parallel_loop3A_515 = arith.addi %parallel_loop3A_513, %parallel_loop3A_514 : i32
      %parallel_loop3A_516 = arith.index_cast %parallel_loop3A_515 : i32 to index
      %parallel_loop3A_517 = arith.constant 0 : index
      %parallel_loop3A_518 = tpu.vector_load %arg14[%parallel_loop3A_516, %parallel_loop3A_517] {strides = array<i32>} : memref<200x16xf32, #tpu.memory_space<vmem>>, vector<1x16xf32>,
      %parallel_loop3A_519 = vector.shape_cast %parallel_loop3A_518 : vector<1x16xf32> to vector<16xf32>
      %parallel_loop3A_520 = arith.addf %parallel_loop3A_484, %parallel_loop3A_519 : vector<16xf32>
      %parallel_loop3A_521 = arith.constant 4 : i32
      %parallel_loop3A_522 = arith.addi %parallel_loop3A_486, %parallel_loop3A_521 : i32
      %parallel_loop3A_523 = arith.index_cast %parallel_loop3A_522 : i32 to index
      %parallel_loop3A_524 = arith.constant 0 : index
      %parallel_loop3A_525 = tpu.vector_load %arg14[%parallel_loop3A_523, %parallel_loop3A_524] {strides = array<i32>} : memref<200x16xf32, #tpu.memory_space<vmem>>, vector<1x16xf32>,
      %parallel_loop3A_526 = vector.shape_cast %parallel_loop3A_525 : vector<1x16xf32> to vector<16xf32>
      %parallel_loop3A_527 = arith.addf %parallel_loop3A_493, %parallel_loop3A_526 : vector<16xf32>
      %parallel_loop3A_528 = arith.constant 4 : i32
      %parallel_loop3A_529 = arith.addi %parallel_loop3A_486, %parallel_loop3A_528 : i32
      %parallel_loop3A_530 = arith.constant 1 : i32
      %parallel_loop3A_531 = arith.addi %parallel_loop3A_529, %parallel_loop3A_530 : i32
      %parallel_loop3A_532 = arith.index_cast %parallel_loop3A_531 : i32 to index
      %parallel_loop3A_533 = arith.constant 0 : index
      %parallel_loop3A_534 = tpu.vector_load %arg14[%parallel_loop3A_532, %parallel_loop3A_533] {strides = array<i32>} : memref<200x16xf32, #tpu.memory_space<vmem>>, vector<1x16xf32>,
      %parallel_loop3A_535 = vector.shape_cast %parallel_loop3A_534 : vector<1x16xf32> to vector<16xf32>
      %parallel_loop3A_536 = arith.addf %parallel_loop3A_502, %parallel_loop3A_535 : vector<16xf32>
      %parallel_loop3A_537 = arith.constant 4 : i32
      %parallel_loop3A_538 = arith.addi %parallel_loop3A_486, %parallel_loop3A_537 : i32
      %parallel_loop3A_539 = arith.constant 2 : i32
      %parallel_loop3A_540 = arith.addi %parallel_loop3A_538, %parallel_loop3A_539 : i32
      %parallel_loop3A_541 = arith.index_cast %parallel_loop3A_540 : i32 to index
      %parallel_loop3A_542 = arith.constant 0 : index
      %parallel_loop3A_543 = tpu.vector_load %arg14[%parallel_loop3A_541, %parallel_loop3A_542] {strides = array<i32>} : memref<200x16xf32, #tpu.memory_space<vmem>>, vector<1x16xf32>,
      %parallel_loop3A_544 = vector.shape_cast %parallel_loop3A_543 : vector<1x16xf32> to vector<16xf32>
      %parallel_loop3A_545 = arith.addf %parallel_loop3A_511, %parallel_loop3A_544 : vector<16xf32>
      %parallel_loop3A_546 = arith.constant 4 : i32
      %parallel_loop3A_547 = arith.addi %parallel_loop3A_486, %parallel_loop3A_546 : i32
      %parallel_loop3A_548 = arith.constant 3 : i32
      %parallel_loop3A_549 = arith.addi %parallel_loop3A_547, %parallel_loop3A_548 : i32
      %parallel_loop3A_550 = arith.index_cast %parallel_loop3A_549 : i32 to index
      %parallel_loop3A_551 = arith.constant 0 : index
      %parallel_loop3A_552 = tpu.vector_load %arg14[%parallel_loop3A_550, %parallel_loop3A_551] {strides = array<i32>} : memref<200x16xf32, #tpu.memory_space<vmem>>, vector<1x16xf32>,
      %parallel_loop3A_553 = vector.shape_cast %parallel_loop3A_552 : vector<1x16xf32> to vector<16xf32>
      %parallel_loop3A_554 = arith.addf %parallel_loop3A_520, %parallel_loop3A_553 : vector<16xf32>
      scf.yield %parallel_loop3A_527, %parallel_loop3A_536, %parallel_loop3A_545, %parallel_loop3A_554 : vector<16xf32>, vector<16xf32>, vector<16xf32>, vector<16xf32>
    } {sc.loop_unroll_factor = 4 : i64, sc.parallel_access}
    %add3A_430 = arith.addf %parallel_loop3A_429#0, %parallel_loop3A_429#1 : vector<16xf32>
    %add3A_431 = arith.addf %parallel_loop3A_429#2, %parallel_loop3A_429#3 : vector<16xf32>
    %add3A_432 = arith.addf %add3A_430, %add3A_431 : vector<16xf32>
    %mul3A_433 = vector.broadcast %squeeze3A : f32 to vector<16xf32>
    %mul3A_434 = arith.mulf %add3A_432, %mul3A_433 : vector<16xf32>
    %add3A_435 = arith.addf %mul3A_434, %get3A_7 : vector<16xf32>
    %swap3A_436 = arith.constant 126 : i32
    %swap3A_437 = arith.index_cast %swap3A_436 : i32 to index
    %swap3A_438 = arith.constant 0 : index
    %swap3A_439 = tpu.vector_load %arg16[%swap3A_437, %swap3A_438] {strides = array<i32>} : memref<128x16xf32, #tpu.memory_space<vmem>>, vector<1x16xf32>,
    %swap3A_440 = vector.shape_cast %swap3A_439 : vector<1x16xf32> to vector<16xf32>
    %swap3A_441 = vector.shape_cast %add3A_435 : vector<16xf32> to vector<1x16xf32>
    tpu.vector_store %arg16[%swap3A_437, %swap3A_438], %swap3A_441 {strides = array<i32>} : memref<128x16xf32, #tpu.memory_space<vmem>>, vector<1x16xf32>,
    %dma_wait3A_442 = arith.constant 127 : i32
    %dma_wait3A_443 = arith.constant 0 : i32
    %dma_wait3A_444 = arith.constant 0 : i32
    %dma_wait3A_445 = tpu.memref_slice %arg15[%dma_wait3A_443, %dma_wait3A_444] : memref<200x16xf32, #tpu.memory_space<vmem>> -> memref<128x16xf32, #tpu.memory_space<vmem>>
    %dma_wait3A_446 = arith.constant 0 : i32
    %dma_wait3A_447 = tpu.memref_slice %arg7[%dma_wait3A_442, %dma_wait3A_446] : memref<128x200xi32, #tpu.memory_space<vmem>> -> memref<1x128xi32, #tpu.memory_space<vmem>>
    %dma_wait3A_448 = tpu.memref_squeeze %dma_wait3A_447 : memref<1x128xi32, #tpu.memory_space<vmem>> -> memref<128xi32, #tpu.memory_space<vmem>>
    %dma_wait3A_449 = arith.constant 0 : i32
    %dma_wait3A_450 = arith.constant 0 : i32
    %dma_wait3A_451 = tpu.memref_slice %arg3[%dma_wait3A_449, %dma_wait3A_450] : memref<1015808x16xf32, #tpu.memory_space<hbm>> -> memref<1015808x16xf32, #tpu.memory_space<hbm>>
    tpu.wait_indirect_dma semaphore(%arg25 : memref<!tpu.dma_semaphore, #tpu.memory_space<semaphore_mem>>) src(%dma_wait3A_451 : memref<1015808x16xf32, #tpu.memory_space<hbm>>) dst(%dma_wait3A_445 : memref<128x16xf32, #tpu.memory_space<vmem>>)
    %dma_wait3A_452 = arith.constant 127 : i32
    %dma_wait3A_453 = arith.constant 128 : i32
    %dma_wait3A_454 = arith.constant 0 : i32
    %dma_wait3A_455 = tpu.memref_slice %arg15[%dma_wait3A_453, %dma_wait3A_454] : memref<200x16xf32, #tpu.memory_space<vmem>> -> memref<72x16xf32, #tpu.memory_space<vmem>>
    %dma_wait3A_456 = arith.constant 128 : i32
    %dma_wait3A_457 = tpu.memref_slice %arg7[%dma_wait3A_452, %dma_wait3A_456] : memref<128x200xi32, #tpu.memory_space<vmem>> -> memref<1x72xi32, #tpu.memory_space<vmem>>
    %dma_wait3A_458 = tpu.memref_squeeze %dma_wait3A_457 : memref<1x72xi32, #tpu.memory_space<vmem>> -> memref<72xi32, #tpu.memory_space<vmem>>
    %dma_wait3A_459 = arith.constant 0 : i32
    %dma_wait3A_460 = arith.constant 0 : i32
    %dma_wait3A_461 = tpu.memref_slice %arg3[%dma_wait3A_459, %dma_wait3A_460] : memref<1015808x16xf32, #tpu.memory_space<hbm>> -> memref<1015808x16xf32, #tpu.memory_space<hbm>>
    tpu.wait_indirect_dma semaphore(%arg25 : memref<!tpu.dma_semaphore, #tpu.memory_space<semaphore_mem>>) src(%dma_wait3A_461 : memref<1015808x16xf32, #tpu.memory_space<hbm>>) dst(%dma_wait3A_455 : memref<72x16xf32, #tpu.memory_space<vmem>>)
    %broadcast_in_dim3A_462 = arith.constant 0.000000e+00 : f32
    %broadcast_in_dim3A_463 = vector.broadcast %broadcast_in_dim3A_462 : f32 to vector<16xf32>
    %parallel_loop3A_464 = arith.constant 0 : i32
    %parallel_loop3A_465 = arith.constant 25 : i32
    %parallel_loop3A_466 = arith.constant 1 : i32
    %parallel_loop3A_467:4 = scf.for %parallel_loop3A_480 = %parallel_loop3A_464 to %parallel_loop3A_465 step %parallel_loop3A_466 iter_args(%parallel_loop3A_481 = %broadcast_in_dim3A_463, %parallel_loop3A_482 = %broadcast_in_dim3A_463, %parallel_loop3A_483 = %broadcast_in_dim3A_463, %parallel_loop3A_484 = %broadcast_in_dim3A_463) -> (vector<16xf32>, vector<16xf32>, vector<16xf32>, vector<16xf32>)  : i32 {
      %parallel_loop3A_485 = arith.constant 8 : i32
      %parallel_loop3A_486 = arith.muli %parallel_loop3A_480, %parallel_loop3A_485 : i32
      %parallel_loop3A_487 = arith.constant 0 : i32
      %parallel_loop3A_488 = arith.addi %parallel_loop3A_486, %parallel_loop3A_487 : i32
      %parallel_loop3A_489 = arith.index_cast %parallel_loop3A_488 : i32 to index
      %parallel_loop3A_490 = arith.constant 0 : index
      %parallel_loop3A_491 = tpu.vector_load %arg15[%parallel_loop3A_489, %parallel_loop3A_490] {strides = array<i32>} : memref<200x16xf32, #tpu.memory_space<vmem>>, vector<1x16xf32>,
      %parallel_loop3A_492 = vector.shape_cast %parallel_loop3A_491 : vector<1x16xf32> to vector<16xf32>
      %parallel_loop3A_493 = arith.addf %parallel_loop3A_481, %parallel_loop3A_492 : vector<16xf32>
      %parallel_loop3A_494 = arith.constant 0 : i32
      %parallel_loop3A_495 = arith.addi %parallel_loop3A_486, %parallel_loop3A_494 : i32
      %parallel_loop3A_496 = arith.constant 1 : i32
      %parallel_loop3A_497 = arith.addi %parallel_loop3A_495, %parallel_loop3A_496 : i32
      %parallel_loop3A_498 = arith.index_cast %parallel_loop3A_497 : i32 to index
      %parallel_loop3A_499 = arith.constant 0 : index
      %parallel_loop3A_500 = tpu.vector_load %arg15[%parallel_loop3A_498, %parallel_loop3A_499] {strides = array<i32>} : memref<200x16xf32, #tpu.memory_space<vmem>>, vector<1x16xf32>,
      %parallel_loop3A_501 = vector.shape_cast %parallel_loop3A_500 : vector<1x16xf32> to vector<16xf32>
      %parallel_loop3A_502 = arith.addf %parallel_loop3A_482, %parallel_loop3A_501 : vector<16xf32>
      %parallel_loop3A_503 = arith.constant 0 : i32
      %parallel_loop3A_504 = arith.addi %parallel_loop3A_486, %parallel_loop3A_503 : i32
      %parallel_loop3A_505 = arith.constant 2 : i32
      %parallel_loop3A_506 = arith.addi %parallel_loop3A_504, %parallel_loop3A_505 : i32
      %parallel_loop3A_507 = arith.index_cast %parallel_loop3A_506 : i32 to index
      %parallel_loop3A_508 = arith.constant 0 : index
      %parallel_loop3A_509 = tpu.vector_load %arg15[%parallel_loop3A_507, %parallel_loop3A_508] {strides = array<i32>} : memref<200x16xf32, #tpu.memory_space<vmem>>, vector<1x16xf32>,
      %parallel_loop3A_510 = vector.shape_cast %parallel_loop3A_509 : vector<1x16xf32> to vector<16xf32>
      %parallel_loop3A_511 = arith.addf %parallel_loop3A_483, %parallel_loop3A_510 : vector<16xf32>
      %parallel_loop3A_512 = arith.constant 0 : i32
      %parallel_loop3A_513 = arith.addi %parallel_loop3A_486, %parallel_loop3A_512 : i32
      %parallel_loop3A_514 = arith.constant 3 : i32
      %parallel_loop3A_515 = arith.addi %parallel_loop3A_513, %parallel_loop3A_514 : i32
      %parallel_loop3A_516 = arith.index_cast %parallel_loop3A_515 : i32 to index
      %parallel_loop3A_517 = arith.constant 0 : index
      %parallel_loop3A_518 = tpu.vector_load %arg15[%parallel_loop3A_516, %parallel_loop3A_517] {strides = array<i32>} : memref<200x16xf32, #tpu.memory_space<vmem>>, vector<1x16xf32>,
      %parallel_loop3A_519 = vector.shape_cast %parallel_loop3A_518 : vector<1x16xf32> to vector<16xf32>
      %parallel_loop3A_520 = arith.addf %parallel_loop3A_484, %parallel_loop3A_519 : vector<16xf32>
      %parallel_loop3A_521 = arith.constant 4 : i32
      %parallel_loop3A_522 = arith.addi %parallel_loop3A_486, %parallel_loop3A_521 : i32
      %parallel_loop3A_523 = arith.index_cast %parallel_loop3A_522 : i32 to index
      %parallel_loop3A_524 = arith.constant 0 : index
      %parallel_loop3A_525 = tpu.vector_load %arg15[%parallel_loop3A_523, %parallel_loop3A_524] {strides = array<i32>} : memref<200x16xf32, #tpu.memory_space<vmem>>, vector<1x16xf32>,
      %parallel_loop3A_526 = vector.shape_cast %parallel_loop3A_525 : vector<1x16xf32> to vector<16xf32>
      %parallel_loop3A_527 = arith.addf %parallel_loop3A_493, %parallel_loop3A_526 : vector<16xf32>
      %parallel_loop3A_528 = arith.constant 4 : i32
      %parallel_loop3A_529 = arith.addi %parallel_loop3A_486, %parallel_loop3A_528 : i32
      %parallel_loop3A_530 = arith.constant 1 : i32
      %parallel_loop3A_531 = arith.addi %parallel_loop3A_529, %parallel_loop3A_530 : i32
      %parallel_loop3A_532 = arith.index_cast %parallel_loop3A_531 : i32 to index
      %parallel_loop3A_533 = arith.constant 0 : index
      %parallel_loop3A_534 = tpu.vector_load %arg15[%parallel_loop3A_532, %parallel_loop3A_533] {strides = array<i32>} : memref<200x16xf32, #tpu.memory_space<vmem>>, vector<1x16xf32>,
      %parallel_loop3A_535 = vector.shape_cast %parallel_loop3A_534 : vector<1x16xf32> to vector<16xf32>
      %parallel_loop3A_536 = arith.addf %parallel_loop3A_502, %parallel_loop3A_535 : vector<16xf32>
      %parallel_loop3A_537 = arith.constant 4 : i32
      %parallel_loop3A_538 = arith.addi %parallel_loop3A_486, %parallel_loop3A_537 : i32
      %parallel_loop3A_539 = arith.constant 2 : i32
      %parallel_loop3A_540 = arith.addi %parallel_loop3A_538, %parallel_loop3A_539 : i32
      %parallel_loop3A_541 = arith.index_cast %parallel_loop3A_540 : i32 to index
      %parallel_loop3A_542 = arith.constant 0 : index
      %parallel_loop3A_543 = tpu.vector_load %arg15[%parallel_loop3A_541, %parallel_loop3A_542] {strides = array<i32>} : memref<200x16xf32, #tpu.memory_space<vmem>>, vector<1x16xf32>,
      %parallel_loop3A_544 = vector.shape_cast %parallel_loop3A_543 : vector<1x16xf32> to vector<16xf32>
      %parallel_loop3A_545 = arith.addf %parallel_loop3A_511, %parallel_loop3A_544 : vector<16xf32>
      %parallel_loop3A_546 = arith.constant 4 : i32
      %parallel_loop3A_547 = arith.addi %parallel_loop3A_486, %parallel_loop3A_546 : i32
      %parallel_loop3A_548 = arith.constant 3 : i32
      %parallel_loop3A_549 = arith.addi %parallel_loop3A_547, %parallel_loop3A_548 : i32
      %parallel_loop3A_550 = arith.index_cast %parallel_loop3A_549 : i32 to index
      %parallel_loop3A_551 = arith.constant 0 : index
      %parallel_loop3A_552 = tpu.vector_load %arg15[%parallel_loop3A_550, %parallel_loop3A_551] {strides = array<i32>} : memref<200x16xf32, #tpu.memory_space<vmem>>, vector<1x16xf32>,
      %parallel_loop3A_553 = vector.shape_cast %parallel_loop3A_552 : vector<1x16xf32> to vector<16xf32>
      %parallel_loop3A_554 = arith.addf %parallel_loop3A_520, %parallel_loop3A_553 : vector<16xf32>
      scf.yield %parallel_loop3A_527, %parallel_loop3A_536, %parallel_loop3A_545, %parallel_loop3A_554 : vector<16xf32>, vector<16xf32>, vector<16xf32>, vector<16xf32>
    } {sc.loop_unroll_factor = 4 : i64, sc.parallel_access}
    %add3A_468 = arith.addf %parallel_loop3A_467#0, %parallel_loop3A_467#1 : vector<16xf32>
    %add3A_469 = arith.addf %parallel_loop3A_467#2, %parallel_loop3A_467#3 : vector<16xf32>
    %add3A_470 = arith.addf %add3A_468, %add3A_469 : vector<16xf32>
    %mul3A_471 = vector.broadcast %squeeze3A : f32 to vector<16xf32>
    %mul3A_472 = arith.mulf %add3A_470, %mul3A_471 : vector<16xf32>
    %add3A_473 = arith.addf %mul3A_472, %get3A_7 : vector<16xf32>
    %swap3A_474 = arith.constant 127 : i32
    %swap3A_475 = arith.index_cast %swap3A_474 : i32 to index
    %swap3A_476 = arith.constant 0 : index
    %swap3A_477 = tpu.vector_load %arg16[%swap3A_475, %swap3A_476] {strides = array<i32>} : memref<128x16xf32, #tpu.memory_space<vmem>>, vector<1x16xf32>,
    %swap3A_478 = vector.shape_cast %swap3A_477 : vector<1x16xf32> to vector<16xf32>
    %swap3A_479 = vector.shape_cast %add3A_473 : vector<16xf32> to vector<1x16xf32>
    tpu.vector_store %arg16[%swap3A_475, %swap3A_476], %swap3A_479 {strides = array<i32>} : memref<128x16xf32, #tpu.memory_space<vmem>>, vector<1x16xf32>,
    "tpu.region"() ({
      %run_scoped3A = tpu.sem_alloc : memref<!tpu.dma_semaphore, #tpu.memory_space<semaphore_mem>>
      %dma_start3A_480 = arith.constant 0 : i32
      %dma_start3A_481 = tpu.memref_slice %arg6[%multiple_of3A, %dma_start3A_480] : memref<4096x16xf32, #tpu.memory_space<hbm>> -> memref<128x16xf32, #tpu.memory_space<hbm>>
      %dma_start3A_482 = arith.constant 0 : i32
      %dma_start3A_483 = tpu.memref_slice %arg6[%multiple_of3A, %dma_start3A_482] : memref<4096x16xf32, #tpu.memory_space<hbm>> -> memref<128x16xf32, #tpu.memory_space<hbm>>
      tpu.enqueue_dma source(%arg16 : memref<128x16xf32, #tpu.memory_space<vmem>>) target(%dma_start3A_483 : memref<128x16xf32, #tpu.memory_space<hbm>>) target_semaphore(%run_scoped3A : memref<!tpu.dma_semaphore, #tpu.memory_space<semaphore_mem>>)
      %dma_wait3A_484 = arith.constant 0 : i32
      %dma_wait3A_485 = tpu.memref_slice %arg6[%multiple_of3A, %dma_wait3A_484] : memref<4096x16xf32, #tpu.memory_space<hbm>> -> memref<128x16xf32, #tpu.memory_space<hbm>>
      %dma_wait3A_486 = arith.constant 0 : i32
      %dma_wait3A_487 = tpu.memref_slice %arg6[%multiple_of3A, %dma_wait3A_486] : memref<4096x16xf32, #tpu.memory_space<hbm>> -> memref<128x16xf32, #tpu.memory_space<hbm>>
      tpu.wait_dma2 semaphore(%run_scoped3A : memref<!tpu.dma_semaphore, #tpu.memory_space<semaphore_mem>>) src(%arg16 : memref<128x16xf32, #tpu.memory_space<vmem>>) dst(%dma_wait3A_487 : memref<128x16xf32, #tpu.memory_space<hbm>>)
      tpu.yield
    }) : () -> ()
    return
  }
}

</mosaic_0001>

<sc_bundles>
// kernel: _sc_pool_tw.3.cloned.1.call-start
scs
__scs_entry_jumppad:
0x0: {  	(pc) =	sbr.rel $0x88, $3  }
0x1: {  	(tag) =	ssettag $0x0;
	lr =	simm.s32 $0x1  }
0x2: {  	[smem:$0x3F9E] =	sst lr;
	_ =	strace $0xD0000000  }
0x3: {  	_ = 	snop  }
0x4: {  	_ = 	snop  }
0x5: {  	_ = 	snop  }
0x6: {  	_ = 	snop  }
0x7: {  	_ = 	snop  }
__scs_overlays_trampoline_lowered:
0x8: {  	[smem:$0x3FAD] =	sst s0  }
0x9: {  	[smem:$0x3FAE] =	sst s1  }
0xa: {  	[smem:$0x3FAF] =	sst s2  }
0xb: {  	[smem:$0x3FB0] =	sst s3  }
0xc: {  	[smem:$0x3FB1] =	sst s4  }
0xd: {  	[smem:$0x3FB2] =	sst s5  }
0xe: {  	[smem:$0x3FB3] =	sst s6  }
0xf: {  	[smem:$0x3FB4] =	sst s7  }
0x10: {  	[smem:$0x3FB5] =	sst s8  }
0x11: {  	[smem:$0x3FB6] =	sst s9;
	s0 =	simm.s32 @!p0 $0x0  }
0x12: {  	s1 =	sld [smem:$0x3F9C];
	s0 =	simm.s32 @p0 $0x1  }
0x13: {  	[smem:$0x3FB7] =	sst s0;
	s0 =	simm.s32 @!p1 $0x0  }
0x14: {  	s2 =	sld [smem:$0x3F9B];
	s0 =	simm.s32 @p1 $0x1  }
0x15: {  	[smem:$0x3FB8] =	sst s0;
	s0 =	simm.s32 @!p2 $0x0  }
0x16: {  	s3 =	sld [smem:$0x3FDB];
	s0 =	simm.s32 @p2 $0x1  }
0x17: {  	s4 =	simm.s32 $0x1BF5;
	[smem:$0x3FBA] =	sst s0  }
0x18: {  	s0 =	sld [smem:$0x3F9D];
	_ =	swait.ge [sflag:s4], $0x0  }
0x19: {  	s7 =	sld [smem:$0x3F9E]  }
0x1a: {  	s8 =	sadd.s32 $0xFFFFE003, lr  }
0x1b: {  	s9 =	sadd.s32 $0xFFFFFEF7, lr;
	s5 =	simm.s32 $0xFFFFFFFF;
	p2 =	slt.u32 s8, $0xFFFFF086  }
0x1c: {  	p1 =	slt.u32 s9, $0xF7A;
	s5 =	simm.s32 @!p2 $0x0  }
0x1d: {  	s5 =	simm.s32 @p1 $0x1;
	p0 =	seq.s32 s7, s2  }
0x1e: {  	s7 =	smul.u32 @!p0 $0xF7A, s2;
	p2 =	seq.s32 @!p0 s5, $0x0  }
0x1f: {  	s9 =	smul.u32 $0xF7A, s1;
	s8 =	simm.s32 @!p0 $0x1BF5;
	p2 =	por !p2, p0  }
0x20: {  	[sflag:s8] =	ssyncset.s32 @!p0 $0xFFFFF086;
	s6 =	sadd.s32 @!p0 s3, s7;
	s7 =	simm.s32 @!p0 $0x108  }
0x21: {  	s3 =	sadd.s32 s3, s9;
	s6 =	sadd.s32 @!p0 $0x88, s6;
	s7 =	simm.s32 @p2 $0x1082  }
0x22: {  	[simem:s7], [sflag:s8] =	dma.local @!p0 [hbm:s6], $0xF7A  }
0x23: {  	s9 =	sor.u32 $0xD0000000, s2;
	s6 =	simm.s32 $0x108;
	_ =	swait.ge @!p0 [sflag:s8], $0x0  }
0x24: {  	s3 =	sadd.s32 $0x88, s3;
	s6 =	simm.s32 @!p1 $0x1082;
	[sflag:s4] =	ssyncset.s32 $0xFFFFF086  }
0x25: {  	[simem:s6], [sflag:s4] =	dma.local [hbm:s3], $0xF7A  }
0x26: {  	[smem:$0x3F9E] =	sst s1;
	(tag) =	ssettag s2;
	_ =	strace s9  }
0x27: {  	s1 =	sld [smem:$0x3FAE]  }
0x28: {  	s2 =	sld [smem:$0x3FAF]  }
0x29: {  	s4 =	sld [smem:$0x3FB1]  }
0x2a: {  	p0 =	seq.s32 s5, $0x0;
	s5 =	sld [smem:$0x3FB2]  }
0x2b: {  	s6 =	sld [smem:$0x3FB3]  }
0x2c: {  	s7 =	sld [smem:$0x3FB4]  }
0x2d: {  	s3 =	simm.s32 $0x108;
	s8 =	sld [smem:$0x3FB5]  }
0x2e: {  	s3 =	simm.s32 @!p0 $0x1082;
	s9 =	sld [smem:$0x3FB6]  }
0x2f: {  	lr =	sadd.s32 s0, s3;
	s0 =	sld [smem:$0x3FAD]  }
0x30: {  	s3 =	sld [smem:$0x3FB0]  }
0x31: {  	[smem:$0x3FB9] =	sst s10  }
0x32: {  	s10 =	sld [smem:$0x3FB7];
	_ =	sdelay $0x3  }
0x33: {  	p0 =	seq.s32 s10, $0x1;
	s10 =	sld [smem:$0x3FB9];
	_ =	sdelay $0x3  }
0x34: {  	[smem:$0x3FB9] =	sst s10  }
0x35: {  	s10 =	sld [smem:$0x3FB8];
	_ =	sdelay $0x3  }
0x36: {  	p1 =	seq.s32 s10, $0x1;
	s10 =	sld [smem:$0x3FB9];
	_ =	sdelay $0x3  }
0x37: {  	[smem:$0x3FB9] =	sst s10  }
0x38: {  	s10 =	sld [smem:$0x3FBA]  }
0x39: {  	_ = 	snop;
	(pc) =	sbr.ind lr, $3  }
0x3a: {  	_ = 	snop  }
0x3b: {  	_ = 	snop  }
0x3c: {  	p2 =	seq.s32 s10, $0x1;
	s10 =	sld [smem:$0x3FB9]  }
0x3d: {  	_ =	shalt  }
0x3e: {  	_ =	shalt  }
0x3f: {  	_ =	shalt  }
0x40: {  	_ =	shalt  }
0x41: {  	_ =	shalt  }
0x42: {  	_ =	shalt  }
0x43: {  	_ =	shalt  }
0x44: {  	_ =	shalt  }
0x45: {  	_ =	shalt  }
0x46: {  	_ =	shalt  }
0x47: {  	_ =	shalt  }
0x48: {  	_ =	shalt  }
0x49: {  	_ =	shalt  }
0x4a: {  	_ =	shalt  }
0x4b: {  	_ =	shalt  }
0x4c: {  	_ =	shalt  }
0x4d: {  	_ =	shalt  }
0x4e: {  	_ =	shalt  }
0x4f: {  	_ =	shalt  }
0x50: {  	_ =	shalt  }
0x51: {  	_ =	shalt  }
0x52: {  	_ =	shalt  }
0x53: {  	_ =	shalt  }
0x54: {  	_ =	shalt  }
0x55: {  	_ =	shalt  }
0x56: {  	_ =	shalt  }
0x57: {  	_ =	shalt  }
0x58: {  	_ =	shalt  }
0x59: {  	_ =	shalt  }
0x5a: {  	_ =	shalt  }
0x5b: {  	_ =	shalt  }
0x5c: {  	_ =	shalt  }
0x5d: {  	_ =	shalt  }
0x5e: {  	_ =	shalt  }
0x5f: {  	_ =	shalt  }
0x60: {  	_ =	shalt  }
0x61: {  	_ =	shalt  }
0x62: {  	_ =	shalt  }
0x63: {  	_ =	shalt  }
0x64: {  	_ =	shalt  }
0x65: {  	_ =	shalt  }
0x66: {  	_ =	shalt  }
0x67: {  	_ =	shalt  }
0x68: {  	_ =	shalt  }
0x69: {  	_ =	shalt  }
0x6a: {  	_ =	shalt  }
0x6b: {  	_ =	shalt  }
0x6c: {  	_ =	shalt  }
0x6d: {  	_ =	shalt  }
0x6e: {  	_ =	shalt  }
0x6f: {  	_ =	shalt  }
0x70: {  	_ =	shalt  }
0x71: {  	_ =	shalt  }
0x72: {  	_ =	shalt  }
0x73: {  	_ =	shalt  }
0x74: {  	_ =	shalt  }
0x75: {  	_ =	shalt  }
0x76: {  	_ =	shalt  }
0x77: {  	_ =	shalt  }
0x78: {  	_ =	shalt  }
0x79: {  	_ =	shalt  }
0x7a: {  	_ =	shalt  }
0x7b: {  	_ =	shalt  }
0x7c: {  	_ =	shalt  }
0x7d: {  	_ =	shalt  }
0x7e: {  	_ =	shalt  }
0x7f: {  	_ =	shalt  }
0x80: {  	_ =	shalt  }
0x81: {  	_ =	shalt  }
0x82: {  	_ =	shalt  }
0x83: {  	_ =	shalt  }
0x84: {  	_ =	shalt  }
0x85: {  	_ =	shalt  }
0x86: {  	_ =	shalt  }
0x87: {  	_ =	shalt  }
.Lfunc_end0:
.L_simem_size_0:
called_computation_lowered:
.L_overlay_start_0:
0x88: {  	s2 =	sld [smem:$0x3FD9]  }
0x89: {  	s3 =	sld [smem:$0x3FFE];
	_ =	sdelay $0x1  }
0x8a: {  	s1 =	srdreg.scid  }
0x8b: {  	s0 =	sand.u32 $0x1, s1  }
0x8c: {  	s17 =	sshll.u32 s0, $0xA;
	s2 =	sadd.s32 s3, s2  }
0x8d: {  	s2 =	sadd.s32 s2, s17  }
0x8e: {  	[smem:$0x3FC5] =	sst s2  }
0x8f: {  	_ = 	snop  }
0x90: {  	s2 =	sld [smem:$0x3FC7]  }
0x91: {  	s18 =	sld [smem:$0x3FD0];
	(tm) =	ssettm $0x1  }
0x92: {  	s4 =	sld [smem:$0x3FFB];
	_ =	sdelay $0x3  }
0x93: {  	_ =	strace s4  }
0x94: {  	s4 =	sld [smem:$0x3FFC];
	_ =	sdelay $0x3  }
0x95: {  	_ =	strace s4  }
0x96: {  	s4 =	sld [smem:$0x3FFD];
	_ =	sdelay $0x3  }
0x97: {  	_ =	strace s4  }
0x98: {  	_ =	strace $0x8FFFFFFF  }
0x99: {  	s19 =	sld [smem:$0x3FDB];
	_ =	sdelay $0x1  }
0x9a: {  	s5 =	simm.s32 $_scs_section_size  }
0x9b: {  	s6 =	simm.s32 $_size__tile_overlayer_lowered;
	s7 =	simm.s32 $_tile_overlayer_lowered  }
0x9c: {  	s22 =	simm.s32 $0x1BFF;
	s21 =	sshll.u32 s7, $0x1;
	s4 =	sadd.s32 s5, s19  }
0x9d: {  	s8 =	simm.s32 $0x0;
	s20 =	sshll.u32 s6, $0x1;
	s6 =	sadd.s32 s21, s4  }
0x9e: {  	[timem:s8], [sflag:s22] =	dma.local [hbm:s6], s20  }
0x9f: {  	_ =	swait.ge [sflag:s22], s20  }
0xa0: {  	s5 =	ssub.s32 $0x0, s20;
	[sflag:s22] =	ssyncset.done $0x0  }
0xa1: {  	[sflag:s22] =	ssyncadd.s32 s5;
	_ =	sdelay $0x1  }
0xa2: {  	s23 =	simm.s32 $0x1B8B  }
0xa3: {  	_ =	swait.ge [sflag:s23], $0x1  }
0xa4: {  	[sflag:s23] =	ssyncset.done $0x0  }
0xa5: {  	s25 =	simm.s32 $0x1B8E;
	s24 =	sld [smem:$0x3FFE];
	[sflag:s23] =	ssyncadd.s32 $0xFFFFFFFF  }
0xa6: {  	s26 =	simm.s32 $execute0_lowered;
	[smem:$0x3FD2] =	sst s25  }
0xa7: {  	s6 =	sshll.u32 s26, $0x1;
	_ =	strace $0x80000046;
	[dreg:$0x1] =	wrdreg $0xFFFFFFFF  }
0xa8: {  	s28 =	simm.s32 $_size_execute0_lowered;
	s4 =	sadd.s32 s4, s6;
	[dreg:$0x0] =	wrdreg $0x0  }
0xa9: {  	s6 =	sshll.u32 s28, $0x1;
	[dreg:$0x2] =	wrdreg s4  }
0xaa: {  	[dreg:$0x3] =	wrdreg s6  }
0xab: {  	[dreg:$0x4] =	wrdreg $0xC0  }
0xac: {  	_ =	task [dreg:s8], $0x5FFFF  }
0xad: {  	[dreg:$0x1] =	wrdreg $0xFFFFFFFF  }
0xae: {  	[dreg:$0x0] =	wrdreg $0x60  }
0xaf: {  	[dreg:$0x2] =	wrdreg s24  }
0xb0: {  	[dreg:$0x3] =	wrdreg s2  }
0xb1: {  	[dreg:$0x4] =	wrdreg s18  }
0xb2: {  	[dreg:$0x5] =	wrdreg $0x9  }
0xb3: {  	_ =	task.clear_ibuf [dreg:s8], $0x6FFFF;
	_ =	strace $0x90000046  }
0xb4: {  	s29 =	simm.s32 $0x9;
	_ =	strace $0x80000048  }
0xb5: {  	_ =	swait.ge [sflag:s29], $0x1  }
0xb6: {  	[sflag:s29] =	ssyncadd.s32 $0xFFFFFFFF  }
0xb7: {  	_ =	strace $0x90000048  }
0xb8: {  	_ =	sfence  }
0xb9: {  	s30 =	sld [smem:$0x0];
	_ =	sdelay $0x2  }
0xba: {  	s31 =	sshll.u32 s1, $0xD;
	s1 =	sshrl.u32 s1, $0x2  }
0xbb: {  	s3 =	sand.u32 $0x4000, s31;
	s1 =	sadd.s32 s1, s30  }
0xbc: {  	s0 =	sor.u32 s3, s0;
	s1 =	sshll.u32 s1, $0x11  }
0xbd: {  	s0 =	sor.u32 s1, s0  }
0xbe: {  	s0 =	sadd.s32 $0x8F2B, s0  }
0xbf: {  	[sflag:s0] =	ssyncadd.remote.s32 $0x1  }
0xc0: {  	_ =	sfence.sel $0xFFFF  }
0xc1: {  	[dreg:$0x0] =	wrdreg $0xFFFFFFFF;
	(pc) =	sbr.abs _section_cstart, $3  }
0xc2: {  	[dreg:$0x1] =	wrdreg $0xFFFFFFFF  }
0xc3: {  	_ =	task.clear_ibuf [dreg:s8], $0x2FFFF;
	_ =	strace $0x9FFFFFFF  }
0xc4: {  	(tm) =	ssettm $0x7FFFFFFF  }
0xc5: {  	_ =	shalt  }
tec
execute0_lowered:
.L_overlay_start_1:
0x0: {  	(tag) =	ssettag $0x1  }
0x1: {  	s0 =	rddreg [dreg:$0x0];
	s1 =	srdreg.scid  }
0x2: {  	s3 =	stileid.u32;
	s2 =	rddreg [dreg:$0x2]  }
0x3: {  	s7 =	simm.s32 $0x0;
	s10 =	simm.s32 $0x9;
	s12 =	simm.s32 $0x80  }
0x4: {  	s14 =	simm.s32 $0x48;
	s17 =	simm.s32 $0x7080;
	s19 =	simm.s32 $0x7880  }
0x5: {  	s21 =	simm.s32 $0x7D00;
	s23 =	simm.s32 $0x8500;
	s28 =	simm.s32 $0x9180  }
0x6: {  	s30 =	simm.s32 $0x9600;
	s11 =	simm.s32 $0xAA80;
	s18 =	simm.s32 $0xAF00  }
0x7: {  	s22 =	simm.s32 $0xB700;
	s29 =	simm.s32 $0x1;
	s31 =	simm.s32 $0x2  }
0x8: {  	s9 =	simm.s32 $0x4;
	s16 =	simm.s32 $0x5;
	s20 =	simm.s32 $0x6  }
0x9: {  	s8 =	simm.s32 $0x0;
	s1 =	sand.u32 $0x1, s1;
	s3 =	sshll.u32 s3, $0x8  }
0xa: {  	[smem:$0x7FF] =	sst s7;
	s4 =	sshll.u32 s1, $0x7;
	s1 =	ssub.s32 $0x2, s1  }
0xb: {  	_ =	strace $0x80000047;
	s3 =	sor.u32 s4, s3;
	s6 =	sshrl.u32 s1, $0x1  }
0xc: {  	s4 =	smul.u32 $0x19, s3;
	s24 =	ssub.s32 s1, s6;
	s25 =	sshll.u32 s3, $0x1  }
0xd: {  	s6 =	simm.s32 $0x8;
	s1 =	sadd.s32 s2, s25;
	s25 =	simm.s32 $0x8980  }
0xe: {  	s2 =	simm.s32 $0xA280;
	s5 =	sadd.s32 s4, s0;
	s4 =	sadd.s32 $0xF80600, s0  }
0xf: {  	s0 =	sadd.s32 $0x19600, s0;
	[dreg:$0x6] =	wrdreg s1;
	s1 =	simm.s32 $0x9E00  }
0x10: {  	[dreg:$0x4] =	wrdreg s0;
	s26 =	sadd.s32 $0x600, s5;
	s0 =	smax.u32 s24, $0x1  }
0x11: {  	s24 =	simm.s32 $0xBB80;
	s5 =	simm.s32 $0x7;
	[dreg:$0x5] =	wrdreg s26  }
0x12: {  	vm0 =	vmmov $0xff;
	[dreg:$0x7] =	wrdreg s0;
	s26 =	simm.s32 $0xC380;
	s0 =	simm.s32 $0x3  }
.LBB2_1:
0x13: {  	[dreg:$0x8] =	wrdreg s8  }
0x14: {  	s3 =	rddreg [dreg:$0x4];
	s15 =	simm.s32 $0xD010  }
0x15: {  	[tilespmem:s15], [sflag:$0x9] =	stream.linear.gather [hbm4b:s3+s7], $0x1, $0x38;
	[tilespmem:$0xD020] =	vst v63  }
0x16: {  	_ =	swait.ge [sflag:s10], $0x1  }
0x17: {  	[sflag:s10] =	ssyncset.done $0x0  }
0x18: {  	s8 =	rddreg [dreg:$0x5];
	[sflag:s10] =	ssyncadd.s32 $0xFFFFFFFF  }
0x19: {  	v1 =	vld [tilespmem:$0xD010];
	[tilespmem:s7], [sflag:$0x9] =	stream.linear.gather [hbm4b:s8+s7], $0x6400, $0x38  }
0x1a: {  	_ =	swait.ge [sflag:s10], $0x6400  }
0x1b: {  	[sflag:s10] =	ssyncset.done $0x0  }
0x1c: {  	[sflag:s10] =	ssyncadd.s32 $0xFFFF9C00  }
0x1d: {  	s15 =	simm.s32 $0xD000;
	s13 =	rddreg [dreg:$0x1]  }
0x1e: {  	[tilespmem:s15], [sflag:$0x9] =	stream.linear.gather [hbm4b:s13+s7], $0x10, $0x38;
	[tilespmem:$0xD020] =	vst v63  }
0x1f: {  	_ =	swait.ge [sflag:s10], $0x10  }
0x20: {  	[sflag:s10] =	ssyncset.done $0x0  }
0x21: {  	s3 =	simm.s32 $0x0;
	[sflag:s10] =	ssyncadd.s32 $0xFFFFFFF0  }
0x22: {  	v0 =	vld [tilespmem:s3+$0x90]  }
0x23: {  	v2 =	vld [tilespmem:s3+$0xA0]  }
0x24: {  	v3 =	vld [tilespmem:s3+$0x50]  }
0x25: {  	v4 =	vld [tilespmem:s3+$0x70]  }
0x26: {  	v5 =	vld [tilespmem:s3+$0x80]  }
0x27: {  	v6 =	vld [tilespmem:s3+$0x20]  }
0x28: {  	v7 =	vld [tilespmem:s3+$0x60]  }
0x29: {  	v10 =	vld [tilespmem:s3+$0x40]  }
0x2a: {  	v17 =	vld [tilespmem:s3+$0x0];
	v8 =	vshll.u32 v0, $0x3  }
0x2b: {  	v9 =	vshrl.u32 v0, $0xC;
	v11 =	vshll.u32 v3, $0x3;
	v12 =	vand.u32 $0xFFFF8000, v0  }
0x2c: {  	v13 =	vshrl.u32 v2, $0xC;
	v14 =	vshll.u32 v2, $0x3;
	v15 =	vand.u32 $0xFFFF8000, v3  }
0x2d: {  	v16 =	vshll.u32 v6, $0x3;
	v3 =	vshrl.u32 v3, $0xC;
	v18 =	vshrl.u32 v7, $0xC  }
0x2e: {  	v19 =	vshrl.u32 v5, $0xC;
	v20 =	vand.u32 $0xFFFF8000, v7;
	v21 =	vand.u32 $0xFFFF8000, v4  }
0x2f: {  	v22 =	vshll.u32 v10, $0x3;
	v56 =	vand.u32 $0xFFFF8000, v17;
	v2 =	vand.u32 $0xFFFF8000, v2  }
0x30: {  	v24 =	vld [tilespmem:s3+$0x30];
	v7 =	vshll.u32 v7, $0x3;
	v8 =	vand.u32 $0x7FF8, v8;
	v9 =	vand.u32 $0x7, v9  }
0x31: {  	v0 =	vand.u32 $0x7FF8, v11;
	v11 =	vshll.u32 v5, $0x3;
	v3 =	vand.u32 $0x7, v3  }
0x32: {  	v14 =	vand.u32 $0x7FF8, v14;
	v22 =	vand.u32 $0x7FF8, v22;
	v7 =	vand.u32 $0x7FF8, v7  }
0x33: {  	v15 =	vor.u32 v15, v0;
	v8 =	vor.u32 v12, v8;
	v2 =	vor.u32 v2, v14  }
0x34: {  	v7 =	vor.u32 v20, v7;
	v3 =	vor.u32 v3, v15;
	v15 =	vshrl.u32 v10, $0xC  }
0x35: {  	v12 =	vshll.u32 v24, $0x3;
	v10 =	vand.u32 $0xFFFF8000, v10;
	v15 =	vand.u32 $0x7, v15  }
0x36: {  	v0 =	vld [tilespmem:$0xD000];
	v10 =	vor.u32 v10, v22;
	[tilespmem:s3+$0x50] =	vst v3;
	v3 =	vand.u32 $0xFFFF8000, v5;
	v5 =	vor.u32 v9, v8  }
0x37: {  	v8 =	vshll.u32 v4, $0x3;
	v9 =	vand.u32 $0x7FF8, v11;
	v4 =	vshrl.u32 v4, $0xC  }
0x38: {  	[tilespmem:s3+$0x90] =	vst v5;
	v5 =	vor.u32 v15, v10;
	v10 =	vand.u32 $0x7, v13;
	v3 =	vor.u32 v3, v9  }
0x39: {  	s7 =	simm.s32 $0xC8;
	v23 =	vld [tilespmem:s3+$0x10];
	v9 =	vshll.u32 v17, $0x3;
	[tilespmem:s3+$0x40] =	vst v5;
	v5 =	vand.u32 $0x7, v19;
	v2 =	vor.u32 v10, v2  }
0x3a: {  	v8 =	vand.u32 $0x7FF8, v8;
	v4 =	vand.u32 $0x7, v4;
	v3 =	vor.u32 v5, v3;
	v5 =	vld [tilespmem:s7+$0x90];
	[tilespmem:s3+$0xA0] =	vst v2  }
0x3b: {  	v8 =	vor.u32 v21, v8;
	v2 =	vand.u32 $0x7FF8, v9;
	[tilespmem:s3+$0x80] =	vst v3;
	v3 =	vshrl.u32 v17, $0xC  }
0x3c: {  	v4 =	vor.u32 v4, v8;
	v2 =	vor.u32 v56, v2;
	v3 =	vand.u32 $0x7, v3  }
0x3d: {  	v8 =	vand.u32 $0xFFFF8000, v24;
	v9 =	vld [tilespmem:s7+$0xA0];
	[tilespmem:s3+$0x70] =	vst v4;
	v4 =	vand.u32 $0x7, v18;
	v2 =	vor.u32 v3, v2  }
0x3e: {  	v3 =	vshll.u32 v23, $0x3;
	v4 =	vor.u32 v4, v7;
	v7 =	vand.u32 $0x7FF8, v16  }
0x3f: {  	v11 =	vld [tilespmem:s7+$0x70];
	[tilespmem:s3+$0x0] =	vst v2;
	v2 =	vshrl.u32 v6, $0xC;
	v6 =	vand.u32 $0xFFFF8000, v6;
	v3 =	vand.u32 $0x7FF8, v3  }
0x40: {  	v10 =	vld [tilespmem:s7+$0x50];
	v6 =	vor.u32 v6, v7;
	v2 =	vand.u32 $0x7, v2;
	[tilespmem:s3+$0x60] =	vst v4;
	v4 =	vshrl.u32 v24, $0xC  }
0x41: {  	v7 =	vand.u32 $0x7FF8, v12;
	v2 =	vor.u32 v2, v6;
	v6 =	vshrl.u32 v23, $0xC  }
0x42: {  	v4 =	vand.u32 $0x7, v4;
	v7 =	vor.u32 v8, v7;
	v8 =	vand.u32 $0xFFFF8000, v23  }
0x43: {  	v4 =	vor.u32 v4, v7;
	v6 =	vand.u32 $0x7, v6;
	v3 =	vor.u32 v8, v3  }
0x44: {  	v12 =	vld [tilespmem:s7+$0x80];
	[tilespmem:s3+$0x20] =	vst v2;
	v15 =	vshrl.u32 v9, $0xC;
	v8 =	vshll.u32 v9, $0x3;
	v26 =	vand.u32 $0xFFFF8000, v9  }
0x45: {  	v2 =	vld [tilespmem:s7+$0x20];
	[tilespmem:s3+$0x30] =	vst v4;
	v3 =	vor.u32 v6, v3;
	v4 =	vshll.u32 v5, $0x3;
	v6 =	vshrl.u32 v5, $0xC  }
0x46: {  	v5 =	vand.u32 $0xFFFF8000, v5;
	v60 =	vand.u32 $0xFFFF8000, v11;
	v25 =	vand.u32 $0x7FF8, v8  }
0x47: {  	v27 =	vshll.u32 v11, $0x3;
	v9 =	vand.u32 $0x7, v15;
	v11 =	vshrl.u32 v11, $0xC  }
0x48: {  	v7 =	vand.u32 $0x7FF8, v4;
	v14 =	vand.u32 $0x7, v6;
	v15 =	vand.u32 $0x7FF8, v27  }
0x49: {  	v13 =	vld [tilespmem:s7+$0x60];
	[tilespmem:s3+$0x10] =	vst v3;
	v63 =	vand.u32 $0x7, v11;
	v3 =	vshll.u32 v10, $0x3;
	v17 =	vand.u32 $0xFFFF8000, v10  }
0x4a: {  	v10 =	vshrl.u32 v10, $0xC;
	v5 =	vor.u32 v5, v7;
	v23 =	vor.u32 v60, v15  }
0x4b: {  	v6 =	vld [tilespmem:s7+$0x40];
	v15 =	vor.u32 v26, v25;
	v4 =	vand.u32 $0x7FF8, v3;
	v16 =	vshll.u32 v12, $0x3  }
0x4c: {  	v58 =	vld [tilespmem:s7+$0x0];
	v57 =	vshrl.u32 v12, $0xC;
	v10 =	vand.u32 $0x7, v10;
	v14 =	vor.u32 v14, v5  }
0x4d: {  	v12 =	vand.u32 $0xFFFF8000, v12;
	v17 =	vor.u32 v17, v4;
	v16 =	vand.u32 $0x7FF8, v16  }
0x4e: {  	[tilespmem:s7+$0x90] =	vst v14;
	v14 =	vor.u32 v63, v23;
	v3 =	vshll.u32 v2, $0x3;
	v17 =	vor.u32 v10, v17  }
0x4f: {  	v18 =	vld [tilespmem:s7+$0x10];
	v16 =	vor.u32 v12, v16;
	v19 =	vshrl.u32 v13, $0xC;
	v59 =	vand.u32 $0xFFFF8000, v13  }
0x50: {  	v13 =	vshll.u32 v13, $0x3;
	[tilespmem:s7+$0x50] =	vst v17;
	v17 =	vand.u32 $0x7, v57;
	v61 =	vshll.u32 v6, $0x3  }
0x51: {  	v4 =	vld [tilespmem:s7+$0x30];
	v8 =	vshrl.u32 v6, $0xC;
	v6 =	vand.u32 $0xFFFF8000, v6;
	v7 =	vand.u32 $0xFFFF8000, v58  }
0x52: {  	v12 =	vshll.u32 v58, $0x3;
	v21 =	vshrl.u32 v58, $0xC;
	v19 =	vand.u32 $0x7, v19  }
0x53: {  	v16 =	vor.u32 v17, v16;
	v10 =	vand.u32 $0x7FF8, v61;
	v62 =	vand.u32 $0x7, v8  }
0x54: {  	v8 =	vshll.u32 v18, $0x3;
	v10 =	vor.u32 v6, v10;
	v6 =	vshrl.u32 v18, $0xC  }
0x55: {  	v24 =	vor.u32 v62, v10;
	v10 =	vand.u32 $0xFFFF8000, v18;
	v18 =	vand.u32 $0x7FF8, v13  }
0x56: {  	v12 =	vand.u32 $0x7FF8, v12;
	v5 =	vand.u32 $0xFFFF8000, v4;
	v11 =	vor.u32 v59, v18  }
0x57: {  	s8 =	simm.s32 $0x640;
	v6 =	vand.u32 $0x7, v6;
	v13 =	vand.u32 $0x7, v21;
	[tilespmem:s7+$0x40] =	vst v24;
	v11 =	vor.u32 v19, v11  }
.LBB2_2:
0x58: {  	s10 =	sshra.s32 s8, $0x2;
	p0 =	sne.s32 s8, $0x18CE0;
	s8 =	sadd.s32 $0x320, s8;
	v8 =	vand.u32 $0x7FF8, v8;
	v17 =	vshll.u32 v4, $0x3;
	v9 =	vor.u32 v9, v15;
	v15 =	vld [tilespmem:s3+$0xB0]  }
0x59: {  	v7 =	vor.u32 v7, v12;
	v18 =	vld [tilespmem:s10+$0x90];
	v8 =	vor.u32 v10, v8;
	v10 =	vshrl.u32 v2, $0xC;
	[tilespmem:s7+$0x80] =	vst v16  }
0x5a: {  	v4 =	vshrl.u32 v4, $0xC;
	v2 =	vand.u32 $0xFFFF8000, v2;
	v6 =	vor.u32 v6, v8;
	[tilespmem:s7+$0xA0] =	vst v9  }
0x5b: {  	v3 =	vand.u32 $0x7FF8, v3;
	v7 =	vor.u32 v13, v7;
	v4 =	vand.u32 $0x7, v4;
	v9 =	vld [tilespmem:s10+$0xA0];
	[tilespmem:s7+$0x70] =	vst v14  }
0x5c: {  	v2 =	vor.u32 v2, v3;
	v3 =	vand.u32 $0x7, v10;
	v13 =	vld [tilespmem:s10+$0x70];
	[tilespmem:s7+$0x0] =	vst v7;
	v7 =	vand.u32 $0x7FF8, v17  }
0x5d: {  	v2 =	vor.u32 v3, v2;
	v8 =	vld [tilespmem:s10+$0x50];
	v3 =	vor.u32 v5, v7;
	[tilespmem:s7+$0x60] =	vst v11;
	v5 =	vshrl.u32 v15, $0xC  }
0x5e: {  	v10 =	vld [tilespmem:s10+$0x80];
	[tilespmem:s7+$0x20] =	vst v2;
	v3 =	vor.u32 v4, v3;
	v4 =	vshll.u32 v15, $0x3;
	v5 =	vand.u32 $0x7, v5  }
0x5f: {  	v2 =	vld [tilespmem:s10+$0x20];
	[tilespmem:s7+$0x30] =	vst v3;
	v3 =	vand.u32 $0xFFFF8000, v15;
	v4 =	vand.u32 $0x7FF8, v4  }
0x60: {  	v7 =	vshll.u32 v18, $0x3;
	v12 =	vshrl.u32 v18, $0xC;
	v11 =	vld [tilespmem:s10+$0x60];
	[tilespmem:s7+$0x10] =	vst v6;
	v3 =	vor.u32 v3, v4  }
0x61: {  	v14 =	vand.u32 $0x7FF8, v7;
	v12 =	vand.u32 $0x7, v12;
	v3 =	vor.u32 v5, v3  }
0x62: {  	v15 =	vand.u32 $0xFFFF8000, v18;
	v16 =	vshrl.u32 v9, $0xC;
	v5 =	vld [tilespmem:s10+$0x40];
	v4 =	vshll.u32 v8, $0x3;
	[tilespmem:s3+$0xB0] =	vst v3  }
0x63: {  	v6 =	vshll.u32 v9, $0x3;
	v4 =	vand.u32 $0x7FF8, v4;
	v17 =	vshll.u32 v10, $0x3;
	v18 =	vld [tilespmem:s3+$0xB8]  }
0x64: {  	v7 =	vand.u32 $0xFFFF8000, v8;
	v8 =	vshrl.u32 v8, $0xC;
	v3 =	vshll.u32 v2, $0x3  }
0x65: {  	v21 =	vshrl.u32 v10, $0xC;
	v4 =	vor.u32 v7, v4;
	v19 =	vld [tilespmem:s10+$0x10];
	v20 =	vshrl.u32 v11, $0xC  }
0x66: {  	v24 =	vand.u32 $0xFFFF8000, v13;
	v7 =	vand.u32 $0x7, v8;
	v23 =	vand.u32 $0xFFFF8000, v11;
	v22 =	vld [tilespmem:s10+$0x0]  }
0x67: {  	v25 =	vand.u32 $0x7FF8, v6;
	v7 =	vor.u32 v7, v4;
	v8 =	vshll.u32 v5, $0x3  }
0x68: {  	v4 =	vld [tilespmem:s10+$0x30];
	v6 =	vand.u32 $0x7FF8, v8;
	v8 =	vshrl.u32 v5, $0xC;
	[tilespmem:s10+$0x50] =	vst v7;
	v26 =	vshll.u32 v18, $0x3  }
0x69: {  	v5 =	vand.u32 $0xFFFF8000, v5;
	v28 =	vshrl.u32 v18, $0xC;
	v27 =	vand.u32 $0x7, v8  }
0x6a: {  	v30 =	vor.u32 v5, v6;
	v8 =	vshll.u32 v19, $0x3;
	v29 =	vshrl.u32 v19, $0xC  }
0x6b: {  	v7 =	vand.u32 $0xFFFF8000, v22;
	v6 =	vand.u32 $0x7, v29;
	v29 =	vand.u32 $0xFFFF8000, v18  }
0x6c: {  	v14 =	vor.u32 v15, v14;
	v15 =	vand.u32 $0xFFFF8000, v9;
	v28 =	vand.u32 $0x7, v28  }
0x6d: {  	v9 =	vor.u32 v12, v14;
	v31 =	vand.u32 $0xFFFF8000, v10;
	v5 =	vand.u32 $0xFFFF8000, v4  }
0x6e: {  	v14 =	vshll.u32 v13, $0x3;
	v12 =	vand.u32 $0x7FF8, v17;
	[tilespmem:s10+$0x90] =	vst v9;
	v9 =	vand.u32 $0x7, v16  }
0x6f: {  	v17 =	vshrl.u32 v22, $0xC;
	v16 =	vshll.u32 v22, $0x3;
	v22 =	vand.u32 $0x7FF8, v26  }
0x70: {  	v10 =	vand.u32 $0xFFFF8000, v19;
	v19 =	vor.u32 v27, v30;
	v26 =	vor.u32 v31, v12  }
0x71: {  	v14 =	vand.u32 $0x7FF8, v14;
	v12 =	vand.u32 $0x7FF8, v16;
	v16 =	vor.u32 v29, v22;
	[tilespmem:s10+$0x40] =	vst v19  }
.Ltmp0:
0x72: {  	v13 =	vshrl.u32 v13, $0xC;
	v11 =	vshll.u32 v11, $0x3;
	v16 =	vor.u32 v28, v16;
	(pc) =	sbr.rel @p0 .LBB2_2-.Ltmp0, $4  }
0x73: {  	v14 =	vor.u32 v24, v14;
	v11 =	vand.u32 $0x7FF8, v11;
	v19 =	vand.u32 $0x7, v21  }
0x74: {  	v15 =	vor.u32 v15, v25;
	v20 =	vand.u32 $0x7, v20;
	v21 =	vand.u32 $0x7, v13  }
0x75: {  	v11 =	vor.u32 v23, v11;
	v13 =	vand.u32 $0x7, v17;
	v17 =	vsel vm0, v18, v16  }
0x76: {  	v11 =	vor.u32 v20, v11;
	v14 =	vor.u32 v21, v14;
	v16 =	vor.u32 v19, v26;
	[tilespmem:s3+$0xB8] =	vst v17;
	s3 =	smov.u32 s7;
	s7 =	smov.u32 s10  }
0x77: {  	v8 =	vand.u32 $0x7FF8, v8;
	v17 =	vshll.u32 v4, $0x3;
	v9 =	vor.u32 v9, v15;
	v52 =	vld [tilespmem:s3+$0xB0]  }
0x78: {  	v7 =	vor.u32 v7, v12;
	v53 =	vshrl.u32 v2, $0xC;
	[tilespmem:s7+$0x80] =	vst v16;
	v2 =	vand.u32 $0xFFFF8000, v2  }
0x79: {  	v54 =	vshrl.u32 v4, $0xC;
	v3 =	vand.u32 $0x7FF8, v3;
	[tilespmem:s7+$0x70] =	vst v14;
	v8 =	vor.u32 v10, v8  }
0x7a: {  	[tilespmem:s7+$0x60] =	vst v11;
	v2 =	vor.u32 v2, v3;
	v3 =	vand.u32 $0x7, v53;
	v55 =	vand.u32 $0x7FF8, v17  }
0x7b: {  	[tilespmem:s7+$0xA0] =	vst v9;
	v4 =	vand.u32 $0x7, v54;
	v2 =	vor.u32 v3, v2;
	v3 =	vor.u32 v5, v55  }
0x7c: {  	v7 =	vor.u32 v13, v7;
	[tilespmem:s7+$0x20] =	vst v2;
	v2 =	vor.u32 v4, v3;
	v57 =	vshll.u32 v52, $0x3  }
0x7d: {  	[tilespmem:s7+$0x0] =	vst v7;
	v56 =	vshrl.u32 v52, $0xC;
	v3 =	vand.u32 $0xFFFF8000, v52;
	v58 =	vand.u32 $0x7FF8, v57  }
0x7e: {  	v6 =	vor.u32 v6, v8;
	[tilespmem:s7+$0x30] =	vst v2;
	v5 =	vand.u32 $0x7, v56;
	v2 =	vor.u32 v3, v58  }
0x7f: {  	[tilespmem:s7+$0x10] =	vst v6;
	v2 =	vor.u32 v5, v2  }
0x80: {  	[tilespmem:s3+$0xB0] =	vst v2  }
0x81: {  	v2 =	vld [tilespmem:s3+$0xB8];
	_ =	sdelay $0x4  }
0x82: {  	v3 =	vshll.u32 v2, $0x3  }
0x83: {  	v59 =	vshrl.u32 v2, $0xC;
	v60 =	vand.u32 $0xFFFF8000, v2;
	v3 =	vand.u32 $0x7FF8, v3  }
0x84: {  	v4 =	vand.u32 $0x7, v59;
	v3 =	vor.u32 v60, v3  }
0x85: {  	v3 =	vor.u32 v4, v3  }
0x86: {  	v2 =	vsel vm0, v2, v3  }
0x87: {  	[tilespmem:s3+$0xB8] =	vst v2  }
0x88: {  	v2 =	vld [tilespmem:s7+$0xB0];
	_ =	sdelay $0x4  }
0x89: {  	v3 =	vshll.u32 v2, $0x3  }
0x8a: {  	v61 =	vshrl.u32 v2, $0xC;
	v2 =	vand.u32 $0xFFFF8000, v2;
	v3 =	vand.u32 $0x7FF8, v3  }
0x8b: {  	v4 =	vand.u32 $0x7, v61;
	v2 =	vor.u32 v2, v3  }
0x8c: {  	v2 =	vor.u32 v4, v2  }
0x8d: {  	[tilespmem:s7+$0xB0] =	vst v2  }
0x8e: {  	v2 =	vld [tilespmem:s7+$0xB8];
	_ =	sdelay $0x4  }
0x8f: {  	v3 =	vshll.u32 v2, $0x3  }
0x90: {  	v62 =	vshrl.u32 v2, $0xC;
	v63 =	vand.u32 $0xFFFF8000, v2;
	v3 =	vand.u32 $0x7FF8, v3  }
0x91: {  	v4 =	vand.u32 $0x7, v62;
	v3 =	vor.u32 v63, v3  }
0x92: {  	v3 =	vor.u32 v4, v3  }
0x93: {  	v2 =	vsel vm0, v2, v3  }
0x94: {  	s8 =	simm.s32 $0x0;
	s13 =	simm.s32 $0x6400;
	[tilespmem:s7+$0xB8] =	vst v2  }
0x95: {  	[tilespmem:s13], [sflag:$0x1] =	stream.indirect.gather [hbm4b:s4+s12], $0x10, s8, s12, $0xb8;
	[tilespmem:$0xD020] =	vst v63  }
0x96: {  	s15 =	simm.s32 $0x6C00  }
0x97: {  	[tilespmem:s15], [sflag:$0x1] =	stream.indirect.gather [hbm4b:s4+s14], $0x10, s12, s14, $0xb8;
	[tilespmem:$0xD020] =	vst v63  }
0x98: {  	s7 =	simm.s32 $0xC8  }
0x99: {  	[tilespmem:s17], [sflag:$0x2] =	stream.indirect.gather [hbm4b:s4+s12], $0x10, s7, s12, $0xb8;
	[tilespmem:$0xD020] =	vst v63  }
0x9a: {  	s10 =	simm.s32 $0x148  }
0x9b: {  	[tilespmem:s19], [sflag:$0x2] =	stream.indirect.gather [hbm4b:s4+s14], $0x10, s10, s14, $0xb8;
	[tilespmem:$0xD020] =	vst v63  }
0x9c: {  	s13 =	simm.s32 $0x190  }
0x9d: {  	[tilespmem:s21], [sflag:$0x3] =	stream.indirect.gather [hbm4b:s4+s12], $0x10, s13, s12, $0xb8;
	[tilespmem:$0xD020] =	vst v63  }
0x9e: {  	s15 =	simm.s32 $0x210  }
0x9f: {  	[tilespmem:s23], [sflag:$0x3] =	stream.indirect.gather [hbm4b:s4+s14], $0x10, s15, s14, $0xb8;
	[tilespmem:$0xD020] =	vst v63  }
0xa0: {  	s7 =	simm.s32 $0x258  }
0xa1: {  	[tilespmem:s25], [sflag:$0x4] =	stream.indirect.gather [hbm4b:s4+s12], $0x10, s7, s12, $0xb8;
	[tilespmem:$0xD020] =	vst v63  }
0xa2: {  	s10 =	simm.s32 $0x2D8  }
0xa3: {  	[tilespmem:s28], [sflag:$0x4] =	stream.indirect.gather [hbm4b:s4+s14], $0x10, s10, s14, $0xb8;
	[tilespmem:$0xD020] =	vst v63  }
0xa4: {  	s13 =	simm.s32 $0x320  }
0xa5: {  	[tilespmem:s30], [sflag:$0x5] =	stream.indirect.gather [hbm4b:s4+s12], $0x10, s13, s12, $0xb8;
	[tilespmem:$0xD020] =	vst v63  }
0xa6: {  	s15 =	simm.s32 $0x3A0  }
0xa7: {  	[tilespmem:s1], [sflag:$0x5] =	stream.indirect.gather [hbm4b:s4+s14], $0x10, s15, s14, $0xb8;
	[tilespmem:$0xD020] =	vst v63  }
0xa8: {  	s7 =	simm.s32 $0x3E8  }
0xa9: {  	[tilespmem:s2], [sflag:$0x6] =	stream.indirect.gather [hbm4b:s4+s12], $0x10, s7, s12, $0xb8;
	[tilespmem:$0xD020] =	vst v63  }
0xaa: {  	s10 =	simm.s32 $0x468  }
0xab: {  	[tilespmem:s11], [sflag:$0x6] =	stream.indirect.gather [hbm4b:s4+s14], $0x10, s10, s14, $0xb8;
	[tilespmem:$0xD020] =	vst v63  }
0xac: {  	s13 =	simm.s32 $0x4B0  }
0xad: {  	[tilespmem:s18], [sflag:$0x7] =	stream.indirect.gather [hbm4b:s4+s12], $0x10, s13, s12, $0xb8;
	[tilespmem:$0xD020] =	vst v63  }
0xae: {  	s15 =	simm.s32 $0x530  }
0xaf: {  	v1 =	vbroadcast v1, $0x0;
	[tilespmem:s22], [sflag:$0x7] =	stream.indirect.gather [hbm4b:s4+s14], $0x10, s15, s14, $0xb8;
	[tilespmem:$0xD020] =	vst v63  }
.LBB2_4:
0xb0: {  	s3 =	sshllo.u32 s8, $0x3  }
0xb1: {  	s7 =	smul.u32 $0x320, s3;
	_ =	sdelay $0x1  }
0xb2: {  	s7 =	sshra.s32 s7, $0x2  }
0xb3: {  	[tilespmem:s24], [sflag:$0x8] =	stream.indirect.gather [hbm4b:s4+s12], $0x10, s7, s12, $0xb8;
	[tilespmem:$0xD020] =	vst v63  }
0xb4: {  	s7 =	sadd.s32 $0x80, s7  }
0xb5: {  	[tilespmem:s26], [sflag:$0x8] =	stream.indirect.gather [hbm4b:s4+s14], $0x10, s7, s14, $0xb8;
	[tilespmem:$0xD020] =	vst v63  }
0xb6: {  	_ =	swait.ge [sflag:s29], $0x800  }
0xb7: {  	[sflag:s29] =	ssyncset.done $0x0  }
0xb8: {  	[sflag:s29] =	ssyncadd.s32 $0xFFFFF800  }
0xb9: {  	_ =	swait.ge [sflag:s29], $0x480  }
0xba: {  	[sflag:s29] =	ssyncset.done $0x0  }
0xbb: {  	s7 =	simm.s32 $0x0;
	[sflag:s29] =	ssyncadd.s32 $0xFFFFFB80  }
0xbc: {  	v3 =	vld [tilespmem:s7+$0x6440]  }
0xbd: {  	v2 =	vld [tilespmem:s7+$0x6450]  }
0xbe: {  	v4 =	vld [tilespmem:s7+$0x6400]  }
0xbf: {  	v7 =	vimm.f32 $0.0e+00;
	v5 =	vld [tilespmem:s7+$0x6410]  }
0xc0: {  	s10 =	simm.s32 $0x200;
	v8 =	vimm.f32 $0.0e+00;
	v9 =	vimm.f32 $0.0e+00;
	v10 =	vimm.f32 $0.0e+00;
	v6 =	vld [tilespmem:s7+$0x6420]  }
.LBB2_5:
0xc1: {  	p0 =	sne.s32 s10, $0x3000;
	v11 =	vld [tilespmem:s7+$0x6430];
	v12 =	vmov v3  }
0xc2: {  	v13 =	vld [tilespmem:s7+$0x6460];
	v14 =	vmov v2  }
0xc3: {  	v15 =	vld [tilespmem:s7+$0x6470];
	s7 =	sshra.s32 s10, $0x2  }
.Ltmp1:
0xc4: {  	v3 =	vld [tilespmem:s7+$0x6440];
	(pc) =	sbr.rel @p0 .LBB2_5-.Ltmp1, $4  }
0xc5: {  	v7 =	vadd.f32 v4, v7;
	v8 =	vadd.f32 v5, v8;
	v2 =	vld [tilespmem:s7+$0x6450]  }
0xc6: {  	v9 =	vadd.f32 v6, v9;
	v4 =	vld [tilespmem:s7+$0x6400];
	v10 =	vadd.f32 v11, v10  }
0xc7: {  	v7 =	vadd.f32 v12, v7;
	v8 =	vadd.f32 v14, v8;
	v5 =	vld [tilespmem:s7+$0x6410]  }
0xc8: {  	s10 =	sadd.s32 $0x200, s10;
	v9 =	vadd.f32 v13, v9;
	v6 =	vld [tilespmem:s7+$0x6420];
	v10 =	vadd.f32 v15, v10  }
0xc9: {  	v11 =	vld [tilespmem:s7+$0x6430]  }
0xca: {  	v12 =	vld [tilespmem:s7+$0x6460]  }
0xcb: {  	v13 =	vld [tilespmem:s7+$0x6470];
	_ =	sdelay $0x1  }
0xcc: {  	v4 =	vadd.f32 v4, v7;
	v5 =	vadd.f32 v5, v8  }
0xcd: {  	v6 =	vadd.f32 v6, v9;
	v7 =	vadd.f32 v11, v10  }
0xce: {  	v3 =	vadd.f32 v3, v4;
	v2 =	vadd.f32 v2, v5  }
0xcf: {  	v4 =	vadd.f32 v12, v6;
	v5 =	vadd.f32 v13, v7;
	_ =	sdelay $0x1  }
0xd0: {  	v2 =	vadd.f32 v2, v3;
	v3 =	vadd.f32 v5, v4;
	_ =	sdelay $0x1  }
0xd1: {  	v2 =	vadd.f32 v3, v2;
	_ =	sdelay $0x1  }
0xd2: {  	v2 =	vmul.f32 v2, v1  }
0xd3: {  	s10 =	smul.u32 $0x1900, s8  }
0xd4: {  	s15 =	sshll.u32 s8, $0x7;
	v2 =	vadd.f32 v2, v0  }
0xd5: {  	s7 =	sand.u32 $0x3FFFFF80, s15;
	s10 =	sshra.s32 s10, $0x2  }
0xd6: {  	s15 =	simm.s32 $0x6400;
	s13 =	sadd.s32 $0x640, s10;
	[tilespmem:s7+$0xC800] =	vst v2  }
0xd7: {  	[tilespmem:s15], [sflag:$0x1] =	stream.indirect.gather [hbm4b:s4+s12], $0x10, s13, s12, $0xb8;
	[tilespmem:$0xD020] =	vst v63  }
0xd8: {  	s13 =	sadd.s32 $0x6C0, s10;
	s15 =	simm.s32 $0x6C00  }
0xd9: {  	[tilespmem:s15], [sflag:$0x1] =	stream.indirect.gather [hbm4b:s4+s14], $0x10, s13, s14, $0xb8;
	[tilespmem:$0xD020] =	vst v63  }
0xda: {  	_ =	swait.ge [sflag:s31], $0x800  }
0xdb: {  	[sflag:s31] =	ssyncset.done $0x0  }
0xdc: {  	[sflag:s31] =	ssyncadd.s32 $0xFFFFF800  }
0xdd: {  	_ =	swait.ge [sflag:s31], $0x480  }
0xde: {  	[sflag:s31] =	ssyncset.done $0x0  }
0xdf: {  	s13 =	simm.s32 $0x0;
	[sflag:s31] =	ssyncadd.s32 $0xFFFFFB80  }
0xe0: {  	v3 =	vld [tilespmem:s13+$0x70C0]  }
0xe1: {  	v2 =	vld [tilespmem:s13+$0x70D0]  }
0xe2: {  	v4 =	vld [tilespmem:s13+$0x7080]  }
0xe3: {  	v8 =	vimm.f32 $0.0e+00;
	v5 =	vld [tilespmem:s13+$0x7090]  }
0xe4: {  	v9 =	vimm.f32 $0.0e+00;
	v10 =	vimm.f32 $0.0e+00;
	v7 =	vimm.f32 $0.0e+00;
	s15 =	simm.s32 $0x200;
	v6 =	vld [tilespmem:s13+$0x70A0]  }
.LBB2_7:
0xe5: {  	p0 =	sne.s32 s15, $0x3000;
	v11 =	vld [tilespmem:s13+$0x70B0];
	v12 =	vmov v3  }
0xe6: {  	v13 =	vld [tilespmem:s13+$0x70E0];
	v14 =	vmov v2  }
0xe7: {  	v15 =	vld [tilespmem:s13+$0x70F0];
	s13 =	sshra.s32 s15, $0x2  }
.Ltmp2:
0xe8: {  	v3 =	vld [tilespmem:s13+$0x70C0];
	(pc) =	sbr.rel @p0 .LBB2_7-.Ltmp2, $4  }
0xe9: {  	v7 =	vadd.f32 v4, v7;
	v8 =	vadd.f32 v5, v8;
	v2 =	vld [tilespmem:s13+$0x70D0]  }
0xea: {  	v9 =	vadd.f32 v6, v9;
	v4 =	vld [tilespmem:s13+$0x7080];
	v10 =	vadd.f32 v11, v10  }
0xeb: {  	v7 =	vadd.f32 v12, v7;
	v8 =	vadd.f32 v14, v8;
	v5 =	vld [tilespmem:s13+$0x7090]  }
0xec: {  	s15 =	sadd.s32 $0x200, s15;
	v9 =	vadd.f32 v13, v9;
	v6 =	vld [tilespmem:s13+$0x70A0];
	v10 =	vadd.f32 v15, v10  }
0xed: {  	v11 =	vld [tilespmem:s13+$0x70B0]  }
0xee: {  	v12 =	vld [tilespmem:s13+$0x70E0]  }
0xef: {  	v13 =	vld [tilespmem:s13+$0x70F0];
	_ =	sdelay $0x1  }
0xf0: {  	v4 =	vadd.f32 v4, v7;
	v5 =	vadd.f32 v5, v8  }
0xf1: {  	v6 =	vadd.f32 v6, v9;
	v7 =	vadd.f32 v11, v10  }
0xf2: {  	v3 =	vadd.f32 v3, v4;
	v2 =	vadd.f32 v2, v5  }
0xf3: {  	v4 =	vadd.f32 v12, v6;
	v5 =	vadd.f32 v13, v7;
	_ =	sdelay $0x1  }
0xf4: {  	v2 =	vadd.f32 v2, v3;
	v3 =	vadd.f32 v5, v4;
	_ =	sdelay $0x1  }
0xf5: {  	v2 =	vadd.f32 v3, v2;
	_ =	sdelay $0x1  }
0xf6: {  	v2 =	vmul.f32 v2, v1;
	_ =	sdelay $0x1  }
0xf7: {  	v2 =	vadd.f32 v2, v0;
	_ =	sdelay $0x1  }
0xf8: {  	s15 =	sadd.s32 $0x708, s10;
	[tilespmem:s7+$0xC810] =	vst v2  }
0xf9: {  	[tilespmem:s17], [sflag:$0x2] =	stream.indirect.gather [hbm4b:s4+s12], $0x10, s15, s12, $0xb8;
	[tilespmem:$0xD020] =	vst v63  }
0xfa: {  	s15 =	sadd.s32 $0x788, s10  }
0xfb: {  	[tilespmem:s19], [sflag:$0x2] =	stream.indirect.gather [hbm4b:s4+s14], $0x10, s15, s14, $0xb8;
	[tilespmem:$0xD020] =	vst v63  }
0xfc: {  	_ =	swait.ge [sflag:s0], $0x800  }
0xfd: {  	[sflag:s0] =	ssyncset.done $0x0  }
0xfe: {  	[sflag:s0] =	ssyncadd.s32 $0xFFFFF800  }
0xff: {  	_ =	swait.ge [sflag:s0], $0x480  }
0x100: {  	[sflag:s0] =	ssyncset.done $0x0  }
0x101: {  	s13 =	simm.s32 $0x0;
	[sflag:s0] =	ssyncadd.s32 $0xFFFFFB80  }
0x102: {  	v3 =	vld [tilespmem:s13+$0x7D40]  }
0x103: {  	v2 =	vld [tilespmem:s13+$0x7D50]  }
0x104: {  	v4 =	vld [tilespmem:s13+$0x7D00]  }
0x105: {  	v8 =	vimm.f32 $0.0e+00;
	v5 =	vld [tilespmem:s13+$0x7D10]  }
0x106: {  	v9 =	vimm.f32 $0.0e+00;
	v10 =	vimm.f32 $0.0e+00;
	v7 =	vimm.f32 $0.0e+00;
	s15 =	simm.s32 $0x200;
	v6 =	vld [tilespmem:s13+$0x7D20]  }
.LBB2_9:
0x107: {  	p0 =	sne.s32 s15, $0x3000;
	v11 =	vld [tilespmem:s13+$0x7D30];
	v12 =	vmov v3  }
0x108: {  	v13 =	vld [tilespmem:s13+$0x7D60];
	v14 =	vmov v2  }
0x109: {  	v15 =	vld [tilespmem:s13+$0x7D70];
	s13 =	sshra.s32 s15, $0x2  }
.Ltmp3:
0x10a: {  	v3 =	vld [tilespmem:s13+$0x7D40];
	(pc) =	sbr.rel @p0 .LBB2_9-.Ltmp3, $4  }
0x10b: {  	v7 =	vadd.f32 v4, v7;
	v8 =	vadd.f32 v5, v8;
	v2 =	vld [tilespmem:s13+$0x7D50]  }
0x10c: {  	v9 =	vadd.f32 v6, v9;
	v4 =	vld [tilespmem:s13+$0x7D00];
	v10 =	vadd.f32 v11, v10  }
0x10d: {  	v7 =	vadd.f32 v12, v7;
	v8 =	vadd.f32 v14, v8;
	v5 =	vld [tilespmem:s13+$0x7D10]  }
0x10e: {  	s15 =	sadd.s32 $0x200, s15;
	v9 =	vadd.f32 v13, v9;
	v6 =	vld [tilespmem:s13+$0x7D20];
	v10 =	vadd.f32 v15, v10  }
0x10f: {  	v11 =	vld [tilespmem:s13+$0x7D30]  }
0x110: {  	v12 =	vld [tilespmem:s13+$0x7D60]  }
0x111: {  	v13 =	vld [tilespmem:s13+$0x7D70];
	_ =	sdelay $0x1  }
0x112: {  	v4 =	vadd.f32 v4, v7;
	v5 =	vadd.f32 v5, v8  }
0x113: {  	v6 =	vadd.f32 v6, v9;
	v7 =	vadd.f32 v11, v10  }
0x114: {  	v3 =	vadd.f32 v3, v4;
	v2 =	vadd.f32 v2, v5  }
0x115: {  	v4 =	vadd.f32 v12, v6;
	v5 =	vadd.f32 v13, v7;
	_ =	sdelay $0x1  }
0x116: {  	v2 =	vadd.f32 v2, v3;
	v3 =	vadd.f32 v5, v4;
	_ =	sdelay $0x1  }
0x117: {  	v2 =	vadd.f32 v3, v2;
	_ =	sdelay $0x1  }
0x118: {  	v2 =	vmul.f32 v2, v1;
	_ =	sdelay $0x1  }
0x119: {  	v2 =	vadd.f32 v2, v0;
	_ =	sdelay $0x1  }
0x11a: {  	s15 =	sadd.s32 $0x7D0, s10;
	[tilespmem:s7+$0xC820] =	vst v2  }
0x11b: {  	[tilespmem:s21], [sflag:$0x3] =	stream.indirect.gather [hbm4b:s4+s12], $0x10, s15, s12, $0xb8;
	[tilespmem:$0xD020] =	vst v63  }
0x11c: {  	s15 =	sadd.s32 $0x850, s10  }
0x11d: {  	[tilespmem:s23], [sflag:$0x3] =	stream.indirect.gather [hbm4b:s4+s14], $0x10, s15, s14, $0xb8;
	[tilespmem:$0xD020] =	vst v63  }
0x11e: {  	_ =	swait.ge [sflag:s9], $0x800  }
0x11f: {  	[sflag:s9] =	ssyncset.done $0x0  }
0x120: {  	[sflag:s9] =	ssyncadd.s32 $0xFFFFF800  }
0x121: {  	_ =	swait.ge [sflag:s9], $0x480  }
0x122: {  	[sflag:s9] =	ssyncset.done $0x0  }
0x123: {  	s13 =	simm.s32 $0x0;
	[sflag:s9] =	ssyncadd.s32 $0xFFFFFB80  }
0x124: {  	v3 =	vld [tilespmem:s13+$0x89C0]  }
0x125: {  	v2 =	vld [tilespmem:s13+$0x89D0]  }
0x126: {  	v4 =	vld [tilespmem:s13+$0x8980]  }
0x127: {  	v8 =	vimm.f32 $0.0e+00;
	v5 =	vld [tilespmem:s13+$0x8990]  }
0x128: {  	v9 =	vimm.f32 $0.0e+00;
	v10 =	vimm.f32 $0.0e+00;
	v7 =	vimm.f32 $0.0e+00;
	s15 =	simm.s32 $0x200;
	v6 =	vld [tilespmem:s13+$0x89A0]  }
.LBB2_11:
0x129: {  	p0 =	sne.s32 s15, $0x3000;
	v11 =	vld [tilespmem:s13+$0x89B0];
	v12 =	vmov v3  }
0x12a: {  	v13 =	vld [tilespmem:s13+$0x89E0];
	v14 =	vmov v2  }
0x12b: {  	v15 =	vld [tilespmem:s13+$0x89F0];
	s13 =	sshra.s32 s15, $0x2  }
.Ltmp4:
0x12c: {  	v3 =	vld [tilespmem:s13+$0x89C0];
	(pc) =	sbr.rel @p0 .LBB2_11-.Ltmp4, $4  }
0x12d: {  	v7 =	vadd.f32 v4, v7;
	v8 =	vadd.f32 v5, v8;
	v2 =	vld [tilespmem:s13+$0x89D0]  }
0x12e: {  	v9 =	vadd.f32 v6, v9;
	v4 =	vld [tilespmem:s13+$0x8980];
	v10 =	vadd.f32 v11, v10  }
0x12f: {  	v7 =	vadd.f32 v12, v7;
	v8 =	vadd.f32 v14, v8;
	v5 =	vld [tilespmem:s13+$0x8990]  }
0x130: {  	s15 =	sadd.s32 $0x200, s15;
	v9 =	vadd.f32 v13, v9;
	v6 =	vld [tilespmem:s13+$0x89A0];
	v10 =	vadd.f32 v15, v10  }
0x131: {  	v11 =	vld [tilespmem:s13+$0x89B0]  }
0x132: {  	v12 =	vld [tilespmem:s13+$0x89E0]  }
0x133: {  	v13 =	vld [tilespmem:s13+$0x89F0];
	_ =	sdelay $0x1  }
0x134: {  	v4 =	vadd.f32 v4, v7;
	v5 =	vadd.f32 v5, v8  }
0x135: {  	v6 =	vadd.f32 v6, v9;
	v7 =	vadd.f32 v11, v10  }
0x136: {  	v3 =	vadd.f32 v3, v4;
	v2 =	vadd.f32 v2, v5  }
0x137: {  	v4 =	vadd.f32 v12, v6;
	v5 =	vadd.f32 v13, v7;
	_ =	sdelay $0x1  }
0x138: {  	v2 =	vadd.f32 v2, v3;
	v3 =	vadd.f32 v5, v4;
	_ =	sdelay $0x1  }
0x139: {  	v2 =	vadd.f32 v3, v2;
	_ =	sdelay $0x1  }
0x13a: {  	v2 =	vmul.f32 v2, v1;
	_ =	sdelay $0x1  }
0x13b: {  	v2 =	vadd.f32 v2, v0;
	_ =	sdelay $0x1  }
0x13c: {  	s15 =	sadd.s32 $0x898, s10;
	[tilespmem:s7+$0xC830] =	vst v2  }
0x13d: {  	[tilespmem:s25], [sflag:$0x4] =	stream.indirect.gather [hbm4b:s4+s12], $0x10, s15, s12, $0xb8;
	[tilespmem:$0xD020] =	vst v63  }
0x13e: {  	s15 =	sadd.s32 $0x918, s10  }
0x13f: {  	[tilespmem:s28], [sflag:$0x4] =	stream.indirect.gather [hbm4b:s4+s14], $0x10, s15, s14, $0xb8;
	[tilespmem:$0xD020] =	vst v63  }
0x140: {  	_ =	swait.ge [sflag:s16], $0x800  }
0x141: {  	[sflag:s16] =	ssyncset.done $0x0  }
0x142: {  	[sflag:s16] =	ssyncadd.s32 $0xFFFFF800  }
0x143: {  	_ =	swait.ge [sflag:s16], $0x480  }
0x144: {  	[sflag:s16] =	ssyncset.done $0x0  }
0x145: {  	s13 =	simm.s32 $0x0;
	[sflag:s16] =	ssyncadd.s32 $0xFFFFFB80  }
0x146: {  	v3 =	vld [tilespmem:s13+$0x9640]  }
0x147: {  	v2 =	vld [tilespmem:s13+$0x9650]  }
0x148: {  	v4 =	vld [tilespmem:s13+$0x9600]  }
0x149: {  	v8 =	vimm.f32 $0.0e+00;
	v5 =	vld [tilespmem:s13+$0x9610]  }
0x14a: {  	v9 =	vimm.f32 $0.0e+00;
	v10 =	vimm.f32 $0.0e+00;
	v7 =	vimm.f32 $0.0e+00;
	s15 =	simm.s32 $0x200;
	v6 =	vld [tilespmem:s13+$0x9620]  }
.LBB2_13:
0x14b: {  	p0 =	sne.s32 s15, $0x3000;
	v11 =	vld [tilespmem:s13+$0x9630];
	v12 =	vmov v3  }
0x14c: {  	v13 =	vld [tilespmem:s13+$0x9660];
	v14 =	vmov v2  }
0x14d: {  	v15 =	vld [tilespmem:s13+$0x9670];
	s13 =	sshra.s32 s15, $0x2  }
.Ltmp5:
0x14e: {  	v3 =	vld [tilespmem:s13+$0x9640];
	(pc) =	sbr.rel @p0 .LBB2_13-.Ltmp5, $4  }
0x14f: {  	v7 =	vadd.f32 v4, v7;
	v8 =	vadd.f32 v5, v8;
	v2 =	vld [tilespmem:s13+$0x9650]  }
0x150: {  	v9 =	vadd.f32 v6, v9;
	v4 =	vld [tilespmem:s13+$0x9600];
	v10 =	vadd.f32 v11, v10  }
0x151: {  	v7 =	vadd.f32 v12, v7;
	v8 =	vadd.f32 v14, v8;
	v5 =	vld [tilespmem:s13+$0x9610]  }
0x152: {  	s15 =	sadd.s32 $0x200, s15;
	v9 =	vadd.f32 v13, v9;
	v6 =	vld [tilespmem:s13+$0x9620];
	v10 =	vadd.f32 v15, v10  }
0x153: {  	v11 =	vld [tilespmem:s13+$0x9630]  }
0x154: {  	v12 =	vld [tilespmem:s13+$0x9660]  }
0x155: {  	v13 =	vld [tilespmem:s13+$0x9670];
	_ =	sdelay $0x1  }
0x156: {  	v4 =	vadd.f32 v4, v7;
	v5 =	vadd.f32 v5, v8  }
0x157: {  	v6 =	vadd.f32 v6, v9;
	v7 =	vadd.f32 v11, v10  }
0x158: {  	v3 =	vadd.f32 v3, v4;
	v2 =	vadd.f32 v2, v5  }
0x159: {  	v4 =	vadd.f32 v12, v6;
	v5 =	vadd.f32 v13, v7;
	_ =	sdelay $0x1  }
0x15a: {  	v2 =	vadd.f32 v2, v3;
	v3 =	vadd.f32 v5, v4;
	_ =	sdelay $0x1  }
0x15b: {  	v2 =	vadd.f32 v3, v2;
	_ =	sdelay $0x1  }
0x15c: {  	v2 =	vmul.f32 v2, v1;
	_ =	sdelay $0x1  }
0x15d: {  	v2 =	vadd.f32 v2, v0;
	_ =	sdelay $0x1  }
0x15e: {  	s15 =	sadd.s32 $0x960, s10;
	[tilespmem:s7+$0xC840] =	vst v2  }
0x15f: {  	[tilespmem:s30], [sflag:$0x5] =	stream.indirect.gather [hbm4b:s4+s12], $0x10, s15, s12, $0xb8;
	[tilespmem:$0xD020] =	vst v63  }
0x160: {  	s15 =	sadd.s32 $0x9E0, s10  }
0x161: {  	[tilespmem:s1], [sflag:$0x5] =	stream.indirect.gather [hbm4b:s4+s14], $0x10, s15, s14, $0xb8;
	[tilespmem:$0xD020] =	vst v63  }
0x162: {  	_ =	swait.ge [sflag:s20], $0x800  }
0x163: {  	[sflag:s20] =	ssyncset.done $0x0  }
0x164: {  	[sflag:s20] =	ssyncadd.s32 $0xFFFFF800  }
0x165: {  	_ =	swait.ge [sflag:s20], $0x480  }
0x166: {  	[sflag:s20] =	ssyncset.done $0x0  }
0x167: {  	s13 =	simm.s32 $0x0;
	[sflag:s20] =	ssyncadd.s32 $0xFFFFFB80  }
0x168: {  	v3 =	vld [tilespmem:s13+$0xA2C0]  }
0x169: {  	v2 =	vld [tilespmem:s13+$0xA2D0]  }
0x16a: {  	v4 =	vld [tilespmem:s13+$0xA280]  }
0x16b: {  	v8 =	vimm.f32 $0.0e+00;
	v5 =	vld [tilespmem:s13+$0xA290]  }
0x16c: {  	v9 =	vimm.f32 $0.0e+00;
	v10 =	vimm.f32 $0.0e+00;
	v7 =	vimm.f32 $0.0e+00;
	s15 =	simm.s32 $0x200;
	v6 =	vld [tilespmem:s13+$0xA2A0]  }
.LBB2_15:
0x16d: {  	p0 =	sne.s32 s15, $0x3000;
	v11 =	vld [tilespmem:s13+$0xA2B0];
	v12 =	vmov v3  }
0x16e: {  	v13 =	vld [tilespmem:s13+$0xA2E0];
	v14 =	vmov v2  }
0x16f: {  	v15 =	vld [tilespmem:s13+$0xA2F0];
	s13 =	sshra.s32 s15, $0x2  }
.Ltmp6:
0x170: {  	v3 =	vld [tilespmem:s13+$0xA2C0];
	(pc) =	sbr.rel @p0 .LBB2_15-.Ltmp6, $4  }
0x171: {  	v7 =	vadd.f32 v4, v7;
	v8 =	vadd.f32 v5, v8;
	v2 =	vld [tilespmem:s13+$0xA2D0]  }
0x172: {  	v9 =	vadd.f32 v6, v9;
	v4 =	vld [tilespmem:s13+$0xA280];
	v10 =	vadd.f32 v11, v10  }
0x173: {  	v7 =	vadd.f32 v12, v7;
	v8 =	vadd.f32 v14, v8;
	v5 =	vld [tilespmem:s13+$0xA290]  }
0x174: {  	s15 =	sadd.s32 $0x200, s15;
	v9 =	vadd.f32 v13, v9;
	v6 =	vld [tilespmem:s13+$0xA2A0];
	v10 =	vadd.f32 v15, v10  }
0x175: {  	v11 =	vld [tilespmem:s13+$0xA2B0]  }
0x176: {  	v12 =	vld [tilespmem:s13+$0xA2E0]  }
0x177: {  	v13 =	vld [tilespmem:s13+$0xA2F0];
	_ =	sdelay $0x1  }
0x178: {  	v4 =	vadd.f32 v4, v7;
	v5 =	vadd.f32 v5, v8  }
0x179: {  	v6 =	vadd.f32 v6, v9;
	v7 =	vadd.f32 v11, v10  }
0x17a: {  	v3 =	vadd.f32 v3, v4;
	v2 =	vadd.f32 v2, v5  }
0x17b: {  	v4 =	vadd.f32 v12, v6;
	v5 =	vadd.f32 v13, v7;
	_ =	sdelay $0x1  }
0x17c: {  	v2 =	vadd.f32 v2, v3;
	v3 =	vadd.f32 v5, v4;
	_ =	sdelay $0x1  }
0x17d: {  	v2 =	vadd.f32 v3, v2;
	_ =	sdelay $0x1  }
0x17e: {  	v2 =	vmul.f32 v2, v1;
	_ =	sdelay $0x1  }
0x17f: {  	v2 =	vadd.f32 v2, v0;
	_ =	sdelay $0x1  }
0x180: {  	s15 =	sadd.s32 $0xA28, s10;
	[tilespmem:s7+$0xC850] =	vst v2  }
0x181: {  	[tilespmem:s2], [sflag:$0x6] =	stream.indirect.gather [hbm4b:s4+s12], $0x10, s15, s12, $0xb8;
	[tilespmem:$0xD020] =	vst v63  }
0x182: {  	s15 =	sadd.s32 $0xAA8, s10  }
0x183: {  	[tilespmem:s11], [sflag:$0x6] =	stream.indirect.gather [hbm4b:s4+s14], $0x10, s15, s14, $0xb8;
	[tilespmem:$0xD020] =	vst v63  }
0x184: {  	_ =	swait.ge [sflag:s5], $0x800  }
0x185: {  	[sflag:s5] =	ssyncset.done $0x0  }
0x186: {  	[sflag:s5] =	ssyncadd.s32 $0xFFFFF800  }
0x187: {  	_ =	swait.ge [sflag:s5], $0x480  }
0x188: {  	[sflag:s5] =	ssyncset.done $0x0  }
0x189: {  	s13 =	simm.s32 $0x0;
	[sflag:s5] =	ssyncadd.s32 $0xFFFFFB80  }
0x18a: {  	v3 =	vld [tilespmem:s13+$0xAF40]  }
0x18b: {  	v2 =	vld [tilespmem:s13+$0xAF50]  }
0x18c: {  	v4 =	vld [tilespmem:s13+$0xAF00]  }
0x18d: {  	v8 =	vimm.f32 $0.0e+00;
	v5 =	vld [tilespmem:s13+$0xAF10]  }
0x18e: {  	v9 =	vimm.f32 $0.0e+00;
	v10 =	vimm.f32 $0.0e+00;
	v7 =	vimm.f32 $0.0e+00;
	s15 =	simm.s32 $0x200;
	v6 =	vld [tilespmem:s13+$0xAF20]  }
.LBB2_17:
0x18f: {  	p0 =	sne.s32 s15, $0x3000;
	v11 =	vld [tilespmem:s13+$0xAF30];
	v12 =	vmov v3  }
0x190: {  	v13 =	vld [tilespmem:s13+$0xAF60];
	v14 =	vmov v2  }
0x191: {  	v15 =	vld [tilespmem:s13+$0xAF70];
	s13 =	sshra.s32 s15, $0x2  }
.Ltmp7:
0x192: {  	v3 =	vld [tilespmem:s13+$0xAF40];
	(pc) =	sbr.rel @p0 .LBB2_17-.Ltmp7, $4  }
0x193: {  	v7 =	vadd.f32 v4, v7;
	v8 =	vadd.f32 v5, v8;
	v2 =	vld [tilespmem:s13+$0xAF50]  }
0x194: {  	v9 =	vadd.f32 v6, v9;
	v4 =	vld [tilespmem:s13+$0xAF00];
	v10 =	vadd.f32 v11, v10  }
0x195: {  	v7 =	vadd.f32 v12, v7;
	v8 =	vadd.f32 v14, v8;
	v5 =	vld [tilespmem:s13+$0xAF10]  }
0x196: {  	s15 =	sadd.s32 $0x200, s15;
	v9 =	vadd.f32 v13, v9;
	v6 =	vld [tilespmem:s13+$0xAF20];
	v10 =	vadd.f32 v15, v10  }
0x197: {  	v11 =	vld [tilespmem:s13+$0xAF30]  }
0x198: {  	v12 =	vld [tilespmem:s13+$0xAF60]  }
0x199: {  	v13 =	vld [tilespmem:s13+$0xAF70];
	_ =	sdelay $0x1  }
0x19a: {  	v4 =	vadd.f32 v4, v7;
	v5 =	vadd.f32 v5, v8  }
0x19b: {  	v6 =	vadd.f32 v6, v9;
	v7 =	vadd.f32 v11, v10  }
0x19c: {  	v3 =	vadd.f32 v3, v4;
	v2 =	vadd.f32 v2, v5  }
0x19d: {  	v4 =	vadd.f32 v12, v6;
	v5 =	vadd.f32 v13, v7;
	_ =	sdelay $0x1  }
0x19e: {  	v2 =	vadd.f32 v2, v3;
	v3 =	vadd.f32 v5, v4;
	_ =	sdelay $0x1  }
0x19f: {  	v2 =	vadd.f32 v3, v2;
	_ =	sdelay $0x1  }
0x1a0: {  	v2 =	vmul.f32 v2, v1;
	_ =	sdelay $0x1  }
0x1a1: {  	v2 =	vadd.f32 v2, v0;
	_ =	sdelay $0x1  }
0x1a2: {  	s13 =	sadd.s32 $0xAF0, s10;
	[tilespmem:s7+$0xC860] =	vst v2  }
0x1a3: {  	[tilespmem:s18], [sflag:$0x7] =	stream.indirect.gather [hbm4b:s4+s12], $0x10, s13, s12, $0xb8;
	[tilespmem:$0xD020] =	vst v63  }
0x1a4: {  	s15 =	sadd.s32 $0xB70, s10  }
0x1a5: {  	[tilespmem:s22], [sflag:$0x7] =	stream.indirect.gather [hbm4b:s4+s14], $0x10, s15, s14, $0xb8;
	[tilespmem:$0xD020] =	vst v63  }
0x1a6: {  	_ =	swait.ge [sflag:s6], $0x800  }
0x1a7: {  	[sflag:s6] =	ssyncset.done $0x0  }
0x1a8: {  	[sflag:s6] =	ssyncadd.s32 $0xFFFFF800  }
0x1a9: {  	_ =	swait.ge [sflag:s6], $0x480  }
0x1aa: {  	[sflag:s6] =	ssyncset.done $0x0  }
0x1ab: {  	s7 =	simm.s32 $0x0;
	[sflag:s6] =	ssyncadd.s32 $0xFFFFFB80  }
0x1ac: {  	v3 =	vld [tilespmem:s7+$0xBBC0]  }
0x1ad: {  	v2 =	vld [tilespmem:s7+$0xBBD0]  }
0x1ae: {  	v4 =	vld [tilespmem:s7+$0xBB80]  }
0x1af: {  	v8 =	vimm.f32 $0.0e+00;
	v5 =	vld [tilespmem:s7+$0xBB90]  }
0x1b0: {  	s10 =	simm.s32 $0x200;
	v9 =	vimm.f32 $0.0e+00;
	v10 =	vimm.f32 $0.0e+00;
	v7 =	vimm.f32 $0.0e+00;
	v6 =	vld [tilespmem:s7+$0xBBA0]  }
.LBB2_19:
0x1b1: {  	p0 =	sne.s32 s10, $0x3000;
	v11 =	vld [tilespmem:s7+$0xBBB0];
	v12 =	vmov v3  }
0x1b2: {  	v13 =	vld [tilespmem:s7+$0xBBE0];
	v14 =	vmov v2  }
0x1b3: {  	v15 =	vld [tilespmem:s7+$0xBBF0];
	s7 =	sshra.s32 s10, $0x2  }
.Ltmp8:
0x1b4: {  	v3 =	vld [tilespmem:s7+$0xBBC0];
	(pc) =	sbr.rel @p0 .LBB2_19-.Ltmp8, $4  }
0x1b5: {  	v7 =	vadd.f32 v4, v7;
	v8 =	vadd.f32 v5, v8;
	v2 =	vld [tilespmem:s7+$0xBBD0]  }
0x1b6: {  	v9 =	vadd.f32 v6, v9;
	v4 =	vld [tilespmem:s7+$0xBB80];
	v10 =	vadd.f32 v11, v10  }
0x1b7: {  	v7 =	vadd.f32 v12, v7;
	v8 =	vadd.f32 v14, v8;
	v5 =	vld [tilespmem:s7+$0xBB90]  }
0x1b8: {  	s10 =	sadd.s32 $0x200, s10;
	v9 =	vadd.f32 v13, v9;
	v6 =	vld [tilespmem:s7+$0xBBA0];
	v10 =	vadd.f32 v15, v10  }
0x1b9: {  	v11 =	vld [tilespmem:s7+$0xBBB0]  }
0x1ba: {  	v12 =	vld [tilespmem:s7+$0xBBE0]  }
0x1bb: {  	v13 =	vld [tilespmem:s7+$0xBBF0];
	_ =	sdelay $0x1  }
0x1bc: {  	v4 =	vadd.f32 v4, v7;
	v5 =	vadd.f32 v5, v8  }
0x1bd: {  	v6 =	vadd.f32 v6, v9;
	v61 =	vadd.f32 v11, v10  }
0x1be: {  	v3 =	vadd.f32 v3, v4;
	v2 =	vadd.f32 v2, v5  }
0x1bf: {  	v62 =	vadd.f32 v12, v6;
	v63 =	vadd.f32 v13, v61;
	_ =	sdelay $0x1  }
0x1c0: {  	v2 =	vadd.f32 v2, v3;
	v3 =	vadd.f32 v63, v62;
	_ =	sdelay $0x1  }
0x1c1: {  	s8 =	sadd.s32 $0x1, s8;
	v2 =	vadd.f32 v3, v2  }
0x1c2: {  	p0 =	sne.s32 s8, $0xF  }
.Ltmp9:
0x1c3: {  	v2 =	vmul.f32 v2, v1;
	(pc) =	sbr.rel @p0 .LBB2_4-.Ltmp9, $4  }
0x1c4: {  	_ = 	snop  }
0x1c5: {  	s3 =	sshll.u32 s3, $0x4;
	v2 =	vadd.f32 v2, v0  }
0x1c6: {  	s3 =	sand.u32 $0x3FFFFFF0, s3  }
0x1c7: {  	[tilespmem:s3+$0xC800] =	vst v2  }
0x1c8: {  	s3 =	simm.s32 $0x6338  }
0x1c9: {  	[tilespmem:s24], [sflag:$0x8] =	stream.indirect.gather [hbm4b:s4+s12], $0x10, s3, s12, $0xb8;
	[tilespmem:$0xD020] =	vst v63  }
0x1ca: {  	s15 =	simm.s32 $0x63B8  }
0x1cb: {  	[tilespmem:s26], [sflag:$0x8] =	stream.indirect.gather [hbm4b:s4+s14], $0x10, s15, s14, $0xb8;
	[tilespmem:$0xD020] =	vst v63  }
0x1cc: {  	_ =	swait.ge [sflag:s29], $0x800  }
0x1cd: {  	[sflag:s29] =	ssyncset.done $0x0  }
0x1ce: {  	[sflag:s29] =	ssyncadd.s32 $0xFFFFF800  }
0x1cf: {  	_ =	swait.ge [sflag:s29], $0x480  }
0x1d0: {  	[sflag:s29] =	ssyncset.done $0x0  }
0x1d1: {  	s3 =	simm.s32 $0x0;
	[sflag:s29] =	ssyncadd.s32 $0xFFFFFB80  }
0x1d2: {  	v3 =	vld [tilespmem:s3+$0x6440]  }
0x1d3: {  	v2 =	vld [tilespmem:s3+$0x6450]  }
0x1d4: {  	v4 =	vld [tilespmem:s3+$0x6400]  }
0x1d5: {  	v7 =	vimm.f32 $0.0e+00;
	v5 =	vld [tilespmem:s3+$0x6410]  }
0x1d6: {  	s7 =	simm.s32 $0x200;
	v8 =	vimm.f32 $0.0e+00;
	v9 =	vimm.f32 $0.0e+00;
	v10 =	vimm.f32 $0.0e+00;
	v6 =	vld [tilespmem:s3+$0x6420]  }
.LBB2_22:
0x1d7: {  	p0 =	sne.s32 s7, $0x3000;
	v11 =	vld [tilespmem:s3+$0x6430];
	v12 =	vmov v3  }
0x1d8: {  	v13 =	vld [tilespmem:s3+$0x6460];
	v14 =	vmov v2  }
0x1d9: {  	v15 =	vld [tilespmem:s3+$0x6470];
	s3 =	sshra.s32 s7, $0x2  }
.Ltmp10:
0x1da: {  	v3 =	vld [tilespmem:s3+$0x6440];
	(pc) =	sbr.rel @p0 .LBB2_22-.Ltmp10, $4  }
0x1db: {  	v7 =	vadd.f32 v4, v7;
	v8 =	vadd.f32 v5, v8;
	v2 =	vld [tilespmem:s3+$0x6450]  }
0x1dc: {  	v9 =	vadd.f32 v6, v9;
	v4 =	vld [tilespmem:s3+$0x6400];
	v10 =	vadd.f32 v11, v10  }
0x1dd: {  	v7 =	vadd.f32 v12, v7;
	v8 =	vadd.f32 v14, v8;
	v5 =	vld [tilespmem:s3+$0x6410]  }
0x1de: {  	s7 =	sadd.s32 $0x200, s7;
	v9 =	vadd.f32 v13, v9;
	v6 =	vld [tilespmem:s3+$0x6420];
	v10 =	vadd.f32 v15, v10  }
0x1df: {  	v11 =	vld [tilespmem:s3+$0x6430]  }
0x1e0: {  	v12 =	vld [tilespmem:s3+$0x6460]  }
0x1e1: {  	v13 =	vld [tilespmem:s3+$0x6470];
	_ =	sdelay $0x1  }
0x1e2: {  	v4 =	vadd.f32 v4, v7;
	v5 =	vadd.f32 v5, v8  }
0x1e3: {  	v6 =	vadd.f32 v6, v9;
	v7 =	vadd.f32 v11, v10  }
0x1e4: {  	v3 =	vadd.f32 v3, v4;
	v2 =	vadd.f32 v2, v5  }
0x1e5: {  	v4 =	vadd.f32 v12, v6;
	v5 =	vadd.f32 v13, v7;
	_ =	sdelay $0x1  }
0x1e6: {  	v2 =	vadd.f32 v2, v3;
	v3 =	vadd.f32 v5, v4;
	_ =	sdelay $0x1  }
0x1e7: {  	v2 =	vadd.f32 v3, v2;
	_ =	sdelay $0x1  }
0x1e8: {  	v2 =	vmul.f32 v2, v1;
	_ =	sdelay $0x1  }
0x1e9: {  	v2 =	vadd.f32 v2, v0;
	_ =	sdelay $0x1  }
0x1ea: {  	[tilespmem:$0xCF80] =	vst v2  }
0x1eb: {  	_ =	swait.ge [sflag:s31], $0x800  }
0x1ec: {  	[sflag:s31] =	ssyncset.done $0x0  }
0x1ed: {  	[sflag:s31] =	ssyncadd.s32 $0xFFFFF800  }
0x1ee: {  	_ =	swait.ge [sflag:s31], $0x480  }
0x1ef: {  	[sflag:s31] =	ssyncset.done $0x0  }
0x1f0: {  	s3 =	simm.s32 $0x0;
	[sflag:s31] =	ssyncadd.s32 $0xFFFFFB80  }
0x1f1: {  	v3 =	vld [tilespmem:s3+$0x70C0]  }
0x1f2: {  	v2 =	vld [tilespmem:s3+$0x70D0]  }
0x1f3: {  	v4 =	vld [tilespmem:s3+$0x7080]  }
0x1f4: {  	v8 =	vimm.f32 $0.0e+00;
	v5 =	vld [tilespmem:s3+$0x7090]  }
0x1f5: {  	s7 =	simm.s32 $0x200;
	v9 =	vimm.f32 $0.0e+00;
	v10 =	vimm.f32 $0.0e+00;
	v7 =	vimm.f32 $0.0e+00;
	v6 =	vld [tilespmem:s3+$0x70A0]  }
.LBB2_24:
0x1f6: {  	p0 =	sne.s32 s7, $0x3000;
	v11 =	vld [tilespmem:s3+$0x70B0];
	v12 =	vmov v3  }
0x1f7: {  	v13 =	vld [tilespmem:s3+$0x70E0];
	v14 =	vmov v2  }
0x1f8: {  	v15 =	vld [tilespmem:s3+$0x70F0];
	s3 =	sshra.s32 s7, $0x2  }
.Ltmp11:
0x1f9: {  	v3 =	vld [tilespmem:s3+$0x70C0];
	(pc) =	sbr.rel @p0 .LBB2_24-.Ltmp11, $4  }
0x1fa: {  	v7 =	vadd.f32 v4, v7;
	v8 =	vadd.f32 v5, v8;
	v2 =	vld [tilespmem:s3+$0x70D0]  }
0x1fb: {  	v9 =	vadd.f32 v6, v9;
	v4 =	vld [tilespmem:s3+$0x7080];
	v10 =	vadd.f32 v11, v10  }
0x1fc: {  	v7 =	vadd.f32 v12, v7;
	v8 =	vadd.f32 v14, v8;
	v5 =	vld [tilespmem:s3+$0x7090]  }
0x1fd: {  	s7 =	sadd.s32 $0x200, s7;
	v9 =	vadd.f32 v13, v9;
	v6 =	vld [tilespmem:s3+$0x70A0];
	v10 =	vadd.f32 v15, v10  }
0x1fe: {  	v11 =	vld [tilespmem:s3+$0x70B0]  }
0x1ff: {  	v12 =	vld [tilespmem:s3+$0x70E0]  }
0x200: {  	v13 =	vld [tilespmem:s3+$0x70F0];
	_ =	sdelay $0x1  }
0x201: {  	v4 =	vadd.f32 v4, v7;
	v5 =	vadd.f32 v5, v8  }
0x202: {  	v6 =	vadd.f32 v6, v9;
	v7 =	vadd.f32 v11, v10  }
0x203: {  	v3 =	vadd.f32 v3, v4;
	v2 =	vadd.f32 v2, v5  }
0x204: {  	v4 =	vadd.f32 v12, v6;
	v5 =	vadd.f32 v13, v7;
	_ =	sdelay $0x1  }
0x205: {  	v2 =	vadd.f32 v2, v3;
	v3 =	vadd.f32 v5, v4;
	_ =	sdelay $0x1  }
0x206: {  	v2 =	vadd.f32 v3, v2;
	_ =	sdelay $0x1  }
0x207: {  	v2 =	vmul.f32 v2, v1;
	_ =	sdelay $0x1  }
0x208: {  	v2 =	vadd.f32 v2, v0;
	_ =	sdelay $0x1  }
0x209: {  	[tilespmem:$0xCF90] =	vst v2  }
0x20a: {  	_ =	swait.ge [sflag:s0], $0x800  }
0x20b: {  	[sflag:s0] =	ssyncset.done $0x0  }
0x20c: {  	[sflag:s0] =	ssyncadd.s32 $0xFFFFF800  }
0x20d: {  	_ =	swait.ge [sflag:s0], $0x480  }
0x20e: {  	[sflag:s0] =	ssyncset.done $0x0  }
0x20f: {  	s3 =	simm.s32 $0x0;
	[sflag:s0] =	ssyncadd.s32 $0xFFFFFB80  }
0x210: {  	v3 =	vld [tilespmem:s3+$0x7D40]  }
0x211: {  	v2 =	vld [tilespmem:s3+$0x7D50]  }
0x212: {  	v4 =	vld [tilespmem:s3+$0x7D00]  }
0x213: {  	v8 =	vimm.f32 $0.0e+00;
	v5 =	vld [tilespmem:s3+$0x7D10]  }
0x214: {  	s7 =	simm.s32 $0x200;
	s10 =	simm.s32 $0x9;
	v9 =	vimm.f32 $0.0e+00;
	v10 =	vimm.f32 $0.0e+00;
	v7 =	vimm.f32 $0.0e+00;
	v6 =	vld [tilespmem:s3+$0x7D20]  }
.LBB2_26:
0x215: {  	p0 =	sne.s32 s7, $0x3000;
	v11 =	vld [tilespmem:s3+$0x7D30];
	v12 =	vmov v3  }
0x216: {  	v13 =	vld [tilespmem:s3+$0x7D60];
	v14 =	vmov v2  }
0x217: {  	v15 =	vld [tilespmem:s3+$0x7D70];
	s3 =	sshra.s32 s7, $0x2  }
.Ltmp12:
0x218: {  	v3 =	vld [tilespmem:s3+$0x7D40];
	(pc) =	sbr.rel @p0 .LBB2_26-.Ltmp12, $4  }
0x219: {  	v7 =	vadd.f32 v4, v7;
	v8 =	vadd.f32 v5, v8;
	v2 =	vld [tilespmem:s3+$0x7D50]  }
0x21a: {  	v9 =	vadd.f32 v6, v9;
	v4 =	vld [tilespmem:s3+$0x7D00];
	v10 =	vadd.f32 v11, v10  }
0x21b: {  	v7 =	vadd.f32 v12, v7;
	v8 =	vadd.f32 v14, v8;
	v5 =	vld [tilespmem:s3+$0x7D10]  }
0x21c: {  	s7 =	sadd.s32 $0x200, s7;
	v9 =	vadd.f32 v13, v9;
	v6 =	vld [tilespmem:s3+$0x7D20];
	v10 =	vadd.f32 v15, v10  }
0x21d: {  	v11 =	vld [tilespmem:s3+$0x7D30]  }
0x21e: {  	v12 =	vld [tilespmem:s3+$0x7D60]  }
0x21f: {  	v13 =	vld [tilespmem:s3+$0x7D70];
	_ =	sdelay $0x1  }
0x220: {  	v4 =	vadd.f32 v4, v7;
	v5 =	vadd.f32 v5, v8  }
0x221: {  	v6 =	vadd.f32 v6, v9;
	v7 =	vadd.f32 v11, v10  }
0x222: {  	v3 =	vadd.f32 v3, v4;
	v2 =	vadd.f32 v2, v5  }
0x223: {  	v4 =	vadd.f32 v12, v6;
	v5 =	vadd.f32 v13, v7;
	_ =	sdelay $0x1  }
0x224: {  	v2 =	vadd.f32 v2, v3;
	v3 =	vadd.f32 v5, v4;
	_ =	sdelay $0x1  }
0x225: {  	v2 =	vadd.f32 v3, v2;
	_ =	sdelay $0x1  }
0x226: {  	v2 =	vmul.f32 v2, v1;
	_ =	sdelay $0x1  }
0x227: {  	v2 =	vadd.f32 v2, v0;
	_ =	sdelay $0x1  }
0x228: {  	[tilespmem:$0xCFA0] =	vst v2  }
0x229: {  	_ =	swait.ge [sflag:s9], $0x800  }
0x22a: {  	[sflag:s9] =	ssyncset.done $0x0  }
0x22b: {  	[sflag:s9] =	ssyncadd.s32 $0xFFFFF800  }
0x22c: {  	_ =	swait.ge [sflag:s9], $0x480  }
0x22d: {  	[sflag:s9] =	ssyncset.done $0x0  }
0x22e: {  	s3 =	simm.s32 $0x0;
	[sflag:s9] =	ssyncadd.s32 $0xFFFFFB80  }
0x22f: {  	v3 =	vld [tilespmem:s3+$0x89C0]  }
0x230: {  	v2 =	vld [tilespmem:s3+$0x89D0]  }
0x231: {  	v4 =	vld [tilespmem:s3+$0x8980]  }
0x232: {  	v8 =	vimm.f32 $0.0e+00;
	v5 =	vld [tilespmem:s3+$0x8990]  }
0x233: {  	s7 =	simm.s32 $0x200;
	v9 =	vimm.f32 $0.0e+00;
	v10 =	vimm.f32 $0.0e+00;
	v7 =	vimm.f32 $0.0e+00;
	v6 =	vld [tilespmem:s3+$0x89A0]  }
.LBB2_28:
0x234: {  	p0 =	sne.s32 s7, $0x3000;
	v11 =	vld [tilespmem:s3+$0x89B0];
	v12 =	vmov v3  }
0x235: {  	v13 =	vld [tilespmem:s3+$0x89E0];
	v14 =	vmov v2  }
0x236: {  	v15 =	vld [tilespmem:s3+$0x89F0];
	s3 =	sshra.s32 s7, $0x2  }
.Ltmp13:
0x237: {  	v3 =	vld [tilespmem:s3+$0x89C0];
	(pc) =	sbr.rel @p0 .LBB2_28-.Ltmp13, $4  }
0x238: {  	v7 =	vadd.f32 v4, v7;
	v8 =	vadd.f32 v5, v8;
	v2 =	vld [tilespmem:s3+$0x89D0]  }
0x239: {  	v9 =	vadd.f32 v6, v9;
	v4 =	vld [tilespmem:s3+$0x8980];
	v10 =	vadd.f32 v11, v10  }
0x23a: {  	v7 =	vadd.f32 v12, v7;
	v8 =	vadd.f32 v14, v8;
	v5 =	vld [tilespmem:s3+$0x8990]  }
0x23b: {  	s7 =	sadd.s32 $0x200, s7;
	v9 =	vadd.f32 v13, v9;
	v6 =	vld [tilespmem:s3+$0x89A0];
	v10 =	vadd.f32 v15, v10  }
0x23c: {  	v11 =	vld [tilespmem:s3+$0x89B0]  }
0x23d: {  	v12 =	vld [tilespmem:s3+$0x89E0]  }
0x23e: {  	v13 =	vld [tilespmem:s3+$0x89F0];
	_ =	sdelay $0x1  }
0x23f: {  	v4 =	vadd.f32 v4, v7;
	v5 =	vadd.f32 v5, v8  }
0x240: {  	v6 =	vadd.f32 v6, v9;
	v7 =	vadd.f32 v11, v10  }
0x241: {  	v3 =	vadd.f32 v3, v4;
	v2 =	vadd.f32 v2, v5  }
0x242: {  	v4 =	vadd.f32 v12, v6;
	v5 =	vadd.f32 v13, v7;
	_ =	sdelay $0x1  }
0x243: {  	v2 =	vadd.f32 v2, v3;
	v3 =	vadd.f32 v5, v4;
	_ =	sdelay $0x1  }
0x244: {  	v2 =	vadd.f32 v3, v2;
	_ =	sdelay $0x1  }
0x245: {  	v2 =	vmul.f32 v2, v1;
	_ =	sdelay $0x1  }
0x246: {  	v2 =	vadd.f32 v2, v0;
	_ =	sdelay $0x1  }
0x247: {  	[tilespmem:$0xCFB0] =	vst v2  }
0x248: {  	_ =	swait.ge [sflag:s16], $0x800  }
0x249: {  	[sflag:s16] =	ssyncset.done $0x0  }
0x24a: {  	[sflag:s16] =	ssyncadd.s32 $0xFFFFF800  }
0x24b: {  	_ =	swait.ge [sflag:s16], $0x480  }
0x24c: {  	[sflag:s16] =	ssyncset.done $0x0  }
0x24d: {  	s3 =	simm.s32 $0x0;
	[sflag:s16] =	ssyncadd.s32 $0xFFFFFB80  }
0x24e: {  	v3 =	vld [tilespmem:s3+$0x9640]  }
0x24f: {  	v2 =	vld [tilespmem:s3+$0x9650]  }
0x250: {  	v4 =	vld [tilespmem:s3+$0x9600]  }
0x251: {  	v8 =	vimm.f32 $0.0e+00;
	v5 =	vld [tilespmem:s3+$0x9610]  }
0x252: {  	s7 =	simm.s32 $0x200;
	v9 =	vimm.f32 $0.0e+00;
	v10 =	vimm.f32 $0.0e+00;
	v7 =	vimm.f32 $0.0e+00;
	v6 =	vld [tilespmem:s3+$0x9620]  }
.LBB2_30:
0x253: {  	p0 =	sne.s32 s7, $0x3000;
	v11 =	vld [tilespmem:s3+$0x9630];
	v12 =	vmov v3  }
0x254: {  	v13 =	vld [tilespmem:s3+$0x9660];
	v14 =	vmov v2  }
0x255: {  	v15 =	vld [tilespmem:s3+$0x9670];
	s3 =	sshra.s32 s7, $0x2  }
.Ltmp14:
0x256: {  	v3 =	vld [tilespmem:s3+$0x9640];
	(pc) =	sbr.rel @p0 .LBB2_30-.Ltmp14, $4  }
0x257: {  	v7 =	vadd.f32 v4, v7;
	v8 =	vadd.f32 v5, v8;
	v2 =	vld [tilespmem:s3+$0x9650]  }
0x258: {  	v9 =	vadd.f32 v6, v9;
	v4 =	vld [tilespmem:s3+$0x9600];
	v10 =	vadd.f32 v11, v10  }
0x259: {  	v7 =	vadd.f32 v12, v7;
	v8 =	vadd.f32 v14, v8;
	v5 =	vld [tilespmem:s3+$0x9610]  }
0x25a: {  	s7 =	sadd.s32 $0x200, s7;
	v9 =	vadd.f32 v13, v9;
	v6 =	vld [tilespmem:s3+$0x9620];
	v10 =	vadd.f32 v15, v10  }
0x25b: {  	v11 =	vld [tilespmem:s3+$0x9630]  }
0x25c: {  	v12 =	vld [tilespmem:s3+$0x9660]  }
0x25d: {  	v13 =	vld [tilespmem:s3+$0x9670];
	_ =	sdelay $0x1  }
0x25e: {  	v4 =	vadd.f32 v4, v7;
	v5 =	vadd.f32 v5, v8  }
0x25f: {  	v6 =	vadd.f32 v6, v9;
	v7 =	vadd.f32 v11, v10  }
0x260: {  	v3 =	vadd.f32 v3, v4;
	v2 =	vadd.f32 v2, v5  }
0x261: {  	v4 =	vadd.f32 v12, v6;
	v5 =	vadd.f32 v13, v7;
	_ =	sdelay $0x1  }
0x262: {  	v2 =	vadd.f32 v2, v3;
	v3 =	vadd.f32 v5, v4;
	_ =	sdelay $0x1  }
0x263: {  	v2 =	vadd.f32 v3, v2;
	_ =	sdelay $0x1  }
0x264: {  	v2 =	vmul.f32 v2, v1;
	_ =	sdelay $0x1  }
0x265: {  	v2 =	vadd.f32 v2, v0;
	_ =	sdelay $0x1  }
0x266: {  	[tilespmem:$0xCFC0] =	vst v2  }
0x267: {  	_ =	swait.ge [sflag:s20], $0x800  }
0x268: {  	[sflag:s20] =	ssyncset.done $0x0  }
0x269: {  	[sflag:s20] =	ssyncadd.s32 $0xFFFFF800  }
0x26a: {  	_ =	swait.ge [sflag:s20], $0x480  }
0x26b: {  	[sflag:s20] =	ssyncset.done $0x0  }
0x26c: {  	s3 =	simm.s32 $0x0;
	[sflag:s20] =	ssyncadd.s32 $0xFFFFFB80  }
0x26d: {  	v3 =	vld [tilespmem:s3+$0xA2C0]  }
0x26e: {  	v2 =	vld [tilespmem:s3+$0xA2D0]  }
0x26f: {  	v4 =	vld [tilespmem:s3+$0xA280]  }
0x270: {  	v8 =	vimm.f32 $0.0e+00;
	v5 =	vld [tilespmem:s3+$0xA290]  }
0x271: {  	s7 =	simm.s32 $0x200;
	v9 =	vimm.f32 $0.0e+00;
	v10 =	vimm.f32 $0.0e+00;
	v7 =	vimm.f32 $0.0e+00;
	v6 =	vld [tilespmem:s3+$0xA2A0]  }
.LBB2_32:
0x272: {  	p0 =	sne.s32 s7, $0x3000;
	v11 =	vld [tilespmem:s3+$0xA2B0];
	v12 =	vmov v3  }
0x273: {  	v13 =	vld [tilespmem:s3+$0xA2E0];
	v14 =	vmov v2  }
0x274: {  	v15 =	vld [tilespmem:s3+$0xA2F0];
	s3 =	sshra.s32 s7, $0x2  }
.Ltmp15:
0x275: {  	v3 =	vld [tilespmem:s3+$0xA2C0];
	(pc) =	sbr.rel @p0 .LBB2_32-.Ltmp15, $4  }
0x276: {  	v7 =	vadd.f32 v4, v7;
	v8 =	vadd.f32 v5, v8;
	v2 =	vld [tilespmem:s3+$0xA2D0]  }
0x277: {  	v9 =	vadd.f32 v6, v9;
	v4 =	vld [tilespmem:s3+$0xA280];
	v10 =	vadd.f32 v11, v10  }
0x278: {  	v7 =	vadd.f32 v12, v7;
	v8 =	vadd.f32 v14, v8;
	v5 =	vld [tilespmem:s3+$0xA290]  }
0x279: {  	s7 =	sadd.s32 $0x200, s7;
	v9 =	vadd.f32 v13, v9;
	v6 =	vld [tilespmem:s3+$0xA2A0];
	v10 =	vadd.f32 v15, v10  }
0x27a: {  	v11 =	vld [tilespmem:s3+$0xA2B0]  }
0x27b: {  	v12 =	vld [tilespmem:s3+$0xA2E0]  }
0x27c: {  	v13 =	vld [tilespmem:s3+$0xA2F0];
	_ =	sdelay $0x1  }
0x27d: {  	v4 =	vadd.f32 v4, v7;
	v5 =	vadd.f32 v5, v8  }
0x27e: {  	v6 =	vadd.f32 v6, v9;
	v7 =	vadd.f32 v11, v10  }
0x27f: {  	v3 =	vadd.f32 v3, v4;
	v2 =	vadd.f32 v2, v5  }
0x280: {  	v4 =	vadd.f32 v12, v6;
	v5 =	vadd.f32 v13, v7;
	_ =	sdelay $0x1  }
0x281: {  	v2 =	vadd.f32 v2, v3;
	v3 =	vadd.f32 v5, v4;
	_ =	sdelay $0x1  }
0x282: {  	v2 =	vadd.f32 v3, v2;
	_ =	sdelay $0x1  }
0x283: {  	v2 =	vmul.f32 v2, v1;
	_ =	sdelay $0x1  }
0x284: {  	v2 =	vadd.f32 v2, v0;
	_ =	sdelay $0x1  }
0x285: {  	[tilespmem:$0xCFD0] =	vst v2  }
0x286: {  	_ =	swait.ge [sflag:s5], $0x800  }
0x287: {  	[sflag:s5] =	ssyncset.done $0x0  }
0x288: {  	[sflag:s5] =	ssyncadd.s32 $0xFFFFF800  }
0x289: {  	_ =	swait.ge [sflag:s5], $0x480  }
0x28a: {  	[sflag:s5] =	ssyncset.done $0x0  }
0x28b: {  	s3 =	simm.s32 $0x0;
	[sflag:s5] =	ssyncadd.s32 $0xFFFFFB80  }
0x28c: {  	v3 =	vld [tilespmem:s3+$0xAF40]  }
0x28d: {  	v2 =	vld [tilespmem:s3+$0xAF50]  }
0x28e: {  	v4 =	vld [tilespmem:s3+$0xAF00]  }
0x28f: {  	v8 =	vimm.f32 $0.0e+00;
	v5 =	vld [tilespmem:s3+$0xAF10]  }
0x290: {  	s7 =	simm.s32 $0x200;
	v9 =	vimm.f32 $0.0e+00;
	v10 =	vimm.f32 $0.0e+00;
	v7 =	vimm.f32 $0.0e+00;
	v6 =	vld [tilespmem:s3+$0xAF20]  }
.LBB2_34:
0x291: {  	p0 =	sne.s32 s7, $0x3000;
	v11 =	vld [tilespmem:s3+$0xAF30];
	v12 =	vmov v3  }
0x292: {  	v13 =	vld [tilespmem:s3+$0xAF60];
	v14 =	vmov v2  }
0x293: {  	v15 =	vld [tilespmem:s3+$0xAF70];
	s3 =	sshra.s32 s7, $0x2  }
.Ltmp16:
0x294: {  	v3 =	vld [tilespmem:s3+$0xAF40];
	(pc) =	sbr.rel @p0 .LBB2_34-.Ltmp16, $4  }
0x295: {  	v7 =	vadd.f32 v4, v7;
	v8 =	vadd.f32 v5, v8;
	v2 =	vld [tilespmem:s3+$0xAF50]  }
0x296: {  	v9 =	vadd.f32 v6, v9;
	v4 =	vld [tilespmem:s3+$0xAF00];
	v10 =	vadd.f32 v11, v10  }
0x297: {  	v7 =	vadd.f32 v12, v7;
	v8 =	vadd.f32 v14, v8;
	v5 =	vld [tilespmem:s3+$0xAF10]  }
0x298: {  	s7 =	sadd.s32 $0x200, s7;
	v9 =	vadd.f32 v13, v9;
	v6 =	vld [tilespmem:s3+$0xAF20];
	v10 =	vadd.f32 v15, v10  }
0x299: {  	v11 =	vld [tilespmem:s3+$0xAF30]  }
0x29a: {  	v12 =	vld [tilespmem:s3+$0xAF60]  }
0x29b: {  	v13 =	vld [tilespmem:s3+$0xAF70];
	_ =	sdelay $0x1  }
0x29c: {  	v4 =	vadd.f32 v4, v7;
	v5 =	vadd.f32 v5, v8  }
0x29d: {  	v6 =	vadd.f32 v6, v9;
	v7 =	vadd.f32 v11, v10  }
0x29e: {  	v3 =	vadd.f32 v3, v4;
	v2 =	vadd.f32 v2, v5  }
0x29f: {  	v4 =	vadd.f32 v12, v6;
	v5 =	vadd.f32 v13, v7;
	_ =	sdelay $0x1  }
0x2a0: {  	v2 =	vadd.f32 v2, v3;
	v3 =	vadd.f32 v5, v4;
	_ =	sdelay $0x1  }
0x2a1: {  	v2 =	vadd.f32 v3, v2;
	_ =	sdelay $0x1  }
0x2a2: {  	v2 =	vmul.f32 v2, v1;
	_ =	sdelay $0x1  }
0x2a3: {  	v2 =	vadd.f32 v2, v0;
	_ =	sdelay $0x1  }
0x2a4: {  	[tilespmem:$0xCFE0] =	vst v2  }
0x2a5: {  	_ =	swait.ge [sflag:s6], $0x800  }
0x2a6: {  	[sflag:s6] =	ssyncset.done $0x0  }
0x2a7: {  	[sflag:s6] =	ssyncadd.s32 $0xFFFFF800  }
0x2a8: {  	_ =	swait.ge [sflag:s6], $0x480  }
0x2a9: {  	[sflag:s6] =	ssyncset.done $0x0  }
0x2aa: {  	s3 =	simm.s32 $0x0;
	[sflag:s6] =	ssyncadd.s32 $0xFFFFFB80  }
0x2ab: {  	v3 =	vld [tilespmem:s3+$0xBBC0]  }
0x2ac: {  	v2 =	vld [tilespmem:s3+$0xBBD0]  }
0x2ad: {  	v4 =	vld [tilespmem:s3+$0xBB80]  }
0x2ae: {  	v8 =	vimm.f32 $0.0e+00;
	v5 =	vld [tilespmem:s3+$0xBB90]  }
0x2af: {  	s7 =	simm.s32 $0x200;
	v9 =	vimm.f32 $0.0e+00;
	v10 =	vimm.f32 $0.0e+00;
	v7 =	vimm.f32 $0.0e+00;
	v6 =	vld [tilespmem:s3+$0xBBA0]  }
.LBB2_36:
0x2b0: {  	p0 =	sne.s32 s7, $0x3000;
	v11 =	vld [tilespmem:s3+$0xBBB0];
	v12 =	vmov v3  }
0x2b1: {  	v13 =	vld [tilespmem:s3+$0xBBE0];
	v14 =	vmov v2  }
0x2b2: {  	v15 =	vld [tilespmem:s3+$0xBBF0];
	s3 =	sshra.s32 s7, $0x2  }
.Ltmp17:
0x2b3: {  	v3 =	vld [tilespmem:s3+$0xBBC0];
	(pc) =	sbr.rel @p0 .LBB2_36-.Ltmp17, $4  }
0x2b4: {  	v7 =	vadd.f32 v4, v7;
	v8 =	vadd.f32 v5, v8;
	v2 =	vld [tilespmem:s3+$0xBBD0]  }
0x2b5: {  	v9 =	vadd.f32 v6, v9;
	v4 =	vld [tilespmem:s3+$0xBB80];
	v10 =	vadd.f32 v11, v10  }
0x2b6: {  	v7 =	vadd.f32 v12, v7;
	v8 =	vadd.f32 v14, v8;
	v5 =	vld [tilespmem:s3+$0xBB90]  }
0x2b7: {  	s7 =	sadd.s32 $0x200, s7;
	v9 =	vadd.f32 v13, v9;
	v6 =	vld [tilespmem:s3+$0xBBA0];
	v10 =	vadd.f32 v15, v10  }
0x2b8: {  	v11 =	vld [tilespmem:s3+$0xBBB0]  }
0x2b9: {  	v12 =	vld [tilespmem:s3+$0xBBE0]  }
0x2ba: {  	v13 =	vld [tilespmem:s3+$0xBBF0];
	_ =	sdelay $0x1  }
0x2bb: {  	v4 =	vadd.f32 v4, v7;
	v5 =	vadd.f32 v5, v8  }
0x2bc: {  	v6 =	vadd.f32 v6, v9;
	v60 =	vadd.f32 v11, v10  }
0x2bd: {  	v3 =	vadd.f32 v3, v4;
	v2 =	vadd.f32 v2, v5  }
0x2be: {  	v61 =	vadd.f32 v12, v6;
	v62 =	vadd.f32 v13, v60;
	_ =	sdelay $0x1  }
0x2bf: {  	v2 =	vadd.f32 v2, v3;
	v63 =	vadd.f32 v62, v61;
	_ =	sdelay $0x1  }
0x2c0: {  	v2 =	vadd.f32 v63, v2;
	_ =	sdelay $0x1  }
0x2c1: {  	v1 =	vmul.f32 v2, v1;
	_ =	sdelay $0x1  }
0x2c2: {  	v0 =	vadd.f32 v1, v0;
	_ =	sdelay $0x1  }
0x2c3: {  	s7 =	simm.s32 $0x0;
	s15 =	rddreg [dreg:$0x6];
	s8 =	simm.s32 $0xC800;
	[tilespmem:$0xCFF0] =	vst v0  }
0x2c4: {  	[hbm4b:s15+s7] =	stream.linear.scatter [tilespmem:s8], [sflag:$0x9], $0x800, $0x38;
	[tilespmem:$0xD020] =	vst v63  }
0x2c5: {  	_ =	swait.ge [sflag:s10], $0x800  }
0x2c6: {  	s13 =	rddreg [dreg:$0x8]  }
0x2c7: {  	s15 =	rddreg [dreg:$0x7];
	s8 =	sadd.s32 $0x1, s13  }
0x2c8: {  	p0 =	sne.s32 s8, s15  }
.Ltmp18:
0x2c9: {  	_ = 	snop;
	(pc) =	sbr.rel @p0 .LBB2_1-.Ltmp18, $3  }
0x2ca: {  	_ =	sdelay $0x1  }
0x2cb: {  	[sflag:s10] =	ssyncset.done $0x0  }
0x2cc: {  	[sflag:s10] =	ssyncadd.s32 $0xFFFFF800  }
0x2cd: {  	_ =	sfence.sel $0x180000  }
0x2ce: {  	[bflag:$0x0] =	sbarrier.arrive $0xFFFF  }
0x2cf: {  	_ =	strace $0x90000047  }
0x2d0: {  	s0 =	stileid.u32;
	[bflag:$0x2] =	sbarrier.arrive $0xFFFF  }
0x2d1: {  	p0 =	sne.s32 s0, $0x0;
	s0 =	rddreg [dreg:$0x3]  }
0x2d2: {  	s0 =	sadd.s32 @!p0 $0x100000, s0  }
0x2d3: {  	[sflag:s0] =	ssyncadd.tile.s32 @!p0 $0x1;
	_ =	shalt  }
.Lfunc_end2:
_tile_overlayer_lowered:
.L_overlay_start_2:
0x2d4: {  	(tag) =	ssettag $0x2  }
0x2d5: {  	s0 =	rddreg [dreg:$0x0];
	s2 =	stileid.u32  }
0x2d6: {  	s1 =	rddreg [dreg:$0x1];
	p0 =	sne.s32 s2, $0x0  }
0x2d7: {  	s3 =	rddreg [dreg:$0x2];
	[bflag:$0x3] =	sbarrier.arrive $0xFFFF;
	s2 =	simm.s32 @!p0 $0x1C09  }
0x2d8: {  	[timem:s3], [sflag:s2] =	dma.local @!p0 [hbm:s0], s1  }
0x2d9: {  	s0 =	simm.s32 @!p0 $0x9  }
0x2da: {  	_ =	swait.ge @!p0 [sflag:s0], s1  }
0x2db: {  	s1 =	ssub.s32 @!p0 $0x0, s1;
	[sflag:s0] =	ssyncset.done @!p0 $0x0  }
0x2dc: {  	[sflag:s0] =	ssyncadd.s32 @!p0 s1  }
0x2dd: {  	[bflag:$0x3] =	sbarrier.arrive $0xFFFF  }
0x2de: {  	_ =	shalt  }

</sc_bundles>
